<compile_context>
chip_gen: v7x
topology: tpu7x:2x2x1
jax: 0.10.2.dev20260603
libtpu: 0.0.44.dev20260713+nightly
codegen_flags: <defaults>
</compile_context>

<pallas_src>
import functools

import jax
import jax.numpy as jnp
from jax import lax
from jax.experimental import pallas as pl
from jax.experimental.pallas import tpu as pltpu
from jax.experimental.pallas import tpu_sc as plsc

NC = 2
NS = 16
NW = NC * NS
K = 80
R = 1000


def _deg_sc(dst_w, ones_hbm, zeros_hbm, n):
    nchunk = dst_w.shape[1]
    rpsc = (n // NS) // 8 * 8
    tail = n - rpsc * NS
    mesh = plsc.VectorSubcoreMesh(core_axis_name="c", subcore_axis_name="s")

    @functools.partial(
        pl.kernel,
        out_type=jax.ShapeDtypeStruct((NC, n, 128), jnp.float32),
        mesh=mesh,
        scratch_types=[
            pltpu.VMEM((nchunk, K), jnp.int32),
            pltpu.VMEM((K, 128), jnp.float32),
            pltpu.VMEM_SHARED((n, 128), jnp.float32),
        ],
    )
    def k(dst_hbm, ones_h, z_h, out_hbm, didx, ones_v, accum):
        c = lax.axis_index("c")
        s = lax.axis_index("s")
        w = c * NS + s
        pltpu.sync_copy(z_h.at[pl.ds(0, rpsc)], accum.at[pl.ds(s * rpsc, rpsc)])

        @pl.when(s == 0)
        def _():
            pltpu.sync_copy(z_h.at[pl.ds(0, tail)], accum.at[pl.ds(rpsc * NS, tail)])

        pltpu.sync_copy(dst_hbm.at[w], didx)
        pltpu.sync_copy(ones_h, ones_v)
        plsc.subcore_barrier()

        def body(j, carry):
            pltpu.sync_copy(ones_v, accum.at[didx.at[j]], add=True)
            return carry

        lax.fori_loop(0, nchunk, body, 0)
        plsc.subcore_barrier()
        pltpu.sync_copy(accum.at[pl.ds(s * rpsc, rpsc)],
                        out_hbm.at[c, pl.ds(s * rpsc, rpsc)])

        @pl.when(s == 0)
        def _():
            pltpu.sync_copy(accum.at[pl.ds(rpsc * NS, tail)],
                            out_hbm.at[c, pl.ds(rpsc * NS, tail)])

    return k(dst_w, ones_hbm, zeros_hbm)


def _prop_sc(hs, src_w, dst_w, zeros_hbm):
    n, dc = hs.shape
    nphase = src_w.shape[1]
    pchunk = src_w.shape[2]
    rpsc = (n // NS) // 8 * 8
    tail = n - rpsc * NS
    mesh = plsc.VectorSubcoreMesh(core_axis_name="c", subcore_axis_name="s")

    @functools.partial(
        pl.kernel,
        out_type=jax.ShapeDtypeStruct((NC, n, dc), jnp.float32),
        mesh=mesh,
        scratch_types=[
            pltpu.VMEM((pchunk, K), jnp.int32),
            pltpu.VMEM((pchunk, K), jnp.int32),
            pltpu.VMEM((K, dc), jnp.float32),
            pltpu.VMEM((K, dc), jnp.float32),
            pltpu.VMEM_SHARED((n, dc), jnp.float32),
            pltpu.SemaphoreType.DMA,
            pltpu.SemaphoreType.DMA,
        ],
    )
    def k(hs_hbm, src_hbm, dst_hbm, z_h, out_hbm, sidx, didx, rows0, rows1,
          accum, semg0, semg1):
        c = lax.axis_index("c")
        s = lax.axis_index("s")
        w = c * NS + s
        pltpu.sync_copy(z_h.at[pl.ds(0, rpsc)], accum.at[pl.ds(s * rpsc, rpsc)])

        @pl.when(s == 0)
        def _():
            pltpu.sync_copy(z_h.at[pl.ds(0, tail)], accum.at[pl.ds(rpsc * NS, tail)])

        plsc.subcore_barrier()

        for p in range(nphase):
            pltpu.sync_copy(src_hbm.at[w, p], sidx)
            pltpu.sync_copy(dst_hbm.at[w, p], didx)
            pltpu.async_copy(hs_hbm.at[sidx.at[0]], rows0, semg0)

            def body(t, carry):
                g = 2 * t
                pltpu.async_copy(hs_hbm.at[sidx.at[g + 1]], rows1, semg1)
                pltpu.make_async_copy(hs_hbm.at[sidx.at[g]], rows0, semg0).wait()
                pltpu.sync_copy(rows0, accum.at[didx.at[g]], add=True)
                pltpu.async_copy(hs_hbm.at[sidx.at[g + 2]], rows0, semg0)
                pltpu.make_async_copy(hs_hbm.at[sidx.at[g + 1]], rows1, semg1).wait()
                pltpu.sync_copy(rows1, accum.at[didx.at[g + 1]], add=True)
                return carry

            lax.fori_loop(0, (pchunk - 1) // 2, body, 0)
            pltpu.make_async_copy(hs_hbm.at[sidx.at[pchunk - 1]], rows0, semg0).wait()
            pltpu.sync_copy(rows0, accum.at[didx.at[pchunk - 1]], add=True)

        plsc.subcore_barrier()
        pltpu.sync_copy(accum.at[pl.ds(s * rpsc, rpsc)],
                        out_hbm.at[c, pl.ds(s * rpsc, rpsc)])

        @pl.when(s == 0)
        def _():
            pltpu.sync_copy(accum.at[pl.ds(rpsc * NS, tail)],
                            out_hbm.at[c, pl.ds(rpsc * NS, tail)])

    return k(hs, src_w, dst_w, zeros_hbm)


def _scale_tc(x, degp):
    n, din = x.shape
    g = n // R

    def body(x_ref, deg_ref, dinv_ref, xs_ref):
        deg = deg_ref[0, :, 0:1] + deg_ref[1, :, 0:1] + 1.0
        dinv = lax.rsqrt(jnp.maximum(deg, 1.0))
        dinv_ref[...] = dinv
        xs_ref[...] = x_ref[...] * dinv

    return pl.pallas_call(
        body,
        grid=(g,),
        in_specs=[
            pl.BlockSpec((R, din), lambda i: (i, 0)),
            pl.BlockSpec((2, R, 128), lambda i: (0, i, 0)),
        ],
        out_specs=[
            pl.BlockSpec((R, 1), lambda i: (i, 0)),
            pl.BlockSpec((R, din), lambda i: (i, 0)),
        ],
        out_shape=[
            jax.ShapeDtypeStruct((n, 1), jnp.float32),
            jax.ShapeDtypeStruct((n, din), jnp.float32),
        ],
    )(x, degp)


def _post1_tc(p1, xs, dinv, w):
    n, din = xs.shape
    dout = w.shape[1]
    g = n // R

    def body(p_ref, xs_ref, dinv_ref, w_ref, out_ref, st_ref):
        pv = p_ref[...]
        t = dinv_ref[...] * (pv[0] + pv[1] + xs_ref[...])
        p = jnp.dot(t, w_ref[...], preferred_element_type=jnp.float32,
                    precision=lax.Precision.HIGHEST)
        out_ref[...] = p
        st = jnp.concatenate(
            [jnp.sum(p, axis=0, keepdims=True),
             jnp.sum(p * p, axis=0, keepdims=True)], axis=0)

        @pl.when(pl.program_id(0) == 0)
        def _():
            st_ref[...] = st

        @pl.when(pl.program_id(0) != 0)
        def _():
            st_ref[...] = st_ref[...] + st

    return pl.pallas_call(
        body,
        grid=(g,),
        in_specs=[
            pl.BlockSpec((2, R, din), lambda i: (0, i, 0)),
            pl.BlockSpec((R, din), lambda i: (i, 0)),
            pl.BlockSpec((R, 1), lambda i: (i, 0)),
            pl.BlockSpec((din, dout), lambda i: (0, 0)),
        ],
        out_specs=[
            pl.BlockSpec((R, dout), lambda i: (i, 0)),
            pl.BlockSpec((2, dout), lambda i: (0, 0)),
        ],
        out_shape=[
            jax.ShapeDtypeStruct((n, dout), jnp.float32),
            jax.ShapeDtypeStruct((2, dout), jnp.float32),
        ],
    )(p1, xs, dinv, w)


def _graph_norm_gelu(p, st, a_ref, g_ref, b_ref, inv_n):
    mean = st[0:1] * inv_n
    ex2 = st[1:2] * inv_n
    a = a_ref[...]
    var = ex2 - mean * mean * a * (2.0 - a)
    sub = p - a * mean
    return jax.nn.gelu(g_ref[...] * sub * lax.rsqrt(var + 1e-5) + b_ref[...])


def _pre_tc(p, stats, alpha, gamma, beta, w, b, dinv):
    n, din = p.shape
    dout = w.shape[1]
    dpad = max(dout, 128)
    g = n // R
    inv_n = 1.0 / n

    def body(p_ref, st_ref, a_ref, g_ref, bn_ref, w_ref, b_ref, dinv_ref, out_ref):
        h = _graph_norm_gelu(p_ref[...], st_ref[...], a_ref, g_ref, bn_ref, inv_n)
        hs = (jnp.dot(h, w_ref[...], preferred_element_type=jnp.float32,
                      precision=lax.Precision.HIGHEST) + b_ref[...]) * dinv_ref[...]
        if dpad > dout:
            hs = jnp.concatenate(
                [hs, jnp.zeros((R, dpad - dout), jnp.float32)], axis=1)
        out_ref[...] = hs

    return pl.pallas_call(
        body,
        grid=(g,),
        in_specs=[
            pl.BlockSpec((R, din), lambda i: (i, 0)),
            pl.BlockSpec((2, din), lambda i: (0, 0)),
            pl.BlockSpec((1, din), lambda i: (0, 0)),
            pl.BlockSpec((1, din), lambda i: (0, 0)),
            pl.BlockSpec((1, din), lambda i: (0, 0)),
            pl.BlockSpec((din, dout), lambda i: (0, 0)),
            pl.BlockSpec((1, dout), lambda i: (0, 0)),
            pl.BlockSpec((R, 1), lambda i: (i, 0)),
        ],
        out_specs=pl.BlockSpec((R, dpad), lambda i: (i, 0)),
        out_shape=jax.ShapeDtypeStruct((n, dpad), jnp.float32),
    )(p, stats, alpha, gamma, beta, w, b, dinv)


def _post_tc(p_chunks, hs_chunks, dinv, dout):
    n = dinv.shape[0]
    g = n // R
    widths = [c.shape[2] for c in p_chunks]
    m = len(p_chunks)

    def body(*refs):
        p_refs = refs[:m]
        hs_refs = refs[m:2 * m]
        dinv_ref = refs[2 * m]
        out_ref, st_ref = refs[2 * m + 1], refs[2 * m + 2]
        dinv = dinv_ref[...]
        cols = []
        for pr, hr in zip(p_refs, hs_refs):
            pv = pr[...]
            cols.append(dinv * (pv[0] + pv[1] + hr[...]))
        p = jnp.concatenate(cols, axis=1) if m > 1 else cols[0]
        p = p[:, :dout]
        out_ref[...] = p
        st = jnp.concatenate(
            [jnp.sum(p, axis=0, keepdims=True),
             jnp.sum(p * p, axis=0, keepdims=True)], axis=0)

        @pl.when(pl.program_id(0) == 0)
        def _():
            st_ref[...] = st

        @pl.when(pl.program_id(0) != 0)
        def _():
            st_ref[...] = st_ref[...] + st

    in_specs = (
        [pl.BlockSpec((2, R, wd), (lambda i, _w=wd: (0, i, 0))) for wd in widths]
        + [pl.BlockSpec((R, wd), (lambda i, _w=wd: (i, 0))) for wd in widths]
        + [pl.BlockSpec((R, 1), lambda i: (i, 0))]
    )
    return pl.pallas_call(
        body,
        grid=(g,),
        in_specs=in_specs,
        out_specs=[
            pl.BlockSpec((R, dout), lambda i: (i, 0)),
            pl.BlockSpec((2, dout), lambda i: (0, 0)),
        ],
        out_shape=[
            jax.ShapeDtypeStruct((n, dout), jnp.float32),
            jax.ShapeDtypeStruct((2, dout), jnp.float32),
        ],
    )(*p_chunks, *hs_chunks, dinv)


def _head_tc(p3, stats, alpha, gamma, beta, wc1, bc1, ln_g, ln_b, wc2p, bc2p):
    n, d = p3.shape
    g = n // R
    oc = wc2p.shape[1]
    inv_n = 1.0 / n

    def body(p_ref, st_ref, a_ref, g_ref, bn_ref, w1_ref, b1_ref, lg_ref,
             lb_ref, w2_ref, b2_ref, out_ref, acc_sum, acc_max):
        h = _graph_norm_gelu(p_ref[...], st_ref[...], a_ref, g_ref, bn_ref, inv_n)
        hb = h.reshape(R // 8, 8, d)
        ps = jnp.sum(hb, axis=0)
        pm = jnp.max(hb, axis=0)

        @pl.when(pl.program_id(0) == 0)
        def _():
            acc_sum[...] = ps
            acc_max[...] = pm

        @pl.when(pl.program_id(0) != 0)
        def _():
            acc_sum[...] = acc_sum[...] + ps
            acc_max[...] = jnp.maximum(acc_max[...], pm)

        @pl.when(pl.program_id(0) == pl.num_programs(0) - 1)
        def _():
            tot = jnp.sum(acc_sum[...], axis=0, keepdims=True)
            tmax = jnp.max(acc_max[...], axis=0, keepdims=True)
            gv = jnp.concatenate([tot * (1.0 / n), tmax, tot], axis=1)
            z = jnp.dot(gv, w1_ref[...], preferred_element_type=jnp.float32, precision=lax.Precision.HIGHEST) + b1_ref[...]
            mu = jnp.mean(z, axis=-1, keepdims=True)
            var = jnp.mean((z - mu) * (z - mu), axis=-1, keepdims=True)
            z = lg_ref[...] * (z - mu) * lax.rsqrt(var + 1e-5) + lb_ref[...]
            z = jax.nn.gelu(z)
            out_ref[...] = (jnp.dot(z, w2_ref[...], preferred_element_type=jnp.float32, precision=lax.Precision.HIGHEST)
                            + b2_ref[...])

    return pl.pallas_call(
        body,
        grid=(g,),
        in_specs=[
            pl.BlockSpec((R, d), lambda i: (i, 0)),
            pl.BlockSpec((2, d), lambda i: (0, 0)),
            pl.BlockSpec((1, d), lambda i: (0, 0)),
            pl.BlockSpec((1, d), lambda i: (0, 0)),
            pl.BlockSpec((1, d), lambda i: (0, 0)),
            pl.BlockSpec((3 * d, d), lambda i: (0, 0)),
            pl.BlockSpec((1, d), lambda i: (0, 0)),
            pl.BlockSpec((1, d), lambda i: (0, 0)),
            pl.BlockSpec((1, d), lambda i: (0, 0)),
            pl.BlockSpec((d, oc), lambda i: (0, 0)),
            pl.BlockSpec((1, oc), lambda i: (0, 0)),
        ],
        out_specs=pl.BlockSpec((1, oc), lambda i: (0, 0)),
        out_shape=jax.ShapeDtypeStruct((1, oc), jnp.float32),
        scratch_shapes=[
            pltpu.VMEM((8, d), jnp.float32),
            pltpu.VMEM((8, d), jnp.float32),
        ],
    )(p3, stats, alpha, gamma, beta, wc1, bc1, ln_g, ln_b, wc2p, bc2p)


def kernel(x, edge_index, params):
    n = x.shape[0]
    e = edge_index.shape[1]
    src = edge_index[0].astype(jnp.int32)
    dst = edge_index[1].astype(jnp.int32)
    eperw = e // NW
    nchunk = eperw // K
    nphase = 5
    dst_w3 = dst.reshape(NW, nchunk, K)
    src_w = src.reshape(NW, nphase, nchunk // nphase, K)
    dst_w = dst.reshape(NW, nphase, nchunk // nphase, K)
    rpsc = (n // NS) // 8 * 8
    ones128 = jnp.ones((K, 128), jnp.float32)
    z128 = jnp.zeros((rpsc, 128), jnp.float32)

    degp = _deg_sc(dst_w3, ones128, z128, n)

    ws, bs = params["W"], params["b"]
    alphas, gammas, betas = params["alpha"], params["gamma"], params["beta"]

    dinv, xs = _scale_tc(x, degp)
    p1_parts = _prop_sc(xs, src_w, dst_w, z128)
    p, st = _post1_tc(p1_parts, xs, dinv, ws[0])

    for i in (1, 2):
        dout = ws[i].shape[1]
        hs = _pre_tc(p, st, alphas[i - 1].reshape(1, -1),
                     gammas[i - 1].reshape(1, -1), betas[i - 1].reshape(1, -1),
                     ws[i], bs[i].reshape(1, -1), dinv)
        p_parts = _prop_sc(hs, src_w, dst_w, z128)
        p, st = _post_tc([p_parts], [hs], dinv, dout)

    d = p.shape[1]
    wc2p = jnp.zeros((d, 128), jnp.float32).at[:, :2].set(params["Wc2"])
    bc2p = jnp.zeros((1, 128), jnp.float32).at[:, :2].set(params["bc2"].reshape(1, -1))
    out = _head_tc(p, st, alphas[2].reshape(1, -1), gammas[2].reshape(1, -1),
                   betas[2].reshape(1, -1),
                   params["Wc1"], params["bc1"].reshape(1, -1),
                   params["ln_g"].reshape(1, -1), params["ln_b"].reshape(1, -1),
                   wc2p, bc2p)
    return out[:, :2]

# --- scband reference (transcript-rebuilt; emitter-appended) ---
"""Pipeline reference for scband-advanced-graph-neural-network-56349970924160 (READ-ONLY COPY).

The authoritative reference and input builder live on the scoring server;
editing this copy changes nothing except your own understanding.
"""

import jax, jax.numpy as jnp
import numpy as np


def _gcn_conv(x, src, dst, n, W, b):
    # GCNConv: h = D^{-1/2} (A+I) D^{-1/2} X W + b (self-loops already appended to src/dst)
    deg = jnp.zeros((n,), jnp.float32).at[dst].add(1.0)
    dinv = 1.0 / jnp.sqrt(jnp.maximum(deg, 1.0))
    h = x @ W + b
    coef = (dinv[src] * dinv[dst])[:, None]
    out = jnp.zeros((n, h.shape[1]), jnp.float32).at[dst].add(h[src] * coef)
    return out


def _graph_norm(x, alpha, gamma, beta, eps=1e-5):
    # PyG GraphNorm over a single graph (batch vector is all zeros)
    mean = jnp.mean(x, axis=0, keepdims=True)
    sub = x - alpha * mean
    var = jnp.mean(sub * sub, axis=0, keepdims=True)
    return gamma * sub / jnp.sqrt(var + eps) + beta


def setup_inputs(seed: int = 0) -> dict:
    key = jax.random.key(seed)
    ks = jax.random.split(key, 24)
    n, e, d_in = 10000, 320000, 128
    hidden = [256, 128, 64]
    num_classes = 2
    dims = [d_in] + hidden
    x = jax.random.normal(ks[0], (n, d_in), jnp.float32)
    edge_index = jax.random.randint(ks[1], (2, e), 0, n)
    Ws, bs, alphas, gammas, betas = [], [], [], [], []
    for i in range(3):
        scale = 1.0 / np.sqrt(dims[i])
        Ws.append(jax.random.normal(ks[2 + i], (dims[i], dims[i + 1]), jnp.float32) * scale)
        bs.append(jnp.zeros((dims[i + 1],), jnp.float32))
        alphas.append(jnp.ones((dims[i + 1],), jnp.float32))
        gammas.append(jnp.ones((dims[i + 1],), jnp.float32))
        betas.append(jnp.zeros((dims[i + 1],), jnp.float32))
    h_last = hidden[-1]
    params = {
        "W": tuple(Ws), "b": tuple(bs),
        "alpha": tuple(alphas), "gamma": tuple(gammas), "beta": tuple(betas),
        "Wc1": jax.random.normal(ks[10], (h_last * 3, h_last), jnp.float32) * (1.0 / np.sqrt(h_last * 3)),
        "bc1": jnp.zeros((h_last,), jnp.float32),
        "ln_g": jnp.ones((h_last,), jnp.float32),
        "ln_b": jnp.zeros((h_last,), jnp.float32),
        "Wc2": jax.random.normal(ks[11], (h_last, num_classes), jnp.float32) * (1.0 / np.sqrt(h_last)),
        "bc2": jnp.zeros((num_classes,), jnp.float32),
    }
    return {"x": x, "edge_index": edge_index, "params": params}


def reference(x, edge_index, params):
    n = x.shape[0]
    loop = jnp.arange(n, dtype=edge_index.dtype)
    src = jnp.concatenate([edge_index[0], loop])
    dst = jnp.concatenate([edge_index[1], loop])
    h = x
    for i in range(3):
        h_res = h
        h = _gcn_conv(h, src, dst, n, params["W"][i], params["b"][i])
        h = _graph_norm(h, params["alpha"][i], params["gamma"][i], params["beta"][i])
        h = jax.nn.gelu(h)
        # dropout: identity in eval mode
        if h.shape == h_res.shape:
            h = h + h_res
    # global mean/max/add pool over the single graph (batch = zeros), concatenated
    g = jnp.concatenate([jnp.mean(h, axis=0), jnp.max(h, axis=0), jnp.sum(h, axis=0)])[None, :]
    z = g @ params["Wc1"] + params["bc1"]
    mu = jnp.mean(z, axis=-1, keepdims=True)
    var = jnp.var(z, axis=-1, keepdims=True)
    z = params["ln_g"] * (z - mu) / jnp.sqrt(var + 1e-5) + params["ln_b"]
    z = jax.nn.gelu(z)
    out = z @ params["Wc2"] + params["bc2"]
    return out

if __name__ == "__main__":
    import jax
    _d = setup_inputs()
    print(jax.jit(kernel)(*tuple(_d.values())))

</pallas_src>

<mosaic_0001>
#map = affine_map<(d0, d1) -> (0, 0)>
#map1 = affine_map<(d0, d1) -> (0, 0, 0, 0)>
#map2 = affine_map<(d0, d1) -> (0, 0, 0)>
module attributes {stable_mosaic.version = 14 : i64} {
  func.func @k(%arg0: i32, %arg1: i32, %arg2: memref<10000x128xf32, #tpu.memory_space<hbm>>, %arg3: memref<32x5x25x80xi32, #tpu.memory_space<hbm>>, %arg4: memref<32x5x25x80xi32, #tpu.memory_space<hbm>>, %arg5: memref<624x128xf32, #tpu.memory_space<hbm>>, %arg6: memref<2x10000x128xf32, #tpu.memory_space<hbm>>, %arg7: memref<25x80xi32, #tpu.memory_space<vmem>>, %arg8: memref<25x80xi32, #tpu.memory_space<vmem>>, %arg9: memref<80x128xf32, #tpu.memory_space<vmem>>, %arg10: memref<80x128xf32, #tpu.memory_space<vmem>>, %arg11: memref<10000x128xf32, #tpu.memory_space<vmem_shared>>, %arg12: memref<!tpu.dma_semaphore, #tpu.memory_space<semaphore_mem>>, %arg13: memref<!tpu.dma_semaphore, #tpu.memory_space<semaphore_mem>>) attributes {dimension_semantics = [#tpu.dimension_semantics<core_parallel>, #tpu.dimension_semantics<subcore_parallel>], iteration_bounds = array<i64: 2, 16>, scalar_prefetch = 0 : i64, scratch_operands = 7 : i64, tpu.core_type = #tpu.core_type<sc_vector_subcore>, window_params = [{transform_indices = #map}, {transform_indices = #map1}, {transform_indices = #map1}, {transform_indices = #map}, {transform_indices = #map2}]} {
    %mul3A = arith.constant 16 : i32
    %mul3A_0 = arith.muli %arg0, %mul3A : i32
    %add3A = arith.addi %mul3A_0, %arg1 : i32
    %mul3A_1 = arith.constant 624 : i32
    %mul3A_2 = arith.muli %arg1, %mul3A_1 : i32
    "tpu.region"() ({
      %run_scoped3A_126 = tpu.sem_alloc : memref<!tpu.dma_semaphore, #tpu.memory_space<semaphore_mem>>
      %dma_start3A_127 = arith.constant 0 : i32
      %dma_start3A_128 = tpu.memref_slice %arg11[%mul3A_2, %dma_start3A_127] : memref<10000x128xf32, #tpu.memory_space<vmem_shared>> -> memref<624x128xf32, #tpu.memory_space<vmem_shared>>
      %dma_start3A_129 = arith.constant 0 : i32
      %dma_start3A_130 = arith.constant 0 : i32
      %dma_start3A_131 = tpu.memref_slice %arg5[%dma_start3A_129, %dma_start3A_130] : memref<624x128xf32, #tpu.memory_space<hbm>> -> memref<624x128xf32, #tpu.memory_space<hbm>>
      tpu.enqueue_dma source(%dma_start3A_131 : memref<624x128xf32, #tpu.memory_space<hbm>>) target(%dma_start3A_128 : memref<624x128xf32, #tpu.memory_space<vmem_shared>>) target_semaphore(%run_scoped3A_126 : memref<!tpu.dma_semaphore, #tpu.memory_space<semaphore_mem>>)
      %dma_wait3A_132 = arith.constant 0 : i32
      %dma_wait3A_133 = tpu.memref_slice %arg11[%mul3A_2, %dma_wait3A_132] : memref<10000x128xf32, #tpu.memory_space<vmem_shared>> -> memref<624x128xf32, #tpu.memory_space<vmem_shared>>
      %dma_wait3A_134 = arith.constant 0 : i32
      %dma_wait3A_135 = arith.constant 0 : i32
      %dma_wait3A_136 = tpu.memref_slice %arg5[%dma_wait3A_134, %dma_wait3A_135] : memref<624x128xf32, #tpu.memory_space<hbm>> -> memref<624x128xf32, #tpu.memory_space<hbm>>
      tpu.wait_dma2 semaphore(%run_scoped3A_126 : memref<!tpu.dma_semaphore, #tpu.memory_space<semaphore_mem>>) src(%dma_wait3A_136 : memref<624x128xf32, #tpu.memory_space<hbm>>) dst(%dma_wait3A_133 : memref<624x128xf32, #tpu.memory_space<vmem_shared>>)
      tpu.yield
    }) : () -> ()
    %eq3A = arith.constant 0 : i32
    %eq3A_3 = arith.cmpi eq, %arg1, %eq3A : i32
    %convert_element_type3A = arith.extui %eq3A_3 : i1 to i32
    %cond3A = arith.constant 0 : i32
    %cond3A_4 = arith.cmpi ne, %convert_element_type3A, %cond3A : i32
    scf.if %cond3A_4 {
      "tpu.region"() ({
        %run_scoped3A_126 = tpu.sem_alloc : memref<!tpu.dma_semaphore, #tpu.memory_space<semaphore_mem>>
        %dma_start3A_127 = arith.constant 9984 : i32
        %dma_start3A_128 = arith.constant 0 : i32
        %dma_start3A_129 = tpu.memref_slice %arg11[%dma_start3A_127, %dma_start3A_128] : memref<10000x128xf32, #tpu.memory_space<vmem_shared>> -> memref<16x128xf32, #tpu.memory_space<vmem_shared>>
        %dma_start3A_130 = arith.constant 0 : i32
        %dma_start3A_131 = arith.constant 0 : i32
        %dma_start3A_132 = tpu.memref_slice %arg5[%dma_start3A_130, %dma_start3A_131] : memref<624x128xf32, #tpu.memory_space<hbm>> -> memref<16x128xf32, #tpu.memory_space<hbm>>
        tpu.enqueue_dma source(%dma_start3A_132 : memref<16x128xf32, #tpu.memory_space<hbm>>) target(%dma_start3A_129 : memref<16x128xf32, #tpu.memory_space<vmem_shared>>) target_semaphore(%run_scoped3A_126 : memref<!tpu.dma_semaphore, #tpu.memory_space<semaphore_mem>>)
        %dma_wait3A_133 = arith.constant 9984 : i32
        %dma_wait3A_134 = arith.constant 0 : i32
        %dma_wait3A_135 = tpu.memref_slice %arg11[%dma_wait3A_133, %dma_wait3A_134] : memref<10000x128xf32, #tpu.memory_space<vmem_shared>> -> memref<16x128xf32, #tpu.memory_space<vmem_shared>>
        %dma_wait3A_136 = arith.constant 0 : i32
        %dma_wait3A_137 = arith.constant 0 : i32
        %dma_wait3A_138 = tpu.memref_slice %arg5[%dma_wait3A_136, %dma_wait3A_137] : memref<624x128xf32, #tpu.memory_space<hbm>> -> memref<16x128xf32, #tpu.memory_space<hbm>>
        tpu.wait_dma2 semaphore(%run_scoped3A_126 : memref<!tpu.dma_semaphore, #tpu.memory_space<semaphore_mem>>) src(%dma_wait3A_138 : memref<16x128xf32, #tpu.memory_space<hbm>>) dst(%dma_wait3A_135 : memref<16x128xf32, #tpu.memory_space<vmem_shared>>)
        tpu.yield
      }) : () -> ()
    } else {
    }
    %barrier3A = arith.constant 0 : index
    tpu.barrier barrier_id(%barrier3A)
    %run_scoped3A = arith.constant 0 : i32
    "tpu.region"() ({
      %run_scoped3A_126 = tpu.sem_alloc : memref<!tpu.dma_semaphore, #tpu.memory_space<semaphore_mem>>
      %dma_start3A_127 = arith.constant 0 : i32
      %dma_start3A_128 = arith.constant 0 : i32
      %dma_start3A_129 = tpu.memref_slice %arg3[%add3A, %run_scoped3A, %dma_start3A_127, %dma_start3A_128] : memref<32x5x25x80xi32, #tpu.memory_space<hbm>> -> memref<1x1x25x80xi32, #tpu.memory_space<hbm>>
      %dma_start3A_130 = tpu.memref_squeeze %dma_start3A_129 : memref<1x1x25x80xi32, #tpu.memory_space<hbm>> -> memref<25x80xi32, #tpu.memory_space<hbm>>
      %dma_start3A_131 = arith.constant 0 : i32
      %dma_start3A_132 = arith.constant 0 : i32
      %dma_start3A_133 = tpu.memref_slice %arg3[%add3A, %run_scoped3A, %dma_start3A_131, %dma_start3A_132] : memref<32x5x25x80xi32, #tpu.memory_space<hbm>> -> memref<1x1x25x80xi32, #tpu.memory_space<hbm>>
      %dma_start3A_134 = tpu.memref_squeeze %dma_start3A_133 : memref<1x1x25x80xi32, #tpu.memory_space<hbm>> -> memref<25x80xi32, #tpu.memory_space<hbm>>
      tpu.enqueue_dma source(%dma_start3A_134 : memref<25x80xi32, #tpu.memory_space<hbm>>) target(%arg7 : memref<25x80xi32, #tpu.memory_space<vmem>>) target_semaphore(%run_scoped3A_126 : memref<!tpu.dma_semaphore, #tpu.memory_space<semaphore_mem>>)
      %dma_wait3A_135 = arith.constant 0 : i32
      %dma_wait3A_136 = arith.constant 0 : i32
      %dma_wait3A_137 = tpu.memref_slice %arg3[%add3A, %run_scoped3A, %dma_wait3A_135, %dma_wait3A_136] : memref<32x5x25x80xi32, #tpu.memory_space<hbm>> -> memref<1x1x25x80xi32, #tpu.memory_space<hbm>>
      %dma_wait3A_138 = tpu.memref_squeeze %dma_wait3A_137 : memref<1x1x25x80xi32, #tpu.memory_space<hbm>> -> memref<25x80xi32, #tpu.memory_space<hbm>>
      %dma_wait3A_139 = arith.constant 0 : i32
      %dma_wait3A_140 = arith.constant 0 : i32
      %dma_wait3A_141 = tpu.memref_slice %arg3[%add3A, %run_scoped3A, %dma_wait3A_139, %dma_wait3A_140] : memref<32x5x25x80xi32, #tpu.memory_space<hbm>> -> memref<1x1x25x80xi32, #tpu.memory_space<hbm>>
      %dma_wait3A_142 = tpu.memref_squeeze %dma_wait3A_141 : memref<1x1x25x80xi32, #tpu.memory_space<hbm>> -> memref<25x80xi32, #tpu.memory_space<hbm>>
      tpu.wait_dma2 semaphore(%run_scoped3A_126 : memref<!tpu.dma_semaphore, #tpu.memory_space<semaphore_mem>>) src(%dma_wait3A_142 : memref<25x80xi32, #tpu.memory_space<hbm>>) dst(%arg7 : memref<25x80xi32, #tpu.memory_space<vmem>>)
      tpu.yield
    }) : () -> ()
    %run_scoped3A_5 = arith.constant 0 : i32
    "tpu.region"() ({
      %run_scoped3A_126 = tpu.sem_alloc : memref<!tpu.dma_semaphore, #tpu.memory_space<semaphore_mem>>
      %dma_start3A_127 = arith.constant 0 : i32
      %dma_start3A_128 = arith.constant 0 : i32
      %dma_start3A_129 = tpu.memref_slice %arg4[%add3A, %run_scoped3A_5, %dma_start3A_127, %dma_start3A_128] : memref<32x5x25x80xi32, #tpu.memory_space<hbm>> -> memref<1x1x25x80xi32, #tpu.memory_space<hbm>>
      %dma_start3A_130 = tpu.memref_squeeze %dma_start3A_129 : memref<1x1x25x80xi32, #tpu.memory_space<hbm>> -> memref<25x80xi32, #tpu.memory_space<hbm>>
      %dma_start3A_131 = arith.constant 0 : i32
      %dma_start3A_132 = arith.constant 0 : i32
      %dma_start3A_133 = tpu.memref_slice %arg4[%add3A, %run_scoped3A_5, %dma_start3A_131, %dma_start3A_132] : memref<32x5x25x80xi32, #tpu.memory_space<hbm>> -> memref<1x1x25x80xi32, #tpu.memory_space<hbm>>
      %dma_start3A_134 = tpu.memref_squeeze %dma_start3A_133 : memref<1x1x25x80xi32, #tpu.memory_space<hbm>> -> memref<25x80xi32, #tpu.memory_space<hbm>>
      tpu.enqueue_dma source(%dma_start3A_134 : memref<25x80xi32, #tpu.memory_space<hbm>>) target(%arg8 : memref<25x80xi32, #tpu.memory_space<vmem>>) target_semaphore(%run_scoped3A_126 : memref<!tpu.dma_semaphore, #tpu.memory_space<semaphore_mem>>)
      %dma_wait3A_135 = arith.constant 0 : i32
      %dma_wait3A_136 = arith.constant 0 : i32
      %dma_wait3A_137 = tpu.memref_slice %arg4[%add3A, %run_scoped3A_5, %dma_wait3A_135, %dma_wait3A_136] : memref<32x5x25x80xi32, #tpu.memory_space<hbm>> -> memref<1x1x25x80xi32, #tpu.memory_space<hbm>>
      %dma_wait3A_138 = tpu.memref_squeeze %dma_wait3A_137 : memref<1x1x25x80xi32, #tpu.memory_space<hbm>> -> memref<25x80xi32, #tpu.memory_space<hbm>>
      %dma_wait3A_139 = arith.constant 0 : i32
      %dma_wait3A_140 = arith.constant 0 : i32
      %dma_wait3A_141 = tpu.memref_slice %arg4[%add3A, %run_scoped3A_5, %dma_wait3A_139, %dma_wait3A_140] : memref<32x5x25x80xi32, #tpu.memory_space<hbm>> -> memref<1x1x25x80xi32, #tpu.memory_space<hbm>>
      %dma_wait3A_142 = tpu.memref_squeeze %dma_wait3A_141 : memref<1x1x25x80xi32, #tpu.memory_space<hbm>> -> memref<25x80xi32, #tpu.memory_space<hbm>>
      tpu.wait_dma2 semaphore(%run_scoped3A_126 : memref<!tpu.dma_semaphore, #tpu.memory_space<semaphore_mem>>) src(%dma_wait3A_142 : memref<25x80xi32, #tpu.memory_space<hbm>>) dst(%arg8 : memref<25x80xi32, #tpu.memory_space<vmem>>)
      tpu.yield
    }) : () -> ()
    %dma_start3A = arith.constant 0 : i32
    %dma_start3A_6 = arith.constant 0 : i32
    %dma_start3A_7 = tpu.memref_slice %arg7[%dma_start3A, %dma_start3A_6] : memref<25x80xi32, #tpu.memory_space<vmem>> -> memref<1x80xi32, #tpu.memory_space<vmem>>
    %dma_start3A_8 = tpu.memref_squeeze %dma_start3A_7 : memref<1x80xi32, #tpu.memory_space<vmem>> -> memref<80xi32, #tpu.memory_space<vmem>>
    %dma_start3A_9 = arith.constant 0 : i32
    %dma_start3A_10 = arith.constant 0 : i32
    %dma_start3A_11 = tpu.memref_slice %arg2[%dma_start3A_9, %dma_start3A_10] : memref<10000x128xf32, #tpu.memory_space<hbm>> -> memref<10000x128xf32, #tpu.memory_space<hbm>>
    tpu.enqueue_indirect_dma source(%dma_start3A_11 : memref<10000x128xf32, #tpu.memory_space<hbm>>) target(%arg9 : memref<80x128xf32, #tpu.memory_space<vmem>>) offsets(%dma_start3A_8 : memref<80xi32, #tpu.memory_space<vmem>>) semaphore(%arg12 : memref<!tpu.dma_semaphore, #tpu.memory_space<semaphore_mem>>)
    %scan3A = arith.constant 0 : i32
    %scan3A_12 = arith.constant 0 : i32
    %scan3A_13 = arith.constant 12 : i32
    %scan3A_14 = arith.addi %scan3A_12, %scan3A_13 : i32
    %scan3A_15 = arith.constant 1 : i32
    scf.for %scan3A_126 = %scan3A_12 to %scan3A_14 step %scan3A_15  : i32 {
      %mul3A_127 = arith.constant 2 : i32
      %mul3A_128 = arith.muli %mul3A_127, %scan3A_126 : i32
      %add3A_129 = arith.constant 1 : i32
      %add3A_130 = arith.addi %mul3A_128, %add3A_129 : i32
      %dma_start3A_131 = arith.constant 0 : i32
      %dma_start3A_132 = tpu.memref_slice %arg7[%add3A_130, %dma_start3A_131] : memref<25x80xi32, #tpu.memory_space<vmem>> -> memref<1x80xi32, #tpu.memory_space<vmem>>
      %dma_start3A_133 = tpu.memref_squeeze %dma_start3A_132 : memref<1x80xi32, #tpu.memory_space<vmem>> -> memref<80xi32, #tpu.memory_space<vmem>>
      %dma_start3A_134 = arith.constant 0 : i32
      %dma_start3A_135 = arith.constant 0 : i32
      %dma_start3A_136 = tpu.memref_slice %arg2[%dma_start3A_134, %dma_start3A_135] : memref<10000x128xf32, #tpu.memory_space<hbm>> -> memref<10000x128xf32, #tpu.memory_space<hbm>>
      tpu.enqueue_indirect_dma source(%dma_start3A_136 : memref<10000x128xf32, #tpu.memory_space<hbm>>) target(%arg10 : memref<80x128xf32, #tpu.memory_space<vmem>>) offsets(%dma_start3A_133 : memref<80xi32, #tpu.memory_space<vmem>>) semaphore(%arg13 : memref<!tpu.dma_semaphore, #tpu.memory_space<semaphore_mem>>)
      %dma_wait3A_137 = arith.constant 0 : i32
      %dma_wait3A_138 = tpu.memref_slice %arg7[%mul3A_128, %dma_wait3A_137] : memref<25x80xi32, #tpu.memory_space<vmem>> -> memref<1x80xi32, #tpu.memory_space<vmem>>
      %dma_wait3A_139 = tpu.memref_squeeze %dma_wait3A_138 : memref<1x80xi32, #tpu.memory_space<vmem>> -> memref<80xi32, #tpu.memory_space<vmem>>
      %dma_wait3A_140 = arith.constant 0 : i32
      %dma_wait3A_141 = arith.constant 0 : i32
      %dma_wait3A_142 = tpu.memref_slice %arg2[%dma_wait3A_140, %dma_wait3A_141] : memref<10000x128xf32, #tpu.memory_space<hbm>> -> memref<10000x128xf32, #tpu.memory_space<hbm>>
      tpu.wait_indirect_dma semaphore(%arg12 : memref<!tpu.dma_semaphore, #tpu.memory_space<semaphore_mem>>) src(%dma_wait3A_142 : memref<10000x128xf32, #tpu.memory_space<hbm>>) dst(%arg9 : memref<80x128xf32, #tpu.memory_space<vmem>>)
      "tpu.region"() ({
        %run_scoped3A_161 = tpu.sem_alloc : memref<!tpu.dma_semaphore, #tpu.memory_space<semaphore_mem>>
        %dma_start3A_162 = arith.constant 0 : i32
        %dma_start3A_163 = tpu.memref_slice %arg8[%mul3A_128, %dma_start3A_162] : memref<25x80xi32, #tpu.memory_space<vmem>> -> memref<1x80xi32, #tpu.memory_space<vmem>>
        %dma_start3A_164 = tpu.memref_squeeze %dma_start3A_163 : memref<1x80xi32, #tpu.memory_space<vmem>> -> memref<80xi32, #tpu.memory_space<vmem>>
        %dma_start3A_165 = arith.constant 0 : i32
        %dma_start3A_166 = arith.constant 0 : i32
        %dma_start3A_167 = tpu.memref_slice %arg11[%dma_start3A_165, %dma_start3A_166] : memref<10000x128xf32, #tpu.memory_space<vmem_shared>> -> memref<10000x128xf32, #tpu.memory_space<vmem_shared>>
        tpu.enqueue_indirect_dma source(%arg9 : memref<80x128xf32, #tpu.memory_space<vmem>>) target(%dma_start3A_167 : memref<10000x128xf32, #tpu.memory_space<vmem_shared>>) offsets(%dma_start3A_164 : memref<80xi32, #tpu.memory_space<vmem>>) semaphore(%run_scoped3A_161 : memref<!tpu.dma_semaphore, #tpu.memory_space<semaphore_mem>>) {add = true}
        %dma_wait3A_168 = arith.constant 0 : i32
        %dma_wait3A_169 = tpu.memref_slice %arg8[%mul3A_128, %dma_wait3A_168] : memref<25x80xi32, #tpu.memory_space<vmem>> -> memref<1x80xi32, #tpu.memory_space<vmem>>
        %dma_wait3A_170 = tpu.memref_squeeze %dma_wait3A_169 : memref<1x80xi32, #tpu.memory_space<vmem>> -> memref<80xi32, #tpu.memory_space<vmem>>
        %dma_wait3A_171 = arith.constant 0 : i32
        %dma_wait3A_172 = arith.constant 0 : i32
        %dma_wait3A_173 = tpu.memref_slice %arg11[%dma_wait3A_171, %dma_wait3A_172] : memref<10000x128xf32, #tpu.memory_space<vmem_shared>> -> memref<10000x128xf32, #tpu.memory_space<vmem_shared>>
        tpu.wait_indirect_dma semaphore(%run_scoped3A_161 : memref<!tpu.dma_semaphore, #tpu.memory_space<semaphore_mem>>) src(%arg9 : memref<80x128xf32, #tpu.memory_space<vmem>>) dst(%dma_wait3A_173 : memref<10000x128xf32, #tpu.memory_space<vmem_shared>>)
        tpu.yield
      }) : () -> ()
      %add3A_143 = arith.constant 2 : i32
      %add3A_144 = arith.addi %mul3A_128, %add3A_143 : i32
      %dma_start3A_145 = arith.constant 0 : i32
      %dma_start3A_146 = tpu.memref_slice %arg7[%add3A_144, %dma_start3A_145] : memref<25x80xi32, #tpu.memory_space<vmem>> -> memref<1x80xi32, #tpu.memory_space<vmem>>
      %dma_start3A_147 = tpu.memref_squeeze %dma_start3A_146 : memref<1x80xi32, #tpu.memory_space<vmem>> -> memref<80xi32, #tpu.memory_space<vmem>>
      %dma_start3A_148 = arith.constant 0 : i32
      %dma_start3A_149 = arith.constant 0 : i32
      %dma_start3A_150 = tpu.memref_slice %arg2[%dma_start3A_148, %dma_start3A_149] : memref<10000x128xf32, #tpu.memory_space<hbm>> -> memref<10000x128xf32, #tpu.memory_space<hbm>>
      tpu.enqueue_indirect_dma source(%dma_start3A_150 : memref<10000x128xf32, #tpu.memory_space<hbm>>) target(%arg9 : memref<80x128xf32, #tpu.memory_space<vmem>>) offsets(%dma_start3A_147 : memref<80xi32, #tpu.memory_space<vmem>>) semaphore(%arg12 : memref<!tpu.dma_semaphore, #tpu.memory_space<semaphore_mem>>)
      %add3A_151 = arith.constant 1 : i32
      %add3A_152 = arith.addi %mul3A_128, %add3A_151 : i32
      %dma_wait3A_153 = arith.constant 0 : i32
      %dma_wait3A_154 = tpu.memref_slice %arg7[%add3A_152, %dma_wait3A_153] : memref<25x80xi32, #tpu.memory_space<vmem>> -> memref<1x80xi32, #tpu.memory_space<vmem>>
      %dma_wait3A_155 = tpu.memref_squeeze %dma_wait3A_154 : memref<1x80xi32, #tpu.memory_space<vmem>> -> memref<80xi32, #tpu.memory_space<vmem>>
      %dma_wait3A_156 = arith.constant 0 : i32
      %dma_wait3A_157 = arith.constant 0 : i32
      %dma_wait3A_158 = tpu.memref_slice %arg2[%dma_wait3A_156, %dma_wait3A_157] : memref<10000x128xf32, #tpu.memory_space<hbm>> -> memref<10000x128xf32, #tpu.memory_space<hbm>>
      tpu.wait_indirect_dma semaphore(%arg13 : memref<!tpu.dma_semaphore, #tpu.memory_space<semaphore_mem>>) src(%dma_wait3A_158 : memref<10000x128xf32, #tpu.memory_space<hbm>>) dst(%arg10 : memref<80x128xf32, #tpu.memory_space<vmem>>)
      %add3A_159 = arith.constant 1 : i32
      %add3A_160 = arith.addi %mul3A_128, %add3A_159 : i32
      "tpu.region"() ({
        %run_scoped3A_161 = tpu.sem_alloc : memref<!tpu.dma_semaphore, #tpu.memory_space<semaphore_mem>>
        %dma_start3A_162 = arith.constant 0 : i32
        %dma_start3A_163 = tpu.memref_slice %arg8[%add3A_160, %dma_start3A_162] : memref<25x80xi32, #tpu.memory_space<vmem>> -> memref<1x80xi32, #tpu.memory_space<vmem>>
        %dma_start3A_164 = tpu.memref_squeeze %dma_start3A_163 : memref<1x80xi32, #tpu.memory_space<vmem>> -> memref<80xi32, #tpu.memory_space<vmem>>
        %dma_start3A_165 = arith.constant 0 : i32
        %dma_start3A_166 = arith.constant 0 : i32
        %dma_start3A_167 = tpu.memref_slice %arg11[%dma_start3A_165, %dma_start3A_166] : memref<10000x128xf32, #tpu.memory_space<vmem_shared>> -> memref<10000x128xf32, #tpu.memory_space<vmem_shared>>
        tpu.enqueue_indirect_dma source(%arg10 : memref<80x128xf32, #tpu.memory_space<vmem>>) target(%dma_start3A_167 : memref<10000x128xf32, #tpu.memory_space<vmem_shared>>) offsets(%dma_start3A_164 : memref<80xi32, #tpu.memory_space<vmem>>) semaphore(%run_scoped3A_161 : memref<!tpu.dma_semaphore, #tpu.memory_space<semaphore_mem>>) {add = true}
        %dma_wait3A_168 = arith.constant 0 : i32
        %dma_wait3A_169 = tpu.memref_slice %arg8[%add3A_160, %dma_wait3A_168] : memref<25x80xi32, #tpu.memory_space<vmem>> -> memref<1x80xi32, #tpu.memory_space<vmem>>
        %dma_wait3A_170 = tpu.memref_squeeze %dma_wait3A_169 : memref<1x80xi32, #tpu.memory_space<vmem>> -> memref<80xi32, #tpu.memory_space<vmem>>
        %dma_wait3A_171 = arith.constant 0 : i32
        %dma_wait3A_172 = arith.constant 0 : i32
        %dma_wait3A_173 = tpu.memref_slice %arg11[%dma_wait3A_171, %dma_wait3A_172] : memref<10000x128xf32, #tpu.memory_space<vmem_shared>> -> memref<10000x128xf32, #tpu.memory_space<vmem_shared>>
        tpu.wait_indirect_dma semaphore(%run_scoped3A_161 : memref<!tpu.dma_semaphore, #tpu.memory_space<semaphore_mem>>) src(%arg10 : memref<80x128xf32, #tpu.memory_space<vmem>>) dst(%dma_wait3A_173 : memref<10000x128xf32, #tpu.memory_space<vmem_shared>>)
        tpu.yield
      }) : () -> ()
    }
    %scan3A_16 = arith.constant 12 : i32
    %dma_wait3A = arith.constant 24 : i32
    %dma_wait3A_17 = arith.constant 0 : i32
    %dma_wait3A_18 = tpu.memref_slice %arg7[%dma_wait3A, %dma_wait3A_17] : memref<25x80xi32, #tpu.memory_space<vmem>> -> memref<1x80xi32, #tpu.memory_space<vmem>>
    %dma_wait3A_19 = tpu.memref_squeeze %dma_wait3A_18 : memref<1x80xi32, #tpu.memory_space<vmem>> -> memref<80xi32, #tpu.memory_space<vmem>>
    %dma_wait3A_20 = arith.constant 0 : i32
    %dma_wait3A_21 = arith.constant 0 : i32
    %dma_wait3A_22 = tpu.memref_slice %arg2[%dma_wait3A_20, %dma_wait3A_21] : memref<10000x128xf32, #tpu.memory_space<hbm>> -> memref<10000x128xf32, #tpu.memory_space<hbm>>
    tpu.wait_indirect_dma semaphore(%arg12 : memref<!tpu.dma_semaphore, #tpu.memory_space<semaphore_mem>>) src(%dma_wait3A_22 : memref<10000x128xf32, #tpu.memory_space<hbm>>) dst(%arg9 : memref<80x128xf32, #tpu.memory_space<vmem>>)
    %run_scoped3A_23 = arith.constant 24 : i32
    "tpu.region"() ({
      %run_scoped3A_126 = tpu.sem_alloc : memref<!tpu.dma_semaphore, #tpu.memory_space<semaphore_mem>>
      %dma_start3A_127 = arith.constant 0 : i32
      %dma_start3A_128 = tpu.memref_slice %arg8[%run_scoped3A_23, %dma_start3A_127] : memref<25x80xi32, #tpu.memory_space<vmem>> -> memref<1x80xi32, #tpu.memory_space<vmem>>
      %dma_start3A_129 = tpu.memref_squeeze %dma_start3A_128 : memref<1x80xi32, #tpu.memory_space<vmem>> -> memref<80xi32, #tpu.memory_space<vmem>>
      %dma_start3A_130 = arith.constant 0 : i32
      %dma_start3A_131 = arith.constant 0 : i32
      %dma_start3A_132 = tpu.memref_slice %arg11[%dma_start3A_130, %dma_start3A_131] : memref<10000x128xf32, #tpu.memory_space<vmem_shared>> -> memref<10000x128xf32, #tpu.memory_space<vmem_shared>>
      tpu.enqueue_indirect_dma source(%arg9 : memref<80x128xf32, #tpu.memory_space<vmem>>) target(%dma_start3A_132 : memref<10000x128xf32, #tpu.memory_space<vmem_shared>>) offsets(%dma_start3A_129 : memref<80xi32, #tpu.memory_space<vmem>>) semaphore(%run_scoped3A_126 : memref<!tpu.dma_semaphore, #tpu.memory_space<semaphore_mem>>) {add = true}
      %dma_wait3A_133 = arith.constant 0 : i32
      %dma_wait3A_134 = tpu.memref_slice %arg8[%run_scoped3A_23, %dma_wait3A_133] : memref<25x80xi32, #tpu.memory_space<vmem>> -> memref<1x80xi32, #tpu.memory_space<vmem>>
      %dma_wait3A_135 = tpu.memref_squeeze %dma_wait3A_134 : memref<1x80xi32, #tpu.memory_space<vmem>> -> memref<80xi32, #tpu.memory_space<vmem>>
      %dma_wait3A_136 = arith.constant 0 : i32
      %dma_wait3A_137 = arith.constant 0 : i32
      %dma_wait3A_138 = tpu.memref_slice %arg11[%dma_wait3A_136, %dma_wait3A_137] : memref<10000x128xf32, #tpu.memory_space<vmem_shared>> -> memref<10000x128xf32, #tpu.memory_space<vmem_shared>>
      tpu.wait_indirect_dma semaphore(%run_scoped3A_126 : memref<!tpu.dma_semaphore, #tpu.memory_space<semaphore_mem>>) src(%arg9 : memref<80x128xf32, #tpu.memory_space<vmem>>) dst(%dma_wait3A_138 : memref<10000x128xf32, #tpu.memory_space<vmem_shared>>)
      tpu.yield
    }) : () -> ()
    %run_scoped3A_24 = arith.constant 1 : i32
    "tpu.region"() ({
      %run_scoped3A_126 = tpu.sem_alloc : memref<!tpu.dma_semaphore, #tpu.memory_space<semaphore_mem>>
      %dma_start3A_127 = arith.constant 0 : i32
      %dma_start3A_128 = arith.constant 0 : i32
      %dma_start3A_129 = tpu.memref_slice %arg3[%add3A, %run_scoped3A_24, %dma_start3A_127, %dma_start3A_128] : memref<32x5x25x80xi32, #tpu.memory_space<hbm>> -> memref<1x1x25x80xi32, #tpu.memory_space<hbm>>
      %dma_start3A_130 = tpu.memref_squeeze %dma_start3A_129 : memref<1x1x25x80xi32, #tpu.memory_space<hbm>> -> memref<25x80xi32, #tpu.memory_space<hbm>>
      %dma_start3A_131 = arith.constant 0 : i32
      %dma_start3A_132 = arith.constant 0 : i32
      %dma_start3A_133 = tpu.memref_slice %arg3[%add3A, %run_scoped3A_24, %dma_start3A_131, %dma_start3A_132] : memref<32x5x25x80xi32, #tpu.memory_space<hbm>> -> memref<1x1x25x80xi32, #tpu.memory_space<hbm>>
      %dma_start3A_134 = tpu.memref_squeeze %dma_start3A_133 : memref<1x1x25x80xi32, #tpu.memory_space<hbm>> -> memref<25x80xi32, #tpu.memory_space<hbm>>
      tpu.enqueue_dma source(%dma_start3A_134 : memref<25x80xi32, #tpu.memory_space<hbm>>) target(%arg7 : memref<25x80xi32, #tpu.memory_space<vmem>>) target_semaphore(%run_scoped3A_126 : memref<!tpu.dma_semaphore, #tpu.memory_space<semaphore_mem>>)
      %dma_wait3A_135 = arith.constant 0 : i32
      %dma_wait3A_136 = arith.constant 0 : i32
      %dma_wait3A_137 = tpu.memref_slice %arg3[%add3A, %run_scoped3A_24, %dma_wait3A_135, %dma_wait3A_136] : memref<32x5x25x80xi32, #tpu.memory_space<hbm>> -> memref<1x1x25x80xi32, #tpu.memory_space<hbm>>
      %dma_wait3A_138 = tpu.memref_squeeze %dma_wait3A_137 : memref<1x1x25x80xi32, #tpu.memory_space<hbm>> -> memref<25x80xi32, #tpu.memory_space<hbm>>
      %dma_wait3A_139 = arith.constant 0 : i32
      %dma_wait3A_140 = arith.constant 0 : i32
      %dma_wait3A_141 = tpu.memref_slice %arg3[%add3A, %run_scoped3A_24, %dma_wait3A_139, %dma_wait3A_140] : memref<32x5x25x80xi32, #tpu.memory_space<hbm>> -> memref<1x1x25x80xi32, #tpu.memory_space<hbm>>
      %dma_wait3A_142 = tpu.memref_squeeze %dma_wait3A_141 : memref<1x1x25x80xi32, #tpu.memory_space<hbm>> -> memref<25x80xi32, #tpu.memory_space<hbm>>
      tpu.wait_dma2 semaphore(%run_scoped3A_126 : memref<!tpu.dma_semaphore, #tpu.memory_space<semaphore_mem>>) src(%dma_wait3A_142 : memref<25x80xi32, #tpu.memory_space<hbm>>) dst(%arg7 : memref<25x80xi32, #tpu.memory_space<vmem>>)
      tpu.yield
    }) : () -> ()
    %run_scoped3A_25 = arith.constant 1 : i32
    "tpu.region"() ({
      %run_scoped3A_126 = tpu.sem_alloc : memref<!tpu.dma_semaphore, #tpu.memory_space<semaphore_mem>>
      %dma_start3A_127 = arith.constant 0 : i32
      %dma_start3A_128 = arith.constant 0 : i32
      %dma_start3A_129 = tpu.memref_slice %arg4[%add3A, %run_scoped3A_25, %dma_start3A_127, %dma_start3A_128] : memref<32x5x25x80xi32, #tpu.memory_space<hbm>> -> memref<1x1x25x80xi32, #tpu.memory_space<hbm>>
      %dma_start3A_130 = tpu.memref_squeeze %dma_start3A_129 : memref<1x1x25x80xi32, #tpu.memory_space<hbm>> -> memref<25x80xi32, #tpu.memory_space<hbm>>
      %dma_start3A_131 = arith.constant 0 : i32
      %dma_start3A_132 = arith.constant 0 : i32
      %dma_start3A_133 = tpu.memref_slice %arg4[%add3A, %run_scoped3A_25, %dma_start3A_131, %dma_start3A_132] : memref<32x5x25x80xi32, #tpu.memory_space<hbm>> -> memref<1x1x25x80xi32, #tpu.memory_space<hbm>>
      %dma_start3A_134 = tpu.memref_squeeze %dma_start3A_133 : memref<1x1x25x80xi32, #tpu.memory_space<hbm>> -> memref<25x80xi32, #tpu.memory_space<hbm>>
      tpu.enqueue_dma source(%dma_start3A_134 : memref<25x80xi32, #tpu.memory_space<hbm>>) target(%arg8 : memref<25x80xi32, #tpu.memory_space<vmem>>) target_semaphore(%run_scoped3A_126 : memref<!tpu.dma_semaphore, #tpu.memory_space<semaphore_mem>>)
      %dma_wait3A_135 = arith.constant 0 : i32
      %dma_wait3A_136 = arith.constant 0 : i32
      %dma_wait3A_137 = tpu.memref_slice %arg4[%add3A, %run_scoped3A_25, %dma_wait3A_135, %dma_wait3A_136] : memref<32x5x25x80xi32, #tpu.memory_space<hbm>> -> memref<1x1x25x80xi32, #tpu.memory_space<hbm>>
      %dma_wait3A_138 = tpu.memref_squeeze %dma_wait3A_137 : memref<1x1x25x80xi32, #tpu.memory_space<hbm>> -> memref<25x80xi32, #tpu.memory_space<hbm>>
      %dma_wait3A_139 = arith.constant 0 : i32
      %dma_wait3A_140 = arith.constant 0 : i32
      %dma_wait3A_141 = tpu.memref_slice %arg4[%add3A, %run_scoped3A_25, %dma_wait3A_139, %dma_wait3A_140] : memref<32x5x25x80xi32, #tpu.memory_space<hbm>> -> memref<1x1x25x80xi32, #tpu.memory_space<hbm>>
      %dma_wait3A_142 = tpu.memref_squeeze %dma_wait3A_141 : memref<1x1x25x80xi32, #tpu.memory_space<hbm>> -> memref<25x80xi32, #tpu.memory_space<hbm>>
      tpu.wait_dma2 semaphore(%run_scoped3A_126 : memref<!tpu.dma_semaphore, #tpu.memory_space<semaphore_mem>>) src(%dma_wait3A_142 : memref<25x80xi32, #tpu.memory_space<hbm>>) dst(%arg8 : memref<25x80xi32, #tpu.memory_space<vmem>>)
      tpu.yield
    }) : () -> ()
    %dma_start3A_26 = arith.constant 0 : i32
    %dma_start3A_27 = arith.constant 0 : i32
    %dma_start3A_28 = tpu.memref_slice %arg7[%dma_start3A_26, %dma_start3A_27] : memref<25x80xi32, #tpu.memory_space<vmem>> -> memref<1x80xi32, #tpu.memory_space<vmem>>
    %dma_start3A_29 = tpu.memref_squeeze %dma_start3A_28 : memref<1x80xi32, #tpu.memory_space<vmem>> -> memref<80xi32, #tpu.memory_space<vmem>>
    %dma_start3A_30 = arith.constant 0 : i32
    %dma_start3A_31 = arith.constant 0 : i32
    %dma_start3A_32 = tpu.memref_slice %arg2[%dma_start3A_30, %dma_start3A_31] : memref<10000x128xf32, #tpu.memory_space<hbm>> -> memref<10000x128xf32, #tpu.memory_space<hbm>>
    tpu.enqueue_indirect_dma source(%dma_start3A_32 : memref<10000x128xf32, #tpu.memory_space<hbm>>) target(%arg9 : memref<80x128xf32, #tpu.memory_space<vmem>>) offsets(%dma_start3A_29 : memref<80xi32, #tpu.memory_space<vmem>>) semaphore(%arg12 : memref<!tpu.dma_semaphore, #tpu.memory_space<semaphore_mem>>)
    %scan3A_33 = arith.constant 0 : i32
    %scan3A_34 = arith.constant 0 : i32
    %scan3A_35 = arith.constant 12 : i32
    %scan3A_36 = arith.addi %scan3A_34, %scan3A_35 : i32
    %scan3A_37 = arith.constant 1 : i32
    scf.for %scan3A_126 = %scan3A_34 to %scan3A_36 step %scan3A_37  : i32 {
      %mul3A_127 = arith.constant 2 : i32
      %mul3A_128 = arith.muli %mul3A_127, %scan3A_126 : i32
      %add3A_129 = arith.constant 1 : i32
      %add3A_130 = arith.addi %mul3A_128, %add3A_129 : i32
      %dma_start3A_131 = arith.constant 0 : i32
      %dma_start3A_132 = tpu.memref_slice %arg7[%add3A_130, %dma_start3A_131] : memref<25x80xi32, #tpu.memory_space<vmem>> -> memref<1x80xi32, #tpu.memory_space<vmem>>
      %dma_start3A_133 = tpu.memref_squeeze %dma_start3A_132 : memref<1x80xi32, #tpu.memory_space<vmem>> -> memref<80xi32, #tpu.memory_space<vmem>>
      %dma_start3A_134 = arith.constant 0 : i32
      %dma_start3A_135 = arith.constant 0 : i32
      %dma_start3A_136 = tpu.memref_slice %arg2[%dma_start3A_134, %dma_start3A_135] : memref<10000x128xf32, #tpu.memory_space<hbm>> -> memref<10000x128xf32, #tpu.memory_space<hbm>>
      tpu.enqueue_indirect_dma source(%dma_start3A_136 : memref<10000x128xf32, #tpu.memory_space<hbm>>) target(%arg10 : memref<80x128xf32, #tpu.memory_space<vmem>>) offsets(%dma_start3A_133 : memref<80xi32, #tpu.memory_space<vmem>>) semaphore(%arg13 : memref<!tpu.dma_semaphore, #tpu.memory_space<semaphore_mem>>)
      %dma_wait3A_137 = arith.constant 0 : i32
      %dma_wait3A_138 = tpu.memref_slice %arg7[%mul3A_128, %dma_wait3A_137] : memref<25x80xi32, #tpu.memory_space<vmem>> -> memref<1x80xi32, #tpu.memory_space<vmem>>
      %dma_wait3A_139 = tpu.memref_squeeze %dma_wait3A_138 : memref<1x80xi32, #tpu.memory_space<vmem>> -> memref<80xi32, #tpu.memory_space<vmem>>
      %dma_wait3A_140 = arith.constant 0 : i32
      %dma_wait3A_141 = arith.constant 0 : i32
      %dma_wait3A_142 = tpu.memref_slice %arg2[%dma_wait3A_140, %dma_wait3A_141] : memref<10000x128xf32, #tpu.memory_space<hbm>> -> memref<10000x128xf32, #tpu.memory_space<hbm>>
      tpu.wait_indirect_dma semaphore(%arg12 : memref<!tpu.dma_semaphore, #tpu.memory_space<semaphore_mem>>) src(%dma_wait3A_142 : memref<10000x128xf32, #tpu.memory_space<hbm>>) dst(%arg9 : memref<80x128xf32, #tpu.memory_space<vmem>>)
      "tpu.region"() ({
        %run_scoped3A_161 = tpu.sem_alloc : memref<!tpu.dma_semaphore, #tpu.memory_space<semaphore_mem>>
        %dma_start3A_162 = arith.constant 0 : i32
        %dma_start3A_163 = tpu.memref_slice %arg8[%mul3A_128, %dma_start3A_162] : memref<25x80xi32, #tpu.memory_space<vmem>> -> memref<1x80xi32, #tpu.memory_space<vmem>>
        %dma_start3A_164 = tpu.memref_squeeze %dma_start3A_163 : memref<1x80xi32, #tpu.memory_space<vmem>> -> memref<80xi32, #tpu.memory_space<vmem>>
        %dma_start3A_165 = arith.constant 0 : i32
        %dma_start3A_166 = arith.constant 0 : i32
        %dma_start3A_167 = tpu.memref_slice %arg11[%dma_start3A_165, %dma_start3A_166] : memref<10000x128xf32, #tpu.memory_space<vmem_shared>> -> memref<10000x128xf32, #tpu.memory_space<vmem_shared>>
        tpu.enqueue_indirect_dma source(%arg9 : memref<80x128xf32, #tpu.memory_space<vmem>>) target(%dma_start3A_167 : memref<10000x128xf32, #tpu.memory_space<vmem_shared>>) offsets(%dma_start3A_164 : memref<80xi32, #tpu.memory_space<vmem>>) semaphore(%run_scoped3A_161 : memref<!tpu.dma_semaphore, #tpu.memory_space<semaphore_mem>>) {add = true}
        %dma_wait3A_168 = arith.constant 0 : i32
        %dma_wait3A_169 = tpu.memref_slice %arg8[%mul3A_128, %dma_wait3A_168] : memref<25x80xi32, #tpu.memory_space<vmem>> -> memref<1x80xi32, #tpu.memory_space<vmem>>
        %dma_wait3A_170 = tpu.memref_squeeze %dma_wait3A_169 : memref<1x80xi32, #tpu.memory_space<vmem>> -> memref<80xi32, #tpu.memory_space<vmem>>
        %dma_wait3A_171 = arith.constant 0 : i32
        %dma_wait3A_172 = arith.constant 0 : i32
        %dma_wait3A_173 = tpu.memref_slice %arg11[%dma_wait3A_171, %dma_wait3A_172] : memref<10000x128xf32, #tpu.memory_space<vmem_shared>> -> memref<10000x128xf32, #tpu.memory_space<vmem_shared>>
        tpu.wait_indirect_dma semaphore(%run_scoped3A_161 : memref<!tpu.dma_semaphore, #tpu.memory_space<semaphore_mem>>) src(%arg9 : memref<80x128xf32, #tpu.memory_space<vmem>>) dst(%dma_wait3A_173 : memref<10000x128xf32, #tpu.memory_space<vmem_shared>>)
        tpu.yield
      }) : () -> ()
      %add3A_143 = arith.constant 2 : i32
      %add3A_144 = arith.addi %mul3A_128, %add3A_143 : i32
      %dma_start3A_145 = arith.constant 0 : i32
      %dma_start3A_146 = tpu.memref_slice %arg7[%add3A_144, %dma_start3A_145] : memref<25x80xi32, #tpu.memory_space<vmem>> -> memref<1x80xi32, #tpu.memory_space<vmem>>
      %dma_start3A_147 = tpu.memref_squeeze %dma_start3A_146 : memref<1x80xi32, #tpu.memory_space<vmem>> -> memref<80xi32, #tpu.memory_space<vmem>>
      %dma_start3A_148 = arith.constant 0 : i32
      %dma_start3A_149 = arith.constant 0 : i32
      %dma_start3A_150 = tpu.memref_slice %arg2[%dma_start3A_148, %dma_start3A_149] : memref<10000x128xf32, #tpu.memory_space<hbm>> -> memref<10000x128xf32, #tpu.memory_space<hbm>>
      tpu.enqueue_indirect_dma source(%dma_start3A_150 : memref<10000x128xf32, #tpu.memory_space<hbm>>) target(%arg9 : memref<80x128xf32, #tpu.memory_space<vmem>>) offsets(%dma_start3A_147 : memref<80xi32, #tpu.memory_space<vmem>>) semaphore(%arg12 : memref<!tpu.dma_semaphore, #tpu.memory_space<semaphore_mem>>)
      %add3A_151 = arith.constant 1 : i32
      %add3A_152 = arith.addi %mul3A_128, %add3A_151 : i32
      %dma_wait3A_153 = arith.constant 0 : i32
      %dma_wait3A_154 = tpu.memref_slice %arg7[%add3A_152, %dma_wait3A_153] : memref<25x80xi32, #tpu.memory_space<vmem>> -> memref<1x80xi32, #tpu.memory_space<vmem>>
      %dma_wait3A_155 = tpu.memref_squeeze %dma_wait3A_154 : memref<1x80xi32, #tpu.memory_space<vmem>> -> memref<80xi32, #tpu.memory_space<vmem>>
      %dma_wait3A_156 = arith.constant 0 : i32
      %dma_wait3A_157 = arith.constant 0 : i32
      %dma_wait3A_158 = tpu.memref_slice %arg2[%dma_wait3A_156, %dma_wait3A_157] : memref<10000x128xf32, #tpu.memory_space<hbm>> -> memref<10000x128xf32, #tpu.memory_space<hbm>>
      tpu.wait_indirect_dma semaphore(%arg13 : memref<!tpu.dma_semaphore, #tpu.memory_space<semaphore_mem>>) src(%dma_wait3A_158 : memref<10000x128xf32, #tpu.memory_space<hbm>>) dst(%arg10 : memref<80x128xf32, #tpu.memory_space<vmem>>)
      %add3A_159 = arith.constant 1 : i32
      %add3A_160 = arith.addi %mul3A_128, %add3A_159 : i32
      "tpu.region"() ({
        %run_scoped3A_161 = tpu.sem_alloc : memref<!tpu.dma_semaphore, #tpu.memory_space<semaphore_mem>>
        %dma_start3A_162 = arith.constant 0 : i32
        %dma_start3A_163 = tpu.memref_slice %arg8[%add3A_160, %dma_start3A_162] : memref<25x80xi32, #tpu.memory_space<vmem>> -> memref<1x80xi32, #tpu.memory_space<vmem>>
        %dma_start3A_164 = tpu.memref_squeeze %dma_start3A_163 : memref<1x80xi32, #tpu.memory_space<vmem>> -> memref<80xi32, #tpu.memory_space<vmem>>
        %dma_start3A_165 = arith.constant 0 : i32
        %dma_start3A_166 = arith.constant 0 : i32
        %dma_start3A_167 = tpu.memref_slice %arg11[%dma_start3A_165, %dma_start3A_166] : memref<10000x128xf32, #tpu.memory_space<vmem_shared>> -> memref<10000x128xf32, #tpu.memory_space<vmem_shared>>
        tpu.enqueue_indirect_dma source(%arg10 : memref<80x128xf32, #tpu.memory_space<vmem>>) target(%dma_start3A_167 : memref<10000x128xf32, #tpu.memory_space<vmem_shared>>) offsets(%dma_start3A_164 : memref<80xi32, #tpu.memory_space<vmem>>) semaphore(%run_scoped3A_161 : memref<!tpu.dma_semaphore, #tpu.memory_space<semaphore_mem>>) {add = true}
        %dma_wait3A_168 = arith.constant 0 : i32
        %dma_wait3A_169 = tpu.memref_slice %arg8[%add3A_160, %dma_wait3A_168] : memref<25x80xi32, #tpu.memory_space<vmem>> -> memref<1x80xi32, #tpu.memory_space<vmem>>
        %dma_wait3A_170 = tpu.memref_squeeze %dma_wait3A_169 : memref<1x80xi32, #tpu.memory_space<vmem>> -> memref<80xi32, #tpu.memory_space<vmem>>
        %dma_wait3A_171 = arith.constant 0 : i32
        %dma_wait3A_172 = arith.constant 0 : i32
        %dma_wait3A_173 = tpu.memref_slice %arg11[%dma_wait3A_171, %dma_wait3A_172] : memref<10000x128xf32, #tpu.memory_space<vmem_shared>> -> memref<10000x128xf32, #tpu.memory_space<vmem_shared>>
        tpu.wait_indirect_dma semaphore(%run_scoped3A_161 : memref<!tpu.dma_semaphore, #tpu.memory_space<semaphore_mem>>) src(%arg10 : memref<80x128xf32, #tpu.memory_space<vmem>>) dst(%dma_wait3A_173 : memref<10000x128xf32, #tpu.memory_space<vmem_shared>>)
        tpu.yield
      }) : () -> ()
    }
    %scan3A_38 = arith.constant 12 : i32
    %dma_wait3A_39 = arith.constant 24 : i32
    %dma_wait3A_40 = arith.constant 0 : i32
    %dma_wait3A_41 = tpu.memref_slice %arg7[%dma_wait3A_39, %dma_wait3A_40] : memref<25x80xi32, #tpu.memory_space<vmem>> -> memref<1x80xi32, #tpu.memory_space<vmem>>
    %dma_wait3A_42 = tpu.memref_squeeze %dma_wait3A_41 : memref<1x80xi32, #tpu.memory_space<vmem>> -> memref<80xi32, #tpu.memory_space<vmem>>
    %dma_wait3A_43 = arith.constant 0 : i32
    %dma_wait3A_44 = arith.constant 0 : i32
    %dma_wait3A_45 = tpu.memref_slice %arg2[%dma_wait3A_43, %dma_wait3A_44] : memref<10000x128xf32, #tpu.memory_space<hbm>> -> memref<10000x128xf32, #tpu.memory_space<hbm>>
    tpu.wait_indirect_dma semaphore(%arg12 : memref<!tpu.dma_semaphore, #tpu.memory_space<semaphore_mem>>) src(%dma_wait3A_45 : memref<10000x128xf32, #tpu.memory_space<hbm>>) dst(%arg9 : memref<80x128xf32, #tpu.memory_space<vmem>>)
    %run_scoped3A_46 = arith.constant 24 : i32
    "tpu.region"() ({
      %run_scoped3A_126 = tpu.sem_alloc : memref<!tpu.dma_semaphore, #tpu.memory_space<semaphore_mem>>
      %dma_start3A_127 = arith.constant 0 : i32
      %dma_start3A_128 = tpu.memref_slice %arg8[%run_scoped3A_46, %dma_start3A_127] : memref<25x80xi32, #tpu.memory_space<vmem>> -> memref<1x80xi32, #tpu.memory_space<vmem>>
      %dma_start3A_129 = tpu.memref_squeeze %dma_start3A_128 : memref<1x80xi32, #tpu.memory_space<vmem>> -> memref<80xi32, #tpu.memory_space<vmem>>
      %dma_start3A_130 = arith.constant 0 : i32
      %dma_start3A_131 = arith.constant 0 : i32
      %dma_start3A_132 = tpu.memref_slice %arg11[%dma_start3A_130, %dma_start3A_131] : memref<10000x128xf32, #tpu.memory_space<vmem_shared>> -> memref<10000x128xf32, #tpu.memory_space<vmem_shared>>
      tpu.enqueue_indirect_dma source(%arg9 : memref<80x128xf32, #tpu.memory_space<vmem>>) target(%dma_start3A_132 : memref<10000x128xf32, #tpu.memory_space<vmem_shared>>) offsets(%dma_start3A_129 : memref<80xi32, #tpu.memory_space<vmem>>) semaphore(%run_scoped3A_126 : memref<!tpu.dma_semaphore, #tpu.memory_space<semaphore_mem>>) {add = true}
      %dma_wait3A_133 = arith.constant 0 : i32
      %dma_wait3A_134 = tpu.memref_slice %arg8[%run_scoped3A_46, %dma_wait3A_133] : memref<25x80xi32, #tpu.memory_space<vmem>> -> memref<1x80xi32, #tpu.memory_space<vmem>>
      %dma_wait3A_135 = tpu.memref_squeeze %dma_wait3A_134 : memref<1x80xi32, #tpu.memory_space<vmem>> -> memref<80xi32, #tpu.memory_space<vmem>>
      %dma_wait3A_136 = arith.constant 0 : i32
      %dma_wait3A_137 = arith.constant 0 : i32
      %dma_wait3A_138 = tpu.memref_slice %arg11[%dma_wait3A_136, %dma_wait3A_137] : memref<10000x128xf32, #tpu.memory_space<vmem_shared>> -> memref<10000x128xf32, #tpu.memory_space<vmem_shared>>
      tpu.wait_indirect_dma semaphore(%run_scoped3A_126 : memref<!tpu.dma_semaphore, #tpu.memory_space<semaphore_mem>>) src(%arg9 : memref<80x128xf32, #tpu.memory_space<vmem>>) dst(%dma_wait3A_138 : memref<10000x128xf32, #tpu.memory_space<vmem_shared>>)
      tpu.yield
    }) : () -> ()
    %run_scoped3A_47 = arith.constant 2 : i32
    "tpu.region"() ({
      %run_scoped3A_126 = tpu.sem_alloc : memref<!tpu.dma_semaphore, #tpu.memory_space<semaphore_mem>>
      %dma_start3A_127 = arith.constant 0 : i32
      %dma_start3A_128 = arith.constant 0 : i32
      %dma_start3A_129 = tpu.memref_slice %arg3[%add3A, %run_scoped3A_47, %dma_start3A_127, %dma_start3A_128] : memref<32x5x25x80xi32, #tpu.memory_space<hbm>> -> memref<1x1x25x80xi32, #tpu.memory_space<hbm>>
      %dma_start3A_130 = tpu.memref_squeeze %dma_start3A_129 : memref<1x1x25x80xi32, #tpu.memory_space<hbm>> -> memref<25x80xi32, #tpu.memory_space<hbm>>
      %dma_start3A_131 = arith.constant 0 : i32
      %dma_start3A_132 = arith.constant 0 : i32
      %dma_start3A_133 = tpu.memref_slice %arg3[%add3A, %run_scoped3A_47, %dma_start3A_131, %dma_start3A_132] : memref<32x5x25x80xi32, #tpu.memory_space<hbm>> -> memref<1x1x25x80xi32, #tpu.memory_space<hbm>>
      %dma_start3A_134 = tpu.memref_squeeze %dma_start3A_133 : memref<1x1x25x80xi32, #tpu.memory_space<hbm>> -> memref<25x80xi32, #tpu.memory_space<hbm>>
      tpu.enqueue_dma source(%dma_start3A_134 : memref<25x80xi32, #tpu.memory_space<hbm>>) target(%arg7 : memref<25x80xi32, #tpu.memory_space<vmem>>) target_semaphore(%run_scoped3A_126 : memref<!tpu.dma_semaphore, #tpu.memory_space<semaphore_mem>>)
      %dma_wait3A_135 = arith.constant 0 : i32
      %dma_wait3A_136 = arith.constant 0 : i32
      %dma_wait3A_137 = tpu.memref_slice %arg3[%add3A, %run_scoped3A_47, %dma_wait3A_135, %dma_wait3A_136] : memref<32x5x25x80xi32, #tpu.memory_space<hbm>> -> memref<1x1x25x80xi32, #tpu.memory_space<hbm>>
      %dma_wait3A_138 = tpu.memref_squeeze %dma_wait3A_137 : memref<1x1x25x80xi32, #tpu.memory_space<hbm>> -> memref<25x80xi32, #tpu.memory_space<hbm>>
      %dma_wait3A_139 = arith.constant 0 : i32
      %dma_wait3A_140 = arith.constant 0 : i32
      %dma_wait3A_141 = tpu.memref_slice %arg3[%add3A, %run_scoped3A_47, %dma_wait3A_139, %dma_wait3A_140] : memref<32x5x25x80xi32, #tpu.memory_space<hbm>> -> memref<1x1x25x80xi32, #tpu.memory_space<hbm>>
      %dma_wait3A_142 = tpu.memref_squeeze %dma_wait3A_141 : memref<1x1x25x80xi32, #tpu.memory_space<hbm>> -> memref<25x80xi32, #tpu.memory_space<hbm>>
      tpu.wait_dma2 semaphore(%run_scoped3A_126 : memref<!tpu.dma_semaphore, #tpu.memory_space<semaphore_mem>>) src(%dma_wait3A_142 : memref<25x80xi32, #tpu.memory_space<hbm>>) dst(%arg7 : memref<25x80xi32, #tpu.memory_space<vmem>>)
      tpu.yield
    }) : () -> ()
    %run_scoped3A_48 = arith.constant 2 : i32
    "tpu.region"() ({
      %run_scoped3A_126 = tpu.sem_alloc : memref<!tpu.dma_semaphore, #tpu.memory_space<semaphore_mem>>
      %dma_start3A_127 = arith.constant 0 : i32
      %dma_start3A_128 = arith.constant 0 : i32
      %dma_start3A_129 = tpu.memref_slice %arg4[%add3A, %run_scoped3A_48, %dma_start3A_127, %dma_start3A_128] : memref<32x5x25x80xi32, #tpu.memory_space<hbm>> -> memref<1x1x25x80xi32, #tpu.memory_space<hbm>>
      %dma_start3A_130 = tpu.memref_squeeze %dma_start3A_129 : memref<1x1x25x80xi32, #tpu.memory_space<hbm>> -> memref<25x80xi32, #tpu.memory_space<hbm>>
      %dma_start3A_131 = arith.constant 0 : i32
      %dma_start3A_132 = arith.constant 0 : i32
      %dma_start3A_133 = tpu.memref_slice %arg4[%add3A, %run_scoped3A_48, %dma_start3A_131, %dma_start3A_132] : memref<32x5x25x80xi32, #tpu.memory_space<hbm>> -> memref<1x1x25x80xi32, #tpu.memory_space<hbm>>
      %dma_start3A_134 = tpu.memref_squeeze %dma_start3A_133 : memref<1x1x25x80xi32, #tpu.memory_space<hbm>> -> memref<25x80xi32, #tpu.memory_space<hbm>>
      tpu.enqueue_dma source(%dma_start3A_134 : memref<25x80xi32, #tpu.memory_space<hbm>>) target(%arg8 : memref<25x80xi32, #tpu.memory_space<vmem>>) target_semaphore(%run_scoped3A_126 : memref<!tpu.dma_semaphore, #tpu.memory_space<semaphore_mem>>)
      %dma_wait3A_135 = arith.constant 0 : i32
      %dma_wait3A_136 = arith.constant 0 : i32
      %dma_wait3A_137 = tpu.memref_slice %arg4[%add3A, %run_scoped3A_48, %dma_wait3A_135, %dma_wait3A_136] : memref<32x5x25x80xi32, #tpu.memory_space<hbm>> -> memref<1x1x25x80xi32, #tpu.memory_space<hbm>>
      %dma_wait3A_138 = tpu.memref_squeeze %dma_wait3A_137 : memref<1x1x25x80xi32, #tpu.memory_space<hbm>> -> memref<25x80xi32, #tpu.memory_space<hbm>>
      %dma_wait3A_139 = arith.constant 0 : i32
      %dma_wait3A_140 = arith.constant 0 : i32
      %dma_wait3A_141 = tpu.memref_slice %arg4[%add3A, %run_scoped3A_48, %dma_wait3A_139, %dma_wait3A_140] : memref<32x5x25x80xi32, #tpu.memory_space<hbm>> -> memref<1x1x25x80xi32, #tpu.memory_space<hbm>>
      %dma_wait3A_142 = tpu.memref_squeeze %dma_wait3A_141 : memref<1x1x25x80xi32, #tpu.memory_space<hbm>> -> memref<25x80xi32, #tpu.memory_space<hbm>>
      tpu.wait_dma2 semaphore(%run_scoped3A_126 : memref<!tpu.dma_semaphore, #tpu.memory_space<semaphore_mem>>) src(%dma_wait3A_142 : memref<25x80xi32, #tpu.memory_space<hbm>>) dst(%arg8 : memref<25x80xi32, #tpu.memory_space<vmem>>)
      tpu.yield
    }) : () -> ()
    %dma_start3A_49 = arith.constant 0 : i32
    %dma_start3A_50 = arith.constant 0 : i32
    %dma_start3A_51 = tpu.memref_slice %arg7[%dma_start3A_49, %dma_start3A_50] : memref<25x80xi32, #tpu.memory_space<vmem>> -> memref<1x80xi32, #tpu.memory_space<vmem>>
    %dma_start3A_52 = tpu.memref_squeeze %dma_start3A_51 : memref<1x80xi32, #tpu.memory_space<vmem>> -> memref<80xi32, #tpu.memory_space<vmem>>
    %dma_start3A_53 = arith.constant 0 : i32
    %dma_start3A_54 = arith.constant 0 : i32
    %dma_start3A_55 = tpu.memref_slice %arg2[%dma_start3A_53, %dma_start3A_54] : memref<10000x128xf32, #tpu.memory_space<hbm>> -> memref<10000x128xf32, #tpu.memory_space<hbm>>
    tpu.enqueue_indirect_dma source(%dma_start3A_55 : memref<10000x128xf32, #tpu.memory_space<hbm>>) target(%arg9 : memref<80x128xf32, #tpu.memory_space<vmem>>) offsets(%dma_start3A_52 : memref<80xi32, #tpu.memory_space<vmem>>) semaphore(%arg12 : memref<!tpu.dma_semaphore, #tpu.memory_space<semaphore_mem>>)
    %scan3A_56 = arith.constant 0 : i32
    %scan3A_57 = arith.constant 0 : i32
    %scan3A_58 = arith.constant 12 : i32
    %scan3A_59 = arith.addi %scan3A_57, %scan3A_58 : i32
    %scan3A_60 = arith.constant 1 : i32
    scf.for %scan3A_126 = %scan3A_57 to %scan3A_59 step %scan3A_60  : i32 {
      %mul3A_127 = arith.constant 2 : i32
      %mul3A_128 = arith.muli %mul3A_127, %scan3A_126 : i32
      %add3A_129 = arith.constant 1 : i32
      %add3A_130 = arith.addi %mul3A_128, %add3A_129 : i32
      %dma_start3A_131 = arith.constant 0 : i32
      %dma_start3A_132 = tpu.memref_slice %arg7[%add3A_130, %dma_start3A_131] : memref<25x80xi32, #tpu.memory_space<vmem>> -> memref<1x80xi32, #tpu.memory_space<vmem>>
      %dma_start3A_133 = tpu.memref_squeeze %dma_start3A_132 : memref<1x80xi32, #tpu.memory_space<vmem>> -> memref<80xi32, #tpu.memory_space<vmem>>
      %dma_start3A_134 = arith.constant 0 : i32
      %dma_start3A_135 = arith.constant 0 : i32
      %dma_start3A_136 = tpu.memref_slice %arg2[%dma_start3A_134, %dma_start3A_135] : memref<10000x128xf32, #tpu.memory_space<hbm>> -> memref<10000x128xf32, #tpu.memory_space<hbm>>
      tpu.enqueue_indirect_dma source(%dma_start3A_136 : memref<10000x128xf32, #tpu.memory_space<hbm>>) target(%arg10 : memref<80x128xf32, #tpu.memory_space<vmem>>) offsets(%dma_start3A_133 : memref<80xi32, #tpu.memory_space<vmem>>) semaphore(%arg13 : memref<!tpu.dma_semaphore, #tpu.memory_space<semaphore_mem>>)
      %dma_wait3A_137 = arith.constant 0 : i32
      %dma_wait3A_138 = tpu.memref_slice %arg7[%mul3A_128, %dma_wait3A_137] : memref<25x80xi32, #tpu.memory_space<vmem>> -> memref<1x80xi32, #tpu.memory_space<vmem>>
      %dma_wait3A_139 = tpu.memref_squeeze %dma_wait3A_138 : memref<1x80xi32, #tpu.memory_space<vmem>> -> memref<80xi32, #tpu.memory_space<vmem>>
      %dma_wait3A_140 = arith.constant 0 : i32
      %dma_wait3A_141 = arith.constant 0 : i32
      %dma_wait3A_142 = tpu.memref_slice %arg2[%dma_wait3A_140, %dma_wait3A_141] : memref<10000x128xf32, #tpu.memory_space<hbm>> -> memref<10000x128xf32, #tpu.memory_space<hbm>>
      tpu.wait_indirect_dma semaphore(%arg12 : memref<!tpu.dma_semaphore, #tpu.memory_space<semaphore_mem>>) src(%dma_wait3A_142 : memref<10000x128xf32, #tpu.memory_space<hbm>>) dst(%arg9 : memref<80x128xf32, #tpu.memory_space<vmem>>)
      "tpu.region"() ({
        %run_scoped3A_161 = tpu.sem_alloc : memref<!tpu.dma_semaphore, #tpu.memory_space<semaphore_mem>>
        %dma_start3A_162 = arith.constant 0 : i32
        %dma_start3A_163 = tpu.memref_slice %arg8[%mul3A_128, %dma_start3A_162] : memref<25x80xi32, #tpu.memory_space<vmem>> -> memref<1x80xi32, #tpu.memory_space<vmem>>
        %dma_start3A_164 = tpu.memref_squeeze %dma_start3A_163 : memref<1x80xi32, #tpu.memory_space<vmem>> -> memref<80xi32, #tpu.memory_space<vmem>>
        %dma_start3A_165 = arith.constant 0 : i32
        %dma_start3A_166 = arith.constant 0 : i32
        %dma_start3A_167 = tpu.memref_slice %arg11[%dma_start3A_165, %dma_start3A_166] : memref<10000x128xf32, #tpu.memory_space<vmem_shared>> -> memref<10000x128xf32, #tpu.memory_space<vmem_shared>>
        tpu.enqueue_indirect_dma source(%arg9 : memref<80x128xf32, #tpu.memory_space<vmem>>) target(%dma_start3A_167 : memref<10000x128xf32, #tpu.memory_space<vmem_shared>>) offsets(%dma_start3A_164 : memref<80xi32, #tpu.memory_space<vmem>>) semaphore(%run_scoped3A_161 : memref<!tpu.dma_semaphore, #tpu.memory_space<semaphore_mem>>) {add = true}
        %dma_wait3A_168 = arith.constant 0 : i32
        %dma_wait3A_169 = tpu.memref_slice %arg8[%mul3A_128, %dma_wait3A_168] : memref<25x80xi32, #tpu.memory_space<vmem>> -> memref<1x80xi32, #tpu.memory_space<vmem>>
        %dma_wait3A_170 = tpu.memref_squeeze %dma_wait3A_169 : memref<1x80xi32, #tpu.memory_space<vmem>> -> memref<80xi32, #tpu.memory_space<vmem>>
        %dma_wait3A_171 = arith.constant 0 : i32
        %dma_wait3A_172 = arith.constant 0 : i32
        %dma_wait3A_173 = tpu.memref_slice %arg11[%dma_wait3A_171, %dma_wait3A_172] : memref<10000x128xf32, #tpu.memory_space<vmem_shared>> -> memref<10000x128xf32, #tpu.memory_space<vmem_shared>>
        tpu.wait_indirect_dma semaphore(%run_scoped3A_161 : memref<!tpu.dma_semaphore, #tpu.memory_space<semaphore_mem>>) src(%arg9 : memref<80x128xf32, #tpu.memory_space<vmem>>) dst(%dma_wait3A_173 : memref<10000x128xf32, #tpu.memory_space<vmem_shared>>)
        tpu.yield
      }) : () -> ()
      %add3A_143 = arith.constant 2 : i32
      %add3A_144 = arith.addi %mul3A_128, %add3A_143 : i32
      %dma_start3A_145 = arith.constant 0 : i32
      %dma_start3A_146 = tpu.memref_slice %arg7[%add3A_144, %dma_start3A_145] : memref<25x80xi32, #tpu.memory_space<vmem>> -> memref<1x80xi32, #tpu.memory_space<vmem>>
      %dma_start3A_147 = tpu.memref_squeeze %dma_start3A_146 : memref<1x80xi32, #tpu.memory_space<vmem>> -> memref<80xi32, #tpu.memory_space<vmem>>
      %dma_start3A_148 = arith.constant 0 : i32
      %dma_start3A_149 = arith.constant 0 : i32
      %dma_start3A_150 = tpu.memref_slice %arg2[%dma_start3A_148, %dma_start3A_149] : memref<10000x128xf32, #tpu.memory_space<hbm>> -> memref<10000x128xf32, #tpu.memory_space<hbm>>
      tpu.enqueue_indirect_dma source(%dma_start3A_150 : memref<10000x128xf32, #tpu.memory_space<hbm>>) target(%arg9 : memref<80x128xf32, #tpu.memory_space<vmem>>) offsets(%dma_start3A_147 : memref<80xi32, #tpu.memory_space<vmem>>) semaphore(%arg12 : memref<!tpu.dma_semaphore, #tpu.memory_space<semaphore_mem>>)
      %add3A_151 = arith.constant 1 : i32
      %add3A_152 = arith.addi %mul3A_128, %add3A_151 : i32
      %dma_wait3A_153 = arith.constant 0 : i32
      %dma_wait3A_154 = tpu.memref_slice %arg7[%add3A_152, %dma_wait3A_153] : memref<25x80xi32, #tpu.memory_space<vmem>> -> memref<1x80xi32, #tpu.memory_space<vmem>>
      %dma_wait3A_155 = tpu.memref_squeeze %dma_wait3A_154 : memref<1x80xi32, #tpu.memory_space<vmem>> -> memref<80xi32, #tpu.memory_space<vmem>>
      %dma_wait3A_156 = arith.constant 0 : i32
      %dma_wait3A_157 = arith.constant 0 : i32
      %dma_wait3A_158 = tpu.memref_slice %arg2[%dma_wait3A_156, %dma_wait3A_157] : memref<10000x128xf32, #tpu.memory_space<hbm>> -> memref<10000x128xf32, #tpu.memory_space<hbm>>
      tpu.wait_indirect_dma semaphore(%arg13 : memref<!tpu.dma_semaphore, #tpu.memory_space<semaphore_mem>>) src(%dma_wait3A_158 : memref<10000x128xf32, #tpu.memory_space<hbm>>) dst(%arg10 : memref<80x128xf32, #tpu.memory_space<vmem>>)
      %add3A_159 = arith.constant 1 : i32
      %add3A_160 = arith.addi %mul3A_128, %add3A_159 : i32
      "tpu.region"() ({
        %run_scoped3A_161 = tpu.sem_alloc : memref<!tpu.dma_semaphore, #tpu.memory_space<semaphore_mem>>
        %dma_start3A_162 = arith.constant 0 : i32
        %dma_start3A_163 = tpu.memref_slice %arg8[%add3A_160, %dma_start3A_162] : memref<25x80xi32, #tpu.memory_space<vmem>> -> memref<1x80xi32, #tpu.memory_space<vmem>>
        %dma_start3A_164 = tpu.memref_squeeze %dma_start3A_163 : memref<1x80xi32, #tpu.memory_space<vmem>> -> memref<80xi32, #tpu.memory_space<vmem>>
        %dma_start3A_165 = arith.constant 0 : i32
        %dma_start3A_166 = arith.constant 0 : i32
        %dma_start3A_167 = tpu.memref_slice %arg11[%dma_start3A_165, %dma_start3A_166] : memref<10000x128xf32, #tpu.memory_space<vmem_shared>> -> memref<10000x128xf32, #tpu.memory_space<vmem_shared>>
        tpu.enqueue_indirect_dma source(%arg10 : memref<80x128xf32, #tpu.memory_space<vmem>>) target(%dma_start3A_167 : memref<10000x128xf32, #tpu.memory_space<vmem_shared>>) offsets(%dma_start3A_164 : memref<80xi32, #tpu.memory_space<vmem>>) semaphore(%run_scoped3A_161 : memref<!tpu.dma_semaphore, #tpu.memory_space<semaphore_mem>>) {add = true}
        %dma_wait3A_168 = arith.constant 0 : i32
        %dma_wait3A_169 = tpu.memref_slice %arg8[%add3A_160, %dma_wait3A_168] : memref<25x80xi32, #tpu.memory_space<vmem>> -> memref<1x80xi32, #tpu.memory_space<vmem>>
        %dma_wait3A_170 = tpu.memref_squeeze %dma_wait3A_169 : memref<1x80xi32, #tpu.memory_space<vmem>> -> memref<80xi32, #tpu.memory_space<vmem>>
        %dma_wait3A_171 = arith.constant 0 : i32
        %dma_wait3A_172 = arith.constant 0 : i32
        %dma_wait3A_173 = tpu.memref_slice %arg11[%dma_wait3A_171, %dma_wait3A_172] : memref<10000x128xf32, #tpu.memory_space<vmem_shared>> -> memref<10000x128xf32, #tpu.memory_space<vmem_shared>>
        tpu.wait_indirect_dma semaphore(%run_scoped3A_161 : memref<!tpu.dma_semaphore, #tpu.memory_space<semaphore_mem>>) src(%arg10 : memref<80x128xf32, #tpu.memory_space<vmem>>) dst(%dma_wait3A_173 : memref<10000x128xf32, #tpu.memory_space<vmem_shared>>)
        tpu.yield
      }) : () -> ()
    }
    %scan3A_61 = arith.constant 12 : i32
    %dma_wait3A_62 = arith.constant 24 : i32
    %dma_wait3A_63 = arith.constant 0 : i32
    %dma_wait3A_64 = tpu.memref_slice %arg7[%dma_wait3A_62, %dma_wait3A_63] : memref<25x80xi32, #tpu.memory_space<vmem>> -> memref<1x80xi32, #tpu.memory_space<vmem>>
    %dma_wait3A_65 = tpu.memref_squeeze %dma_wait3A_64 : memref<1x80xi32, #tpu.memory_space<vmem>> -> memref<80xi32, #tpu.memory_space<vmem>>
    %dma_wait3A_66 = arith.constant 0 : i32
    %dma_wait3A_67 = arith.constant 0 : i32
    %dma_wait3A_68 = tpu.memref_slice %arg2[%dma_wait3A_66, %dma_wait3A_67] : memref<10000x128xf32, #tpu.memory_space<hbm>> -> memref<10000x128xf32, #tpu.memory_space<hbm>>
    tpu.wait_indirect_dma semaphore(%arg12 : memref<!tpu.dma_semaphore, #tpu.memory_space<semaphore_mem>>) src(%dma_wait3A_68 : memref<10000x128xf32, #tpu.memory_space<hbm>>) dst(%arg9 : memref<80x128xf32, #tpu.memory_space<vmem>>)
    %run_scoped3A_69 = arith.constant 24 : i32
    "tpu.region"() ({
      %run_scoped3A_126 = tpu.sem_alloc : memref<!tpu.dma_semaphore, #tpu.memory_space<semaphore_mem>>
      %dma_start3A_127 = arith.constant 0 : i32
      %dma_start3A_128 = tpu.memref_slice %arg8[%run_scoped3A_69, %dma_start3A_127] : memref<25x80xi32, #tpu.memory_space<vmem>> -> memref<1x80xi32, #tpu.memory_space<vmem>>
      %dma_start3A_129 = tpu.memref_squeeze %dma_start3A_128 : memref<1x80xi32, #tpu.memory_space<vmem>> -> memref<80xi32, #tpu.memory_space<vmem>>
      %dma_start3A_130 = arith.constant 0 : i32
      %dma_start3A_131 = arith.constant 0 : i32
      %dma_start3A_132 = tpu.memref_slice %arg11[%dma_start3A_130, %dma_start3A_131] : memref<10000x128xf32, #tpu.memory_space<vmem_shared>> -> memref<10000x128xf32, #tpu.memory_space<vmem_shared>>
      tpu.enqueue_indirect_dma source(%arg9 : memref<80x128xf32, #tpu.memory_space<vmem>>) target(%dma_start3A_132 : memref<10000x128xf32, #tpu.memory_space<vmem_shared>>) offsets(%dma_start3A_129 : memref<80xi32, #tpu.memory_space<vmem>>) semaphore(%run_scoped3A_126 : memref<!tpu.dma_semaphore, #tpu.memory_space<semaphore_mem>>) {add = true}
      %dma_wait3A_133 = arith.constant 0 : i32
      %dma_wait3A_134 = tpu.memref_slice %arg8[%run_scoped3A_69, %dma_wait3A_133] : memref<25x80xi32, #tpu.memory_space<vmem>> -> memref<1x80xi32, #tpu.memory_space<vmem>>
      %dma_wait3A_135 = tpu.memref_squeeze %dma_wait3A_134 : memref<1x80xi32, #tpu.memory_space<vmem>> -> memref<80xi32, #tpu.memory_space<vmem>>
      %dma_wait3A_136 = arith.constant 0 : i32
      %dma_wait3A_137 = arith.constant 0 : i32
      %dma_wait3A_138 = tpu.memref_slice %arg11[%dma_wait3A_136, %dma_wait3A_137] : memref<10000x128xf32, #tpu.memory_space<vmem_shared>> -> memref<10000x128xf32, #tpu.memory_space<vmem_shared>>
      tpu.wait_indirect_dma semaphore(%run_scoped3A_126 : memref<!tpu.dma_semaphore, #tpu.memory_space<semaphore_mem>>) src(%arg9 : memref<80x128xf32, #tpu.memory_space<vmem>>) dst(%dma_wait3A_138 : memref<10000x128xf32, #tpu.memory_space<vmem_shared>>)
      tpu.yield
    }) : () -> ()
    %run_scoped3A_70 = arith.constant 3 : i32
    "tpu.region"() ({
      %run_scoped3A_126 = tpu.sem_alloc : memref<!tpu.dma_semaphore, #tpu.memory_space<semaphore_mem>>
      %dma_start3A_127 = arith.constant 0 : i32
      %dma_start3A_128 = arith.constant 0 : i32
      %dma_start3A_129 = tpu.memref_slice %arg3[%add3A, %run_scoped3A_70, %dma_start3A_127, %dma_start3A_128] : memref<32x5x25x80xi32, #tpu.memory_space<hbm>> -> memref<1x1x25x80xi32, #tpu.memory_space<hbm>>
      %dma_start3A_130 = tpu.memref_squeeze %dma_start3A_129 : memref<1x1x25x80xi32, #tpu.memory_space<hbm>> -> memref<25x80xi32, #tpu.memory_space<hbm>>
      %dma_start3A_131 = arith.constant 0 : i32
      %dma_start3A_132 = arith.constant 0 : i32
      %dma_start3A_133 = tpu.memref_slice %arg3[%add3A, %run_scoped3A_70, %dma_start3A_131, %dma_start3A_132] : memref<32x5x25x80xi32, #tpu.memory_space<hbm>> -> memref<1x1x25x80xi32, #tpu.memory_space<hbm>>
      %dma_start3A_134 = tpu.memref_squeeze %dma_start3A_133 : memref<1x1x25x80xi32, #tpu.memory_space<hbm>> -> memref<25x80xi32, #tpu.memory_space<hbm>>
      tpu.enqueue_dma source(%dma_start3A_134 : memref<25x80xi32, #tpu.memory_space<hbm>>) target(%arg7 : memref<25x80xi32, #tpu.memory_space<vmem>>) target_semaphore(%run_scoped3A_126 : memref<!tpu.dma_semaphore, #tpu.memory_space<semaphore_mem>>)
      %dma_wait3A_135 = arith.constant 0 : i32
      %dma_wait3A_136 = arith.constant 0 : i32
      %dma_wait3A_137 = tpu.memref_slice %arg3[%add3A, %run_scoped3A_70, %dma_wait3A_135, %dma_wait3A_136] : memref<32x5x25x80xi32, #tpu.memory_space<hbm>> -> memref<1x1x25x80xi32, #tpu.memory_space<hbm>>
      %dma_wait3A_138 = tpu.memref_squeeze %dma_wait3A_137 : memref<1x1x25x80xi32, #tpu.memory_space<hbm>> -> memref<25x80xi32, #tpu.memory_space<hbm>>
      %dma_wait3A_139 = arith.constant 0 : i32
      %dma_wait3A_140 = arith.constant 0 : i32
      %dma_wait3A_141 = tpu.memref_slice %arg3[%add3A, %run_scoped3A_70, %dma_wait3A_139, %dma_wait3A_140] : memref<32x5x25x80xi32, #tpu.memory_space<hbm>> -> memref<1x1x25x80xi32, #tpu.memory_space<hbm>>
      %dma_wait3A_142 = tpu.memref_squeeze %dma_wait3A_141 : memref<1x1x25x80xi32, #tpu.memory_space<hbm>> -> memref<25x80xi32, #tpu.memory_space<hbm>>
      tpu.wait_dma2 semaphore(%run_scoped3A_126 : memref<!tpu.dma_semaphore, #tpu.memory_space<semaphore_mem>>) src(%dma_wait3A_142 : memref<25x80xi32, #tpu.memory_space<hbm>>) dst(%arg7 : memref<25x80xi32, #tpu.memory_space<vmem>>)
      tpu.yield
    }) : () -> ()
    %run_scoped3A_71 = arith.constant 3 : i32
    "tpu.region"() ({
      %run_scoped3A_126 = tpu.sem_alloc : memref<!tpu.dma_semaphore, #tpu.memory_space<semaphore_mem>>
      %dma_start3A_127 = arith.constant 0 : i32
      %dma_start3A_128 = arith.constant 0 : i32
      %dma_start3A_129 = tpu.memref_slice %arg4[%add3A, %run_scoped3A_71, %dma_start3A_127, %dma_start3A_128] : memref<32x5x25x80xi32, #tpu.memory_space<hbm>> -> memref<1x1x25x80xi32, #tpu.memory_space<hbm>>
      %dma_start3A_130 = tpu.memref_squeeze %dma_start3A_129 : memref<1x1x25x80xi32, #tpu.memory_space<hbm>> -> memref<25x80xi32, #tpu.memory_space<hbm>>
      %dma_start3A_131 = arith.constant 0 : i32
      %dma_start3A_132 = arith.constant 0 : i32
      %dma_start3A_133 = tpu.memref_slice %arg4[%add3A, %run_scoped3A_71, %dma_start3A_131, %dma_start3A_132] : memref<32x5x25x80xi32, #tpu.memory_space<hbm>> -> memref<1x1x25x80xi32, #tpu.memory_space<hbm>>
      %dma_start3A_134 = tpu.memref_squeeze %dma_start3A_133 : memref<1x1x25x80xi32, #tpu.memory_space<hbm>> -> memref<25x80xi32, #tpu.memory_space<hbm>>
      tpu.enqueue_dma source(%dma_start3A_134 : memref<25x80xi32, #tpu.memory_space<hbm>>) target(%arg8 : memref<25x80xi32, #tpu.memory_space<vmem>>) target_semaphore(%run_scoped3A_126 : memref<!tpu.dma_semaphore, #tpu.memory_space<semaphore_mem>>)
      %dma_wait3A_135 = arith.constant 0 : i32
      %dma_wait3A_136 = arith.constant 0 : i32
      %dma_wait3A_137 = tpu.memref_slice %arg4[%add3A, %run_scoped3A_71, %dma_wait3A_135, %dma_wait3A_136] : memref<32x5x25x80xi32, #tpu.memory_space<hbm>> -> memref<1x1x25x80xi32, #tpu.memory_space<hbm>>
      %dma_wait3A_138 = tpu.memref_squeeze %dma_wait3A_137 : memref<1x1x25x80xi32, #tpu.memory_space<hbm>> -> memref<25x80xi32, #tpu.memory_space<hbm>>
      %dma_wait3A_139 = arith.constant 0 : i32
      %dma_wait3A_140 = arith.constant 0 : i32
      %dma_wait3A_141 = tpu.memref_slice %arg4[%add3A, %run_scoped3A_71, %dma_wait3A_139, %dma_wait3A_140] : memref<32x5x25x80xi32, #tpu.memory_space<hbm>> -> memref<1x1x25x80xi32, #tpu.memory_space<hbm>>
      %dma_wait3A_142 = tpu.memref_squeeze %dma_wait3A_141 : memref<1x1x25x80xi32, #tpu.memory_space<hbm>> -> memref<25x80xi32, #tpu.memory_space<hbm>>
      tpu.wait_dma2 semaphore(%run_scoped3A_126 : memref<!tpu.dma_semaphore, #tpu.memory_space<semaphore_mem>>) src(%dma_wait3A_142 : memref<25x80xi32, #tpu.memory_space<hbm>>) dst(%arg8 : memref<25x80xi32, #tpu.memory_space<vmem>>)
      tpu.yield
    }) : () -> ()
    %dma_start3A_72 = arith.constant 0 : i32
    %dma_start3A_73 = arith.constant 0 : i32
    %dma_start3A_74 = tpu.memref_slice %arg7[%dma_start3A_72, %dma_start3A_73] : memref<25x80xi32, #tpu.memory_space<vmem>> -> memref<1x80xi32, #tpu.memory_space<vmem>>
    %dma_start3A_75 = tpu.memref_squeeze %dma_start3A_74 : memref<1x80xi32, #tpu.memory_space<vmem>> -> memref<80xi32, #tpu.memory_space<vmem>>
    %dma_start3A_76 = arith.constant 0 : i32
    %dma_start3A_77 = arith.constant 0 : i32
    %dma_start3A_78 = tpu.memref_slice %arg2[%dma_start3A_76, %dma_start3A_77] : memref<10000x128xf32, #tpu.memory_space<hbm>> -> memref<10000x128xf32, #tpu.memory_space<hbm>>
    tpu.enqueue_indirect_dma source(%dma_start3A_78 : memref<10000x128xf32, #tpu.memory_space<hbm>>) target(%arg9 : memref<80x128xf32, #tpu.memory_space<vmem>>) offsets(%dma_start3A_75 : memref<80xi32, #tpu.memory_space<vmem>>) semaphore(%arg12 : memref<!tpu.dma_semaphore, #tpu.memory_space<semaphore_mem>>)
    %scan3A_79 = arith.constant 0 : i32
    %scan3A_80 = arith.constant 0 : i32
    %scan3A_81 = arith.constant 12 : i32
    %scan3A_82 = arith.addi %scan3A_80, %scan3A_81 : i32
    %scan3A_83 = arith.constant 1 : i32
    scf.for %scan3A_126 = %scan3A_80 to %scan3A_82 step %scan3A_83  : i32 {
      %mul3A_127 = arith.constant 2 : i32
      %mul3A_128 = arith.muli %mul3A_127, %scan3A_126 : i32
      %add3A_129 = arith.constant 1 : i32
      %add3A_130 = arith.addi %mul3A_128, %add3A_129 : i32
      %dma_start3A_131 = arith.constant 0 : i32
      %dma_start3A_132 = tpu.memref_slice %arg7[%add3A_130, %dma_start3A_131] : memref<25x80xi32, #tpu.memory_space<vmem>> -> memref<1x80xi32, #tpu.memory_space<vmem>>
      %dma_start3A_133 = tpu.memref_squeeze %dma_start3A_132 : memref<1x80xi32, #tpu.memory_space<vmem>> -> memref<80xi32, #tpu.memory_space<vmem>>
      %dma_start3A_134 = arith.constant 0 : i32
      %dma_start3A_135 = arith.constant 0 : i32
      %dma_start3A_136 = tpu.memref_slice %arg2[%dma_start3A_134, %dma_start3A_135] : memref<10000x128xf32, #tpu.memory_space<hbm>> -> memref<10000x128xf32, #tpu.memory_space<hbm>>
      tpu.enqueue_indirect_dma source(%dma_start3A_136 : memref<10000x128xf32, #tpu.memory_space<hbm>>) target(%arg10 : memref<80x128xf32, #tpu.memory_space<vmem>>) offsets(%dma_start3A_133 : memref<80xi32, #tpu.memory_space<vmem>>) semaphore(%arg13 : memref<!tpu.dma_semaphore, #tpu.memory_space<semaphore_mem>>)
      %dma_wait3A_137 = arith.constant 0 : i32
      %dma_wait3A_138 = tpu.memref_slice %arg7[%mul3A_128, %dma_wait3A_137] : memref<25x80xi32, #tpu.memory_space<vmem>> -> memref<1x80xi32, #tpu.memory_space<vmem>>
      %dma_wait3A_139 = tpu.memref_squeeze %dma_wait3A_138 : memref<1x80xi32, #tpu.memory_space<vmem>> -> memref<80xi32, #tpu.memory_space<vmem>>
      %dma_wait3A_140 = arith.constant 0 : i32
      %dma_wait3A_141 = arith.constant 0 : i32
      %dma_wait3A_142 = tpu.memref_slice %arg2[%dma_wait3A_140, %dma_wait3A_141] : memref<10000x128xf32, #tpu.memory_space<hbm>> -> memref<10000x128xf32, #tpu.memory_space<hbm>>
      tpu.wait_indirect_dma semaphore(%arg12 : memref<!tpu.dma_semaphore, #tpu.memory_space<semaphore_mem>>) src(%dma_wait3A_142 : memref<10000x128xf32, #tpu.memory_space<hbm>>) dst(%arg9 : memref<80x128xf32, #tpu.memory_space<vmem>>)
      "tpu.region"() ({
        %run_scoped3A_161 = tpu.sem_alloc : memref<!tpu.dma_semaphore, #tpu.memory_space<semaphore_mem>>
        %dma_start3A_162 = arith.constant 0 : i32
        %dma_start3A_163 = tpu.memref_slice %arg8[%mul3A_128, %dma_start3A_162] : memref<25x80xi32, #tpu.memory_space<vmem>> -> memref<1x80xi32, #tpu.memory_space<vmem>>
        %dma_start3A_164 = tpu.memref_squeeze %dma_start3A_163 : memref<1x80xi32, #tpu.memory_space<vmem>> -> memref<80xi32, #tpu.memory_space<vmem>>
        %dma_start3A_165 = arith.constant 0 : i32
        %dma_start3A_166 = arith.constant 0 : i32
        %dma_start3A_167 = tpu.memref_slice %arg11[%dma_start3A_165, %dma_start3A_166] : memref<10000x128xf32, #tpu.memory_space<vmem_shared>> -> memref<10000x128xf32, #tpu.memory_space<vmem_shared>>
        tpu.enqueue_indirect_dma source(%arg9 : memref<80x128xf32, #tpu.memory_space<vmem>>) target(%dma_start3A_167 : memref<10000x128xf32, #tpu.memory_space<vmem_shared>>) offsets(%dma_start3A_164 : memref<80xi32, #tpu.memory_space<vmem>>) semaphore(%run_scoped3A_161 : memref<!tpu.dma_semaphore, #tpu.memory_space<semaphore_mem>>) {add = true}
        %dma_wait3A_168 = arith.constant 0 : i32
        %dma_wait3A_169 = tpu.memref_slice %arg8[%mul3A_128, %dma_wait3A_168] : memref<25x80xi32, #tpu.memory_space<vmem>> -> memref<1x80xi32, #tpu.memory_space<vmem>>
        %dma_wait3A_170 = tpu.memref_squeeze %dma_wait3A_169 : memref<1x80xi32, #tpu.memory_space<vmem>> -> memref<80xi32, #tpu.memory_space<vmem>>
        %dma_wait3A_171 = arith.constant 0 : i32
        %dma_wait3A_172 = arith.constant 0 : i32
        %dma_wait3A_173 = tpu.memref_slice %arg11[%dma_wait3A_171, %dma_wait3A_172] : memref<10000x128xf32, #tpu.memory_space<vmem_shared>> -> memref<10000x128xf32, #tpu.memory_space<vmem_shared>>
        tpu.wait_indirect_dma semaphore(%run_scoped3A_161 : memref<!tpu.dma_semaphore, #tpu.memory_space<semaphore_mem>>) src(%arg9 : memref<80x128xf32, #tpu.memory_space<vmem>>) dst(%dma_wait3A_173 : memref<10000x128xf32, #tpu.memory_space<vmem_shared>>)
        tpu.yield
      }) : () -> ()
      %add3A_143 = arith.constant 2 : i32
      %add3A_144 = arith.addi %mul3A_128, %add3A_143 : i32
      %dma_start3A_145 = arith.constant 0 : i32
      %dma_start3A_146 = tpu.memref_slice %arg7[%add3A_144, %dma_start3A_145] : memref<25x80xi32, #tpu.memory_space<vmem>> -> memref<1x80xi32, #tpu.memory_space<vmem>>
      %dma_start3A_147 = tpu.memref_squeeze %dma_start3A_146 : memref<1x80xi32, #tpu.memory_space<vmem>> -> memref<80xi32, #tpu.memory_space<vmem>>
      %dma_start3A_148 = arith.constant 0 : i32
      %dma_start3A_149 = arith.constant 0 : i32
      %dma_start3A_150 = tpu.memref_slice %arg2[%dma_start3A_148, %dma_start3A_149] : memref<10000x128xf32, #tpu.memory_space<hbm>> -> memref<10000x128xf32, #tpu.memory_space<hbm>>
      tpu.enqueue_indirect_dma source(%dma_start3A_150 : memref<10000x128xf32, #tpu.memory_space<hbm>>) target(%arg9 : memref<80x128xf32, #tpu.memory_space<vmem>>) offsets(%dma_start3A_147 : memref<80xi32, #tpu.memory_space<vmem>>) semaphore(%arg12 : memref<!tpu.dma_semaphore, #tpu.memory_space<semaphore_mem>>)
      %add3A_151 = arith.constant 1 : i32
      %add3A_152 = arith.addi %mul3A_128, %add3A_151 : i32
      %dma_wait3A_153 = arith.constant 0 : i32
      %dma_wait3A_154 = tpu.memref_slice %arg7[%add3A_152, %dma_wait3A_153] : memref<25x80xi32, #tpu.memory_space<vmem>> -> memref<1x80xi32, #tpu.memory_space<vmem>>
      %dma_wait3A_155 = tpu.memref_squeeze %dma_wait3A_154 : memref<1x80xi32, #tpu.memory_space<vmem>> -> memref<80xi32, #tpu.memory_space<vmem>>
      %dma_wait3A_156 = arith.constant 0 : i32
      %dma_wait3A_157 = arith.constant 0 : i32
      %dma_wait3A_158 = tpu.memref_slice %arg2[%dma_wait3A_156, %dma_wait3A_157] : memref<10000x128xf32, #tpu.memory_space<hbm>> -> memref<10000x128xf32, #tpu.memory_space<hbm>>
      tpu.wait_indirect_dma semaphore(%arg13 : memref<!tpu.dma_semaphore, #tpu.memory_space<semaphore_mem>>) src(%dma_wait3A_158 : memref<10000x128xf32, #tpu.memory_space<hbm>>) dst(%arg10 : memref<80x128xf32, #tpu.memory_space<vmem>>)
      %add3A_159 = arith.constant 1 : i32
      %add3A_160 = arith.addi %mul3A_128, %add3A_159 : i32
      "tpu.region"() ({
        %run_scoped3A_161 = tpu.sem_alloc : memref<!tpu.dma_semaphore, #tpu.memory_space<semaphore_mem>>
        %dma_start3A_162 = arith.constant 0 : i32
        %dma_start3A_163 = tpu.memref_slice %arg8[%add3A_160, %dma_start3A_162] : memref<25x80xi32, #tpu.memory_space<vmem>> -> memref<1x80xi32, #tpu.memory_space<vmem>>
        %dma_start3A_164 = tpu.memref_squeeze %dma_start3A_163 : memref<1x80xi32, #tpu.memory_space<vmem>> -> memref<80xi32, #tpu.memory_space<vmem>>
        %dma_start3A_165 = arith.constant 0 : i32
        %dma_start3A_166 = arith.constant 0 : i32
        %dma_start3A_167 = tpu.memref_slice %arg11[%dma_start3A_165, %dma_start3A_166] : memref<10000x128xf32, #tpu.memory_space<vmem_shared>> -> memref<10000x128xf32, #tpu.memory_space<vmem_shared>>
        tpu.enqueue_indirect_dma source(%arg10 : memref<80x128xf32, #tpu.memory_space<vmem>>) target(%dma_start3A_167 : memref<10000x128xf32, #tpu.memory_space<vmem_shared>>) offsets(%dma_start3A_164 : memref<80xi32, #tpu.memory_space<vmem>>) semaphore(%run_scoped3A_161 : memref<!tpu.dma_semaphore, #tpu.memory_space<semaphore_mem>>) {add = true}
        %dma_wait3A_168 = arith.constant 0 : i32
        %dma_wait3A_169 = tpu.memref_slice %arg8[%add3A_160, %dma_wait3A_168] : memref<25x80xi32, #tpu.memory_space<vmem>> -> memref<1x80xi32, #tpu.memory_space<vmem>>
        %dma_wait3A_170 = tpu.memref_squeeze %dma_wait3A_169 : memref<1x80xi32, #tpu.memory_space<vmem>> -> memref<80xi32, #tpu.memory_space<vmem>>
        %dma_wait3A_171 = arith.constant 0 : i32
        %dma_wait3A_172 = arith.constant 0 : i32
        %dma_wait3A_173 = tpu.memref_slice %arg11[%dma_wait3A_171, %dma_wait3A_172] : memref<10000x128xf32, #tpu.memory_space<vmem_shared>> -> memref<10000x128xf32, #tpu.memory_space<vmem_shared>>
        tpu.wait_indirect_dma semaphore(%run_scoped3A_161 : memref<!tpu.dma_semaphore, #tpu.memory_space<semaphore_mem>>) src(%arg10 : memref<80x128xf32, #tpu.memory_space<vmem>>) dst(%dma_wait3A_173 : memref<10000x128xf32, #tpu.memory_space<vmem_shared>>)
        tpu.yield
      }) : () -> ()
    }
    %scan3A_84 = arith.constant 12 : i32
    %dma_wait3A_85 = arith.constant 24 : i32
    %dma_wait3A_86 = arith.constant 0 : i32
    %dma_wait3A_87 = tpu.memref_slice %arg7[%dma_wait3A_85, %dma_wait3A_86] : memref<25x80xi32, #tpu.memory_space<vmem>> -> memref<1x80xi32, #tpu.memory_space<vmem>>
    %dma_wait3A_88 = tpu.memref_squeeze %dma_wait3A_87 : memref<1x80xi32, #tpu.memory_space<vmem>> -> memref<80xi32, #tpu.memory_space<vmem>>
    %dma_wait3A_89 = arith.constant 0 : i32
    %dma_wait3A_90 = arith.constant 0 : i32
    %dma_wait3A_91 = tpu.memref_slice %arg2[%dma_wait3A_89, %dma_wait3A_90] : memref<10000x128xf32, #tpu.memory_space<hbm>> -> memref<10000x128xf32, #tpu.memory_space<hbm>>
    tpu.wait_indirect_dma semaphore(%arg12 : memref<!tpu.dma_semaphore, #tpu.memory_space<semaphore_mem>>) src(%dma_wait3A_91 : memref<10000x128xf32, #tpu.memory_space<hbm>>) dst(%arg9 : memref<80x128xf32, #tpu.memory_space<vmem>>)
    %run_scoped3A_92 = arith.constant 24 : i32
    "tpu.region"() ({
      %run_scoped3A_126 = tpu.sem_alloc : memref<!tpu.dma_semaphore, #tpu.memory_space<semaphore_mem>>
      %dma_start3A_127 = arith.constant 0 : i32
      %dma_start3A_128 = tpu.memref_slice %arg8[%run_scoped3A_92, %dma_start3A_127] : memref<25x80xi32, #tpu.memory_space<vmem>> -> memref<1x80xi32, #tpu.memory_space<vmem>>
      %dma_start3A_129 = tpu.memref_squeeze %dma_start3A_128 : memref<1x80xi32, #tpu.memory_space<vmem>> -> memref<80xi32, #tpu.memory_space<vmem>>
      %dma_start3A_130 = arith.constant 0 : i32
      %dma_start3A_131 = arith.constant 0 : i32
      %dma_start3A_132 = tpu.memref_slice %arg11[%dma_start3A_130, %dma_start3A_131] : memref<10000x128xf32, #tpu.memory_space<vmem_shared>> -> memref<10000x128xf32, #tpu.memory_space<vmem_shared>>
      tpu.enqueue_indirect_dma source(%arg9 : memref<80x128xf32, #tpu.memory_space<vmem>>) target(%dma_start3A_132 : memref<10000x128xf32, #tpu.memory_space<vmem_shared>>) offsets(%dma_start3A_129 : memref<80xi32, #tpu.memory_space<vmem>>) semaphore(%run_scoped3A_126 : memref<!tpu.dma_semaphore, #tpu.memory_space<semaphore_mem>>) {add = true}
      %dma_wait3A_133 = arith.constant 0 : i32
      %dma_wait3A_134 = tpu.memref_slice %arg8[%run_scoped3A_92, %dma_wait3A_133] : memref<25x80xi32, #tpu.memory_space<vmem>> -> memref<1x80xi32, #tpu.memory_space<vmem>>
      %dma_wait3A_135 = tpu.memref_squeeze %dma_wait3A_134 : memref<1x80xi32, #tpu.memory_space<vmem>> -> memref<80xi32, #tpu.memory_space<vmem>>
      %dma_wait3A_136 = arith.constant 0 : i32
      %dma_wait3A_137 = arith.constant 0 : i32
      %dma_wait3A_138 = tpu.memref_slice %arg11[%dma_wait3A_136, %dma_wait3A_137] : memref<10000x128xf32, #tpu.memory_space<vmem_shared>> -> memref<10000x128xf32, #tpu.memory_space<vmem_shared>>
      tpu.wait_indirect_dma semaphore(%run_scoped3A_126 : memref<!tpu.dma_semaphore, #tpu.memory_space<semaphore_mem>>) src(%arg9 : memref<80x128xf32, #tpu.memory_space<vmem>>) dst(%dma_wait3A_138 : memref<10000x128xf32, #tpu.memory_space<vmem_shared>>)
      tpu.yield
    }) : () -> ()
    %run_scoped3A_93 = arith.constant 4 : i32
    "tpu.region"() ({
      %run_scoped3A_126 = tpu.sem_alloc : memref<!tpu.dma_semaphore, #tpu.memory_space<semaphore_mem>>
      %dma_start3A_127 = arith.constant 0 : i32
      %dma_start3A_128 = arith.constant 0 : i32
      %dma_start3A_129 = tpu.memref_slice %arg3[%add3A, %run_scoped3A_93, %dma_start3A_127, %dma_start3A_128] : memref<32x5x25x80xi32, #tpu.memory_space<hbm>> -> memref<1x1x25x80xi32, #tpu.memory_space<hbm>>
      %dma_start3A_130 = tpu.memref_squeeze %dma_start3A_129 : memref<1x1x25x80xi32, #tpu.memory_space<hbm>> -> memref<25x80xi32, #tpu.memory_space<hbm>>
      %dma_start3A_131 = arith.constant 0 : i32
      %dma_start3A_132 = arith.constant 0 : i32
      %dma_start3A_133 = tpu.memref_slice %arg3[%add3A, %run_scoped3A_93, %dma_start3A_131, %dma_start3A_132] : memref<32x5x25x80xi32, #tpu.memory_space<hbm>> -> memref<1x1x25x80xi32, #tpu.memory_space<hbm>>
      %dma_start3A_134 = tpu.memref_squeeze %dma_start3A_133 : memref<1x1x25x80xi32, #tpu.memory_space<hbm>> -> memref<25x80xi32, #tpu.memory_space<hbm>>
      tpu.enqueue_dma source(%dma_start3A_134 : memref<25x80xi32, #tpu.memory_space<hbm>>) target(%arg7 : memref<25x80xi32, #tpu.memory_space<vmem>>) target_semaphore(%run_scoped3A_126 : memref<!tpu.dma_semaphore, #tpu.memory_space<semaphore_mem>>)
      %dma_wait3A_135 = arith.constant 0 : i32
      %dma_wait3A_136 = arith.constant 0 : i32
      %dma_wait3A_137 = tpu.memref_slice %arg3[%add3A, %run_scoped3A_93, %dma_wait3A_135, %dma_wait3A_136] : memref<32x5x25x80xi32, #tpu.memory_space<hbm>> -> memref<1x1x25x80xi32, #tpu.memory_space<hbm>>
      %dma_wait3A_138 = tpu.memref_squeeze %dma_wait3A_137 : memref<1x1x25x80xi32, #tpu.memory_space<hbm>> -> memref<25x80xi32, #tpu.memory_space<hbm>>
      %dma_wait3A_139 = arith.constant 0 : i32
      %dma_wait3A_140 = arith.constant 0 : i32
      %dma_wait3A_141 = tpu.memref_slice %arg3[%add3A, %run_scoped3A_93, %dma_wait3A_139, %dma_wait3A_140] : memref<32x5x25x80xi32, #tpu.memory_space<hbm>> -> memref<1x1x25x80xi32, #tpu.memory_space<hbm>>
      %dma_wait3A_142 = tpu.memref_squeeze %dma_wait3A_141 : memref<1x1x25x80xi32, #tpu.memory_space<hbm>> -> memref<25x80xi32, #tpu.memory_space<hbm>>
      tpu.wait_dma2 semaphore(%run_scoped3A_126 : memref<!tpu.dma_semaphore, #tpu.memory_space<semaphore_mem>>) src(%dma_wait3A_142 : memref<25x80xi32, #tpu.memory_space<hbm>>) dst(%arg7 : memref<25x80xi32, #tpu.memory_space<vmem>>)
      tpu.yield
    }) : () -> ()
    %run_scoped3A_94 = arith.constant 4 : i32
    "tpu.region"() ({
      %run_scoped3A_126 = tpu.sem_alloc : memref<!tpu.dma_semaphore, #tpu.memory_space<semaphore_mem>>
      %dma_start3A_127 = arith.constant 0 : i32
      %dma_start3A_128 = arith.constant 0 : i32
      %dma_start3A_129 = tpu.memref_slice %arg4[%add3A, %run_scoped3A_94, %dma_start3A_127, %dma_start3A_128] : memref<32x5x25x80xi32, #tpu.memory_space<hbm>> -> memref<1x1x25x80xi32, #tpu.memory_space<hbm>>
      %dma_start3A_130 = tpu.memref_squeeze %dma_start3A_129 : memref<1x1x25x80xi32, #tpu.memory_space<hbm>> -> memref<25x80xi32, #tpu.memory_space<hbm>>
      %dma_start3A_131 = arith.constant 0 : i32
      %dma_start3A_132 = arith.constant 0 : i32
      %dma_start3A_133 = tpu.memref_slice %arg4[%add3A, %run_scoped3A_94, %dma_start3A_131, %dma_start3A_132] : memref<32x5x25x80xi32, #tpu.memory_space<hbm>> -> memref<1x1x25x80xi32, #tpu.memory_space<hbm>>
      %dma_start3A_134 = tpu.memref_squeeze %dma_start3A_133 : memref<1x1x25x80xi32, #tpu.memory_space<hbm>> -> memref<25x80xi32, #tpu.memory_space<hbm>>
      tpu.enqueue_dma source(%dma_start3A_134 : memref<25x80xi32, #tpu.memory_space<hbm>>) target(%arg8 : memref<25x80xi32, #tpu.memory_space<vmem>>) target_semaphore(%run_scoped3A_126 : memref<!tpu.dma_semaphore, #tpu.memory_space<semaphore_mem>>)
      %dma_wait3A_135 = arith.constant 0 : i32
      %dma_wait3A_136 = arith.constant 0 : i32
      %dma_wait3A_137 = tpu.memref_slice %arg4[%add3A, %run_scoped3A_94, %dma_wait3A_135, %dma_wait3A_136] : memref<32x5x25x80xi32, #tpu.memory_space<hbm>> -> memref<1x1x25x80xi32, #tpu.memory_space<hbm>>
      %dma_wait3A_138 = tpu.memref_squeeze %dma_wait3A_137 : memref<1x1x25x80xi32, #tpu.memory_space<hbm>> -> memref<25x80xi32, #tpu.memory_space<hbm>>
      %dma_wait3A_139 = arith.constant 0 : i32
      %dma_wait3A_140 = arith.constant 0 : i32
      %dma_wait3A_141 = tpu.memref_slice %arg4[%add3A, %run_scoped3A_94, %dma_wait3A_139, %dma_wait3A_140] : memref<32x5x25x80xi32, #tpu.memory_space<hbm>> -> memref<1x1x25x80xi32, #tpu.memory_space<hbm>>
      %dma_wait3A_142 = tpu.memref_squeeze %dma_wait3A_141 : memref<1x1x25x80xi32, #tpu.memory_space<hbm>> -> memref<25x80xi32, #tpu.memory_space<hbm>>
      tpu.wait_dma2 semaphore(%run_scoped3A_126 : memref<!tpu.dma_semaphore, #tpu.memory_space<semaphore_mem>>) src(%dma_wait3A_142 : memref<25x80xi32, #tpu.memory_space<hbm>>) dst(%arg8 : memref<25x80xi32, #tpu.memory_space<vmem>>)
      tpu.yield
    }) : () -> ()
    %dma_start3A_95 = arith.constant 0 : i32
    %dma_start3A_96 = arith.constant 0 : i32
    %dma_start3A_97 = tpu.memref_slice %arg7[%dma_start3A_95, %dma_start3A_96] : memref<25x80xi32, #tpu.memory_space<vmem>> -> memref<1x80xi32, #tpu.memory_space<vmem>>
    %dma_start3A_98 = tpu.memref_squeeze %dma_start3A_97 : memref<1x80xi32, #tpu.memory_space<vmem>> -> memref<80xi32, #tpu.memory_space<vmem>>
    %dma_start3A_99 = arith.constant 0 : i32
    %dma_start3A_100 = arith.constant 0 : i32
    %dma_start3A_101 = tpu.memref_slice %arg2[%dma_start3A_99, %dma_start3A_100] : memref<10000x128xf32, #tpu.memory_space<hbm>> -> memref<10000x128xf32, #tpu.memory_space<hbm>>
    tpu.enqueue_indirect_dma source(%dma_start3A_101 : memref<10000x128xf32, #tpu.memory_space<hbm>>) target(%arg9 : memref<80x128xf32, #tpu.memory_space<vmem>>) offsets(%dma_start3A_98 : memref<80xi32, #tpu.memory_space<vmem>>) semaphore(%arg12 : memref<!tpu.dma_semaphore, #tpu.memory_space<semaphore_mem>>)
    %scan3A_102 = arith.constant 0 : i32
    %scan3A_103 = arith.constant 0 : i32
    %scan3A_104 = arith.constant 12 : i32
    %scan3A_105 = arith.addi %scan3A_103, %scan3A_104 : i32
    %scan3A_106 = arith.constant 1 : i32
    scf.for %scan3A_126 = %scan3A_103 to %scan3A_105 step %scan3A_106  : i32 {
      %mul3A_127 = arith.constant 2 : i32
      %mul3A_128 = arith.muli %mul3A_127, %scan3A_126 : i32
      %add3A_129 = arith.constant 1 : i32
      %add3A_130 = arith.addi %mul3A_128, %add3A_129 : i32
      %dma_start3A_131 = arith.constant 0 : i32
      %dma_start3A_132 = tpu.memref_slice %arg7[%add3A_130, %dma_start3A_131] : memref<25x80xi32, #tpu.memory_space<vmem>> -> memref<1x80xi32, #tpu.memory_space<vmem>>
      %dma_start3A_133 = tpu.memref_squeeze %dma_start3A_132 : memref<1x80xi32, #tpu.memory_space<vmem>> -> memref<80xi32, #tpu.memory_space<vmem>>
      %dma_start3A_134 = arith.constant 0 : i32
      %dma_start3A_135 = arith.constant 0 : i32
      %dma_start3A_136 = tpu.memref_slice %arg2[%dma_start3A_134, %dma_start3A_135] : memref<10000x128xf32, #tpu.memory_space<hbm>> -> memref<10000x128xf32, #tpu.memory_space<hbm>>
      tpu.enqueue_indirect_dma source(%dma_start3A_136 : memref<10000x128xf32, #tpu.memory_space<hbm>>) target(%arg10 : memref<80x128xf32, #tpu.memory_space<vmem>>) offsets(%dma_start3A_133 : memref<80xi32, #tpu.memory_space<vmem>>) semaphore(%arg13 : memref<!tpu.dma_semaphore, #tpu.memory_space<semaphore_mem>>)
      %dma_wait3A_137 = arith.constant 0 : i32
      %dma_wait3A_138 = tpu.memref_slice %arg7[%mul3A_128, %dma_wait3A_137] : memref<25x80xi32, #tpu.memory_space<vmem>> -> memref<1x80xi32, #tpu.memory_space<vmem>>
      %dma_wait3A_139 = tpu.memref_squeeze %dma_wait3A_138 : memref<1x80xi32, #tpu.memory_space<vmem>> -> memref<80xi32, #tpu.memory_space<vmem>>
      %dma_wait3A_140 = arith.constant 0 : i32
      %dma_wait3A_141 = arith.constant 0 : i32
      %dma_wait3A_142 = tpu.memref_slice %arg2[%dma_wait3A_140, %dma_wait3A_141] : memref<10000x128xf32, #tpu.memory_space<hbm>> -> memref<10000x128xf32, #tpu.memory_space<hbm>>
      tpu.wait_indirect_dma semaphore(%arg12 : memref<!tpu.dma_semaphore, #tpu.memory_space<semaphore_mem>>) src(%dma_wait3A_142 : memref<10000x128xf32, #tpu.memory_space<hbm>>) dst(%arg9 : memref<80x128xf32, #tpu.memory_space<vmem>>)
      "tpu.region"() ({
        %run_scoped3A_161 = tpu.sem_alloc : memref<!tpu.dma_semaphore, #tpu.memory_space<semaphore_mem>>
        %dma_start3A_162 = arith.constant 0 : i32
        %dma_start3A_163 = tpu.memref_slice %arg8[%mul3A_128, %dma_start3A_162] : memref<25x80xi32, #tpu.memory_space<vmem>> -> memref<1x80xi32, #tpu.memory_space<vmem>>
        %dma_start3A_164 = tpu.memref_squeeze %dma_start3A_163 : memref<1x80xi32, #tpu.memory_space<vmem>> -> memref<80xi32, #tpu.memory_space<vmem>>
        %dma_start3A_165 = arith.constant 0 : i32
        %dma_start3A_166 = arith.constant 0 : i32
        %dma_start3A_167 = tpu.memref_slice %arg11[%dma_start3A_165, %dma_start3A_166] : memref<10000x128xf32, #tpu.memory_space<vmem_shared>> -> memref<10000x128xf32, #tpu.memory_space<vmem_shared>>
        tpu.enqueue_indirect_dma source(%arg9 : memref<80x128xf32, #tpu.memory_space<vmem>>) target(%dma_start3A_167 : memref<10000x128xf32, #tpu.memory_space<vmem_shared>>) offsets(%dma_start3A_164 : memref<80xi32, #tpu.memory_space<vmem>>) semaphore(%run_scoped3A_161 : memref<!tpu.dma_semaphore, #tpu.memory_space<semaphore_mem>>) {add = true}
        %dma_wait3A_168 = arith.constant 0 : i32
        %dma_wait3A_169 = tpu.memref_slice %arg8[%mul3A_128, %dma_wait3A_168] : memref<25x80xi32, #tpu.memory_space<vmem>> -> memref<1x80xi32, #tpu.memory_space<vmem>>
        %dma_wait3A_170 = tpu.memref_squeeze %dma_wait3A_169 : memref<1x80xi32, #tpu.memory_space<vmem>> -> memref<80xi32, #tpu.memory_space<vmem>>
        %dma_wait3A_171 = arith.constant 0 : i32
        %dma_wait3A_172 = arith.constant 0 : i32
        %dma_wait3A_173 = tpu.memref_slice %arg11[%dma_wait3A_171, %dma_wait3A_172] : memref<10000x128xf32, #tpu.memory_space<vmem_shared>> -> memref<10000x128xf32, #tpu.memory_space<vmem_shared>>
        tpu.wait_indirect_dma semaphore(%run_scoped3A_161 : memref<!tpu.dma_semaphore, #tpu.memory_space<semaphore_mem>>) src(%arg9 : memref<80x128xf32, #tpu.memory_space<vmem>>) dst(%dma_wait3A_173 : memref<10000x128xf32, #tpu.memory_space<vmem_shared>>)
        tpu.yield
      }) : () -> ()
      %add3A_143 = arith.constant 2 : i32
      %add3A_144 = arith.addi %mul3A_128, %add3A_143 : i32
      %dma_start3A_145 = arith.constant 0 : i32
      %dma_start3A_146 = tpu.memref_slice %arg7[%add3A_144, %dma_start3A_145] : memref<25x80xi32, #tpu.memory_space<vmem>> -> memref<1x80xi32, #tpu.memory_space<vmem>>
      %dma_start3A_147 = tpu.memref_squeeze %dma_start3A_146 : memref<1x80xi32, #tpu.memory_space<vmem>> -> memref<80xi32, #tpu.memory_space<vmem>>
      %dma_start3A_148 = arith.constant 0 : i32
      %dma_start3A_149 = arith.constant 0 : i32
      %dma_start3A_150 = tpu.memref_slice %arg2[%dma_start3A_148, %dma_start3A_149] : memref<10000x128xf32, #tpu.memory_space<hbm>> -> memref<10000x128xf32, #tpu.memory_space<hbm>>
      tpu.enqueue_indirect_dma source(%dma_start3A_150 : memref<10000x128xf32, #tpu.memory_space<hbm>>) target(%arg9 : memref<80x128xf32, #tpu.memory_space<vmem>>) offsets(%dma_start3A_147 : memref<80xi32, #tpu.memory_space<vmem>>) semaphore(%arg12 : memref<!tpu.dma_semaphore, #tpu.memory_space<semaphore_mem>>)
      %add3A_151 = arith.constant 1 : i32
      %add3A_152 = arith.addi %mul3A_128, %add3A_151 : i32
      %dma_wait3A_153 = arith.constant 0 : i32
      %dma_wait3A_154 = tpu.memref_slice %arg7[%add3A_152, %dma_wait3A_153] : memref<25x80xi32, #tpu.memory_space<vmem>> -> memref<1x80xi32, #tpu.memory_space<vmem>>
      %dma_wait3A_155 = tpu.memref_squeeze %dma_wait3A_154 : memref<1x80xi32, #tpu.memory_space<vmem>> -> memref<80xi32, #tpu.memory_space<vmem>>
      %dma_wait3A_156 = arith.constant 0 : i32
      %dma_wait3A_157 = arith.constant 0 : i32
      %dma_wait3A_158 = tpu.memref_slice %arg2[%dma_wait3A_156, %dma_wait3A_157] : memref<10000x128xf32, #tpu.memory_space<hbm>> -> memref<10000x128xf32, #tpu.memory_space<hbm>>
      tpu.wait_indirect_dma semaphore(%arg13 : memref<!tpu.dma_semaphore, #tpu.memory_space<semaphore_mem>>) src(%dma_wait3A_158 : memref<10000x128xf32, #tpu.memory_space<hbm>>) dst(%arg10 : memref<80x128xf32, #tpu.memory_space<vmem>>)
      %add3A_159 = arith.constant 1 : i32
      %add3A_160 = arith.addi %mul3A_128, %add3A_159 : i32
      "tpu.region"() ({
        %run_scoped3A_161 = tpu.sem_alloc : memref<!tpu.dma_semaphore, #tpu.memory_space<semaphore_mem>>
        %dma_start3A_162 = arith.constant 0 : i32
        %dma_start3A_163 = tpu.memref_slice %arg8[%add3A_160, %dma_start3A_162] : memref<25x80xi32, #tpu.memory_space<vmem>> -> memref<1x80xi32, #tpu.memory_space<vmem>>
        %dma_start3A_164 = tpu.memref_squeeze %dma_start3A_163 : memref<1x80xi32, #tpu.memory_space<vmem>> -> memref<80xi32, #tpu.memory_space<vmem>>
        %dma_start3A_165 = arith.constant 0 : i32
        %dma_start3A_166 = arith.constant 0 : i32
        %dma_start3A_167 = tpu.memref_slice %arg11[%dma_start3A_165, %dma_start3A_166] : memref<10000x128xf32, #tpu.memory_space<vmem_shared>> -> memref<10000x128xf32, #tpu.memory_space<vmem_shared>>
        tpu.enqueue_indirect_dma source(%arg10 : memref<80x128xf32, #tpu.memory_space<vmem>>) target(%dma_start3A_167 : memref<10000x128xf32, #tpu.memory_space<vmem_shared>>) offsets(%dma_start3A_164 : memref<80xi32, #tpu.memory_space<vmem>>) semaphore(%run_scoped3A_161 : memref<!tpu.dma_semaphore, #tpu.memory_space<semaphore_mem>>) {add = true}
        %dma_wait3A_168 = arith.constant 0 : i32
        %dma_wait3A_169 = tpu.memref_slice %arg8[%add3A_160, %dma_wait3A_168] : memref<25x80xi32, #tpu.memory_space<vmem>> -> memref<1x80xi32, #tpu.memory_space<vmem>>
        %dma_wait3A_170 = tpu.memref_squeeze %dma_wait3A_169 : memref<1x80xi32, #tpu.memory_space<vmem>> -> memref<80xi32, #tpu.memory_space<vmem>>
        %dma_wait3A_171 = arith.constant 0 : i32
        %dma_wait3A_172 = arith.constant 0 : i32
        %dma_wait3A_173 = tpu.memref_slice %arg11[%dma_wait3A_171, %dma_wait3A_172] : memref<10000x128xf32, #tpu.memory_space<vmem_shared>> -> memref<10000x128xf32, #tpu.memory_space<vmem_shared>>
        tpu.wait_indirect_dma semaphore(%run_scoped3A_161 : memref<!tpu.dma_semaphore, #tpu.memory_space<semaphore_mem>>) src(%arg10 : memref<80x128xf32, #tpu.memory_space<vmem>>) dst(%dma_wait3A_173 : memref<10000x128xf32, #tpu.memory_space<vmem_shared>>)
        tpu.yield
      }) : () -> ()
    }
    %scan3A_107 = arith.constant 12 : i32
    %dma_wait3A_108 = arith.constant 24 : i32
    %dma_wait3A_109 = arith.constant 0 : i32
    %dma_wait3A_110 = tpu.memref_slice %arg7[%dma_wait3A_108, %dma_wait3A_109] : memref<25x80xi32, #tpu.memory_space<vmem>> -> memref<1x80xi32, #tpu.memory_space<vmem>>
    %dma_wait3A_111 = tpu.memref_squeeze %dma_wait3A_110 : memref<1x80xi32, #tpu.memory_space<vmem>> -> memref<80xi32, #tpu.memory_space<vmem>>
    %dma_wait3A_112 = arith.constant 0 : i32
    %dma_wait3A_113 = arith.constant 0 : i32
    %dma_wait3A_114 = tpu.memref_slice %arg2[%dma_wait3A_112, %dma_wait3A_113] : memref<10000x128xf32, #tpu.memory_space<hbm>> -> memref<10000x128xf32, #tpu.memory_space<hbm>>
    tpu.wait_indirect_dma semaphore(%arg12 : memref<!tpu.dma_semaphore, #tpu.memory_space<semaphore_mem>>) src(%dma_wait3A_114 : memref<10000x128xf32, #tpu.memory_space<hbm>>) dst(%arg9 : memref<80x128xf32, #tpu.memory_space<vmem>>)
    %run_scoped3A_115 = arith.constant 24 : i32
    "tpu.region"() ({
      %run_scoped3A_126 = tpu.sem_alloc : memref<!tpu.dma_semaphore, #tpu.memory_space<semaphore_mem>>
      %dma_start3A_127 = arith.constant 0 : i32
      %dma_start3A_128 = tpu.memref_slice %arg8[%run_scoped3A_115, %dma_start3A_127] : memref<25x80xi32, #tpu.memory_space<vmem>> -> memref<1x80xi32, #tpu.memory_space<vmem>>
      %dma_start3A_129 = tpu.memref_squeeze %dma_start3A_128 : memref<1x80xi32, #tpu.memory_space<vmem>> -> memref<80xi32, #tpu.memory_space<vmem>>
      %dma_start3A_130 = arith.constant 0 : i32
      %dma_start3A_131 = arith.constant 0 : i32
      %dma_start3A_132 = tpu.memref_slice %arg11[%dma_start3A_130, %dma_start3A_131] : memref<10000x128xf32, #tpu.memory_space<vmem_shared>> -> memref<10000x128xf32, #tpu.memory_space<vmem_shared>>
      tpu.enqueue_indirect_dma source(%arg9 : memref<80x128xf32, #tpu.memory_space<vmem>>) target(%dma_start3A_132 : memref<10000x128xf32, #tpu.memory_space<vmem_shared>>) offsets(%dma_start3A_129 : memref<80xi32, #tpu.memory_space<vmem>>) semaphore(%run_scoped3A_126 : memref<!tpu.dma_semaphore, #tpu.memory_space<semaphore_mem>>) {add = true}
      %dma_wait3A_133 = arith.constant 0 : i32
      %dma_wait3A_134 = tpu.memref_slice %arg8[%run_scoped3A_115, %dma_wait3A_133] : memref<25x80xi32, #tpu.memory_space<vmem>> -> memref<1x80xi32, #tpu.memory_space<vmem>>
      %dma_wait3A_135 = tpu.memref_squeeze %dma_wait3A_134 : memref<1x80xi32, #tpu.memory_space<vmem>> -> memref<80xi32, #tpu.memory_space<vmem>>
      %dma_wait3A_136 = arith.constant 0 : i32
      %dma_wait3A_137 = arith.constant 0 : i32
      %dma_wait3A_138 = tpu.memref_slice %arg11[%dma_wait3A_136, %dma_wait3A_137] : memref<10000x128xf32, #tpu.memory_space<vmem_shared>> -> memref<10000x128xf32, #tpu.memory_space<vmem_shared>>
      tpu.wait_indirect_dma semaphore(%run_scoped3A_126 : memref<!tpu.dma_semaphore, #tpu.memory_space<semaphore_mem>>) src(%arg9 : memref<80x128xf32, #tpu.memory_space<vmem>>) dst(%dma_wait3A_138 : memref<10000x128xf32, #tpu.memory_space<vmem_shared>>)
      tpu.yield
    }) : () -> ()
    %barrier3A_116 = arith.constant 0 : index
    tpu.barrier barrier_id(%barrier3A_116)
    %mul3A_117 = arith.constant 624 : i32
    %mul3A_118 = arith.muli %arg1, %mul3A_117 : i32
    %mul3A_119 = arith.constant 624 : i32
    %mul3A_120 = arith.muli %arg1, %mul3A_119 : i32
    "tpu.region"() ({
      %run_scoped3A_126 = tpu.sem_alloc : memref<!tpu.dma_semaphore, #tpu.memory_space<semaphore_mem>>
      %dma_start3A_127 = arith.constant 0 : i32
      %dma_start3A_128 = tpu.memref_slice %arg6[%arg0, %mul3A_120, %dma_start3A_127] : memref<2x10000x128xf32, #tpu.memory_space<hbm>> -> memref<1x624x128xf32, #tpu.memory_space<hbm>>
      %dma_start3A_129 = tpu.memref_squeeze %dma_start3A_128 : memref<1x624x128xf32, #tpu.memory_space<hbm>> -> memref<624x128xf32, #tpu.memory_space<hbm>>
      %dma_start3A_130 = arith.constant 0 : i32
      %dma_start3A_131 = tpu.memref_slice %arg11[%mul3A_118, %dma_start3A_130] : memref<10000x128xf32, #tpu.memory_space<vmem_shared>> -> memref<624x128xf32, #tpu.memory_space<vmem_shared>>
      tpu.enqueue_dma source(%dma_start3A_131 : memref<624x128xf32, #tpu.memory_space<vmem_shared>>) target(%dma_start3A_129 : memref<624x128xf32, #tpu.memory_space<hbm>>) target_semaphore(%run_scoped3A_126 : memref<!tpu.dma_semaphore, #tpu.memory_space<semaphore_mem>>)
      %dma_wait3A_132 = arith.constant 0 : i32
      %dma_wait3A_133 = tpu.memref_slice %arg6[%arg0, %mul3A_120, %dma_wait3A_132] : memref<2x10000x128xf32, #tpu.memory_space<hbm>> -> memref<1x624x128xf32, #tpu.memory_space<hbm>>
      %dma_wait3A_134 = tpu.memref_squeeze %dma_wait3A_133 : memref<1x624x128xf32, #tpu.memory_space<hbm>> -> memref<624x128xf32, #tpu.memory_space<hbm>>
      %dma_wait3A_135 = arith.constant 0 : i32
      %dma_wait3A_136 = tpu.memref_slice %arg11[%mul3A_118, %dma_wait3A_135] : memref<10000x128xf32, #tpu.memory_space<vmem_shared>> -> memref<624x128xf32, #tpu.memory_space<vmem_shared>>
      tpu.wait_dma2 semaphore(%run_scoped3A_126 : memref<!tpu.dma_semaphore, #tpu.memory_space<semaphore_mem>>) src(%dma_wait3A_136 : memref<624x128xf32, #tpu.memory_space<vmem_shared>>) dst(%dma_wait3A_134 : memref<624x128xf32, #tpu.memory_space<hbm>>)
      tpu.yield
    }) : () -> ()
    %eq3A_121 = arith.constant 0 : i32
    %eq3A_122 = arith.cmpi eq, %arg1, %eq3A_121 : i32
    %convert_element_type3A_123 = arith.extui %eq3A_122 : i1 to i32
    %cond3A_124 = arith.constant 0 : i32
    %cond3A_125 = arith.cmpi ne, %convert_element_type3A_123, %cond3A_124 : i32
    scf.if %cond3A_125 {
      "tpu.region"() ({
        %run_scoped3A_126 = tpu.sem_alloc : memref<!tpu.dma_semaphore, #tpu.memory_space<semaphore_mem>>
        %dma_start3A_127 = arith.constant 9984 : i32
        %dma_start3A_128 = arith.constant 0 : i32
        %dma_start3A_129 = tpu.memref_slice %arg6[%arg0, %dma_start3A_127, %dma_start3A_128] : memref<2x10000x128xf32, #tpu.memory_space<hbm>> -> memref<1x16x128xf32, #tpu.memory_space<hbm>>
        %dma_start3A_130 = tpu.memref_squeeze %dma_start3A_129 : memref<1x16x128xf32, #tpu.memory_space<hbm>> -> memref<16x128xf32, #tpu.memory_space<hbm>>
        %dma_start3A_131 = arith.constant 9984 : i32
        %dma_start3A_132 = arith.constant 0 : i32
        %dma_start3A_133 = tpu.memref_slice %arg11[%dma_start3A_131, %dma_start3A_132] : memref<10000x128xf32, #tpu.memory_space<vmem_shared>> -> memref<16x128xf32, #tpu.memory_space<vmem_shared>>
        tpu.enqueue_dma source(%dma_start3A_133 : memref<16x128xf32, #tpu.memory_space<vmem_shared>>) target(%dma_start3A_130 : memref<16x128xf32, #tpu.memory_space<hbm>>) target_semaphore(%run_scoped3A_126 : memref<!tpu.dma_semaphore, #tpu.memory_space<semaphore_mem>>)
        %dma_wait3A_134 = arith.constant 9984 : i32
        %dma_wait3A_135 = arith.constant 0 : i32
        %dma_wait3A_136 = tpu.memref_slice %arg6[%arg0, %dma_wait3A_134, %dma_wait3A_135] : memref<2x10000x128xf32, #tpu.memory_space<hbm>> -> memref<1x16x128xf32, #tpu.memory_space<hbm>>
        %dma_wait3A_137 = tpu.memref_squeeze %dma_wait3A_136 : memref<1x16x128xf32, #tpu.memory_space<hbm>> -> memref<16x128xf32, #tpu.memory_space<hbm>>
        %dma_wait3A_138 = arith.constant 9984 : i32
        %dma_wait3A_139 = arith.constant 0 : i32
        %dma_wait3A_140 = tpu.memref_slice %arg11[%dma_wait3A_138, %dma_wait3A_139] : memref<10000x128xf32, #tpu.memory_space<vmem_shared>> -> memref<16x128xf32, #tpu.memory_space<vmem_shared>>
        tpu.wait_dma2 semaphore(%run_scoped3A_126 : memref<!tpu.dma_semaphore, #tpu.memory_space<semaphore_mem>>) src(%dma_wait3A_140 : memref<16x128xf32, #tpu.memory_space<vmem_shared>>) dst(%dma_wait3A_137 : memref<16x128xf32, #tpu.memory_space<hbm>>)
        tpu.yield
      }) : () -> ()
    } else {
    }
    return
  }
}

#map = affine_map<(d0, d1) -> (0, 0, 0)>
#map1 = affine_map<(d0, d1) -> (0, 0)>
module attributes {stable_mosaic.version = 14 : i64} {
  func.func @k(%arg0: i32, %arg1: i32, %arg2: memref<32x125x80xi32, #tpu.memory_space<hbm>>, %arg3: memref<80x128xf32, #tpu.memory_space<hbm>>, %arg4: memref<624x128xf32, #tpu.memory_space<hbm>>, %arg5: memref<2x10000x128xf32, #tpu.memory_space<hbm>>, %arg6: memref<125x80xi32, #tpu.memory_space<vmem>>, %arg7: memref<80x128xf32, #tpu.memory_space<vmem>>, %arg8: memref<10000x128xf32, #tpu.memory_space<vmem_shared>>) attributes {dimension_semantics = [#tpu.dimension_semantics<core_parallel>, #tpu.dimension_semantics<subcore_parallel>], iteration_bounds = array<i64: 2, 16>, scalar_prefetch = 0 : i64, scratch_operands = 3 : i64, tpu.core_type = #tpu.core_type<sc_vector_subcore>, window_params = [{transform_indices = #map}, {transform_indices = #map1}, {transform_indices = #map1}, {transform_indices = #map}]} {
    %mul3A = arith.constant 16 : i32
    %mul3A_0 = arith.muli %arg0, %mul3A : i32
    %add3A = arith.addi %mul3A_0, %arg1 : i32
    %mul3A_1 = arith.constant 624 : i32
    %mul3A_2 = arith.muli %arg1, %mul3A_1 : i32
    "tpu.region"() ({
      %run_scoped3A = tpu.sem_alloc : memref<!tpu.dma_semaphore, #tpu.memory_space<semaphore_mem>>
      %dma_start3A = arith.constant 0 : i32
      %dma_start3A_20 = tpu.memref_slice %arg8[%mul3A_2, %dma_start3A] : memref<10000x128xf32, #tpu.memory_space<vmem_shared>> -> memref<624x128xf32, #tpu.memory_space<vmem_shared>>
      %dma_start3A_21 = arith.constant 0 : i32
      %dma_start3A_22 = arith.constant 0 : i32
      %dma_start3A_23 = tpu.memref_slice %arg4[%dma_start3A_21, %dma_start3A_22] : memref<624x128xf32, #tpu.memory_space<hbm>> -> memref<624x128xf32, #tpu.memory_space<hbm>>
      tpu.enqueue_dma source(%dma_start3A_23 : memref<624x128xf32, #tpu.memory_space<hbm>>) target(%dma_start3A_20 : memref<624x128xf32, #tpu.memory_space<vmem_shared>>) target_semaphore(%run_scoped3A : memref<!tpu.dma_semaphore, #tpu.memory_space<semaphore_mem>>)
      %dma_wait3A = arith.constant 0 : i32
      %dma_wait3A_24 = tpu.memref_slice %arg8[%mul3A_2, %dma_wait3A] : memref<10000x128xf32, #tpu.memory_space<vmem_shared>> -> memref<624x128xf32, #tpu.memory_space<vmem_shared>>
      %dma_wait3A_25 = arith.constant 0 : i32
      %dma_wait3A_26 = arith.constant 0 : i32
      %dma_wait3A_27 = tpu.memref_slice %arg4[%dma_wait3A_25, %dma_wait3A_26] : memref<624x128xf32, #tpu.memory_space<hbm>> -> memref<624x128xf32, #tpu.memory_space<hbm>>
      tpu.wait_dma2 semaphore(%run_scoped3A : memref<!tpu.dma_semaphore, #tpu.memory_space<semaphore_mem>>) src(%dma_wait3A_27 : memref<624x128xf32, #tpu.memory_space<hbm>>) dst(%dma_wait3A_24 : memref<624x128xf32, #tpu.memory_space<vmem_shared>>)
      tpu.yield
    }) : () -> ()
    %eq3A = arith.constant 0 : i32
    %eq3A_3 = arith.cmpi eq, %arg1, %eq3A : i32
    %convert_element_type3A = arith.extui %eq3A_3 : i1 to i32
    %cond3A = arith.constant 0 : i32
    %cond3A_4 = arith.cmpi ne, %convert_element_type3A, %cond3A : i32
    scf.if %cond3A_4 {
      "tpu.region"() ({
        %run_scoped3A = tpu.sem_alloc : memref<!tpu.dma_semaphore, #tpu.memory_space<semaphore_mem>>
        %dma_start3A = arith.constant 9984 : i32
        %dma_start3A_20 = arith.constant 0 : i32
        %dma_start3A_21 = tpu.memref_slice %arg8[%dma_start3A, %dma_start3A_20] : memref<10000x128xf32, #tpu.memory_space<vmem_shared>> -> memref<16x128xf32, #tpu.memory_space<vmem_shared>>
        %dma_start3A_22 = arith.constant 0 : i32
        %dma_start3A_23 = arith.constant 0 : i32
        %dma_start3A_24 = tpu.memref_slice %arg4[%dma_start3A_22, %dma_start3A_23] : memref<624x128xf32, #tpu.memory_space<hbm>> -> memref<16x128xf32, #tpu.memory_space<hbm>>
        tpu.enqueue_dma source(%dma_start3A_24 : memref<16x128xf32, #tpu.memory_space<hbm>>) target(%dma_start3A_21 : memref<16x128xf32, #tpu.memory_space<vmem_shared>>) target_semaphore(%run_scoped3A : memref<!tpu.dma_semaphore, #tpu.memory_space<semaphore_mem>>)
        %dma_wait3A = arith.constant 9984 : i32
        %dma_wait3A_25 = arith.constant 0 : i32
        %dma_wait3A_26 = tpu.memref_slice %arg8[%dma_wait3A, %dma_wait3A_25] : memref<10000x128xf32, #tpu.memory_space<vmem_shared>> -> memref<16x128xf32, #tpu.memory_space<vmem_shared>>
        %dma_wait3A_27 = arith.constant 0 : i32
        %dma_wait3A_28 = arith.constant 0 : i32
        %dma_wait3A_29 = tpu.memref_slice %arg4[%dma_wait3A_27, %dma_wait3A_28] : memref<624x128xf32, #tpu.memory_space<hbm>> -> memref<16x128xf32, #tpu.memory_space<hbm>>
        tpu.wait_dma2 semaphore(%run_scoped3A : memref<!tpu.dma_semaphore, #tpu.memory_space<semaphore_mem>>) src(%dma_wait3A_29 : memref<16x128xf32, #tpu.memory_space<hbm>>) dst(%dma_wait3A_26 : memref<16x128xf32, #tpu.memory_space<vmem_shared>>)
        tpu.yield
      }) : () -> ()
    } else {
    }
    "tpu.region"() ({
      %run_scoped3A = tpu.sem_alloc : memref<!tpu.dma_semaphore, #tpu.memory_space<semaphore_mem>>
      %dma_start3A = arith.constant 0 : i32
      %dma_start3A_20 = arith.constant 0 : i32
      %dma_start3A_21 = tpu.memref_slice %arg2[%add3A, %dma_start3A, %dma_start3A_20] : memref<32x125x80xi32, #tpu.memory_space<hbm>> -> memref<1x125x80xi32, #tpu.memory_space<hbm>>
      %dma_start3A_22 = tpu.memref_squeeze %dma_start3A_21 : memref<1x125x80xi32, #tpu.memory_space<hbm>> -> memref<125x80xi32, #tpu.memory_space<hbm>>
      %dma_start3A_23 = arith.constant 0 : i32
      %dma_start3A_24 = arith.constant 0 : i32
      %dma_start3A_25 = tpu.memref_slice %arg2[%add3A, %dma_start3A_23, %dma_start3A_24] : memref<32x125x80xi32, #tpu.memory_space<hbm>> -> memref<1x125x80xi32, #tpu.memory_space<hbm>>
      %dma_start3A_26 = tpu.memref_squeeze %dma_start3A_25 : memref<1x125x80xi32, #tpu.memory_space<hbm>> -> memref<125x80xi32, #tpu.memory_space<hbm>>
      tpu.enqueue_dma source(%dma_start3A_26 : memref<125x80xi32, #tpu.memory_space<hbm>>) target(%arg6 : memref<125x80xi32, #tpu.memory_space<vmem>>) target_semaphore(%run_scoped3A : memref<!tpu.dma_semaphore, #tpu.memory_space<semaphore_mem>>)
      %dma_wait3A = arith.constant 0 : i32
      %dma_wait3A_27 = arith.constant 0 : i32
      %dma_wait3A_28 = tpu.memref_slice %arg2[%add3A, %dma_wait3A, %dma_wait3A_27] : memref<32x125x80xi32, #tpu.memory_space<hbm>> -> memref<1x125x80xi32, #tpu.memory_space<hbm>>
      %dma_wait3A_29 = tpu.memref_squeeze %dma_wait3A_28 : memref<1x125x80xi32, #tpu.memory_space<hbm>> -> memref<125x80xi32, #tpu.memory_space<hbm>>
      %dma_wait3A_30 = arith.constant 0 : i32
      %dma_wait3A_31 = arith.constant 0 : i32
      %dma_wait3A_32 = tpu.memref_slice %arg2[%add3A, %dma_wait3A_30, %dma_wait3A_31] : memref<32x125x80xi32, #tpu.memory_space<hbm>> -> memref<1x125x80xi32, #tpu.memory_space<hbm>>
      %dma_wait3A_33 = tpu.memref_squeeze %dma_wait3A_32 : memref<1x125x80xi32, #tpu.memory_space<hbm>> -> memref<125x80xi32, #tpu.memory_space<hbm>>
      tpu.wait_dma2 semaphore(%run_scoped3A : memref<!tpu.dma_semaphore, #tpu.memory_space<semaphore_mem>>) src(%dma_wait3A_33 : memref<125x80xi32, #tpu.memory_space<hbm>>) dst(%arg6 : memref<125x80xi32, #tpu.memory_space<vmem>>)
      tpu.yield
    }) : () -> ()
    "tpu.region"() ({
      %run_scoped3A = tpu.sem_alloc : memref<!tpu.dma_semaphore, #tpu.memory_space<semaphore_mem>>
      tpu.enqueue_dma source(%arg3 : memref<80x128xf32, #tpu.memory_space<hbm>>) target(%arg7 : memref<80x128xf32, #tpu.memory_space<vmem>>) target_semaphore(%run_scoped3A : memref<!tpu.dma_semaphore, #tpu.memory_space<semaphore_mem>>)
      tpu.wait_dma2 semaphore(%run_scoped3A : memref<!tpu.dma_semaphore, #tpu.memory_space<semaphore_mem>>) src(%arg3 : memref<80x128xf32, #tpu.memory_space<hbm>>) dst(%arg7 : memref<80x128xf32, #tpu.memory_space<vmem>>)
      tpu.yield
    }) : () -> ()
    %barrier3A = arith.constant 0 : index
    tpu.barrier barrier_id(%barrier3A)
    %scan3A = arith.constant 0 : i32
    %scan3A_5 = arith.constant 0 : i32
    %scan3A_6 = arith.constant 125 : i32
    %scan3A_7 = arith.addi %scan3A_5, %scan3A_6 : i32
    %scan3A_8 = arith.constant 1 : i32
    scf.for %scan3A_20 = %scan3A_5 to %scan3A_7 step %scan3A_8  : i32 {
      "tpu.region"() ({
        %run_scoped3A = tpu.sem_alloc : memref<!tpu.dma_semaphore, #tpu.memory_space<semaphore_mem>>
        %dma_start3A = arith.constant 0 : i32
        %dma_start3A_21 = tpu.memref_slice %arg6[%scan3A_20, %dma_start3A] : memref<125x80xi32, #tpu.memory_space<vmem>> -> memref<1x80xi32, #tpu.memory_space<vmem>>
        %dma_start3A_22 = tpu.memref_squeeze %dma_start3A_21 : memref<1x80xi32, #tpu.memory_space<vmem>> -> memref<80xi32, #tpu.memory_space<vmem>>
        %dma_start3A_23 = arith.constant 0 : i32
        %dma_start3A_24 = arith.constant 0 : i32
        %dma_start3A_25 = tpu.memref_slice %arg8[%dma_start3A_23, %dma_start3A_24] : memref<10000x128xf32, #tpu.memory_space<vmem_shared>> -> memref<10000x128xf32, #tpu.memory_space<vmem_shared>>
        tpu.enqueue_indirect_dma source(%arg7 : memref<80x128xf32, #tpu.memory_space<vmem>>) target(%dma_start3A_25 : memref<10000x128xf32, #tpu.memory_space<vmem_shared>>) offsets(%dma_start3A_22 : memref<80xi32, #tpu.memory_space<vmem>>) semaphore(%run_scoped3A : memref<!tpu.dma_semaphore, #tpu.memory_space<semaphore_mem>>) {add = true}
        %dma_wait3A = arith.constant 0 : i32
        %dma_wait3A_26 = tpu.memref_slice %arg6[%scan3A_20, %dma_wait3A] : memref<125x80xi32, #tpu.memory_space<vmem>> -> memref<1x80xi32, #tpu.memory_space<vmem>>
        %dma_wait3A_27 = tpu.memref_squeeze %dma_wait3A_26 : memref<1x80xi32, #tpu.memory_space<vmem>> -> memref<80xi32, #tpu.memory_space<vmem>>
        %dma_wait3A_28 = arith.constant 0 : i32
        %dma_wait3A_29 = arith.constant 0 : i32
        %dma_wait3A_30 = tpu.memref_slice %arg8[%dma_wait3A_28, %dma_wait3A_29] : memref<10000x128xf32, #tpu.memory_space<vmem_shared>> -> memref<10000x128xf32, #tpu.memory_space<vmem_shared>>
        tpu.wait_indirect_dma semaphore(%run_scoped3A : memref<!tpu.dma_semaphore, #tpu.memory_space<semaphore_mem>>) src(%arg7 : memref<80x128xf32, #tpu.memory_space<vmem>>) dst(%dma_wait3A_30 : memref<10000x128xf32, #tpu.memory_space<vmem_shared>>)
        tpu.yield
      }) : () -> ()
    }
    %scan3A_9 = arith.constant 125 : i32
    %barrier3A_10 = arith.constant 0 : index
    tpu.barrier barrier_id(%barrier3A_10)
    %mul3A_11 = arith.constant 624 : i32
    %mul3A_12 = arith.muli %arg1, %mul3A_11 : i32
    %mul3A_13 = arith.constant 624 : i32
    %mul3A_14 = arith.muli %arg1, %mul3A_13 : i32
    "tpu.region"() ({
      %run_scoped3A = tpu.sem_alloc : memref<!tpu.dma_semaphore, #tpu.memory_space<semaphore_mem>>
      %dma_start3A = arith.constant 0 : i32
      %dma_start3A_20 = tpu.memref_slice %arg5[%arg0, %mul3A_14, %dma_start3A] : memref<2x10000x128xf32, #tpu.memory_space<hbm>> -> memref<1x624x128xf32, #tpu.memory_space<hbm>>
      %dma_start3A_21 = tpu.memref_squeeze %dma_start3A_20 : memref<1x624x128xf32, #tpu.memory_space<hbm>> -> memref<624x128xf32, #tpu.memory_space<hbm>>
      %dma_start3A_22 = arith.constant 0 : i32
      %dma_start3A_23 = tpu.memref_slice %arg8[%mul3A_12, %dma_start3A_22] : memref<10000x128xf32, #tpu.memory_space<vmem_shared>> -> memref<624x128xf32, #tpu.memory_space<vmem_shared>>
      tpu.enqueue_dma source(%dma_start3A_23 : memref<624x128xf32, #tpu.memory_space<vmem_shared>>) target(%dma_start3A_21 : memref<624x128xf32, #tpu.memory_space<hbm>>) target_semaphore(%run_scoped3A : memref<!tpu.dma_semaphore, #tpu.memory_space<semaphore_mem>>)
      %dma_wait3A = arith.constant 0 : i32
      %dma_wait3A_24 = tpu.memref_slice %arg5[%arg0, %mul3A_14, %dma_wait3A] : memref<2x10000x128xf32, #tpu.memory_space<hbm>> -> memref<1x624x128xf32, #tpu.memory_space<hbm>>
      %dma_wait3A_25 = tpu.memref_squeeze %dma_wait3A_24 : memref<1x624x128xf32, #tpu.memory_space<hbm>> -> memref<624x128xf32, #tpu.memory_space<hbm>>
      %dma_wait3A_26 = arith.constant 0 : i32
      %dma_wait3A_27 = tpu.memref_slice %arg8[%mul3A_12, %dma_wait3A_26] : memref<10000x128xf32, #tpu.memory_space<vmem_shared>> -> memref<624x128xf32, #tpu.memory_space<vmem_shared>>
      tpu.wait_dma2 semaphore(%run_scoped3A : memref<!tpu.dma_semaphore, #tpu.memory_space<semaphore_mem>>) src(%dma_wait3A_27 : memref<624x128xf32, #tpu.memory_space<vmem_shared>>) dst(%dma_wait3A_25 : memref<624x128xf32, #tpu.memory_space<hbm>>)
      tpu.yield
    }) : () -> ()
    %eq3A_15 = arith.constant 0 : i32
    %eq3A_16 = arith.cmpi eq, %arg1, %eq3A_15 : i32
    %convert_element_type3A_17 = arith.extui %eq3A_16 : i1 to i32
    %cond3A_18 = arith.constant 0 : i32
    %cond3A_19 = arith.cmpi ne, %convert_element_type3A_17, %cond3A_18 : i32
    scf.if %cond3A_19 {
      "tpu.region"() ({
        %run_scoped3A = tpu.sem_alloc : memref<!tpu.dma_semaphore, #tpu.memory_space<semaphore_mem>>
        %dma_start3A = arith.constant 9984 : i32
        %dma_start3A_20 = arith.constant 0 : i32
        %dma_start3A_21 = tpu.memref_slice %arg5[%arg0, %dma_start3A, %dma_start3A_20] : memref<2x10000x128xf32, #tpu.memory_space<hbm>> -> memref<1x16x128xf32, #tpu.memory_space<hbm>>
        %dma_start3A_22 = tpu.memref_squeeze %dma_start3A_21 : memref<1x16x128xf32, #tpu.memory_space<hbm>> -> memref<16x128xf32, #tpu.memory_space<hbm>>
        %dma_start3A_23 = arith.constant 9984 : i32
        %dma_start3A_24 = arith.constant 0 : i32
        %dma_start3A_25 = tpu.memref_slice %arg8[%dma_start3A_23, %dma_start3A_24] : memref<10000x128xf32, #tpu.memory_space<vmem_shared>> -> memref<16x128xf32, #tpu.memory_space<vmem_shared>>
        tpu.enqueue_dma source(%dma_start3A_25 : memref<16x128xf32, #tpu.memory_space<vmem_shared>>) target(%dma_start3A_22 : memref<16x128xf32, #tpu.memory_space<hbm>>) target_semaphore(%run_scoped3A : memref<!tpu.dma_semaphore, #tpu.memory_space<semaphore_mem>>)
        %dma_wait3A = arith.constant 9984 : i32
        %dma_wait3A_26 = arith.constant 0 : i32
        %dma_wait3A_27 = tpu.memref_slice %arg5[%arg0, %dma_wait3A, %dma_wait3A_26] : memref<2x10000x128xf32, #tpu.memory_space<hbm>> -> memref<1x16x128xf32, #tpu.memory_space<hbm>>
        %dma_wait3A_28 = tpu.memref_squeeze %dma_wait3A_27 : memref<1x16x128xf32, #tpu.memory_space<hbm>> -> memref<16x128xf32, #tpu.memory_space<hbm>>
        %dma_wait3A_29 = arith.constant 9984 : i32
        %dma_wait3A_30 = arith.constant 0 : i32
        %dma_wait3A_31 = tpu.memref_slice %arg8[%dma_wait3A_29, %dma_wait3A_30] : memref<10000x128xf32, #tpu.memory_space<vmem_shared>> -> memref<16x128xf32, #tpu.memory_space<vmem_shared>>
        tpu.wait_dma2 semaphore(%run_scoped3A : memref<!tpu.dma_semaphore, #tpu.memory_space<semaphore_mem>>) src(%dma_wait3A_31 : memref<16x128xf32, #tpu.memory_space<vmem_shared>>) dst(%dma_wait3A_28 : memref<16x128xf32, #tpu.memory_space<hbm>>)
        tpu.yield
      }) : () -> ()
    } else {
    }
    return
  }
}

#map = affine_map<(d0, d1) -> (0, 0)>
#map1 = affine_map<(d0, d1) -> (0, 0, 0, 0)>
#map2 = affine_map<(d0, d1) -> (0, 0, 0)>
module attributes {stable_mosaic.version = 14 : i64} {
  func.func @k(%arg0: i32, %arg1: i32, %arg2: memref<10000x128xf32, #tpu.memory_space<hbm>>, %arg3: memref<32x5x25x80xi32, #tpu.memory_space<hbm>>, %arg4: memref<32x5x25x80xi32, #tpu.memory_space<hbm>>, %arg5: memref<624x128xf32, #tpu.memory_space<hbm>>, %arg6: memref<2x10000x128xf32, #tpu.memory_space<hbm>>, %arg7: memref<25x80xi32, #tpu.memory_space<vmem>>, %arg8: memref<25x80xi32, #tpu.memory_space<vmem>>, %arg9: memref<80x128xf32, #tpu.memory_space<vmem>>, %arg10: memref<80x128xf32, #tpu.memory_space<vmem>>, %arg11: memref<10000x128xf32, #tpu.memory_space<vmem_shared>>, %arg12: memref<!tpu.dma_semaphore, #tpu.memory_space<semaphore_mem>>, %arg13: memref<!tpu.dma_semaphore, #tpu.memory_space<semaphore_mem>>) attributes {dimension_semantics = [#tpu.dimension_semantics<core_parallel>, #tpu.dimension_semantics<subcore_parallel>], iteration_bounds = array<i64: 2, 16>, scalar_prefetch = 0 : i64, scratch_operands = 7 : i64, tpu.core_type = #tpu.core_type<sc_vector_subcore>, window_params = [{transform_indices = #map}, {transform_indices = #map1}, {transform_indices = #map1}, {transform_indices = #map}, {transform_indices = #map2}]} {
    %mul3A = arith.constant 16 : i32
    %mul3A_0 = arith.muli %arg0, %mul3A : i32
    %add3A = arith.addi %mul3A_0, %arg1 : i32
    %mul3A_1 = arith.constant 624 : i32
    %mul3A_2 = arith.muli %arg1, %mul3A_1 : i32
    "tpu.region"() ({
      %run_scoped3A_126 = tpu.sem_alloc : memref<!tpu.dma_semaphore, #tpu.memory_space<semaphore_mem>>
      %dma_start3A_127 = arith.constant 0 : i32
      %dma_start3A_128 = tpu.memref_slice %arg11[%mul3A_2, %dma_start3A_127] : memref<10000x128xf32, #tpu.memory_space<vmem_shared>> -> memref<624x128xf32, #tpu.memory_space<vmem_shared>>
      %dma_start3A_129 = arith.constant 0 : i32
      %dma_start3A_130 = arith.constant 0 : i32
      %dma_start3A_131 = tpu.memref_slice %arg5[%dma_start3A_129, %dma_start3A_130] : memref<624x128xf32, #tpu.memory_space<hbm>> -> memref<624x128xf32, #tpu.memory_space<hbm>>
      tpu.enqueue_dma source(%dma_start3A_131 : memref<624x128xf32, #tpu.memory_space<hbm>>) target(%dma_start3A_128 : memref<624x128xf32, #tpu.memory_space<vmem_shared>>) target_semaphore(%run_scoped3A_126 : memref<!tpu.dma_semaphore, #tpu.memory_space<semaphore_mem>>)
      %dma_wait3A_132 = arith.constant 0 : i32
      %dma_wait3A_133 = tpu.memref_slice %arg11[%mul3A_2, %dma_wait3A_132] : memref<10000x128xf32, #tpu.memory_space<vmem_shared>> -> memref<624x128xf32, #tpu.memory_space<vmem_shared>>
      %dma_wait3A_134 = arith.constant 0 : i32
      %dma_wait3A_135 = arith.constant 0 : i32
      %dma_wait3A_136 = tpu.memref_slice %arg5[%dma_wait3A_134, %dma_wait3A_135] : memref<624x128xf32, #tpu.memory_space<hbm>> -> memref<624x128xf32, #tpu.memory_space<hbm>>
      tpu.wait_dma2 semaphore(%run_scoped3A_126 : memref<!tpu.dma_semaphore, #tpu.memory_space<semaphore_mem>>) src(%dma_wait3A_136 : memref<624x128xf32, #tpu.memory_space<hbm>>) dst(%dma_wait3A_133 : memref<624x128xf32, #tpu.memory_space<vmem_shared>>)
      tpu.yield
    }) : () -> ()
    %eq3A = arith.constant 0 : i32
    %eq3A_3 = arith.cmpi eq, %arg1, %eq3A : i32
    %convert_element_type3A = arith.extui %eq3A_3 : i1 to i32
    %cond3A = arith.constant 0 : i32
    %cond3A_4 = arith.cmpi ne, %convert_element_type3A, %cond3A : i32
    scf.if %cond3A_4 {
      "tpu.region"() ({
        %run_scoped3A_126 = tpu.sem_alloc : memref<!tpu.dma_semaphore, #tpu.memory_space<semaphore_mem>>
        %dma_start3A_127 = arith.constant 9984 : i32
        %dma_start3A_128 = arith.constant 0 : i32
        %dma_start3A_129 = tpu.memref_slice %arg11[%dma_start3A_127, %dma_start3A_128] : memref<10000x128xf32, #tpu.memory_space<vmem_shared>> -> memref<16x128xf32, #tpu.memory_space<vmem_shared>>
        %dma_start3A_130 = arith.constant 0 : i32
        %dma_start3A_131 = arith.constant 0 : i32
        %dma_start3A_132 = tpu.memref_slice %arg5[%dma_start3A_130, %dma_start3A_131] : memref<624x128xf32, #tpu.memory_space<hbm>> -> memref<16x128xf32, #tpu.memory_space<hbm>>
        tpu.enqueue_dma source(%dma_start3A_132 : memref<16x128xf32, #tpu.memory_space<hbm>>) target(%dma_start3A_129 : memref<16x128xf32, #tpu.memory_space<vmem_shared>>) target_semaphore(%run_scoped3A_126 : memref<!tpu.dma_semaphore, #tpu.memory_space<semaphore_mem>>)
        %dma_wait3A_133 = arith.constant 9984 : i32
        %dma_wait3A_134 = arith.constant 0 : i32
        %dma_wait3A_135 = tpu.memref_slice %arg11[%dma_wait3A_133, %dma_wait3A_134] : memref<10000x128xf32, #tpu.memory_space<vmem_shared>> -> memref<16x128xf32, #tpu.memory_space<vmem_shared>>
        %dma_wait3A_136 = arith.constant 0 : i32
        %dma_wait3A_137 = arith.constant 0 : i32
        %dma_wait3A_138 = tpu.memref_slice %arg5[%dma_wait3A_136, %dma_wait3A_137] : memref<624x128xf32, #tpu.memory_space<hbm>> -> memref<16x128xf32, #tpu.memory_space<hbm>>
        tpu.wait_dma2 semaphore(%run_scoped3A_126 : memref<!tpu.dma_semaphore, #tpu.memory_space<semaphore_mem>>) src(%dma_wait3A_138 : memref<16x128xf32, #tpu.memory_space<hbm>>) dst(%dma_wait3A_135 : memref<16x128xf32, #tpu.memory_space<vmem_shared>>)
        tpu.yield
      }) : () -> ()
    } else {
    }
    %barrier3A = arith.constant 0 : index
    tpu.barrier barrier_id(%barrier3A)
    %run_scoped3A = arith.constant 0 : i32
    "tpu.region"() ({
      %run_scoped3A_126 = tpu.sem_alloc : memref<!tpu.dma_semaphore, #tpu.memory_space<semaphore_mem>>
      %dma_start3A_127 = arith.constant 0 : i32
      %dma_start3A_128 = arith.constant 0 : i32
      %dma_start3A_129 = tpu.memref_slice %arg3[%add3A, %run_scoped3A, %dma_start3A_127, %dma_start3A_128] : memref<32x5x25x80xi32, #tpu.memory_space<hbm>> -> memref<1x1x25x80xi32, #tpu.memory_space<hbm>>
      %dma_start3A_130 = tpu.memref_squeeze %dma_start3A_129 : memref<1x1x25x80xi32, #tpu.memory_space<hbm>> -> memref<25x80xi32, #tpu.memory_space<hbm>>
      %dma_start3A_131 = arith.constant 0 : i32
      %dma_start3A_132 = arith.constant 0 : i32
      %dma_start3A_133 = tpu.memref_slice %arg3[%add3A, %run_scoped3A, %dma_start3A_131, %dma_start3A_132] : memref<32x5x25x80xi32, #tpu.memory_space<hbm>> -> memref<1x1x25x80xi32, #tpu.memory_space<hbm>>
      %dma_start3A_134 = tpu.memref_squeeze %dma_start3A_133 : memref<1x1x25x80xi32, #tpu.memory_space<hbm>> -> memref<25x80xi32, #tpu.memory_space<hbm>>
      tpu.enqueue_dma source(%dma_start3A_134 : memref<25x80xi32, #tpu.memory_space<hbm>>) target(%arg7 : memref<25x80xi32, #tpu.memory_space<vmem>>) target_semaphore(%run_scoped3A_126 : memref<!tpu.dma_semaphore, #tpu.memory_space<semaphore_mem>>)
      %dma_wait3A_135 = arith.constant 0 : i32
      %dma_wait3A_136 = arith.constant 0 : i32
      %dma_wait3A_137 = tpu.memref_slice %arg3[%add3A, %run_scoped3A, %dma_wait3A_135, %dma_wait3A_136] : memref<32x5x25x80xi32, #tpu.memory_space<hbm>> -> memref<1x1x25x80xi32, #tpu.memory_space<hbm>>
      %dma_wait3A_138 = tpu.memref_squeeze %dma_wait3A_137 : memref<1x1x25x80xi32, #tpu.memory_space<hbm>> -> memref<25x80xi32, #tpu.memory_space<hbm>>
      %dma_wait3A_139 = arith.constant 0 : i32
      %dma_wait3A_140 = arith.constant 0 : i32
      %dma_wait3A_141 = tpu.memref_slice %arg3[%add3A, %run_scoped3A, %dma_wait3A_139, %dma_wait3A_140] : memref<32x5x25x80xi32, #tpu.memory_space<hbm>> -> memref<1x1x25x80xi32, #tpu.memory_space<hbm>>
      %dma_wait3A_142 = tpu.memref_squeeze %dma_wait3A_141 : memref<1x1x25x80xi32, #tpu.memory_space<hbm>> -> memref<25x80xi32, #tpu.memory_space<hbm>>
      tpu.wait_dma2 semaphore(%run_scoped3A_126 : memref<!tpu.dma_semaphore, #tpu.memory_space<semaphore_mem>>) src(%dma_wait3A_142 : memref<25x80xi32, #tpu.memory_space<hbm>>) dst(%arg7 : memref<25x80xi32, #tpu.memory_space<vmem>>)
      tpu.yield
    }) : () -> ()
    %run_scoped3A_5 = arith.constant 0 : i32
    "tpu.region"() ({
      %run_scoped3A_126 = tpu.sem_alloc : memref<!tpu.dma_semaphore, #tpu.memory_space<semaphore_mem>>
      %dma_start3A_127 = arith.constant 0 : i32
      %dma_start3A_128 = arith.constant 0 : i32
      %dma_start3A_129 = tpu.memref_slice %arg4[%add3A, %run_scoped3A_5, %dma_start3A_127, %dma_start3A_128] : memref<32x5x25x80xi32, #tpu.memory_space<hbm>> -> memref<1x1x25x80xi32, #tpu.memory_space<hbm>>
      %dma_start3A_130 = tpu.memref_squeeze %dma_start3A_129 : memref<1x1x25x80xi32, #tpu.memory_space<hbm>> -> memref<25x80xi32, #tpu.memory_space<hbm>>
      %dma_start3A_131 = arith.constant 0 : i32
      %dma_start3A_132 = arith.constant 0 : i32
      %dma_start3A_133 = tpu.memref_slice %arg4[%add3A, %run_scoped3A_5, %dma_start3A_131, %dma_start3A_132] : memref<32x5x25x80xi32, #tpu.memory_space<hbm>> -> memref<1x1x25x80xi32, #tpu.memory_space<hbm>>
      %dma_start3A_134 = tpu.memref_squeeze %dma_start3A_133 : memref<1x1x25x80xi32, #tpu.memory_space<hbm>> -> memref<25x80xi32, #tpu.memory_space<hbm>>
      tpu.enqueue_dma source(%dma_start3A_134 : memref<25x80xi32, #tpu.memory_space<hbm>>) target(%arg8 : memref<25x80xi32, #tpu.memory_space<vmem>>) target_semaphore(%run_scoped3A_126 : memref<!tpu.dma_semaphore, #tpu.memory_space<semaphore_mem>>)
      %dma_wait3A_135 = arith.constant 0 : i32
      %dma_wait3A_136 = arith.constant 0 : i32
      %dma_wait3A_137 = tpu.memref_slice %arg4[%add3A, %run_scoped3A_5, %dma_wait3A_135, %dma_wait3A_136] : memref<32x5x25x80xi32, #tpu.memory_space<hbm>> -> memref<1x1x25x80xi32, #tpu.memory_space<hbm>>
      %dma_wait3A_138 = tpu.memref_squeeze %dma_wait3A_137 : memref<1x1x25x80xi32, #tpu.memory_space<hbm>> -> memref<25x80xi32, #tpu.memory_space<hbm>>
      %dma_wait3A_139 = arith.constant 0 : i32
      %dma_wait3A_140 = arith.constant 0 : i32
      %dma_wait3A_141 = tpu.memref_slice %arg4[%add3A, %run_scoped3A_5, %dma_wait3A_139, %dma_wait3A_140] : memref<32x5x25x80xi32, #tpu.memory_space<hbm>> -> memref<1x1x25x80xi32, #tpu.memory_space<hbm>>
      %dma_wait3A_142 = tpu.memref_squeeze %dma_wait3A_141 : memref<1x1x25x80xi32, #tpu.memory_space<hbm>> -> memref<25x80xi32, #tpu.memory_space<hbm>>
      tpu.wait_dma2 semaphore(%run_scoped3A_126 : memref<!tpu.dma_semaphore, #tpu.memory_space<semaphore_mem>>) src(%dma_wait3A_142 : memref<25x80xi32, #tpu.memory_space<hbm>>) dst(%arg8 : memref<25x80xi32, #tpu.memory_space<vmem>>)
      tpu.yield
    }) : () -> ()
    %dma_start3A = arith.constant 0 : i32
    %dma_start3A_6 = arith.constant 0 : i32
    %dma_start3A_7 = tpu.memref_slice %arg7[%dma_start3A, %dma_start3A_6] : memref<25x80xi32, #tpu.memory_space<vmem>> -> memref<1x80xi32, #tpu.memory_space<vmem>>
    %dma_start3A_8 = tpu.memref_squeeze %dma_start3A_7 : memref<1x80xi32, #tpu.memory_space<vmem>> -> memref<80xi32, #tpu.memory_space<vmem>>
    %dma_start3A_9 = arith.constant 0 : i32
    %dma_start3A_10 = arith.constant 0 : i32
    %dma_start3A_11 = tpu.memref_slice %arg2[%dma_start3A_9, %dma_start3A_10] : memref<10000x128xf32, #tpu.memory_space<hbm>> -> memref<10000x128xf32, #tpu.memory_space<hbm>>
    tpu.enqueue_indirect_dma source(%dma_start3A_11 : memref<10000x128xf32, #tpu.memory_space<hbm>>) target(%arg9 : memref<80x128xf32, #tpu.memory_space<vmem>>) offsets(%dma_start3A_8 : memref<80xi32, #tpu.memory_space<vmem>>) semaphore(%arg12 : memref<!tpu.dma_semaphore, #tpu.memory_space<semaphore_mem>>)
    %scan3A = arith.constant 0 : i32
    %scan3A_12 = arith.constant 0 : i32
    %scan3A_13 = arith.constant 12 : i32
    %scan3A_14 = arith.addi %scan3A_12, %scan3A_13 : i32
    %scan3A_15 = arith.constant 1 : i32
    scf.for %scan3A_126 = %scan3A_12 to %scan3A_14 step %scan3A_15  : i32 {
      %mul3A_127 = arith.constant 2 : i32
      %mul3A_128 = arith.muli %mul3A_127, %scan3A_126 : i32
      %add3A_129 = arith.constant 1 : i32
      %add3A_130 = arith.addi %mul3A_128, %add3A_129 : i32
      %dma_start3A_131 = arith.constant 0 : i32
      %dma_start3A_132 = tpu.memref_slice %arg7[%add3A_130, %dma_start3A_131] : memref<25x80xi32, #tpu.memory_space<vmem>> -> memref<1x80xi32, #tpu.memory_space<vmem>>
      %dma_start3A_133 = tpu.memref_squeeze %dma_start3A_132 : memref<1x80xi32, #tpu.memory_space<vmem>> -> memref<80xi32, #tpu.memory_space<vmem>>
      %dma_start3A_134 = arith.constant 0 : i32
      %dma_start3A_135 = arith.constant 0 : i32
      %dma_start3A_136 = tpu.memref_slice %arg2[%dma_start3A_134, %dma_start3A_135] : memref<10000x128xf32, #tpu.memory_space<hbm>> -> memref<10000x128xf32, #tpu.memory_space<hbm>>
      tpu.enqueue_indirect_dma source(%dma_start3A_136 : memref<10000x128xf32, #tpu.memory_space<hbm>>) target(%arg10 : memref<80x128xf32, #tpu.memory_space<vmem>>) offsets(%dma_start3A_133 : memref<80xi32, #tpu.memory_space<vmem>>) semaphore(%arg13 : memref<!tpu.dma_semaphore, #tpu.memory_space<semaphore_mem>>)
      %dma_wait3A_137 = arith.constant 0 : i32
      %dma_wait3A_138 = tpu.memref_slice %arg7[%mul3A_128, %dma_wait3A_137] : memref<25x80xi32, #tpu.memory_space<vmem>> -> memref<1x80xi32, #tpu.memory_space<vmem>>
      %dma_wait3A_139 = tpu.memref_squeeze %dma_wait3A_138 : memref<1x80xi32, #tpu.memory_space<vmem>> -> memref<80xi32, #tpu.memory_space<vmem>>
      %dma_wait3A_140 = arith.constant 0 : i32
      %dma_wait3A_141 = arith.constant 0 : i32
      %dma_wait3A_142 = tpu.memref_slice %arg2[%dma_wait3A_140, %dma_wait3A_141] : memref<10000x128xf32, #tpu.memory_space<hbm>> -> memref<10000x128xf32, #tpu.memory_space<hbm>>
      tpu.wait_indirect_dma semaphore(%arg12 : memref<!tpu.dma_semaphore, #tpu.memory_space<semaphore_mem>>) src(%dma_wait3A_142 : memref<10000x128xf32, #tpu.memory_space<hbm>>) dst(%arg9 : memref<80x128xf32, #tpu.memory_space<vmem>>)
      "tpu.region"() ({
        %run_scoped3A_161 = tpu.sem_alloc : memref<!tpu.dma_semaphore, #tpu.memory_space<semaphore_mem>>
        %dma_start3A_162 = arith.constant 0 : i32
        %dma_start3A_163 = tpu.memref_slice %arg8[%mul3A_128, %dma_start3A_162] : memref<25x80xi32, #tpu.memory_space<vmem>> -> memref<1x80xi32, #tpu.memory_space<vmem>>
        %dma_start3A_164 = tpu.memref_squeeze %dma_start3A_163 : memref<1x80xi32, #tpu.memory_space<vmem>> -> memref<80xi32, #tpu.memory_space<vmem>>
        %dma_start3A_165 = arith.constant 0 : i32
        %dma_start3A_166 = arith.constant 0 : i32
        %dma_start3A_167 = tpu.memref_slice %arg11[%dma_start3A_165, %dma_start3A_166] : memref<10000x128xf32, #tpu.memory_space<vmem_shared>> -> memref<10000x128xf32, #tpu.memory_space<vmem_shared>>
        tpu.enqueue_indirect_dma source(%arg9 : memref<80x128xf32, #tpu.memory_space<vmem>>) target(%dma_start3A_167 : memref<10000x128xf32, #tpu.memory_space<vmem_shared>>) offsets(%dma_start3A_164 : memref<80xi32, #tpu.memory_space<vmem>>) semaphore(%run_scoped3A_161 : memref<!tpu.dma_semaphore, #tpu.memory_space<semaphore_mem>>) {add = true}
        %dma_wait3A_168 = arith.constant 0 : i32
        %dma_wait3A_169 = tpu.memref_slice %arg8[%mul3A_128, %dma_wait3A_168] : memref<25x80xi32, #tpu.memory_space<vmem>> -> memref<1x80xi32, #tpu.memory_space<vmem>>
        %dma_wait3A_170 = tpu.memref_squeeze %dma_wait3A_169 : memref<1x80xi32, #tpu.memory_space<vmem>> -> memref<80xi32, #tpu.memory_space<vmem>>
        %dma_wait3A_171 = arith.constant 0 : i32
        %dma_wait3A_172 = arith.constant 0 : i32
        %dma_wait3A_173 = tpu.memref_slice %arg11[%dma_wait3A_171, %dma_wait3A_172] : memref<10000x128xf32, #tpu.memory_space<vmem_shared>> -> memref<10000x128xf32, #tpu.memory_space<vmem_shared>>
        tpu.wait_indirect_dma semaphore(%run_scoped3A_161 : memref<!tpu.dma_semaphore, #tpu.memory_space<semaphore_mem>>) src(%arg9 : memref<80x128xf32, #tpu.memory_space<vmem>>) dst(%dma_wait3A_173 : memref<10000x128xf32, #tpu.memory_space<vmem_shared>>)
        tpu.yield
      }) : () -> ()
      %add3A_143 = arith.constant 2 : i32
      %add3A_144 = arith.addi %mul3A_128, %add3A_143 : i32
      %dma_start3A_145 = arith.constant 0 : i32
      %dma_start3A_146 = tpu.memref_slice %arg7[%add3A_144, %dma_start3A_145] : memref<25x80xi32, #tpu.memory_space<vmem>> -> memref<1x80xi32, #tpu.memory_space<vmem>>
      %dma_start3A_147 = tpu.memref_squeeze %dma_start3A_146 : memref<1x80xi32, #tpu.memory_space<vmem>> -> memref<80xi32, #tpu.memory_space<vmem>>
      %dma_start3A_148 = arith.constant 0 : i32
      %dma_start3A_149 = arith.constant 0 : i32
      %dma_start3A_150 = tpu.memref_slice %arg2[%dma_start3A_148, %dma_start3A_149] : memref<10000x128xf32, #tpu.memory_space<hbm>> -> memref<10000x128xf32, #tpu.memory_space<hbm>>
      tpu.enqueue_indirect_dma source(%dma_start3A_150 : memref<10000x128xf32, #tpu.memory_space<hbm>>) target(%arg9 : memref<80x128xf32, #tpu.memory_space<vmem>>) offsets(%dma_start3A_147 : memref<80xi32, #tpu.memory_space<vmem>>) semaphore(%arg12 : memref<!tpu.dma_semaphore, #tpu.memory_space<semaphore_mem>>)
      %add3A_151 = arith.constant 1 : i32
      %add3A_152 = arith.addi %mul3A_128, %add3A_151 : i32
      %dma_wait3A_153 = arith.constant 0 : i32
      %dma_wait3A_154 = tpu.memref_slice %arg7[%add3A_152, %dma_wait3A_153] : memref<25x80xi32, #tpu.memory_space<vmem>> -> memref<1x80xi32, #tpu.memory_space<vmem>>
      %dma_wait3A_155 = tpu.memref_squeeze %dma_wait3A_154 : memref<1x80xi32, #tpu.memory_space<vmem>> -> memref<80xi32, #tpu.memory_space<vmem>>
      %dma_wait3A_156 = arith.constant 0 : i32
      %dma_wait3A_157 = arith.constant 0 : i32
      %dma_wait3A_158 = tpu.memref_slice %arg2[%dma_wait3A_156, %dma_wait3A_157] : memref<10000x128xf32, #tpu.memory_space<hbm>> -> memref<10000x128xf32, #tpu.memory_space<hbm>>
      tpu.wait_indirect_dma semaphore(%arg13 : memref<!tpu.dma_semaphore, #tpu.memory_space<semaphore_mem>>) src(%dma_wait3A_158 : memref<10000x128xf32, #tpu.memory_space<hbm>>) dst(%arg10 : memref<80x128xf32, #tpu.memory_space<vmem>>)
      %add3A_159 = arith.constant 1 : i32
      %add3A_160 = arith.addi %mul3A_128, %add3A_159 : i32
      "tpu.region"() ({
        %run_scoped3A_161 = tpu.sem_alloc : memref<!tpu.dma_semaphore, #tpu.memory_space<semaphore_mem>>
        %dma_start3A_162 = arith.constant 0 : i32
        %dma_start3A_163 = tpu.memref_slice %arg8[%add3A_160, %dma_start3A_162] : memref<25x80xi32, #tpu.memory_space<vmem>> -> memref<1x80xi32, #tpu.memory_space<vmem>>
        %dma_start3A_164 = tpu.memref_squeeze %dma_start3A_163 : memref<1x80xi32, #tpu.memory_space<vmem>> -> memref<80xi32, #tpu.memory_space<vmem>>
        %dma_start3A_165 = arith.constant 0 : i32
        %dma_start3A_166 = arith.constant 0 : i32
        %dma_start3A_167 = tpu.memref_slice %arg11[%dma_start3A_165, %dma_start3A_166] : memref<10000x128xf32, #tpu.memory_space<vmem_shared>> -> memref<10000x128xf32, #tpu.memory_space<vmem_shared>>
        tpu.enqueue_indirect_dma source(%arg10 : memref<80x128xf32, #tpu.memory_space<vmem>>) target(%dma_start3A_167 : memref<10000x128xf32, #tpu.memory_space<vmem_shared>>) offsets(%dma_start3A_164 : memref<80xi32, #tpu.memory_space<vmem>>) semaphore(%run_scoped3A_161 : memref<!tpu.dma_semaphore, #tpu.memory_space<semaphore_mem>>) {add = true}
        %dma_wait3A_168 = arith.constant 0 : i32
        %dma_wait3A_169 = tpu.memref_slice %arg8[%add3A_160, %dma_wait3A_168] : memref<25x80xi32, #tpu.memory_space<vmem>> -> memref<1x80xi32, #tpu.memory_space<vmem>>
        %dma_wait3A_170 = tpu.memref_squeeze %dma_wait3A_169 : memref<1x80xi32, #tpu.memory_space<vmem>> -> memref<80xi32, #tpu.memory_space<vmem>>
        %dma_wait3A_171 = arith.constant 0 : i32
        %dma_wait3A_172 = arith.constant 0 : i32
        %dma_wait3A_173 = tpu.memref_slice %arg11[%dma_wait3A_171, %dma_wait3A_172] : memref<10000x128xf32, #tpu.memory_space<vmem_shared>> -> memref<10000x128xf32, #tpu.memory_space<vmem_shared>>
        tpu.wait_indirect_dma semaphore(%run_scoped3A_161 : memref<!tpu.dma_semaphore, #tpu.memory_space<semaphore_mem>>) src(%arg10 : memref<80x128xf32, #tpu.memory_space<vmem>>) dst(%dma_wait3A_173 : memref<10000x128xf32, #tpu.memory_space<vmem_shared>>)
        tpu.yield
      }) : () -> ()
    }
    %scan3A_16 = arith.constant 12 : i32
    %dma_wait3A = arith.constant 24 : i32
    %dma_wait3A_17 = arith.constant 0 : i32
    %dma_wait3A_18 = tpu.memref_slice %arg7[%dma_wait3A, %dma_wait3A_17] : memref<25x80xi32, #tpu.memory_space<vmem>> -> memref<1x80xi32, #tpu.memory_space<vmem>>
    %dma_wait3A_19 = tpu.memref_squeeze %dma_wait3A_18 : memref<1x80xi32, #tpu.memory_space<vmem>> -> memref<80xi32, #tpu.memory_space<vmem>>
    %dma_wait3A_20 = arith.constant 0 : i32
    %dma_wait3A_21 = arith.constant 0 : i32
    %dma_wait3A_22 = tpu.memref_slice %arg2[%dma_wait3A_20, %dma_wait3A_21] : memref<10000x128xf32, #tpu.memory_space<hbm>> -> memref<10000x128xf32, #tpu.memory_space<hbm>>
    tpu.wait_indirect_dma semaphore(%arg12 : memref<!tpu.dma_semaphore, #tpu.memory_space<semaphore_mem>>) src(%dma_wait3A_22 : memref<10000x128xf32, #tpu.memory_space<hbm>>) dst(%arg9 : memref<80x128xf32, #tpu.memory_space<vmem>>)
    %run_scoped3A_23 = arith.constant 24 : i32
    "tpu.region"() ({
      %run_scoped3A_126 = tpu.sem_alloc : memref<!tpu.dma_semaphore, #tpu.memory_space<semaphore_mem>>
      %dma_start3A_127 = arith.constant 0 : i32
      %dma_start3A_128 = tpu.memref_slice %arg8[%run_scoped3A_23, %dma_start3A_127] : memref<25x80xi32, #tpu.memory_space<vmem>> -> memref<1x80xi32, #tpu.memory_space<vmem>>
      %dma_start3A_129 = tpu.memref_squeeze %dma_start3A_128 : memref<1x80xi32, #tpu.memory_space<vmem>> -> memref<80xi32, #tpu.memory_space<vmem>>
      %dma_start3A_130 = arith.constant 0 : i32
      %dma_start3A_131 = arith.constant 0 : i32
      %dma_start3A_132 = tpu.memref_slice %arg11[%dma_start3A_130, %dma_start3A_131] : memref<10000x128xf32, #tpu.memory_space<vmem_shared>> -> memref<10000x128xf32, #tpu.memory_space<vmem_shared>>
      tpu.enqueue_indirect_dma source(%arg9 : memref<80x128xf32, #tpu.memory_space<vmem>>) target(%dma_start3A_132 : memref<10000x128xf32, #tpu.memory_space<vmem_shared>>) offsets(%dma_start3A_129 : memref<80xi32, #tpu.memory_space<vmem>>) semaphore(%run_scoped3A_126 : memref<!tpu.dma_semaphore, #tpu.memory_space<semaphore_mem>>) {add = true}
      %dma_wait3A_133 = arith.constant 0 : i32
      %dma_wait3A_134 = tpu.memref_slice %arg8[%run_scoped3A_23, %dma_wait3A_133] : memref<25x80xi32, #tpu.memory_space<vmem>> -> memref<1x80xi32, #tpu.memory_space<vmem>>
      %dma_wait3A_135 = tpu.memref_squeeze %dma_wait3A_134 : memref<1x80xi32, #tpu.memory_space<vmem>> -> memref<80xi32, #tpu.memory_space<vmem>>
      %dma_wait3A_136 = arith.constant 0 : i32
      %dma_wait3A_137 = arith.constant 0 : i32
      %dma_wait3A_138 = tpu.memref_slice %arg11[%dma_wait3A_136, %dma_wait3A_137] : memref<10000x128xf32, #tpu.memory_space<vmem_shared>> -> memref<10000x128xf32, #tpu.memory_space<vmem_shared>>
      tpu.wait_indirect_dma semaphore(%run_scoped3A_126 : memref<!tpu.dma_semaphore, #tpu.memory_space<semaphore_mem>>) src(%arg9 : memref<80x128xf32, #tpu.memory_space<vmem>>) dst(%dma_wait3A_138 : memref<10000x128xf32, #tpu.memory_space<vmem_shared>>)
      tpu.yield
    }) : () -> ()
    %run_scoped3A_24 = arith.constant 1 : i32
    "tpu.region"() ({
      %run_scoped3A_126 = tpu.sem_alloc : memref<!tpu.dma_semaphore, #tpu.memory_space<semaphore_mem>>
      %dma_start3A_127 = arith.constant 0 : i32
      %dma_start3A_128 = arith.constant 0 : i32
      %dma_start3A_129 = tpu.memref_slice %arg3[%add3A, %run_scoped3A_24, %dma_start3A_127, %dma_start3A_128] : memref<32x5x25x80xi32, #tpu.memory_space<hbm>> -> memref<1x1x25x80xi32, #tpu.memory_space<hbm>>
      %dma_start3A_130 = tpu.memref_squeeze %dma_start3A_129 : memref<1x1x25x80xi32, #tpu.memory_space<hbm>> -> memref<25x80xi32, #tpu.memory_space<hbm>>
      %dma_start3A_131 = arith.constant 0 : i32
      %dma_start3A_132 = arith.constant 0 : i32
      %dma_start3A_133 = tpu.memref_slice %arg3[%add3A, %run_scoped3A_24, %dma_start3A_131, %dma_start3A_132] : memref<32x5x25x80xi32, #tpu.memory_space<hbm>> -> memref<1x1x25x80xi32, #tpu.memory_space<hbm>>
      %dma_start3A_134 = tpu.memref_squeeze %dma_start3A_133 : memref<1x1x25x80xi32, #tpu.memory_space<hbm>> -> memref<25x80xi32, #tpu.memory_space<hbm>>
      tpu.enqueue_dma source(%dma_start3A_134 : memref<25x80xi32, #tpu.memory_space<hbm>>) target(%arg7 : memref<25x80xi32, #tpu.memory_space<vmem>>) target_semaphore(%run_scoped3A_126 : memref<!tpu.dma_semaphore, #tpu.memory_space<semaphore_mem>>)
      %dma_wait3A_135 = arith.constant 0 : i32
      %dma_wait3A_136 = arith.constant 0 : i32
      %dma_wait3A_137 = tpu.memref_slice %arg3[%add3A, %run_scoped3A_24, %dma_wait3A_135, %dma_wait3A_136] : memref<32x5x25x80xi32, #tpu.memory_space<hbm>> -> memref<1x1x25x80xi32, #tpu.memory_space<hbm>>
      %dma_wait3A_138 = tpu.memref_squeeze %dma_wait3A_137 : memref<1x1x25x80xi32, #tpu.memory_space<hbm>> -> memref<25x80xi32, #tpu.memory_space<hbm>>
      %dma_wait3A_139 = arith.constant 0 : i32
      %dma_wait3A_140 = arith.constant 0 : i32
      %dma_wait3A_141 = tpu.memref_slice %arg3[%add3A, %run_scoped3A_24, %dma_wait3A_139, %dma_wait3A_140] : memref<32x5x25x80xi32, #tpu.memory_space<hbm>> -> memref<1x1x25x80xi32, #tpu.memory_space<hbm>>
      %dma_wait3A_142 = tpu.memref_squeeze %dma_wait3A_141 : memref<1x1x25x80xi32, #tpu.memory_space<hbm>> -> memref<25x80xi32, #tpu.memory_space<hbm>>
      tpu.wait_dma2 semaphore(%run_scoped3A_126 : memref<!tpu.dma_semaphore, #tpu.memory_space<semaphore_mem>>) src(%dma_wait3A_142 : memref<25x80xi32, #tpu.memory_space<hbm>>) dst(%arg7 : memref<25x80xi32, #tpu.memory_space<vmem>>)
      tpu.yield
    }) : () -> ()
    %run_scoped3A_25 = arith.constant 1 : i32
    "tpu.region"() ({
      %run_scoped3A_126 = tpu.sem_alloc : memref<!tpu.dma_semaphore, #tpu.memory_space<semaphore_mem>>
      %dma_start3A_127 = arith.constant 0 : i32
      %dma_start3A_128 = arith.constant 0 : i32
      %dma_start3A_129 = tpu.memref_slice %arg4[%add3A, %run_scoped3A_25, %dma_start3A_127, %dma_start3A_128] : memref<32x5x25x80xi32, #tpu.memory_space<hbm>> -> memref<1x1x25x80xi32, #tpu.memory_space<hbm>>
      %dma_start3A_130 = tpu.memref_squeeze %dma_start3A_129 : memref<1x1x25x80xi32, #tpu.memory_space<hbm>> -> memref<25x80xi32, #tpu.memory_space<hbm>>
      %dma_start3A_131 = arith.constant 0 : i32
      %dma_start3A_132 = arith.constant 0 : i32
      %dma_start3A_133 = tpu.memref_slice %arg4[%add3A, %run_scoped3A_25, %dma_start3A_131, %dma_start3A_132] : memref<32x5x25x80xi32, #tpu.memory_space<hbm>> -> memref<1x1x25x80xi32, #tpu.memory_space<hbm>>
      %dma_start3A_134 = tpu.memref_squeeze %dma_start3A_133 : memref<1x1x25x80xi32, #tpu.memory_space<hbm>> -> memref<25x80xi32, #tpu.memory_space<hbm>>
      tpu.enqueue_dma source(%dma_start3A_134 : memref<25x80xi32, #tpu.memory_space<hbm>>) target(%arg8 : memref<25x80xi32, #tpu.memory_space<vmem>>) target_semaphore(%run_scoped3A_126 : memref<!tpu.dma_semaphore, #tpu.memory_space<semaphore_mem>>)
      %dma_wait3A_135 = arith.constant 0 : i32
      %dma_wait3A_136 = arith.constant 0 : i32
      %dma_wait3A_137 = tpu.memref_slice %arg4[%add3A, %run_scoped3A_25, %dma_wait3A_135, %dma_wait3A_136] : memref<32x5x25x80xi32, #tpu.memory_space<hbm>> -> memref<1x1x25x80xi32, #tpu.memory_space<hbm>>
      %dma_wait3A_138 = tpu.memref_squeeze %dma_wait3A_137 : memref<1x1x25x80xi32, #tpu.memory_space<hbm>> -> memref<25x80xi32, #tpu.memory_space<hbm>>
      %dma_wait3A_139 = arith.constant 0 : i32
      %dma_wait3A_140 = arith.constant 0 : i32
      %dma_wait3A_141 = tpu.memref_slice %arg4[%add3A, %run_scoped3A_25, %dma_wait3A_139, %dma_wait3A_140] : memref<32x5x25x80xi32, #tpu.memory_space<hbm>> -> memref<1x1x25x80xi32, #tpu.memory_space<hbm>>
      %dma_wait3A_142 = tpu.memref_squeeze %dma_wait3A_141 : memref<1x1x25x80xi32, #tpu.memory_space<hbm>> -> memref<25x80xi32, #tpu.memory_space<hbm>>
      tpu.wait_dma2 semaphore(%run_scoped3A_126 : memref<!tpu.dma_semaphore, #tpu.memory_space<semaphore_mem>>) src(%dma_wait3A_142 : memref<25x80xi32, #tpu.memory_space<hbm>>) dst(%arg8 : memref<25x80xi32, #tpu.memory_space<vmem>>)
      tpu.yield
    }) : () -> ()
    %dma_start3A_26 = arith.constant 0 : i32
    %dma_start3A_27 = arith.constant 0 : i32
    %dma_start3A_28 = tpu.memref_slice %arg7[%dma_start3A_26, %dma_start3A_27] : memref<25x80xi32, #tpu.memory_space<vmem>> -> memref<1x80xi32, #tpu.memory_space<vmem>>
    %dma_start3A_29 = tpu.memref_squeeze %dma_start3A_28 : memref<1x80xi32, #tpu.memory_space<vmem>> -> memref<80xi32, #tpu.memory_space<vmem>>
    %dma_start3A_30 = arith.constant 0 : i32
    %dma_start3A_31 = arith.constant 0 : i32
    %dma_start3A_32 = tpu.memref_slice %arg2[%dma_start3A_30, %dma_start3A_31] : memref<10000x128xf32, #tpu.memory_space<hbm>> -> memref<10000x128xf32, #tpu.memory_space<hbm>>
    tpu.enqueue_indirect_dma source(%dma_start3A_32 : memref<10000x128xf32, #tpu.memory_space<hbm>>) target(%arg9 : memref<80x128xf32, #tpu.memory_space<vmem>>) offsets(%dma_start3A_29 : memref<80xi32, #tpu.memory_space<vmem>>) semaphore(%arg12 : memref<!tpu.dma_semaphore, #tpu.memory_space<semaphore_mem>>)
    %scan3A_33 = arith.constant 0 : i32
    %scan3A_34 = arith.constant 0 : i32
    %scan3A_35 = arith.constant 12 : i32
    %scan3A_36 = arith.addi %scan3A_34, %scan3A_35 : i32
    %scan3A_37 = arith.constant 1 : i32
    scf.for %scan3A_126 = %scan3A_34 to %scan3A_36 step %scan3A_37  : i32 {
      %mul3A_127 = arith.constant 2 : i32
      %mul3A_128 = arith.muli %mul3A_127, %scan3A_126 : i32
      %add3A_129 = arith.constant 1 : i32
      %add3A_130 = arith.addi %mul3A_128, %add3A_129 : i32
      %dma_start3A_131 = arith.constant 0 : i32
      %dma_start3A_132 = tpu.memref_slice %arg7[%add3A_130, %dma_start3A_131] : memref<25x80xi32, #tpu.memory_space<vmem>> -> memref<1x80xi32, #tpu.memory_space<vmem>>
      %dma_start3A_133 = tpu.memref_squeeze %dma_start3A_132 : memref<1x80xi32, #tpu.memory_space<vmem>> -> memref<80xi32, #tpu.memory_space<vmem>>
      %dma_start3A_134 = arith.constant 0 : i32
      %dma_start3A_135 = arith.constant 0 : i32
      %dma_start3A_136 = tpu.memref_slice %arg2[%dma_start3A_134, %dma_start3A_135] : memref<10000x128xf32, #tpu.memory_space<hbm>> -> memref<10000x128xf32, #tpu.memory_space<hbm>>
      tpu.enqueue_indirect_dma source(%dma_start3A_136 : memref<10000x128xf32, #tpu.memory_space<hbm>>) target(%arg10 : memref<80x128xf32, #tpu.memory_space<vmem>>) offsets(%dma_start3A_133 : memref<80xi32, #tpu.memory_space<vmem>>) semaphore(%arg13 : memref<!tpu.dma_semaphore, #tpu.memory_space<semaphore_mem>>)
      %dma_wait3A_137 = arith.constant 0 : i32
      %dma_wait3A_138 = tpu.memref_slice %arg7[%mul3A_128, %dma_wait3A_137] : memref<25x80xi32, #tpu.memory_space<vmem>> -> memref<1x80xi32, #tpu.memory_space<vmem>>
      %dma_wait3A_139 = tpu.memref_squeeze %dma_wait3A_138 : memref<1x80xi32, #tpu.memory_space<vmem>> -> memref<80xi32, #tpu.memory_space<vmem>>
      %dma_wait3A_140 = arith.constant 0 : i32
      %dma_wait3A_141 = arith.constant 0 : i32
      %dma_wait3A_142 = tpu.memref_slice %arg2[%dma_wait3A_140, %dma_wait3A_141] : memref<10000x128xf32, #tpu.memory_space<hbm>> -> memref<10000x128xf32, #tpu.memory_space<hbm>>
      tpu.wait_indirect_dma semaphore(%arg12 : memref<!tpu.dma_semaphore, #tpu.memory_space<semaphore_mem>>) src(%dma_wait3A_142 : memref<10000x128xf32, #tpu.memory_space<hbm>>) dst(%arg9 : memref<80x128xf32, #tpu.memory_space<vmem>>)
      "tpu.region"() ({
        %run_scoped3A_161 = tpu.sem_alloc : memref<!tpu.dma_semaphore, #tpu.memory_space<semaphore_mem>>
        %dma_start3A_162 = arith.constant 0 : i32
        %dma_start3A_163 = tpu.memref_slice %arg8[%mul3A_128, %dma_start3A_162] : memref<25x80xi32, #tpu.memory_space<vmem>> -> memref<1x80xi32, #tpu.memory_space<vmem>>
        %dma_start3A_164 = tpu.memref_squeeze %dma_start3A_163 : memref<1x80xi32, #tpu.memory_space<vmem>> -> memref<80xi32, #tpu.memory_space<vmem>>
        %dma_start3A_165 = arith.constant 0 : i32
        %dma_start3A_166 = arith.constant 0 : i32
        %dma_start3A_167 = tpu.memref_slice %arg11[%dma_start3A_165, %dma_start3A_166] : memref<10000x128xf32, #tpu.memory_space<vmem_shared>> -> memref<10000x128xf32, #tpu.memory_space<vmem_shared>>
        tpu.enqueue_indirect_dma source(%arg9 : memref<80x128xf32, #tpu.memory_space<vmem>>) target(%dma_start3A_167 : memref<10000x128xf32, #tpu.memory_space<vmem_shared>>) offsets(%dma_start3A_164 : memref<80xi32, #tpu.memory_space<vmem>>) semaphore(%run_scoped3A_161 : memref<!tpu.dma_semaphore, #tpu.memory_space<semaphore_mem>>) {add = true}
        %dma_wait3A_168 = arith.constant 0 : i32
        %dma_wait3A_169 = tpu.memref_slice %arg8[%mul3A_128, %dma_wait3A_168] : memref<25x80xi32, #tpu.memory_space<vmem>> -> memref<1x80xi32, #tpu.memory_space<vmem>>
        %dma_wait3A_170 = tpu.memref_squeeze %dma_wait3A_169 : memref<1x80xi32, #tpu.memory_space<vmem>> -> memref<80xi32, #tpu.memory_space<vmem>>
        %dma_wait3A_171 = arith.constant 0 : i32
        %dma_wait3A_172 = arith.constant 0 : i32
        %dma_wait3A_173 = tpu.memref_slice %arg11[%dma_wait3A_171, %dma_wait3A_172] : memref<10000x128xf32, #tpu.memory_space<vmem_shared>> -> memref<10000x128xf32, #tpu.memory_space<vmem_shared>>
        tpu.wait_indirect_dma semaphore(%run_scoped3A_161 : memref<!tpu.dma_semaphore, #tpu.memory_space<semaphore_mem>>) src(%arg9 : memref<80x128xf32, #tpu.memory_space<vmem>>) dst(%dma_wait3A_173 : memref<10000x128xf32, #tpu.memory_space<vmem_shared>>)
        tpu.yield
      }) : () -> ()
      %add3A_143 = arith.constant 2 : i32
      %add3A_144 = arith.addi %mul3A_128, %add3A_143 : i32
      %dma_start3A_145 = arith.constant 0 : i32
      %dma_start3A_146 = tpu.memref_slice %arg7[%add3A_144, %dma_start3A_145] : memref<25x80xi32, #tpu.memory_space<vmem>> -> memref<1x80xi32, #tpu.memory_space<vmem>>
      %dma_start3A_147 = tpu.memref_squeeze %dma_start3A_146 : memref<1x80xi32, #tpu.memory_space<vmem>> -> memref<80xi32, #tpu.memory_space<vmem>>
      %dma_start3A_148 = arith.constant 0 : i32
      %dma_start3A_149 = arith.constant 0 : i32
      %dma_start3A_150 = tpu.memref_slice %arg2[%dma_start3A_148, %dma_start3A_149] : memref<10000x128xf32, #tpu.memory_space<hbm>> -> memref<10000x128xf32, #tpu.memory_space<hbm>>
      tpu.enqueue_indirect_dma source(%dma_start3A_150 : memref<10000x128xf32, #tpu.memory_space<hbm>>) target(%arg9 : memref<80x128xf32, #tpu.memory_space<vmem>>) offsets(%dma_start3A_147 : memref<80xi32, #tpu.memory_space<vmem>>) semaphore(%arg12 : memref<!tpu.dma_semaphore, #tpu.memory_space<semaphore_mem>>)
      %add3A_151 = arith.constant 1 : i32
      %add3A_152 = arith.addi %mul3A_128, %add3A_151 : i32
      %dma_wait3A_153 = arith.constant 0 : i32
      %dma_wait3A_154 = tpu.memref_slice %arg7[%add3A_152, %dma_wait3A_153] : memref<25x80xi32, #tpu.memory_space<vmem>> -> memref<1x80xi32, #tpu.memory_space<vmem>>
      %dma_wait3A_155 = tpu.memref_squeeze %dma_wait3A_154 : memref<1x80xi32, #tpu.memory_space<vmem>> -> memref<80xi32, #tpu.memory_space<vmem>>
      %dma_wait3A_156 = arith.constant 0 : i32
      %dma_wait3A_157 = arith.constant 0 : i32
      %dma_wait3A_158 = tpu.memref_slice %arg2[%dma_wait3A_156, %dma_wait3A_157] : memref<10000x128xf32, #tpu.memory_space<hbm>> -> memref<10000x128xf32, #tpu.memory_space<hbm>>
      tpu.wait_indirect_dma semaphore(%arg13 : memref<!tpu.dma_semaphore, #tpu.memory_space<semaphore_mem>>) src(%dma_wait3A_158 : memref<10000x128xf32, #tpu.memory_space<hbm>>) dst(%arg10 : memref<80x128xf32, #tpu.memory_space<vmem>>)
      %add3A_159 = arith.constant 1 : i32
      %add3A_160 = arith.addi %mul3A_128, %add3A_159 : i32
      "tpu.region"() ({
        %run_scoped3A_161 = tpu.sem_alloc : memref<!tpu.dma_semaphore, #tpu.memory_space<semaphore_mem>>
        %dma_start3A_162 = arith.constant 0 : i32
        %dma_start3A_163 = tpu.memref_slice %arg8[%add3A_160, %dma_start3A_162] : memref<25x80xi32, #tpu.memory_space<vmem>> -> memref<1x80xi32, #tpu.memory_space<vmem>>
        %dma_start3A_164 = tpu.memref_squeeze %dma_start3A_163 : memref<1x80xi32, #tpu.memory_space<vmem>> -> memref<80xi32, #tpu.memory_space<vmem>>
        %dma_start3A_165 = arith.constant 0 : i32
        %dma_start3A_166 = arith.constant 0 : i32
        %dma_start3A_167 = tpu.memref_slice %arg11[%dma_start3A_165, %dma_start3A_166] : memref<10000x128xf32, #tpu.memory_space<vmem_shared>> -> memref<10000x128xf32, #tpu.memory_space<vmem_shared>>
        tpu.enqueue_indirect_dma source(%arg10 : memref<80x128xf32, #tpu.memory_space<vmem>>) target(%dma_start3A_167 : memref<10000x128xf32, #tpu.memory_space<vmem_shared>>) offsets(%dma_start3A_164 : memref<80xi32, #tpu.memory_space<vmem>>) semaphore(%run_scoped3A_161 : memref<!tpu.dma_semaphore, #tpu.memory_space<semaphore_mem>>) {add = true}
        %dma_wait3A_168 = arith.constant 0 : i32
        %dma_wait3A_169 = tpu.memref_slice %arg8[%add3A_160, %dma_wait3A_168] : memref<25x80xi32, #tpu.memory_space<vmem>> -> memref<1x80xi32, #tpu.memory_space<vmem>>
        %dma_wait3A_170 = tpu.memref_squeeze %dma_wait3A_169 : memref<1x80xi32, #tpu.memory_space<vmem>> -> memref<80xi32, #tpu.memory_space<vmem>>
        %dma_wait3A_171 = arith.constant 0 : i32
        %dma_wait3A_172 = arith.constant 0 : i32
        %dma_wait3A_173 = tpu.memref_slice %arg11[%dma_wait3A_171, %dma_wait3A_172] : memref<10000x128xf32, #tpu.memory_space<vmem_shared>> -> memref<10000x128xf32, #tpu.memory_space<vmem_shared>>
        tpu.wait_indirect_dma semaphore(%run_scoped3A_161 : memref<!tpu.dma_semaphore, #tpu.memory_space<semaphore_mem>>) src(%arg10 : memref<80x128xf32, #tpu.memory_space<vmem>>) dst(%dma_wait3A_173 : memref<10000x128xf32, #tpu.memory_space<vmem_shared>>)
        tpu.yield
      }) : () -> ()
    }
    %scan3A_38 = arith.constant 12 : i32
    %dma_wait3A_39 = arith.constant 24 : i32
    %dma_wait3A_40 = arith.constant 0 : i32
    %dma_wait3A_41 = tpu.memref_slice %arg7[%dma_wait3A_39, %dma_wait3A_40] : memref<25x80xi32, #tpu.memory_space<vmem>> -> memref<1x80xi32, #tpu.memory_space<vmem>>
    %dma_wait3A_42 = tpu.memref_squeeze %dma_wait3A_41 : memref<1x80xi32, #tpu.memory_space<vmem>> -> memref<80xi32, #tpu.memory_space<vmem>>
    %dma_wait3A_43 = arith.constant 0 : i32
    %dma_wait3A_44 = arith.constant 0 : i32
    %dma_wait3A_45 = tpu.memref_slice %arg2[%dma_wait3A_43, %dma_wait3A_44] : memref<10000x128xf32, #tpu.memory_space<hbm>> -> memref<10000x128xf32, #tpu.memory_space<hbm>>
    tpu.wait_indirect_dma semaphore(%arg12 : memref<!tpu.dma_semaphore, #tpu.memory_space<semaphore_mem>>) src(%dma_wait3A_45 : memref<10000x128xf32, #tpu.memory_space<hbm>>) dst(%arg9 : memref<80x128xf32, #tpu.memory_space<vmem>>)
    %run_scoped3A_46 = arith.constant 24 : i32
    "tpu.region"() ({
      %run_scoped3A_126 = tpu.sem_alloc : memref<!tpu.dma_semaphore, #tpu.memory_space<semaphore_mem>>
      %dma_start3A_127 = arith.constant 0 : i32
      %dma_start3A_128 = tpu.memref_slice %arg8[%run_scoped3A_46, %dma_start3A_127] : memref<25x80xi32, #tpu.memory_space<vmem>> -> memref<1x80xi32, #tpu.memory_space<vmem>>
      %dma_start3A_129 = tpu.memref_squeeze %dma_start3A_128 : memref<1x80xi32, #tpu.memory_space<vmem>> -> memref<80xi32, #tpu.memory_space<vmem>>
      %dma_start3A_130 = arith.constant 0 : i32
      %dma_start3A_131 = arith.constant 0 : i32
      %dma_start3A_132 = tpu.memref_slice %arg11[%dma_start3A_130, %dma_start3A_131] : memref<10000x128xf32, #tpu.memory_space<vmem_shared>> -> memref<10000x128xf32, #tpu.memory_space<vmem_shared>>
      tpu.enqueue_indirect_dma source(%arg9 : memref<80x128xf32, #tpu.memory_space<vmem>>) target(%dma_start3A_132 : memref<10000x128xf32, #tpu.memory_space<vmem_shared>>) offsets(%dma_start3A_129 : memref<80xi32, #tpu.memory_space<vmem>>) semaphore(%run_scoped3A_126 : memref<!tpu.dma_semaphore, #tpu.memory_space<semaphore_mem>>) {add = true}
      %dma_wait3A_133 = arith.constant 0 : i32
      %dma_wait3A_134 = tpu.memref_slice %arg8[%run_scoped3A_46, %dma_wait3A_133] : memref<25x80xi32, #tpu.memory_space<vmem>> -> memref<1x80xi32, #tpu.memory_space<vmem>>
      %dma_wait3A_135 = tpu.memref_squeeze %dma_wait3A_134 : memref<1x80xi32, #tpu.memory_space<vmem>> -> memref<80xi32, #tpu.memory_space<vmem>>
      %dma_wait3A_136 = arith.constant 0 : i32
      %dma_wait3A_137 = arith.constant 0 : i32
      %dma_wait3A_138 = tpu.memref_slice %arg11[%dma_wait3A_136, %dma_wait3A_137] : memref<10000x128xf32, #tpu.memory_space<vmem_shared>> -> memref<10000x128xf32, #tpu.memory_space<vmem_shared>>
      tpu.wait_indirect_dma semaphore(%run_scoped3A_126 : memref<!tpu.dma_semaphore, #tpu.memory_space<semaphore_mem>>) src(%arg9 : memref<80x128xf32, #tpu.memory_space<vmem>>) dst(%dma_wait3A_138 : memref<10000x128xf32, #tpu.memory_space<vmem_shared>>)
      tpu.yield
    }) : () -> ()
    %run_scoped3A_47 = arith.constant 2 : i32
    "tpu.region"() ({
      %run_scoped3A_126 = tpu.sem_alloc : memref<!tpu.dma_semaphore, #tpu.memory_space<semaphore_mem>>
      %dma_start3A_127 = arith.constant 0 : i32
      %dma_start3A_128 = arith.constant 0 : i32
      %dma_start3A_129 = tpu.memref_slice %arg3[%add3A, %run_scoped3A_47, %dma_start3A_127, %dma_start3A_128] : memref<32x5x25x80xi32, #tpu.memory_space<hbm>> -> memref<1x1x25x80xi32, #tpu.memory_space<hbm>>
      %dma_start3A_130 = tpu.memref_squeeze %dma_start3A_129 : memref<1x1x25x80xi32, #tpu.memory_space<hbm>> -> memref<25x80xi32, #tpu.memory_space<hbm>>
      %dma_start3A_131 = arith.constant 0 : i32
      %dma_start3A_132 = arith.constant 0 : i32
      %dma_start3A_133 = tpu.memref_slice %arg3[%add3A, %run_scoped3A_47, %dma_start3A_131, %dma_start3A_132] : memref<32x5x25x80xi32, #tpu.memory_space<hbm>> -> memref<1x1x25x80xi32, #tpu.memory_space<hbm>>
      %dma_start3A_134 = tpu.memref_squeeze %dma_start3A_133 : memref<1x1x25x80xi32, #tpu.memory_space<hbm>> -> memref<25x80xi32, #tpu.memory_space<hbm>>
      tpu.enqueue_dma source(%dma_start3A_134 : memref<25x80xi32, #tpu.memory_space<hbm>>) target(%arg7 : memref<25x80xi32, #tpu.memory_space<vmem>>) target_semaphore(%run_scoped3A_126 : memref<!tpu.dma_semaphore, #tpu.memory_space<semaphore_mem>>)
      %dma_wait3A_135 = arith.constant 0 : i32
      %dma_wait3A_136 = arith.constant 0 : i32
      %dma_wait3A_137 = tpu.memref_slice %arg3[%add3A, %run_scoped3A_47, %dma_wait3A_135, %dma_wait3A_136] : memref<32x5x25x80xi32, #tpu.memory_space<hbm>> -> memref<1x1x25x80xi32, #tpu.memory_space<hbm>>
      %dma_wait3A_138 = tpu.memref_squeeze %dma_wait3A_137 : memref<1x1x25x80xi32, #tpu.memory_space<hbm>> -> memref<25x80xi32, #tpu.memory_space<hbm>>
      %dma_wait3A_139 = arith.constant 0 : i32
      %dma_wait3A_140 = arith.constant 0 : i32
      %dma_wait3A_141 = tpu.memref_slice %arg3[%add3A, %run_scoped3A_47, %dma_wait3A_139, %dma_wait3A_140] : memref<32x5x25x80xi32, #tpu.memory_space<hbm>> -> memref<1x1x25x80xi32, #tpu.memory_space<hbm>>
      %dma_wait3A_142 = tpu.memref_squeeze %dma_wait3A_141 : memref<1x1x25x80xi32, #tpu.memory_space<hbm>> -> memref<25x80xi32, #tpu.memory_space<hbm>>
      tpu.wait_dma2 semaphore(%run_scoped3A_126 : memref<!tpu.dma_semaphore, #tpu.memory_space<semaphore_mem>>) src(%dma_wait3A_142 : memref<25x80xi32, #tpu.memory_space<hbm>>) dst(%arg7 : memref<25x80xi32, #tpu.memory_space<vmem>>)
      tpu.yield
    }) : () -> ()
    %run_scoped3A_48 = arith.constant 2 : i32
    "tpu.region"() ({
      %run_scoped3A_126 = tpu.sem_alloc : memref<!tpu.dma_semaphore, #tpu.memory_space<semaphore_mem>>
      %dma_start3A_127 = arith.constant 0 : i32
      %dma_start3A_128 = arith.constant 0 : i32
      %dma_start3A_129 = tpu.memref_slice %arg4[%add3A, %run_scoped3A_48, %dma_start3A_127, %dma_start3A_128] : memref<32x5x25x80xi32, #tpu.memory_space<hbm>> -> memref<1x1x25x80xi32, #tpu.memory_space<hbm>>
      %dma_start3A_130 = tpu.memref_squeeze %dma_start3A_129 : memref<1x1x25x80xi32, #tpu.memory_space<hbm>> -> memref<25x80xi32, #tpu.memory_space<hbm>>
      %dma_start3A_131 = arith.constant 0 : i32
      %dma_start3A_132 = arith.constant 0 : i32
      %dma_start3A_133 = tpu.memref_slice %arg4[%add3A, %run_scoped3A_48, %dma_start3A_131, %dma_start3A_132] : memref<32x5x25x80xi32, #tpu.memory_space<hbm>> -> memref<1x1x25x80xi32, #tpu.memory_space<hbm>>
      %dma_start3A_134 = tpu.memref_squeeze %dma_start3A_133 : memref<1x1x25x80xi32, #tpu.memory_space<hbm>> -> memref<25x80xi32, #tpu.memory_space<hbm>>
      tpu.enqueue_dma source(%dma_start3A_134 : memref<25x80xi32, #tpu.memory_space<hbm>>) target(%arg8 : memref<25x80xi32, #tpu.memory_space<vmem>>) target_semaphore(%run_scoped3A_126 : memref<!tpu.dma_semaphore, #tpu.memory_space<semaphore_mem>>)
      %dma_wait3A_135 = arith.constant 0 : i32
      %dma_wait3A_136 = arith.constant 0 : i32
      %dma_wait3A_137 = tpu.memref_slice %arg4[%add3A, %run_scoped3A_48, %dma_wait3A_135, %dma_wait3A_136] : memref<32x5x25x80xi32, #tpu.memory_space<hbm>> -> memref<1x1x25x80xi32, #tpu.memory_space<hbm>>
      %dma_wait3A_138 = tpu.memref_squeeze %dma_wait3A_137 : memref<1x1x25x80xi32, #tpu.memory_space<hbm>> -> memref<25x80xi32, #tpu.memory_space<hbm>>
      %dma_wait3A_139 = arith.constant 0 : i32
      %dma_wait3A_140 = arith.constant 0 : i32
      %dma_wait3A_141 = tpu.memref_slice %arg4[%add3A, %run_scoped3A_48, %dma_wait3A_139, %dma_wait3A_140] : memref<32x5x25x80xi32, #tpu.memory_space<hbm>> -> memref<1x1x25x80xi32, #tpu.memory_space<hbm>>
      %dma_wait3A_142 = tpu.memref_squeeze %dma_wait3A_141 : memref<1x1x25x80xi32, #tpu.memory_space<hbm>> -> memref<25x80xi32, #tpu.memory_space<hbm>>
      tpu.wait_dma2 semaphore(%run_scoped3A_126 : memref<!tpu.dma_semaphore, #tpu.memory_space<semaphore_mem>>) src(%dma_wait3A_142 : memref<25x80xi32, #tpu.memory_space<hbm>>) dst(%arg8 : memref<25x80xi32, #tpu.memory_space<vmem>>)
      tpu.yield
    }) : () -> ()
    %dma_start3A_49 = arith.constant 0 : i32
    %dma_start3A_50 = arith.constant 0 : i32
    %dma_start3A_51 = tpu.memref_slice %arg7[%dma_start3A_49, %dma_start3A_50] : memref<25x80xi32, #tpu.memory_space<vmem>> -> memref<1x80xi32, #tpu.memory_space<vmem>>
    %dma_start3A_52 = tpu.memref_squeeze %dma_start3A_51 : memref<1x80xi32, #tpu.memory_space<vmem>> -> memref<80xi32, #tpu.memory_space<vmem>>
    %dma_start3A_53 = arith.constant 0 : i32
    %dma_start3A_54 = arith.constant 0 : i32
    %dma_start3A_55 = tpu.memref_slice %arg2[%dma_start3A_53, %dma_start3A_54] : memref<10000x128xf32, #tpu.memory_space<hbm>> -> memref<10000x128xf32, #tpu.memory_space<hbm>>
    tpu.enqueue_indirect_dma source(%dma_start3A_55 : memref<10000x128xf32, #tpu.memory_space<hbm>>) target(%arg9 : memref<80x128xf32, #tpu.memory_space<vmem>>) offsets(%dma_start3A_52 : memref<80xi32, #tpu.memory_space<vmem>>) semaphore(%arg12 : memref<!tpu.dma_semaphore, #tpu.memory_space<semaphore_mem>>)
    %scan3A_56 = arith.constant 0 : i32
    %scan3A_57 = arith.constant 0 : i32
    %scan3A_58 = arith.constant 12 : i32
    %scan3A_59 = arith.addi %scan3A_57, %scan3A_58 : i32
    %scan3A_60 = arith.constant 1 : i32
    scf.for %scan3A_126 = %scan3A_57 to %scan3A_59 step %scan3A_60  : i32 {
      %mul3A_127 = arith.constant 2 : i32
      %mul3A_128 = arith.muli %mul3A_127, %scan3A_126 : i32
      %add3A_129 = arith.constant 1 : i32
      %add3A_130 = arith.addi %mul3A_128, %add3A_129 : i32
      %dma_start3A_131 = arith.constant 0 : i32
      %dma_start3A_132 = tpu.memref_slice %arg7[%add3A_130, %dma_start3A_131] : memref<25x80xi32, #tpu.memory_space<vmem>> -> memref<1x80xi32, #tpu.memory_space<vmem>>
      %dma_start3A_133 = tpu.memref_squeeze %dma_start3A_132 : memref<1x80xi32, #tpu.memory_space<vmem>> -> memref<80xi32, #tpu.memory_space<vmem>>
      %dma_start3A_134 = arith.constant 0 : i32
      %dma_start3A_135 = arith.constant 0 : i32
      %dma_start3A_136 = tpu.memref_slice %arg2[%dma_start3A_134, %dma_start3A_135] : memref<10000x128xf32, #tpu.memory_space<hbm>> -> memref<10000x128xf32, #tpu.memory_space<hbm>>
      tpu.enqueue_indirect_dma source(%dma_start3A_136 : memref<10000x128xf32, #tpu.memory_space<hbm>>) target(%arg10 : memref<80x128xf32, #tpu.memory_space<vmem>>) offsets(%dma_start3A_133 : memref<80xi32, #tpu.memory_space<vmem>>) semaphore(%arg13 : memref<!tpu.dma_semaphore, #tpu.memory_space<semaphore_mem>>)
      %dma_wait3A_137 = arith.constant 0 : i32
      %dma_wait3A_138 = tpu.memref_slice %arg7[%mul3A_128, %dma_wait3A_137] : memref<25x80xi32, #tpu.memory_space<vmem>> -> memref<1x80xi32, #tpu.memory_space<vmem>>
      %dma_wait3A_139 = tpu.memref_squeeze %dma_wait3A_138 : memref<1x80xi32, #tpu.memory_space<vmem>> -> memref<80xi32, #tpu.memory_space<vmem>>
      %dma_wait3A_140 = arith.constant 0 : i32
      %dma_wait3A_141 = arith.constant 0 : i32
      %dma_wait3A_142 = tpu.memref_slice %arg2[%dma_wait3A_140, %dma_wait3A_141] : memref<10000x128xf32, #tpu.memory_space<hbm>> -> memref<10000x128xf32, #tpu.memory_space<hbm>>
      tpu.wait_indirect_dma semaphore(%arg12 : memref<!tpu.dma_semaphore, #tpu.memory_space<semaphore_mem>>) src(%dma_wait3A_142 : memref<10000x128xf32, #tpu.memory_space<hbm>>) dst(%arg9 : memref<80x128xf32, #tpu.memory_space<vmem>>)
      "tpu.region"() ({
        %run_scoped3A_161 = tpu.sem_alloc : memref<!tpu.dma_semaphore, #tpu.memory_space<semaphore_mem>>
        %dma_start3A_162 = arith.constant 0 : i32
        %dma_start3A_163 = tpu.memref_slice %arg8[%mul3A_128, %dma_start3A_162] : memref<25x80xi32, #tpu.memory_space<vmem>> -> memref<1x80xi32, #tpu.memory_space<vmem>>
        %dma_start3A_164 = tpu.memref_squeeze %dma_start3A_163 : memref<1x80xi32, #tpu.memory_space<vmem>> -> memref<80xi32, #tpu.memory_space<vmem>>
        %dma_start3A_165 = arith.constant 0 : i32
        %dma_start3A_166 = arith.constant 0 : i32
        %dma_start3A_167 = tpu.memref_slice %arg11[%dma_start3A_165, %dma_start3A_166] : memref<10000x128xf32, #tpu.memory_space<vmem_shared>> -> memref<10000x128xf32, #tpu.memory_space<vmem_shared>>
        tpu.enqueue_indirect_dma source(%arg9 : memref<80x128xf32, #tpu.memory_space<vmem>>) target(%dma_start3A_167 : memref<10000x128xf32, #tpu.memory_space<vmem_shared>>) offsets(%dma_start3A_164 : memref<80xi32, #tpu.memory_space<vmem>>) semaphore(%run_scoped3A_161 : memref<!tpu.dma_semaphore, #tpu.memory_space<semaphore_mem>>) {add = true}
        %dma_wait3A_168 = arith.constant 0 : i32
        %dma_wait3A_169 = tpu.memref_slice %arg8[%mul3A_128, %dma_wait3A_168] : memref<25x80xi32, #tpu.memory_space<vmem>> -> memref<1x80xi32, #tpu.memory_space<vmem>>
        %dma_wait3A_170 = tpu.memref_squeeze %dma_wait3A_169 : memref<1x80xi32, #tpu.memory_space<vmem>> -> memref<80xi32, #tpu.memory_space<vmem>>
        %dma_wait3A_171 = arith.constant 0 : i32
        %dma_wait3A_172 = arith.constant 0 : i32
        %dma_wait3A_173 = tpu.memref_slice %arg11[%dma_wait3A_171, %dma_wait3A_172] : memref<10000x128xf32, #tpu.memory_space<vmem_shared>> -> memref<10000x128xf32, #tpu.memory_space<vmem_shared>>
        tpu.wait_indirect_dma semaphore(%run_scoped3A_161 : memref<!tpu.dma_semaphore, #tpu.memory_space<semaphore_mem>>) src(%arg9 : memref<80x128xf32, #tpu.memory_space<vmem>>) dst(%dma_wait3A_173 : memref<10000x128xf32, #tpu.memory_space<vmem_shared>>)
        tpu.yield
      }) : () -> ()
      %add3A_143 = arith.constant 2 : i32
      %add3A_144 = arith.addi %mul3A_128, %add3A_143 : i32
      %dma_start3A_145 = arith.constant 0 : i32
      %dma_start3A_146 = tpu.memref_slice %arg7[%add3A_144, %dma_start3A_145] : memref<25x80xi32, #tpu.memory_space<vmem>> -> memref<1x80xi32, #tpu.memory_space<vmem>>
      %dma_start3A_147 = tpu.memref_squeeze %dma_start3A_146 : memref<1x80xi32, #tpu.memory_space<vmem>> -> memref<80xi32, #tpu.memory_space<vmem>>
      %dma_start3A_148 = arith.constant 0 : i32
      %dma_start3A_149 = arith.constant 0 : i32
      %dma_start3A_150 = tpu.memref_slice %arg2[%dma_start3A_148, %dma_start3A_149] : memref<10000x128xf32, #tpu.memory_space<hbm>> -> memref<10000x128xf32, #tpu.memory_space<hbm>>
      tpu.enqueue_indirect_dma source(%dma_start3A_150 : memref<10000x128xf32, #tpu.memory_space<hbm>>) target(%arg9 : memref<80x128xf32, #tpu.memory_space<vmem>>) offsets(%dma_start3A_147 : memref<80xi32, #tpu.memory_space<vmem>>) semaphore(%arg12 : memref<!tpu.dma_semaphore, #tpu.memory_space<semaphore_mem>>)
      %add3A_151 = arith.constant 1 : i32
      %add3A_152 = arith.addi %mul3A_128, %add3A_151 : i32
      %dma_wait3A_153 = arith.constant 0 : i32
      %dma_wait3A_154 = tpu.memref_slice %arg7[%add3A_152, %dma_wait3A_153] : memref<25x80xi32, #tpu.memory_space<vmem>> -> memref<1x80xi32, #tpu.memory_space<vmem>>
      %dma_wait3A_155 = tpu.memref_squeeze %dma_wait3A_154 : memref<1x80xi32, #tpu.memory_space<vmem>> -> memref<80xi32, #tpu.memory_space<vmem>>
      %dma_wait3A_156 = arith.constant 0 : i32
      %dma_wait3A_157 = arith.constant 0 : i32
      %dma_wait3A_158 = tpu.memref_slice %arg2[%dma_wait3A_156, %dma_wait3A_157] : memref<10000x128xf32, #tpu.memory_space<hbm>> -> memref<10000x128xf32, #tpu.memory_space<hbm>>
      tpu.wait_indirect_dma semaphore(%arg13 : memref<!tpu.dma_semaphore, #tpu.memory_space<semaphore_mem>>) src(%dma_wait3A_158 : memref<10000x128xf32, #tpu.memory_space<hbm>>) dst(%arg10 : memref<80x128xf32, #tpu.memory_space<vmem>>)
      %add3A_159 = arith.constant 1 : i32
      %add3A_160 = arith.addi %mul3A_128, %add3A_159 : i32
      "tpu.region"() ({
        %run_scoped3A_161 = tpu.sem_alloc : memref<!tpu.dma_semaphore, #tpu.memory_space<semaphore_mem>>
        %dma_start3A_162 = arith.constant 0 : i32
        %dma_start3A_163 = tpu.memref_slice %arg8[%add3A_160, %dma_start3A_162] : memref<25x80xi32, #tpu.memory_space<vmem>> -> memref<1x80xi32, #tpu.memory_space<vmem>>
        %dma_start3A_164 = tpu.memref_squeeze %dma_start3A_163 : memref<1x80xi32, #tpu.memory_space<vmem>> -> memref<80xi32, #tpu.memory_space<vmem>>
        %dma_start3A_165 = arith.constant 0 : i32
        %dma_start3A_166 = arith.constant 0 : i32
        %dma_start3A_167 = tpu.memref_slice %arg11[%dma_start3A_165, %dma_start3A_166] : memref<10000x128xf32, #tpu.memory_space<vmem_shared>> -> memref<10000x128xf32, #tpu.memory_space<vmem_shared>>
        tpu.enqueue_indirect_dma source(%arg10 : memref<80x128xf32, #tpu.memory_space<vmem>>) target(%dma_start3A_167 : memref<10000x128xf32, #tpu.memory_space<vmem_shared>>) offsets(%dma_start3A_164 : memref<80xi32, #tpu.memory_space<vmem>>) semaphore(%run_scoped3A_161 : memref<!tpu.dma_semaphore, #tpu.memory_space<semaphore_mem>>) {add = true}
        %dma_wait3A_168 = arith.constant 0 : i32
        %dma_wait3A_169 = tpu.memref_slice %arg8[%add3A_160, %dma_wait3A_168] : memref<25x80xi32, #tpu.memory_space<vmem>> -> memref<1x80xi32, #tpu.memory_space<vmem>>
        %dma_wait3A_170 = tpu.memref_squeeze %dma_wait3A_169 : memref<1x80xi32, #tpu.memory_space<vmem>> -> memref<80xi32, #tpu.memory_space<vmem>>
        %dma_wait3A_171 = arith.constant 0 : i32
        %dma_wait3A_172 = arith.constant 0 : i32
        %dma_wait3A_173 = tpu.memref_slice %arg11[%dma_wait3A_171, %dma_wait3A_172] : memref<10000x128xf32, #tpu.memory_space<vmem_shared>> -> memref<10000x128xf32, #tpu.memory_space<vmem_shared>>
        tpu.wait_indirect_dma semaphore(%run_scoped3A_161 : memref<!tpu.dma_semaphore, #tpu.memory_space<semaphore_mem>>) src(%arg10 : memref<80x128xf32, #tpu.memory_space<vmem>>) dst(%dma_wait3A_173 : memref<10000x128xf32, #tpu.memory_space<vmem_shared>>)
        tpu.yield
      }) : () -> ()
    }
    %scan3A_61 = arith.constant 12 : i32
    %dma_wait3A_62 = arith.constant 24 : i32
    %dma_wait3A_63 = arith.constant 0 : i32
    %dma_wait3A_64 = tpu.memref_slice %arg7[%dma_wait3A_62, %dma_wait3A_63] : memref<25x80xi32, #tpu.memory_space<vmem>> -> memref<1x80xi32, #tpu.memory_space<vmem>>
    %dma_wait3A_65 = tpu.memref_squeeze %dma_wait3A_64 : memref<1x80xi32, #tpu.memory_space<vmem>> -> memref<80xi32, #tpu.memory_space<vmem>>
    %dma_wait3A_66 = arith.constant 0 : i32
    %dma_wait3A_67 = arith.constant 0 : i32
    %dma_wait3A_68 = tpu.memref_slice %arg2[%dma_wait3A_66, %dma_wait3A_67] : memref<10000x128xf32, #tpu.memory_space<hbm>> -> memref<10000x128xf32, #tpu.memory_space<hbm>>
    tpu.wait_indirect_dma semaphore(%arg12 : memref<!tpu.dma_semaphore, #tpu.memory_space<semaphore_mem>>) src(%dma_wait3A_68 : memref<10000x128xf32, #tpu.memory_space<hbm>>) dst(%arg9 : memref<80x128xf32, #tpu.memory_space<vmem>>)
    %run_scoped3A_69 = arith.constant 24 : i32
    "tpu.region"() ({
      %run_scoped3A_126 = tpu.sem_alloc : memref<!tpu.dma_semaphore, #tpu.memory_space<semaphore_mem>>
      %dma_start3A_127 = arith.constant 0 : i32
      %dma_start3A_128 = tpu.memref_slice %arg8[%run_scoped3A_69, %dma_start3A_127] : memref<25x80xi32, #tpu.memory_space<vmem>> -> memref<1x80xi32, #tpu.memory_space<vmem>>
      %dma_start3A_129 = tpu.memref_squeeze %dma_start3A_128 : memref<1x80xi32, #tpu.memory_space<vmem>> -> memref<80xi32, #tpu.memory_space<vmem>>
      %dma_start3A_130 = arith.constant 0 : i32
      %dma_start3A_131 = arith.constant 0 : i32
      %dma_start3A_132 = tpu.memref_slice %arg11[%dma_start3A_130, %dma_start3A_131] : memref<10000x128xf32, #tpu.memory_space<vmem_shared>> -> memref<10000x128xf32, #tpu.memory_space<vmem_shared>>
      tpu.enqueue_indirect_dma source(%arg9 : memref<80x128xf32, #tpu.memory_space<vmem>>) target(%dma_start3A_132 : memref<10000x128xf32, #tpu.memory_space<vmem_shared>>) offsets(%dma_start3A_129 : memref<80xi32, #tpu.memory_space<vmem>>) semaphore(%run_scoped3A_126 : memref<!tpu.dma_semaphore, #tpu.memory_space<semaphore_mem>>) {add = true}
      %dma_wait3A_133 = arith.constant 0 : i32
      %dma_wait3A_134 = tpu.memref_slice %arg8[%run_scoped3A_69, %dma_wait3A_133] : memref<25x80xi32, #tpu.memory_space<vmem>> -> memref<1x80xi32, #tpu.memory_space<vmem>>
      %dma_wait3A_135 = tpu.memref_squeeze %dma_wait3A_134 : memref<1x80xi32, #tpu.memory_space<vmem>> -> memref<80xi32, #tpu.memory_space<vmem>>
      %dma_wait3A_136 = arith.constant 0 : i32
      %dma_wait3A_137 = arith.constant 0 : i32
      %dma_wait3A_138 = tpu.memref_slice %arg11[%dma_wait3A_136, %dma_wait3A_137] : memref<10000x128xf32, #tpu.memory_space<vmem_shared>> -> memref<10000x128xf32, #tpu.memory_space<vmem_shared>>
      tpu.wait_indirect_dma semaphore(%run_scoped3A_126 : memref<!tpu.dma_semaphore, #tpu.memory_space<semaphore_mem>>) src(%arg9 : memref<80x128xf32, #tpu.memory_space<vmem>>) dst(%dma_wait3A_138 : memref<10000x128xf32, #tpu.memory_space<vmem_shared>>)
      tpu.yield
    }) : () -> ()
    %run_scoped3A_70 = arith.constant 3 : i32
    "tpu.region"() ({
      %run_scoped3A_126 = tpu.sem_alloc : memref<!tpu.dma_semaphore, #tpu.memory_space<semaphore_mem>>
      %dma_start3A_127 = arith.constant 0 : i32
      %dma_start3A_128 = arith.constant 0 : i32
      %dma_start3A_129 = tpu.memref_slice %arg3[%add3A, %run_scoped3A_70, %dma_start3A_127, %dma_start3A_128] : memref<32x5x25x80xi32, #tpu.memory_space<hbm>> -> memref<1x1x25x80xi32, #tpu.memory_space<hbm>>
      %dma_start3A_130 = tpu.memref_squeeze %dma_start3A_129 : memref<1x1x25x80xi32, #tpu.memory_space<hbm>> -> memref<25x80xi32, #tpu.memory_space<hbm>>
      %dma_start3A_131 = arith.constant 0 : i32
      %dma_start3A_132 = arith.constant 0 : i32
      %dma_start3A_133 = tpu.memref_slice %arg3[%add3A, %run_scoped3A_70, %dma_start3A_131, %dma_start3A_132] : memref<32x5x25x80xi32, #tpu.memory_space<hbm>> -> memref<1x1x25x80xi32, #tpu.memory_space<hbm>>
      %dma_start3A_134 = tpu.memref_squeeze %dma_start3A_133 : memref<1x1x25x80xi32, #tpu.memory_space<hbm>> -> memref<25x80xi32, #tpu.memory_space<hbm>>
      tpu.enqueue_dma source(%dma_start3A_134 : memref<25x80xi32, #tpu.memory_space<hbm>>) target(%arg7 : memref<25x80xi32, #tpu.memory_space<vmem>>) target_semaphore(%run_scoped3A_126 : memref<!tpu.dma_semaphore, #tpu.memory_space<semaphore_mem>>)
      %dma_wait3A_135 = arith.constant 0 : i32
      %dma_wait3A_136 = arith.constant 0 : i32
      %dma_wait3A_137 = tpu.memref_slice %arg3[%add3A, %run_scoped3A_70, %dma_wait3A_135, %dma_wait3A_136] : memref<32x5x25x80xi32, #tpu.memory_space<hbm>> -> memref<1x1x25x80xi32, #tpu.memory_space<hbm>>
      %dma_wait3A_138 = tpu.memref_squeeze %dma_wait3A_137 : memref<1x1x25x80xi32, #tpu.memory_space<hbm>> -> memref<25x80xi32, #tpu.memory_space<hbm>>
      %dma_wait3A_139 = arith.constant 0 : i32
      %dma_wait3A_140 = arith.constant 0 : i32
      %dma_wait3A_141 = tpu.memref_slice %arg3[%add3A, %run_scoped3A_70, %dma_wait3A_139, %dma_wait3A_140] : memref<32x5x25x80xi32, #tpu.memory_space<hbm>> -> memref<1x1x25x80xi32, #tpu.memory_space<hbm>>
      %dma_wait3A_142 = tpu.memref_squeeze %dma_wait3A_141 : memref<1x1x25x80xi32, #tpu.memory_space<hbm>> -> memref<25x80xi32, #tpu.memory_space<hbm>>
      tpu.wait_dma2 semaphore(%run_scoped3A_126 : memref<!tpu.dma_semaphore, #tpu.memory_space<semaphore_mem>>) src(%dma_wait3A_142 : memref<25x80xi32, #tpu.memory_space<hbm>>) dst(%arg7 : memref<25x80xi32, #tpu.memory_space<vmem>>)
      tpu.yield
    }) : () -> ()
    %run_scoped3A_71 = arith.constant 3 : i32
    "tpu.region"() ({
      %run_scoped3A_126 = tpu.sem_alloc : memref<!tpu.dma_semaphore, #tpu.memory_space<semaphore_mem>>
      %dma_start3A_127 = arith.constant 0 : i32
      %dma_start3A_128 = arith.constant 0 : i32
      %dma_start3A_129 = tpu.memref_slice %arg4[%add3A, %run_scoped3A_71, %dma_start3A_127, %dma_start3A_128] : memref<32x5x25x80xi32, #tpu.memory_space<hbm>> -> memref<1x1x25x80xi32, #tpu.memory_space<hbm>>
      %dma_start3A_130 = tpu.memref_squeeze %dma_start3A_129 : memref<1x1x25x80xi32, #tpu.memory_space<hbm>> -> memref<25x80xi32, #tpu.memory_space<hbm>>
      %dma_start3A_131 = arith.constant 0 : i32
      %dma_start3A_132 = arith.constant 0 : i32
      %dma_start3A_133 = tpu.memref_slice %arg4[%add3A, %run_scoped3A_71, %dma_start3A_131, %dma_start3A_132] : memref<32x5x25x80xi32, #tpu.memory_space<hbm>> -> memref<1x1x25x80xi32, #tpu.memory_space<hbm>>
      %dma_start3A_134 = tpu.memref_squeeze %dma_start3A_133 : memref<1x1x25x80xi32, #tpu.memory_space<hbm>> -> memref<25x80xi32, #tpu.memory_space<hbm>>
      tpu.enqueue_dma source(%dma_start3A_134 : memref<25x80xi32, #tpu.memory_space<hbm>>) target(%arg8 : memref<25x80xi32, #tpu.memory_space<vmem>>) target_semaphore(%run_scoped3A_126 : memref<!tpu.dma_semaphore, #tpu.memory_space<semaphore_mem>>)
      %dma_wait3A_135 = arith.constant 0 : i32
      %dma_wait3A_136 = arith.constant 0 : i32
      %dma_wait3A_137 = tpu.memref_slice %arg4[%add3A, %run_scoped3A_71, %dma_wait3A_135, %dma_wait3A_136] : memref<32x5x25x80xi32, #tpu.memory_space<hbm>> -> memref<1x1x25x80xi32, #tpu.memory_space<hbm>>
      %dma_wait3A_138 = tpu.memref_squeeze %dma_wait3A_137 : memref<1x1x25x80xi32, #tpu.memory_space<hbm>> -> memref<25x80xi32, #tpu.memory_space<hbm>>
      %dma_wait3A_139 = arith.constant 0 : i32
      %dma_wait3A_140 = arith.constant 0 : i32
      %dma_wait3A_141 = tpu.memref_slice %arg4[%add3A, %run_scoped3A_71, %dma_wait3A_139, %dma_wait3A_140] : memref<32x5x25x80xi32, #tpu.memory_space<hbm>> -> memref<1x1x25x80xi32, #tpu.memory_space<hbm>>
      %dma_wait3A_142 = tpu.memref_squeeze %dma_wait3A_141 : memref<1x1x25x80xi32, #tpu.memory_space<hbm>> -> memref<25x80xi32, #tpu.memory_space<hbm>>
      tpu.wait_dma2 semaphore(%run_scoped3A_126 : memref<!tpu.dma_semaphore, #tpu.memory_space<semaphore_mem>>) src(%dma_wait3A_142 : memref<25x80xi32, #tpu.memory_space<hbm>>) dst(%arg8 : memref<25x80xi32, #tpu.memory_space<vmem>>)
      tpu.yield
    }) : () -> ()
    %dma_start3A_72 = arith.constant 0 : i32
    %dma_start3A_73 = arith.constant 0 : i32
    %dma_start3A_74 = tpu.memref_slice %arg7[%dma_start3A_72, %dma_start3A_73] : memref<25x80xi32, #tpu.memory_space<vmem>> -> memref<1x80xi32, #tpu.memory_space<vmem>>
    %dma_start3A_75 = tpu.memref_squeeze %dma_start3A_74 : memref<1x80xi32, #tpu.memory_space<vmem>> -> memref<80xi32, #tpu.memory_space<vmem>>
    %dma_start3A_76 = arith.constant 0 : i32
    %dma_start3A_77 = arith.constant 0 : i32
    %dma_start3A_78 = tpu.memref_slice %arg2[%dma_start3A_76, %dma_start3A_77] : memref<10000x128xf32, #tpu.memory_space<hbm>> -> memref<10000x128xf32, #tpu.memory_space<hbm>>
    tpu.enqueue_indirect_dma source(%dma_start3A_78 : memref<10000x128xf32, #tpu.memory_space<hbm>>) target(%arg9 : memref<80x128xf32, #tpu.memory_space<vmem>>) offsets(%dma_start3A_75 : memref<80xi32, #tpu.memory_space<vmem>>) semaphore(%arg12 : memref<!tpu.dma_semaphore, #tpu.memory_space<semaphore_mem>>)
    %scan3A_79 = arith.constant 0 : i32
    %scan3A_80 = arith.constant 0 : i32
    %scan3A_81 = arith.constant 12 : i32
    %scan3A_82 = arith.addi %scan3A_80, %scan3A_81 : i32
    %scan3A_83 = arith.constant 1 : i32
    scf.for %scan3A_126 = %scan3A_80 to %scan3A_82 step %scan3A_83  : i32 {
      %mul3A_127 = arith.constant 2 : i32
      %mul3A_128 = arith.muli %mul3A_127, %scan3A_126 : i32
      %add3A_129 = arith.constant 1 : i32
      %add3A_130 = arith.addi %mul3A_128, %add3A_129 : i32
      %dma_start3A_131 = arith.constant 0 : i32
      %dma_start3A_132 = tpu.memref_slice %arg7[%add3A_130, %dma_start3A_131] : memref<25x80xi32, #tpu.memory_space<vmem>> -> memref<1x80xi32, #tpu.memory_space<vmem>>
      %dma_start3A_133 = tpu.memref_squeeze %dma_start3A_132 : memref<1x80xi32, #tpu.memory_space<vmem>> -> memref<80xi32, #tpu.memory_space<vmem>>
      %dma_start3A_134 = arith.constant 0 : i32
      %dma_start3A_135 = arith.constant 0 : i32
      %dma_start3A_136 = tpu.memref_slice %arg2[%dma_start3A_134, %dma_start3A_135] : memref<10000x128xf32, #tpu.memory_space<hbm>> -> memref<10000x128xf32, #tpu.memory_space<hbm>>
      tpu.enqueue_indirect_dma source(%dma_start3A_136 : memref<10000x128xf32, #tpu.memory_space<hbm>>) target(%arg10 : memref<80x128xf32, #tpu.memory_space<vmem>>) offsets(%dma_start3A_133 : memref<80xi32, #tpu.memory_space<vmem>>) semaphore(%arg13 : memref<!tpu.dma_semaphore, #tpu.memory_space<semaphore_mem>>)
      %dma_wait3A_137 = arith.constant 0 : i32
      %dma_wait3A_138 = tpu.memref_slice %arg7[%mul3A_128, %dma_wait3A_137] : memref<25x80xi32, #tpu.memory_space<vmem>> -> memref<1x80xi32, #tpu.memory_space<vmem>>
      %dma_wait3A_139 = tpu.memref_squeeze %dma_wait3A_138 : memref<1x80xi32, #tpu.memory_space<vmem>> -> memref<80xi32, #tpu.memory_space<vmem>>
      %dma_wait3A_140 = arith.constant 0 : i32
      %dma_wait3A_141 = arith.constant 0 : i32
      %dma_wait3A_142 = tpu.memref_slice %arg2[%dma_wait3A_140, %dma_wait3A_141] : memref<10000x128xf32, #tpu.memory_space<hbm>> -> memref<10000x128xf32, #tpu.memory_space<hbm>>
      tpu.wait_indirect_dma semaphore(%arg12 : memref<!tpu.dma_semaphore, #tpu.memory_space<semaphore_mem>>) src(%dma_wait3A_142 : memref<10000x128xf32, #tpu.memory_space<hbm>>) dst(%arg9 : memref<80x128xf32, #tpu.memory_space<vmem>>)
      "tpu.region"() ({
        %run_scoped3A_161 = tpu.sem_alloc : memref<!tpu.dma_semaphore, #tpu.memory_space<semaphore_mem>>
        %dma_start3A_162 = arith.constant 0 : i32
        %dma_start3A_163 = tpu.memref_slice %arg8[%mul3A_128, %dma_start3A_162] : memref<25x80xi32, #tpu.memory_space<vmem>> -> memref<1x80xi32, #tpu.memory_space<vmem>>
        %dma_start3A_164 = tpu.memref_squeeze %dma_start3A_163 : memref<1x80xi32, #tpu.memory_space<vmem>> -> memref<80xi32, #tpu.memory_space<vmem>>
        %dma_start3A_165 = arith.constant 0 : i32
        %dma_start3A_166 = arith.constant 0 : i32
        %dma_start3A_167 = tpu.memref_slice %arg11[%dma_start3A_165, %dma_start3A_166] : memref<10000x128xf32, #tpu.memory_space<vmem_shared>> -> memref<10000x128xf32, #tpu.memory_space<vmem_shared>>
        tpu.enqueue_indirect_dma source(%arg9 : memref<80x128xf32, #tpu.memory_space<vmem>>) target(%dma_start3A_167 : memref<10000x128xf32, #tpu.memory_space<vmem_shared>>) offsets(%dma_start3A_164 : memref<80xi32, #tpu.memory_space<vmem>>) semaphore(%run_scoped3A_161 : memref<!tpu.dma_semaphore, #tpu.memory_space<semaphore_mem>>) {add = true}
        %dma_wait3A_168 = arith.constant 0 : i32
        %dma_wait3A_169 = tpu.memref_slice %arg8[%mul3A_128, %dma_wait3A_168] : memref<25x80xi32, #tpu.memory_space<vmem>> -> memref<1x80xi32, #tpu.memory_space<vmem>>
        %dma_wait3A_170 = tpu.memref_squeeze %dma_wait3A_169 : memref<1x80xi32, #tpu.memory_space<vmem>> -> memref<80xi32, #tpu.memory_space<vmem>>
        %dma_wait3A_171 = arith.constant 0 : i32
        %dma_wait3A_172 = arith.constant 0 : i32
        %dma_wait3A_173 = tpu.memref_slice %arg11[%dma_wait3A_171, %dma_wait3A_172] : memref<10000x128xf32, #tpu.memory_space<vmem_shared>> -> memref<10000x128xf32, #tpu.memory_space<vmem_shared>>
        tpu.wait_indirect_dma semaphore(%run_scoped3A_161 : memref<!tpu.dma_semaphore, #tpu.memory_space<semaphore_mem>>) src(%arg9 : memref<80x128xf32, #tpu.memory_space<vmem>>) dst(%dma_wait3A_173 : memref<10000x128xf32, #tpu.memory_space<vmem_shared>>)
        tpu.yield
      }) : () -> ()
      %add3A_143 = arith.constant 2 : i32
      %add3A_144 = arith.addi %mul3A_128, %add3A_143 : i32
      %dma_start3A_145 = arith.constant 0 : i32
      %dma_start3A_146 = tpu.memref_slice %arg7[%add3A_144, %dma_start3A_145] : memref<25x80xi32, #tpu.memory_space<vmem>> -> memref<1x80xi32, #tpu.memory_space<vmem>>
      %dma_start3A_147 = tpu.memref_squeeze %dma_start3A_146 : memref<1x80xi32, #tpu.memory_space<vmem>> -> memref<80xi32, #tpu.memory_space<vmem>>
      %dma_start3A_148 = arith.constant 0 : i32
      %dma_start3A_149 = arith.constant 0 : i32
      %dma_start3A_150 = tpu.memref_slice %arg2[%dma_start3A_148, %dma_start3A_149] : memref<10000x128xf32, #tpu.memory_space<hbm>> -> memref<10000x128xf32, #tpu.memory_space<hbm>>
      tpu.enqueue_indirect_dma source(%dma_start3A_150 : memref<10000x128xf32, #tpu.memory_space<hbm>>) target(%arg9 : memref<80x128xf32, #tpu.memory_space<vmem>>) offsets(%dma_start3A_147 : memref<80xi32, #tpu.memory_space<vmem>>) semaphore(%arg12 : memref<!tpu.dma_semaphore, #tpu.memory_space<semaphore_mem>>)
      %add3A_151 = arith.constant 1 : i32
      %add3A_152 = arith.addi %mul3A_128, %add3A_151 : i32
      %dma_wait3A_153 = arith.constant 0 : i32
      %dma_wait3A_154 = tpu.memref_slice %arg7[%add3A_152, %dma_wait3A_153] : memref<25x80xi32, #tpu.memory_space<vmem>> -> memref<1x80xi32, #tpu.memory_space<vmem>>
      %dma_wait3A_155 = tpu.memref_squeeze %dma_wait3A_154 : memref<1x80xi32, #tpu.memory_space<vmem>> -> memref<80xi32, #tpu.memory_space<vmem>>
      %dma_wait3A_156 = arith.constant 0 : i32
      %dma_wait3A_157 = arith.constant 0 : i32
      %dma_wait3A_158 = tpu.memref_slice %arg2[%dma_wait3A_156, %dma_wait3A_157] : memref<10000x128xf32, #tpu.memory_space<hbm>> -> memref<10000x128xf32, #tpu.memory_space<hbm>>
      tpu.wait_indirect_dma semaphore(%arg13 : memref<!tpu.dma_semaphore, #tpu.memory_space<semaphore_mem>>) src(%dma_wait3A_158 : memref<10000x128xf32, #tpu.memory_space<hbm>>) dst(%arg10 : memref<80x128xf32, #tpu.memory_space<vmem>>)
      %add3A_159 = arith.constant 1 : i32
      %add3A_160 = arith.addi %mul3A_128, %add3A_159 : i32
      "tpu.region"() ({
        %run_scoped3A_161 = tpu.sem_alloc : memref<!tpu.dma_semaphore, #tpu.memory_space<semaphore_mem>>
        %dma_start3A_162 = arith.constant 0 : i32
        %dma_start3A_163 = tpu.memref_slice %arg8[%add3A_160, %dma_start3A_162] : memref<25x80xi32, #tpu.memory_space<vmem>> -> memref<1x80xi32, #tpu.memory_space<vmem>>
        %dma_start3A_164 = tpu.memref_squeeze %dma_start3A_163 : memref<1x80xi32, #tpu.memory_space<vmem>> -> memref<80xi32, #tpu.memory_space<vmem>>
        %dma_start3A_165 = arith.constant 0 : i32
        %dma_start3A_166 = arith.constant 0 : i32
        %dma_start3A_167 = tpu.memref_slice %arg11[%dma_start3A_165, %dma_start3A_166] : memref<10000x128xf32, #tpu.memory_space<vmem_shared>> -> memref<10000x128xf32, #tpu.memory_space<vmem_shared>>
        tpu.enqueue_indirect_dma source(%arg10 : memref<80x128xf32, #tpu.memory_space<vmem>>) target(%dma_start3A_167 : memref<10000x128xf32, #tpu.memory_space<vmem_shared>>) offsets(%dma_start3A_164 : memref<80xi32, #tpu.memory_space<vmem>>) semaphore(%run_scoped3A_161 : memref<!tpu.dma_semaphore, #tpu.memory_space<semaphore_mem>>) {add = true}
        %dma_wait3A_168 = arith.constant 0 : i32
        %dma_wait3A_169 = tpu.memref_slice %arg8[%add3A_160, %dma_wait3A_168] : memref<25x80xi32, #tpu.memory_space<vmem>> -> memref<1x80xi32, #tpu.memory_space<vmem>>
        %dma_wait3A_170 = tpu.memref_squeeze %dma_wait3A_169 : memref<1x80xi32, #tpu.memory_space<vmem>> -> memref<80xi32, #tpu.memory_space<vmem>>
        %dma_wait3A_171 = arith.constant 0 : i32
        %dma_wait3A_172 = arith.constant 0 : i32
        %dma_wait3A_173 = tpu.memref_slice %arg11[%dma_wait3A_171, %dma_wait3A_172] : memref<10000x128xf32, #tpu.memory_space<vmem_shared>> -> memref<10000x128xf32, #tpu.memory_space<vmem_shared>>
        tpu.wait_indirect_dma semaphore(%run_scoped3A_161 : memref<!tpu.dma_semaphore, #tpu.memory_space<semaphore_mem>>) src(%arg10 : memref<80x128xf32, #tpu.memory_space<vmem>>) dst(%dma_wait3A_173 : memref<10000x128xf32, #tpu.memory_space<vmem_shared>>)
        tpu.yield
      }) : () -> ()
    }
    %scan3A_84 = arith.constant 12 : i32
    %dma_wait3A_85 = arith.constant 24 : i32
    %dma_wait3A_86 = arith.constant 0 : i32
    %dma_wait3A_87 = tpu.memref_slice %arg7[%dma_wait3A_85, %dma_wait3A_86] : memref<25x80xi32, #tpu.memory_space<vmem>> -> memref<1x80xi32, #tpu.memory_space<vmem>>
    %dma_wait3A_88 = tpu.memref_squeeze %dma_wait3A_87 : memref<1x80xi32, #tpu.memory_space<vmem>> -> memref<80xi32, #tpu.memory_space<vmem>>
    %dma_wait3A_89 = arith.constant 0 : i32
    %dma_wait3A_90 = arith.constant 0 : i32
    %dma_wait3A_91 = tpu.memref_slice %arg2[%dma_wait3A_89, %dma_wait3A_90] : memref<10000x128xf32, #tpu.memory_space<hbm>> -> memref<10000x128xf32, #tpu.memory_space<hbm>>
    tpu.wait_indirect_dma semaphore(%arg12 : memref<!tpu.dma_semaphore, #tpu.memory_space<semaphore_mem>>) src(%dma_wait3A_91 : memref<10000x128xf32, #tpu.memory_space<hbm>>) dst(%arg9 : memref<80x128xf32, #tpu.memory_space<vmem>>)
    %run_scoped3A_92 = arith.constant 24 : i32
    "tpu.region"() ({
      %run_scoped3A_126 = tpu.sem_alloc : memref<!tpu.dma_semaphore, #tpu.memory_space<semaphore_mem>>
      %dma_start3A_127 = arith.constant 0 : i32
      %dma_start3A_128 = tpu.memref_slice %arg8[%run_scoped3A_92, %dma_start3A_127] : memref<25x80xi32, #tpu.memory_space<vmem>> -> memref<1x80xi32, #tpu.memory_space<vmem>>
      %dma_start3A_129 = tpu.memref_squeeze %dma_start3A_128 : memref<1x80xi32, #tpu.memory_space<vmem>> -> memref<80xi32, #tpu.memory_space<vmem>>
      %dma_start3A_130 = arith.constant 0 : i32
      %dma_start3A_131 = arith.constant 0 : i32
      %dma_start3A_132 = tpu.memref_slice %arg11[%dma_start3A_130, %dma_start3A_131] : memref<10000x128xf32, #tpu.memory_space<vmem_shared>> -> memref<10000x128xf32, #tpu.memory_space<vmem_shared>>
      tpu.enqueue_indirect_dma source(%arg9 : memref<80x128xf32, #tpu.memory_space<vmem>>) target(%dma_start3A_132 : memref<10000x128xf32, #tpu.memory_space<vmem_shared>>) offsets(%dma_start3A_129 : memref<80xi32, #tpu.memory_space<vmem>>) semaphore(%run_scoped3A_126 : memref<!tpu.dma_semaphore, #tpu.memory_space<semaphore_mem>>) {add = true}
      %dma_wait3A_133 = arith.constant 0 : i32
      %dma_wait3A_134 = tpu.memref_slice %arg8[%run_scoped3A_92, %dma_wait3A_133] : memref<25x80xi32, #tpu.memory_space<vmem>> -> memref<1x80xi32, #tpu.memory_space<vmem>>
      %dma_wait3A_135 = tpu.memref_squeeze %dma_wait3A_134 : memref<1x80xi32, #tpu.memory_space<vmem>> -> memref<80xi32, #tpu.memory_space<vmem>>
      %dma_wait3A_136 = arith.constant 0 : i32
      %dma_wait3A_137 = arith.constant 0 : i32
      %dma_wait3A_138 = tpu.memref_slice %arg11[%dma_wait3A_136, %dma_wait3A_137] : memref<10000x128xf32, #tpu.memory_space<vmem_shared>> -> memref<10000x128xf32, #tpu.memory_space<vmem_shared>>
      tpu.wait_indirect_dma semaphore(%run_scoped3A_126 : memref<!tpu.dma_semaphore, #tpu.memory_space<semaphore_mem>>) src(%arg9 : memref<80x128xf32, #tpu.memory_space<vmem>>) dst(%dma_wait3A_138 : memref<10000x128xf32, #tpu.memory_space<vmem_shared>>)
      tpu.yield
    }) : () -> ()
    %run_scoped3A_93 = arith.constant 4 : i32
    "tpu.region"() ({
      %run_scoped3A_126 = tpu.sem_alloc : memref<!tpu.dma_semaphore, #tpu.memory_space<semaphore_mem>>
      %dma_start3A_127 = arith.constant 0 : i32
      %dma_start3A_128 = arith.constant 0 : i32
      %dma_start3A_129 = tpu.memref_slice %arg3[%add3A, %run_scoped3A_93, %dma_start3A_127, %dma_start3A_128] : memref<32x5x25x80xi32, #tpu.memory_space<hbm>> -> memref<1x1x25x80xi32, #tpu.memory_space<hbm>>
      %dma_start3A_130 = tpu.memref_squeeze %dma_start3A_129 : memref<1x1x25x80xi32, #tpu.memory_space<hbm>> -> memref<25x80xi32, #tpu.memory_space<hbm>>
      %dma_start3A_131 = arith.constant 0 : i32
      %dma_start3A_132 = arith.constant 0 : i32
      %dma_start3A_133 = tpu.memref_slice %arg3[%add3A, %run_scoped3A_93, %dma_start3A_131, %dma_start3A_132] : memref<32x5x25x80xi32, #tpu.memory_space<hbm>> -> memref<1x1x25x80xi32, #tpu.memory_space<hbm>>
      %dma_start3A_134 = tpu.memref_squeeze %dma_start3A_133 : memref<1x1x25x80xi32, #tpu.memory_space<hbm>> -> memref<25x80xi32, #tpu.memory_space<hbm>>
      tpu.enqueue_dma source(%dma_start3A_134 : memref<25x80xi32, #tpu.memory_space<hbm>>) target(%arg7 : memref<25x80xi32, #tpu.memory_space<vmem>>) target_semaphore(%run_scoped3A_126 : memref<!tpu.dma_semaphore, #tpu.memory_space<semaphore_mem>>)
      %dma_wait3A_135 = arith.constant 0 : i32
      %dma_wait3A_136 = arith.constant 0 : i32
      %dma_wait3A_137 = tpu.memref_slice %arg3[%add3A, %run_scoped3A_93, %dma_wait3A_135, %dma_wait3A_136] : memref<32x5x25x80xi32, #tpu.memory_space<hbm>> -> memref<1x1x25x80xi32, #tpu.memory_space<hbm>>
      %dma_wait3A_138 = tpu.memref_squeeze %dma_wait3A_137 : memref<1x1x25x80xi32, #tpu.memory_space<hbm>> -> memref<25x80xi32, #tpu.memory_space<hbm>>
      %dma_wait3A_139 = arith.constant 0 : i32
      %dma_wait3A_140 = arith.constant 0 : i32
      %dma_wait3A_141 = tpu.memref_slice %arg3[%add3A, %run_scoped3A_93, %dma_wait3A_139, %dma_wait3A_140] : memref<32x5x25x80xi32, #tpu.memory_space<hbm>> -> memref<1x1x25x80xi32, #tpu.memory_space<hbm>>
      %dma_wait3A_142 = tpu.memref_squeeze %dma_wait3A_141 : memref<1x1x25x80xi32, #tpu.memory_space<hbm>> -> memref<25x80xi32, #tpu.memory_space<hbm>>
      tpu.wait_dma2 semaphore(%run_scoped3A_126 : memref<!tpu.dma_semaphore, #tpu.memory_space<semaphore_mem>>) src(%dma_wait3A_142 : memref<25x80xi32, #tpu.memory_space<hbm>>) dst(%arg7 : memref<25x80xi32, #tpu.memory_space<vmem>>)
      tpu.yield
    }) : () -> ()
    %run_scoped3A_94 = arith.constant 4 : i32
    "tpu.region"() ({
      %run_scoped3A_126 = tpu.sem_alloc : memref<!tpu.dma_semaphore, #tpu.memory_space<semaphore_mem>>
      %dma_start3A_127 = arith.constant 0 : i32
      %dma_start3A_128 = arith.constant 0 : i32
      %dma_start3A_129 = tpu.memref_slice %arg4[%add3A, %run_scoped3A_94, %dma_start3A_127, %dma_start3A_128] : memref<32x5x25x80xi32, #tpu.memory_space<hbm>> -> memref<1x1x25x80xi32, #tpu.memory_space<hbm>>
      %dma_start3A_130 = tpu.memref_squeeze %dma_start3A_129 : memref<1x1x25x80xi32, #tpu.memory_space<hbm>> -> memref<25x80xi32, #tpu.memory_space<hbm>>
      %dma_start3A_131 = arith.constant 0 : i32
      %dma_start3A_132 = arith.constant 0 : i32
      %dma_start3A_133 = tpu.memref_slice %arg4[%add3A, %run_scoped3A_94, %dma_start3A_131, %dma_start3A_132] : memref<32x5x25x80xi32, #tpu.memory_space<hbm>> -> memref<1x1x25x80xi32, #tpu.memory_space<hbm>>
      %dma_start3A_134 = tpu.memref_squeeze %dma_start3A_133 : memref<1x1x25x80xi32, #tpu.memory_space<hbm>> -> memref<25x80xi32, #tpu.memory_space<hbm>>
      tpu.enqueue_dma source(%dma_start3A_134 : memref<25x80xi32, #tpu.memory_space<hbm>>) target(%arg8 : memref<25x80xi32, #tpu.memory_space<vmem>>) target_semaphore(%run_scoped3A_126 : memref<!tpu.dma_semaphore, #tpu.memory_space<semaphore_mem>>)
      %dma_wait3A_135 = arith.constant 0 : i32
      %dma_wait3A_136 = arith.constant 0 : i32
      %dma_wait3A_137 = tpu.memref_slice %arg4[%add3A, %run_scoped3A_94, %dma_wait3A_135, %dma_wait3A_136] : memref<32x5x25x80xi32, #tpu.memory_space<hbm>> -> memref<1x1x25x80xi32, #tpu.memory_space<hbm>>
      %dma_wait3A_138 = tpu.memref_squeeze %dma_wait3A_137 : memref<1x1x25x80xi32, #tpu.memory_space<hbm>> -> memref<25x80xi32, #tpu.memory_space<hbm>>
      %dma_wait3A_139 = arith.constant 0 : i32
      %dma_wait3A_140 = arith.constant 0 : i32
      %dma_wait3A_141 = tpu.memref_slice %arg4[%add3A, %run_scoped3A_94, %dma_wait3A_139, %dma_wait3A_140] : memref<32x5x25x80xi32, #tpu.memory_space<hbm>> -> memref<1x1x25x80xi32, #tpu.memory_space<hbm>>
      %dma_wait3A_142 = tpu.memref_squeeze %dma_wait3A_141 : memref<1x1x25x80xi32, #tpu.memory_space<hbm>> -> memref<25x80xi32, #tpu.memory_space<hbm>>
      tpu.wait_dma2 semaphore(%run_scoped3A_126 : memref<!tpu.dma_semaphore, #tpu.memory_space<semaphore_mem>>) src(%dma_wait3A_142 : memref<25x80xi32, #tpu.memory_space<hbm>>) dst(%arg8 : memref<25x80xi32, #tpu.memory_space<vmem>>)
      tpu.yield
    }) : () -> ()
    %dma_start3A_95 = arith.constant 0 : i32
    %dma_start3A_96 = arith.constant 0 : i32
    %dma_start3A_97 = tpu.memref_slice %arg7[%dma_start3A_95, %dma_start3A_96] : memref<25x80xi32, #tpu.memory_space<vmem>> -> memref<1x80xi32, #tpu.memory_space<vmem>>
    %dma_start3A_98 = tpu.memref_squeeze %dma_start3A_97 : memref<1x80xi32, #tpu.memory_space<vmem>> -> memref<80xi32, #tpu.memory_space<vmem>>
    %dma_start3A_99 = arith.constant 0 : i32
    %dma_start3A_100 = arith.constant 0 : i32
    %dma_start3A_101 = tpu.memref_slice %arg2[%dma_start3A_99, %dma_start3A_100] : memref<10000x128xf32, #tpu.memory_space<hbm>> -> memref<10000x128xf32, #tpu.memory_space<hbm>>
    tpu.enqueue_indirect_dma source(%dma_start3A_101 : memref<10000x128xf32, #tpu.memory_space<hbm>>) target(%arg9 : memref<80x128xf32, #tpu.memory_space<vmem>>) offsets(%dma_start3A_98 : memref<80xi32, #tpu.memory_space<vmem>>) semaphore(%arg12 : memref<!tpu.dma_semaphore, #tpu.memory_space<semaphore_mem>>)
    %scan3A_102 = arith.constant 0 : i32
    %scan3A_103 = arith.constant 0 : i32
    %scan3A_104 = arith.constant 12 : i32
    %scan3A_105 = arith.addi %scan3A_103, %scan3A_104 : i32
    %scan3A_106 = arith.constant 1 : i32
    scf.for %scan3A_126 = %scan3A_103 to %scan3A_105 step %scan3A_106  : i32 {
      %mul3A_127 = arith.constant 2 : i32
      %mul3A_128 = arith.muli %mul3A_127, %scan3A_126 : i32
      %add3A_129 = arith.constant 1 : i32
      %add3A_130 = arith.addi %mul3A_128, %add3A_129 : i32
      %dma_start3A_131 = arith.constant 0 : i32
      %dma_start3A_132 = tpu.memref_slice %arg7[%add3A_130, %dma_start3A_131] : memref<25x80xi32, #tpu.memory_space<vmem>> -> memref<1x80xi32, #tpu.memory_space<vmem>>
      %dma_start3A_133 = tpu.memref_squeeze %dma_start3A_132 : memref<1x80xi32, #tpu.memory_space<vmem>> -> memref<80xi32, #tpu.memory_space<vmem>>
      %dma_start3A_134 = arith.constant 0 : i32
      %dma_start3A_135 = arith.constant 0 : i32
      %dma_start3A_136 = tpu.memref_slice %arg2[%dma_start3A_134, %dma_start3A_135] : memref<10000x128xf32, #tpu.memory_space<hbm>> -> memref<10000x128xf32, #tpu.memory_space<hbm>>
      tpu.enqueue_indirect_dma source(%dma_start3A_136 : memref<10000x128xf32, #tpu.memory_space<hbm>>) target(%arg10 : memref<80x128xf32, #tpu.memory_space<vmem>>) offsets(%dma_start3A_133 : memref<80xi32, #tpu.memory_space<vmem>>) semaphore(%arg13 : memref<!tpu.dma_semaphore, #tpu.memory_space<semaphore_mem>>)
      %dma_wait3A_137 = arith.constant 0 : i32
      %dma_wait3A_138 = tpu.memref_slice %arg7[%mul3A_128, %dma_wait3A_137] : memref<25x80xi32, #tpu.memory_space<vmem>> -> memref<1x80xi32, #tpu.memory_space<vmem>>
      %dma_wait3A_139 = tpu.memref_squeeze %dma_wait3A_138 : memref<1x80xi32, #tpu.memory_space<vmem>> -> memref<80xi32, #tpu.memory_space<vmem>>
      %dma_wait3A_140 = arith.constant 0 : i32
      %dma_wait3A_141 = arith.constant 0 : i32
      %dma_wait3A_142 = tpu.memref_slice %arg2[%dma_wait3A_140, %dma_wait3A_141] : memref<10000x128xf32, #tpu.memory_space<hbm>> -> memref<10000x128xf32, #tpu.memory_space<hbm>>
      tpu.wait_indirect_dma semaphore(%arg12 : memref<!tpu.dma_semaphore, #tpu.memory_space<semaphore_mem>>) src(%dma_wait3A_142 : memref<10000x128xf32, #tpu.memory_space<hbm>>) dst(%arg9 : memref<80x128xf32, #tpu.memory_space<vmem>>)
      "tpu.region"() ({
        %run_scoped3A_161 = tpu.sem_alloc : memref<!tpu.dma_semaphore, #tpu.memory_space<semaphore_mem>>
        %dma_start3A_162 = arith.constant 0 : i32
        %dma_start3A_163 = tpu.memref_slice %arg8[%mul3A_128, %dma_start3A_162] : memref<25x80xi32, #tpu.memory_space<vmem>> -> memref<1x80xi32, #tpu.memory_space<vmem>>
        %dma_start3A_164 = tpu.memref_squeeze %dma_start3A_163 : memref<1x80xi32, #tpu.memory_space<vmem>> -> memref<80xi32, #tpu.memory_space<vmem>>
        %dma_start3A_165 = arith.constant 0 : i32
        %dma_start3A_166 = arith.constant 0 : i32
        %dma_start3A_167 = tpu.memref_slice %arg11[%dma_start3A_165, %dma_start3A_166] : memref<10000x128xf32, #tpu.memory_space<vmem_shared>> -> memref<10000x128xf32, #tpu.memory_space<vmem_shared>>
        tpu.enqueue_indirect_dma source(%arg9 : memref<80x128xf32, #tpu.memory_space<vmem>>) target(%dma_start3A_167 : memref<10000x128xf32, #tpu.memory_space<vmem_shared>>) offsets(%dma_start3A_164 : memref<80xi32, #tpu.memory_space<vmem>>) semaphore(%run_scoped3A_161 : memref<!tpu.dma_semaphore, #tpu.memory_space<semaphore_mem>>) {add = true}
        %dma_wait3A_168 = arith.constant 0 : i32
        %dma_wait3A_169 = tpu.memref_slice %arg8[%mul3A_128, %dma_wait3A_168] : memref<25x80xi32, #tpu.memory_space<vmem>> -> memref<1x80xi32, #tpu.memory_space<vmem>>
        %dma_wait3A_170 = tpu.memref_squeeze %dma_wait3A_169 : memref<1x80xi32, #tpu.memory_space<vmem>> -> memref<80xi32, #tpu.memory_space<vmem>>
        %dma_wait3A_171 = arith.constant 0 : i32
        %dma_wait3A_172 = arith.constant 0 : i32
        %dma_wait3A_173 = tpu.memref_slice %arg11[%dma_wait3A_171, %dma_wait3A_172] : memref<10000x128xf32, #tpu.memory_space<vmem_shared>> -> memref<10000x128xf32, #tpu.memory_space<vmem_shared>>
        tpu.wait_indirect_dma semaphore(%run_scoped3A_161 : memref<!tpu.dma_semaphore, #tpu.memory_space<semaphore_mem>>) src(%arg9 : memref<80x128xf32, #tpu.memory_space<vmem>>) dst(%dma_wait3A_173 : memref<10000x128xf32, #tpu.memory_space<vmem_shared>>)
        tpu.yield
      }) : () -> ()
      %add3A_143 = arith.constant 2 : i32
      %add3A_144 = arith.addi %mul3A_128, %add3A_143 : i32
      %dma_start3A_145 = arith.constant 0 : i32
      %dma_start3A_146 = tpu.memref_slice %arg7[%add3A_144, %dma_start3A_145] : memref<25x80xi32, #tpu.memory_space<vmem>> -> memref<1x80xi32, #tpu.memory_space<vmem>>
      %dma_start3A_147 = tpu.memref_squeeze %dma_start3A_146 : memref<1x80xi32, #tpu.memory_space<vmem>> -> memref<80xi32, #tpu.memory_space<vmem>>
      %dma_start3A_148 = arith.constant 0 : i32
      %dma_start3A_149 = arith.constant 0 : i32
      %dma_start3A_150 = tpu.memref_slice %arg2[%dma_start3A_148, %dma_start3A_149] : memref<10000x128xf32, #tpu.memory_space<hbm>> -> memref<10000x128xf32, #tpu.memory_space<hbm>>
      tpu.enqueue_indirect_dma source(%dma_start3A_150 : memref<10000x128xf32, #tpu.memory_space<hbm>>) target(%arg9 : memref<80x128xf32, #tpu.memory_space<vmem>>) offsets(%dma_start3A_147 : memref<80xi32, #tpu.memory_space<vmem>>) semaphore(%arg12 : memref<!tpu.dma_semaphore, #tpu.memory_space<semaphore_mem>>)
      %add3A_151 = arith.constant 1 : i32
      %add3A_152 = arith.addi %mul3A_128, %add3A_151 : i32
      %dma_wait3A_153 = arith.constant 0 : i32
      %dma_wait3A_154 = tpu.memref_slice %arg7[%add3A_152, %dma_wait3A_153] : memref<25x80xi32, #tpu.memory_space<vmem>> -> memref<1x80xi32, #tpu.memory_space<vmem>>
      %dma_wait3A_155 = tpu.memref_squeeze %dma_wait3A_154 : memref<1x80xi32, #tpu.memory_space<vmem>> -> memref<80xi32, #tpu.memory_space<vmem>>
      %dma_wait3A_156 = arith.constant 0 : i32
      %dma_wait3A_157 = arith.constant 0 : i32
      %dma_wait3A_158 = tpu.memref_slice %arg2[%dma_wait3A_156, %dma_wait3A_157] : memref<10000x128xf32, #tpu.memory_space<hbm>> -> memref<10000x128xf32, #tpu.memory_space<hbm>>
      tpu.wait_indirect_dma semaphore(%arg13 : memref<!tpu.dma_semaphore, #tpu.memory_space<semaphore_mem>>) src(%dma_wait3A_158 : memref<10000x128xf32, #tpu.memory_space<hbm>>) dst(%arg10 : memref<80x128xf32, #tpu.memory_space<vmem>>)
      %add3A_159 = arith.constant 1 : i32
      %add3A_160 = arith.addi %mul3A_128, %add3A_159 : i32
      "tpu.region"() ({
        %run_scoped3A_161 = tpu.sem_alloc : memref<!tpu.dma_semaphore, #tpu.memory_space<semaphore_mem>>
        %dma_start3A_162 = arith.constant 0 : i32
        %dma_start3A_163 = tpu.memref_slice %arg8[%add3A_160, %dma_start3A_162] : memref<25x80xi32, #tpu.memory_space<vmem>> -> memref<1x80xi32, #tpu.memory_space<vmem>>
        %dma_start3A_164 = tpu.memref_squeeze %dma_start3A_163 : memref<1x80xi32, #tpu.memory_space<vmem>> -> memref<80xi32, #tpu.memory_space<vmem>>
        %dma_start3A_165 = arith.constant 0 : i32
        %dma_start3A_166 = arith.constant 0 : i32
        %dma_start3A_167 = tpu.memref_slice %arg11[%dma_start3A_165, %dma_start3A_166] : memref<10000x128xf32, #tpu.memory_space<vmem_shared>> -> memref<10000x128xf32, #tpu.memory_space<vmem_shared>>
        tpu.enqueue_indirect_dma source(%arg10 : memref<80x128xf32, #tpu.memory_space<vmem>>) target(%dma_start3A_167 : memref<10000x128xf32, #tpu.memory_space<vmem_shared>>) offsets(%dma_start3A_164 : memref<80xi32, #tpu.memory_space<vmem>>) semaphore(%run_scoped3A_161 : memref<!tpu.dma_semaphore, #tpu.memory_space<semaphore_mem>>) {add = true}
        %dma_wait3A_168 = arith.constant 0 : i32
        %dma_wait3A_169 = tpu.memref_slice %arg8[%add3A_160, %dma_wait3A_168] : memref<25x80xi32, #tpu.memory_space<vmem>> -> memref<1x80xi32, #tpu.memory_space<vmem>>
        %dma_wait3A_170 = tpu.memref_squeeze %dma_wait3A_169 : memref<1x80xi32, #tpu.memory_space<vmem>> -> memref<80xi32, #tpu.memory_space<vmem>>
        %dma_wait3A_171 = arith.constant 0 : i32
        %dma_wait3A_172 = arith.constant 0 : i32
        %dma_wait3A_173 = tpu.memref_slice %arg11[%dma_wait3A_171, %dma_wait3A_172] : memref<10000x128xf32, #tpu.memory_space<vmem_shared>> -> memref<10000x128xf32, #tpu.memory_space<vmem_shared>>
        tpu.wait_indirect_dma semaphore(%run_scoped3A_161 : memref<!tpu.dma_semaphore, #tpu.memory_space<semaphore_mem>>) src(%arg10 : memref<80x128xf32, #tpu.memory_space<vmem>>) dst(%dma_wait3A_173 : memref<10000x128xf32, #tpu.memory_space<vmem_shared>>)
        tpu.yield
      }) : () -> ()
    }
    %scan3A_107 = arith.constant 12 : i32
    %dma_wait3A_108 = arith.constant 24 : i32
    %dma_wait3A_109 = arith.constant 0 : i32
    %dma_wait3A_110 = tpu.memref_slice %arg7[%dma_wait3A_108, %dma_wait3A_109] : memref<25x80xi32, #tpu.memory_space<vmem>> -> memref<1x80xi32, #tpu.memory_space<vmem>>
    %dma_wait3A_111 = tpu.memref_squeeze %dma_wait3A_110 : memref<1x80xi32, #tpu.memory_space<vmem>> -> memref<80xi32, #tpu.memory_space<vmem>>
    %dma_wait3A_112 = arith.constant 0 : i32
    %dma_wait3A_113 = arith.constant 0 : i32
    %dma_wait3A_114 = tpu.memref_slice %arg2[%dma_wait3A_112, %dma_wait3A_113] : memref<10000x128xf32, #tpu.memory_space<hbm>> -> memref<10000x128xf32, #tpu.memory_space<hbm>>
    tpu.wait_indirect_dma semaphore(%arg12 : memref<!tpu.dma_semaphore, #tpu.memory_space<semaphore_mem>>) src(%dma_wait3A_114 : memref<10000x128xf32, #tpu.memory_space<hbm>>) dst(%arg9 : memref<80x128xf32, #tpu.memory_space<vmem>>)
    %run_scoped3A_115 = arith.constant 24 : i32
    "tpu.region"() ({
      %run_scoped3A_126 = tpu.sem_alloc : memref<!tpu.dma_semaphore, #tpu.memory_space<semaphore_mem>>
      %dma_start3A_127 = arith.constant 0 : i32
      %dma_start3A_128 = tpu.memref_slice %arg8[%run_scoped3A_115, %dma_start3A_127] : memref<25x80xi32, #tpu.memory_space<vmem>> -> memref<1x80xi32, #tpu.memory_space<vmem>>
      %dma_start3A_129 = tpu.memref_squeeze %dma_start3A_128 : memref<1x80xi32, #tpu.memory_space<vmem>> -> memref<80xi32, #tpu.memory_space<vmem>>
      %dma_start3A_130 = arith.constant 0 : i32
      %dma_start3A_131 = arith.constant 0 : i32
      %dma_start3A_132 = tpu.memref_slice %arg11[%dma_start3A_130, %dma_start3A_131] : memref<10000x128xf32, #tpu.memory_space<vmem_shared>> -> memref<10000x128xf32, #tpu.memory_space<vmem_shared>>
      tpu.enqueue_indirect_dma source(%arg9 : memref<80x128xf32, #tpu.memory_space<vmem>>) target(%dma_start3A_132 : memref<10000x128xf32, #tpu.memory_space<vmem_shared>>) offsets(%dma_start3A_129 : memref<80xi32, #tpu.memory_space<vmem>>) semaphore(%run_scoped3A_126 : memref<!tpu.dma_semaphore, #tpu.memory_space<semaphore_mem>>) {add = true}
      %dma_wait3A_133 = arith.constant 0 : i32
      %dma_wait3A_134 = tpu.memref_slice %arg8[%run_scoped3A_115, %dma_wait3A_133] : memref<25x80xi32, #tpu.memory_space<vmem>> -> memref<1x80xi32, #tpu.memory_space<vmem>>
      %dma_wait3A_135 = tpu.memref_squeeze %dma_wait3A_134 : memref<1x80xi32, #tpu.memory_space<vmem>> -> memref<80xi32, #tpu.memory_space<vmem>>
      %dma_wait3A_136 = arith.constant 0 : i32
      %dma_wait3A_137 = arith.constant 0 : i32
      %dma_wait3A_138 = tpu.memref_slice %arg11[%dma_wait3A_136, %dma_wait3A_137] : memref<10000x128xf32, #tpu.memory_space<vmem_shared>> -> memref<10000x128xf32, #tpu.memory_space<vmem_shared>>
      tpu.wait_indirect_dma semaphore(%run_scoped3A_126 : memref<!tpu.dma_semaphore, #tpu.memory_space<semaphore_mem>>) src(%arg9 : memref<80x128xf32, #tpu.memory_space<vmem>>) dst(%dma_wait3A_138 : memref<10000x128xf32, #tpu.memory_space<vmem_shared>>)
      tpu.yield
    }) : () -> ()
    %barrier3A_116 = arith.constant 0 : index
    tpu.barrier barrier_id(%barrier3A_116)
    %mul3A_117 = arith.constant 624 : i32
    %mul3A_118 = arith.muli %arg1, %mul3A_117 : i32
    %mul3A_119 = arith.constant 624 : i32
    %mul3A_120 = arith.muli %arg1, %mul3A_119 : i32
    "tpu.region"() ({
      %run_scoped3A_126 = tpu.sem_alloc : memref<!tpu.dma_semaphore, #tpu.memory_space<semaphore_mem>>
      %dma_start3A_127 = arith.constant 0 : i32
      %dma_start3A_128 = tpu.memref_slice %arg6[%arg0, %mul3A_120, %dma_start3A_127] : memref<2x10000x128xf32, #tpu.memory_space<hbm>> -> memref<1x624x128xf32, #tpu.memory_space<hbm>>
      %dma_start3A_129 = tpu.memref_squeeze %dma_start3A_128 : memref<1x624x128xf32, #tpu.memory_space<hbm>> -> memref<624x128xf32, #tpu.memory_space<hbm>>
      %dma_start3A_130 = arith.constant 0 : i32
      %dma_start3A_131 = tpu.memref_slice %arg11[%mul3A_118, %dma_start3A_130] : memref<10000x128xf32, #tpu.memory_space<vmem_shared>> -> memref<624x128xf32, #tpu.memory_space<vmem_shared>>
      tpu.enqueue_dma source(%dma_start3A_131 : memref<624x128xf32, #tpu.memory_space<vmem_shared>>) target(%dma_start3A_129 : memref<624x128xf32, #tpu.memory_space<hbm>>) target_semaphore(%run_scoped3A_126 : memref<!tpu.dma_semaphore, #tpu.memory_space<semaphore_mem>>)
      %dma_wait3A_132 = arith.constant 0 : i32
      %dma_wait3A_133 = tpu.memref_slice %arg6[%arg0, %mul3A_120, %dma_wait3A_132] : memref<2x10000x128xf32, #tpu.memory_space<hbm>> -> memref<1x624x128xf32, #tpu.memory_space<hbm>>
      %dma_wait3A_134 = tpu.memref_squeeze %dma_wait3A_133 : memref<1x624x128xf32, #tpu.memory_space<hbm>> -> memref<624x128xf32, #tpu.memory_space<hbm>>
      %dma_wait3A_135 = arith.constant 0 : i32
      %dma_wait3A_136 = tpu.memref_slice %arg11[%mul3A_118, %dma_wait3A_135] : memref<10000x128xf32, #tpu.memory_space<vmem_shared>> -> memref<624x128xf32, #tpu.memory_space<vmem_shared>>
      tpu.wait_dma2 semaphore(%run_scoped3A_126 : memref<!tpu.dma_semaphore, #tpu.memory_space<semaphore_mem>>) src(%dma_wait3A_136 : memref<624x128xf32, #tpu.memory_space<vmem_shared>>) dst(%dma_wait3A_134 : memref<624x128xf32, #tpu.memory_space<hbm>>)
      tpu.yield
    }) : () -> ()
    %eq3A_121 = arith.constant 0 : i32
    %eq3A_122 = arith.cmpi eq, %arg1, %eq3A_121 : i32
    %convert_element_type3A_123 = arith.extui %eq3A_122 : i1 to i32
    %cond3A_124 = arith.constant 0 : i32
    %cond3A_125 = arith.cmpi ne, %convert_element_type3A_123, %cond3A_124 : i32
    scf.if %cond3A_125 {
      "tpu.region"() ({
        %run_scoped3A_126 = tpu.sem_alloc : memref<!tpu.dma_semaphore, #tpu.memory_space<semaphore_mem>>
        %dma_start3A_127 = arith.constant 9984 : i32
        %dma_start3A_128 = arith.constant 0 : i32
        %dma_start3A_129 = tpu.memref_slice %arg6[%arg0, %dma_start3A_127, %dma_start3A_128] : memref<2x10000x128xf32, #tpu.memory_space<hbm>> -> memref<1x16x128xf32, #tpu.memory_space<hbm>>
        %dma_start3A_130 = tpu.memref_squeeze %dma_start3A_129 : memref<1x16x128xf32, #tpu.memory_space<hbm>> -> memref<16x128xf32, #tpu.memory_space<hbm>>
        %dma_start3A_131 = arith.constant 9984 : i32
        %dma_start3A_132 = arith.constant 0 : i32
        %dma_start3A_133 = tpu.memref_slice %arg11[%dma_start3A_131, %dma_start3A_132] : memref<10000x128xf32, #tpu.memory_space<vmem_shared>> -> memref<16x128xf32, #tpu.memory_space<vmem_shared>>
        tpu.enqueue_dma source(%dma_start3A_133 : memref<16x128xf32, #tpu.memory_space<vmem_shared>>) target(%dma_start3A_130 : memref<16x128xf32, #tpu.memory_space<hbm>>) target_semaphore(%run_scoped3A_126 : memref<!tpu.dma_semaphore, #tpu.memory_space<semaphore_mem>>)
        %dma_wait3A_134 = arith.constant 9984 : i32
        %dma_wait3A_135 = arith.constant 0 : i32
        %dma_wait3A_136 = tpu.memref_slice %arg6[%arg0, %dma_wait3A_134, %dma_wait3A_135] : memref<2x10000x128xf32, #tpu.memory_space<hbm>> -> memref<1x16x128xf32, #tpu.memory_space<hbm>>
        %dma_wait3A_137 = tpu.memref_squeeze %dma_wait3A_136 : memref<1x16x128xf32, #tpu.memory_space<hbm>> -> memref<16x128xf32, #tpu.memory_space<hbm>>
        %dma_wait3A_138 = arith.constant 9984 : i32
        %dma_wait3A_139 = arith.constant 0 : i32
        %dma_wait3A_140 = tpu.memref_slice %arg11[%dma_wait3A_138, %dma_wait3A_139] : memref<10000x128xf32, #tpu.memory_space<vmem_shared>> -> memref<16x128xf32, #tpu.memory_space<vmem_shared>>
        tpu.wait_dma2 semaphore(%run_scoped3A_126 : memref<!tpu.dma_semaphore, #tpu.memory_space<semaphore_mem>>) src(%dma_wait3A_140 : memref<16x128xf32, #tpu.memory_space<vmem_shared>>) dst(%dma_wait3A_137 : memref<16x128xf32, #tpu.memory_space<hbm>>)
        tpu.yield
      }) : () -> ()
    } else {
    }
    return
  }
}

#map = affine_map<(d0, d1) -> (0, 0)>
#map1 = affine_map<(d0, d1) -> (0, 0, 0, 0)>
#map2 = affine_map<(d0, d1) -> (0, 0, 0)>
module attributes {stable_mosaic.version = 14 : i64} {
  func.func @k(%arg0: i32, %arg1: i32, %arg2: memref<10000x128xf32, #tpu.memory_space<hbm>>, %arg3: memref<32x5x25x80xi32, #tpu.memory_space<hbm>>, %arg4: memref<32x5x25x80xi32, #tpu.memory_space<hbm>>, %arg5: memref<624x128xf32, #tpu.memory_space<hbm>>, %arg6: memref<2x10000x128xf32, #tpu.memory_space<hbm>>, %arg7: memref<25x80xi32, #tpu.memory_space<vmem>>, %arg8: memref<25x80xi32, #tpu.memory_space<vmem>>, %arg9: memref<80x128xf32, #tpu.memory_space<vmem>>, %arg10: memref<80x128xf32, #tpu.memory_space<vmem>>, %arg11: memref<10000x128xf32, #tpu.memory_space<vmem_shared>>, %arg12: memref<!tpu.dma_semaphore, #tpu.memory_space<semaphore_mem>>, %arg13: memref<!tpu.dma_semaphore, #tpu.memory_space<semaphore_mem>>) attributes {dimension_semantics = [#tpu.dimension_semantics<core_parallel>, #tpu.dimension_semantics<subcore_parallel>], iteration_bounds = array<i64: 2, 16>, scalar_prefetch = 0 : i64, scratch_operands = 7 : i64, tpu.core_type = #tpu.core_type<sc_vector_subcore>, window_params = [{transform_indices = #map}, {transform_indices = #map1}, {transform_indices = #map1}, {transform_indices = #map}, {transform_indices = #map2}]} {
    %mul3A = arith.constant 16 : i32
    %mul3A_0 = arith.muli %arg0, %mul3A : i32
    %add3A = arith.addi %mul3A_0, %arg1 : i32
    %mul3A_1 = arith.constant 624 : i32
    %mul3A_2 = arith.muli %arg1, %mul3A_1 : i32
    "tpu.region"() ({
      %run_scoped3A_126 = tpu.sem_alloc : memref<!tpu.dma_semaphore, #tpu.memory_space<semaphore_mem>>
      %dma_start3A_127 = arith.constant 0 : i32
      %dma_start3A_128 = tpu.memref_slice %arg11[%mul3A_2, %dma_start3A_127] : memref<10000x128xf32, #tpu.memory_space<vmem_shared>> -> memref<624x128xf32, #tpu.memory_space<vmem_shared>>
      %dma_start3A_129 = arith.constant 0 : i32
      %dma_start3A_130 = arith.constant 0 : i32
      %dma_start3A_131 = tpu.memref_slice %arg5[%dma_start3A_129, %dma_start3A_130] : memref<624x128xf32, #tpu.memory_space<hbm>> -> memref<624x128xf32, #tpu.memory_space<hbm>>
      tpu.enqueue_dma source(%dma_start3A_131 : memref<624x128xf32, #tpu.memory_space<hbm>>) target(%dma_start3A_128 : memref<624x128xf32, #tpu.memory_space<vmem_shared>>) target_semaphore(%run_scoped3A_126 : memref<!tpu.dma_semaphore, #tpu.memory_space<semaphore_mem>>)
      %dma_wait3A_132 = arith.constant 0 : i32
      %dma_wait3A_133 = tpu.memref_slice %arg11[%mul3A_2, %dma_wait3A_132] : memref<10000x128xf32, #tpu.memory_space<vmem_shared>> -> memref<624x128xf32, #tpu.memory_space<vmem_shared>>
      %dma_wait3A_134 = arith.constant 0 : i32
      %dma_wait3A_135 = arith.constant 0 : i32
      %dma_wait3A_136 = tpu.memref_slice %arg5[%dma_wait3A_134, %dma_wait3A_135] : memref<624x128xf32, #tpu.memory_space<hbm>> -> memref<624x128xf32, #tpu.memory_space<hbm>>
      tpu.wait_dma2 semaphore(%run_scoped3A_126 : memref<!tpu.dma_semaphore, #tpu.memory_space<semaphore_mem>>) src(%dma_wait3A_136 : memref<624x128xf32, #tpu.memory_space<hbm>>) dst(%dma_wait3A_133 : memref<624x128xf32, #tpu.memory_space<vmem_shared>>)
      tpu.yield
    }) : () -> ()
    %eq3A = arith.constant 0 : i32
    %eq3A_3 = arith.cmpi eq, %arg1, %eq3A : i32
    %convert_element_type3A = arith.extui %eq3A_3 : i1 to i32
    %cond3A = arith.constant 0 : i32
    %cond3A_4 = arith.cmpi ne, %convert_element_type3A, %cond3A : i32
    scf.if %cond3A_4 {
      "tpu.region"() ({
        %run_scoped3A_126 = tpu.sem_alloc : memref<!tpu.dma_semaphore, #tpu.memory_space<semaphore_mem>>
        %dma_start3A_127 = arith.constant 9984 : i32
        %dma_start3A_128 = arith.constant 0 : i32
        %dma_start3A_129 = tpu.memref_slice %arg11[%dma_start3A_127, %dma_start3A_128] : memref<10000x128xf32, #tpu.memory_space<vmem_shared>> -> memref<16x128xf32, #tpu.memory_space<vmem_shared>>
        %dma_start3A_130 = arith.constant 0 : i32
        %dma_start3A_131 = arith.constant 0 : i32
        %dma_start3A_132 = tpu.memref_slice %arg5[%dma_start3A_130, %dma_start3A_131] : memref<624x128xf32, #tpu.memory_space<hbm>> -> memref<16x128xf32, #tpu.memory_space<hbm>>
        tpu.enqueue_dma source(%dma_start3A_132 : memref<16x128xf32, #tpu.memory_space<hbm>>) target(%dma_start3A_129 : memref<16x128xf32, #tpu.memory_space<vmem_shared>>) target_semaphore(%run_scoped3A_126 : memref<!tpu.dma_semaphore, #tpu.memory_space<semaphore_mem>>)
        %dma_wait3A_133 = arith.constant 9984 : i32
        %dma_wait3A_134 = arith.constant 0 : i32
        %dma_wait3A_135 = tpu.memref_slice %arg11[%dma_wait3A_133, %dma_wait3A_134] : memref<10000x128xf32, #tpu.memory_space<vmem_shared>> -> memref<16x128xf32, #tpu.memory_space<vmem_shared>>
        %dma_wait3A_136 = arith.constant 0 : i32
        %dma_wait3A_137 = arith.constant 0 : i32
        %dma_wait3A_138 = tpu.memref_slice %arg5[%dma_wait3A_136, %dma_wait3A_137] : memref<624x128xf32, #tpu.memory_space<hbm>> -> memref<16x128xf32, #tpu.memory_space<hbm>>
        tpu.wait_dma2 semaphore(%run_scoped3A_126 : memref<!tpu.dma_semaphore, #tpu.memory_space<semaphore_mem>>) src(%dma_wait3A_138 : memref<16x128xf32, #tpu.memory_space<hbm>>) dst(%dma_wait3A_135 : memref<16x128xf32, #tpu.memory_space<vmem_shared>>)
        tpu.yield
      }) : () -> ()
    } else {
    }
    %barrier3A = arith.constant 0 : index
    tpu.barrier barrier_id(%barrier3A)
    %run_scoped3A = arith.constant 0 : i32
    "tpu.region"() ({
      %run_scoped3A_126 = tpu.sem_alloc : memref<!tpu.dma_semaphore, #tpu.memory_space<semaphore_mem>>
      %dma_start3A_127 = arith.constant 0 : i32
      %dma_start3A_128 = arith.constant 0 : i32
      %dma_start3A_129 = tpu.memref_slice %arg3[%add3A, %run_scoped3A, %dma_start3A_127, %dma_start3A_128] : memref<32x5x25x80xi32, #tpu.memory_space<hbm>> -> memref<1x1x25x80xi32, #tpu.memory_space<hbm>>
      %dma_start3A_130 = tpu.memref_squeeze %dma_start3A_129 : memref<1x1x25x80xi32, #tpu.memory_space<hbm>> -> memref<25x80xi32, #tpu.memory_space<hbm>>
      %dma_start3A_131 = arith.constant 0 : i32
      %dma_start3A_132 = arith.constant 0 : i32
      %dma_start3A_133 = tpu.memref_slice %arg3[%add3A, %run_scoped3A, %dma_start3A_131, %dma_start3A_132] : memref<32x5x25x80xi32, #tpu.memory_space<hbm>> -> memref<1x1x25x80xi32, #tpu.memory_space<hbm>>
      %dma_start3A_134 = tpu.memref_squeeze %dma_start3A_133 : memref<1x1x25x80xi32, #tpu.memory_space<hbm>> -> memref<25x80xi32, #tpu.memory_space<hbm>>
      tpu.enqueue_dma source(%dma_start3A_134 : memref<25x80xi32, #tpu.memory_space<hbm>>) target(%arg7 : memref<25x80xi32, #tpu.memory_space<vmem>>) target_semaphore(%run_scoped3A_126 : memref<!tpu.dma_semaphore, #tpu.memory_space<semaphore_mem>>)
      %dma_wait3A_135 = arith.constant 0 : i32
      %dma_wait3A_136 = arith.constant 0 : i32
      %dma_wait3A_137 = tpu.memref_slice %arg3[%add3A, %run_scoped3A, %dma_wait3A_135, %dma_wait3A_136] : memref<32x5x25x80xi32, #tpu.memory_space<hbm>> -> memref<1x1x25x80xi32, #tpu.memory_space<hbm>>
      %dma_wait3A_138 = tpu.memref_squeeze %dma_wait3A_137 : memref<1x1x25x80xi32, #tpu.memory_space<hbm>> -> memref<25x80xi32, #tpu.memory_space<hbm>>
      %dma_wait3A_139 = arith.constant 0 : i32
      %dma_wait3A_140 = arith.constant 0 : i32
      %dma_wait3A_141 = tpu.memref_slice %arg3[%add3A, %run_scoped3A, %dma_wait3A_139, %dma_wait3A_140] : memref<32x5x25x80xi32, #tpu.memory_space<hbm>> -> memref<1x1x25x80xi32, #tpu.memory_space<hbm>>
      %dma_wait3A_142 = tpu.memref_squeeze %dma_wait3A_141 : memref<1x1x25x80xi32, #tpu.memory_space<hbm>> -> memref<25x80xi32, #tpu.memory_space<hbm>>
      tpu.wait_dma2 semaphore(%run_scoped3A_126 : memref<!tpu.dma_semaphore, #tpu.memory_space<semaphore_mem>>) src(%dma_wait3A_142 : memref<25x80xi32, #tpu.memory_space<hbm>>) dst(%arg7 : memref<25x80xi32, #tpu.memory_space<vmem>>)
      tpu.yield
    }) : () -> ()
    %run_scoped3A_5 = arith.constant 0 : i32
    "tpu.region"() ({
      %run_scoped3A_126 = tpu.sem_alloc : memref<!tpu.dma_semaphore, #tpu.memory_space<semaphore_mem>>
      %dma_start3A_127 = arith.constant 0 : i32
      %dma_start3A_128 = arith.constant 0 : i32
      %dma_start3A_129 = tpu.memref_slice %arg4[%add3A, %run_scoped3A_5, %dma_start3A_127, %dma_start3A_128] : memref<32x5x25x80xi32, #tpu.memory_space<hbm>> -> memref<1x1x25x80xi32, #tpu.memory_space<hbm>>
      %dma_start3A_130 = tpu.memref_squeeze %dma_start3A_129 : memref<1x1x25x80xi32, #tpu.memory_space<hbm>> -> memref<25x80xi32, #tpu.memory_space<hbm>>
      %dma_start3A_131 = arith.constant 0 : i32
      %dma_start3A_132 = arith.constant 0 : i32
      %dma_start3A_133 = tpu.memref_slice %arg4[%add3A, %run_scoped3A_5, %dma_start3A_131, %dma_start3A_132] : memref<32x5x25x80xi32, #tpu.memory_space<hbm>> -> memref<1x1x25x80xi32, #tpu.memory_space<hbm>>
      %dma_start3A_134 = tpu.memref_squeeze %dma_start3A_133 : memref<1x1x25x80xi32, #tpu.memory_space<hbm>> -> memref<25x80xi32, #tpu.memory_space<hbm>>
      tpu.enqueue_dma source(%dma_start3A_134 : memref<25x80xi32, #tpu.memory_space<hbm>>) target(%arg8 : memref<25x80xi32, #tpu.memory_space<vmem>>) target_semaphore(%run_scoped3A_126 : memref<!tpu.dma_semaphore, #tpu.memory_space<semaphore_mem>>)
      %dma_wait3A_135 = arith.constant 0 : i32
      %dma_wait3A_136 = arith.constant 0 : i32
      %dma_wait3A_137 = tpu.memref_slice %arg4[%add3A, %run_scoped3A_5, %dma_wait3A_135, %dma_wait3A_136] : memref<32x5x25x80xi32, #tpu.memory_space<hbm>> -> memref<1x1x25x80xi32, #tpu.memory_space<hbm>>
      %dma_wait3A_138 = tpu.memref_squeeze %dma_wait3A_137 : memref<1x1x25x80xi32, #tpu.memory_space<hbm>> -> memref<25x80xi32, #tpu.memory_space<hbm>>
      %dma_wait3A_139 = arith.constant 0 : i32
      %dma_wait3A_140 = arith.constant 0 : i32
      %dma_wait3A_141 = tpu.memref_slice %arg4[%add3A, %run_scoped3A_5, %dma_wait3A_139, %dma_wait3A_140] : memref<32x5x25x80xi32, #tpu.memory_space<hbm>> -> memref<1x1x25x80xi32, #tpu.memory_space<hbm>>
      %dma_wait3A_142 = tpu.memref_squeeze %dma_wait3A_141 : memref<1x1x25x80xi32, #tpu.memory_space<hbm>> -> memref<25x80xi32, #tpu.memory_space<hbm>>
      tpu.wait_dma2 semaphore(%run_scoped3A_126 : memref<!tpu.dma_semaphore, #tpu.memory_space<semaphore_mem>>) src(%dma_wait3A_142 : memref<25x80xi32, #tpu.memory_space<hbm>>) dst(%arg8 : memref<25x80xi32, #tpu.memory_space<vmem>>)
      tpu.yield
    }) : () -> ()
    %dma_start3A = arith.constant 0 : i32
    %dma_start3A_6 = arith.constant 0 : i32
    %dma_start3A_7 = tpu.memref_slice %arg7[%dma_start3A, %dma_start3A_6] : memref<25x80xi32, #tpu.memory_space<vmem>> -> memref<1x80xi32, #tpu.memory_space<vmem>>
    %dma_start3A_8 = tpu.memref_squeeze %dma_start3A_7 : memref<1x80xi32, #tpu.memory_space<vmem>> -> memref<80xi32, #tpu.memory_space<vmem>>
    %dma_start3A_9 = arith.constant 0 : i32
    %dma_start3A_10 = arith.constant 0 : i32
    %dma_start3A_11 = tpu.memref_slice %arg2[%dma_start3A_9, %dma_start3A_10] : memref<10000x128xf32, #tpu.memory_space<hbm>> -> memref<10000x128xf32, #tpu.memory_space<hbm>>
    tpu.enqueue_indirect_dma source(%dma_start3A_11 : memref<10000x128xf32, #tpu.memory_space<hbm>>) target(%arg9 : memref<80x128xf32, #tpu.memory_space<vmem>>) offsets(%dma_start3A_8 : memref<80xi32, #tpu.memory_space<vmem>>) semaphore(%arg12 : memref<!tpu.dma_semaphore, #tpu.memory_space<semaphore_mem>>)
    %scan3A = arith.constant 0 : i32
    %scan3A_12 = arith.constant 0 : i32
    %scan3A_13 = arith.constant 12 : i32
    %scan3A_14 = arith.addi %scan3A_12, %scan3A_13 : i32
    %scan3A_15 = arith.constant 1 : i32
    scf.for %scan3A_126 = %scan3A_12 to %scan3A_14 step %scan3A_15  : i32 {
      %mul3A_127 = arith.constant 2 : i32
      %mul3A_128 = arith.muli %mul3A_127, %scan3A_126 : i32
      %add3A_129 = arith.constant 1 : i32
      %add3A_130 = arith.addi %mul3A_128, %add3A_129 : i32
      %dma_start3A_131 = arith.constant 0 : i32
      %dma_start3A_132 = tpu.memref_slice %arg7[%add3A_130, %dma_start3A_131] : memref<25x80xi32, #tpu.memory_space<vmem>> -> memref<1x80xi32, #tpu.memory_space<vmem>>
      %dma_start3A_133 = tpu.memref_squeeze %dma_start3A_132 : memref<1x80xi32, #tpu.memory_space<vmem>> -> memref<80xi32, #tpu.memory_space<vmem>>
      %dma_start3A_134 = arith.constant 0 : i32
      %dma_start3A_135 = arith.constant 0 : i32
      %dma_start3A_136 = tpu.memref_slice %arg2[%dma_start3A_134, %dma_start3A_135] : memref<10000x128xf32, #tpu.memory_space<hbm>> -> memref<10000x128xf32, #tpu.memory_space<hbm>>
      tpu.enqueue_indirect_dma source(%dma_start3A_136 : memref<10000x128xf32, #tpu.memory_space<hbm>>) target(%arg10 : memref<80x128xf32, #tpu.memory_space<vmem>>) offsets(%dma_start3A_133 : memref<80xi32, #tpu.memory_space<vmem>>) semaphore(%arg13 : memref<!tpu.dma_semaphore, #tpu.memory_space<semaphore_mem>>)
      %dma_wait3A_137 = arith.constant 0 : i32
      %dma_wait3A_138 = tpu.memref_slice %arg7[%mul3A_128, %dma_wait3A_137] : memref<25x80xi32, #tpu.memory_space<vmem>> -> memref<1x80xi32, #tpu.memory_space<vmem>>
      %dma_wait3A_139 = tpu.memref_squeeze %dma_wait3A_138 : memref<1x80xi32, #tpu.memory_space<vmem>> -> memref<80xi32, #tpu.memory_space<vmem>>
      %dma_wait3A_140 = arith.constant 0 : i32
      %dma_wait3A_141 = arith.constant 0 : i32
      %dma_wait3A_142 = tpu.memref_slice %arg2[%dma_wait3A_140, %dma_wait3A_141] : memref<10000x128xf32, #tpu.memory_space<hbm>> -> memref<10000x128xf32, #tpu.memory_space<hbm>>
      tpu.wait_indirect_dma semaphore(%arg12 : memref<!tpu.dma_semaphore, #tpu.memory_space<semaphore_mem>>) src(%dma_wait3A_142 : memref<10000x128xf32, #tpu.memory_space<hbm>>) dst(%arg9 : memref<80x128xf32, #tpu.memory_space<vmem>>)
      "tpu.region"() ({
        %run_scoped3A_161 = tpu.sem_alloc : memref<!tpu.dma_semaphore, #tpu.memory_space<semaphore_mem>>
        %dma_start3A_162 = arith.constant 0 : i32
        %dma_start3A_163 = tpu.memref_slice %arg8[%mul3A_128, %dma_start3A_162] : memref<25x80xi32, #tpu.memory_space<vmem>> -> memref<1x80xi32, #tpu.memory_space<vmem>>
        %dma_start3A_164 = tpu.memref_squeeze %dma_start3A_163 : memref<1x80xi32, #tpu.memory_space<vmem>> -> memref<80xi32, #tpu.memory_space<vmem>>
        %dma_start3A_165 = arith.constant 0 : i32
        %dma_start3A_166 = arith.constant 0 : i32
        %dma_start3A_167 = tpu.memref_slice %arg11[%dma_start3A_165, %dma_start3A_166] : memref<10000x128xf32, #tpu.memory_space<vmem_shared>> -> memref<10000x128xf32, #tpu.memory_space<vmem_shared>>
        tpu.enqueue_indirect_dma source(%arg9 : memref<80x128xf32, #tpu.memory_space<vmem>>) target(%dma_start3A_167 : memref<10000x128xf32, #tpu.memory_space<vmem_shared>>) offsets(%dma_start3A_164 : memref<80xi32, #tpu.memory_space<vmem>>) semaphore(%run_scoped3A_161 : memref<!tpu.dma_semaphore, #tpu.memory_space<semaphore_mem>>) {add = true}
        %dma_wait3A_168 = arith.constant 0 : i32
        %dma_wait3A_169 = tpu.memref_slice %arg8[%mul3A_128, %dma_wait3A_168] : memref<25x80xi32, #tpu.memory_space<vmem>> -> memref<1x80xi32, #tpu.memory_space<vmem>>
        %dma_wait3A_170 = tpu.memref_squeeze %dma_wait3A_169 : memref<1x80xi32, #tpu.memory_space<vmem>> -> memref<80xi32, #tpu.memory_space<vmem>>
        %dma_wait3A_171 = arith.constant 0 : i32
        %dma_wait3A_172 = arith.constant 0 : i32
        %dma_wait3A_173 = tpu.memref_slice %arg11[%dma_wait3A_171, %dma_wait3A_172] : memref<10000x128xf32, #tpu.memory_space<vmem_shared>> -> memref<10000x128xf32, #tpu.memory_space<vmem_shared>>
        tpu.wait_indirect_dma semaphore(%run_scoped3A_161 : memref<!tpu.dma_semaphore, #tpu.memory_space<semaphore_mem>>) src(%arg9 : memref<80x128xf32, #tpu.memory_space<vmem>>) dst(%dma_wait3A_173 : memref<10000x128xf32, #tpu.memory_space<vmem_shared>>)
        tpu.yield
      }) : () -> ()
      %add3A_143 = arith.constant 2 : i32
      %add3A_144 = arith.addi %mul3A_128, %add3A_143 : i32
      %dma_start3A_145 = arith.constant 0 : i32
      %dma_start3A_146 = tpu.memref_slice %arg7[%add3A_144, %dma_start3A_145] : memref<25x80xi32, #tpu.memory_space<vmem>> -> memref<1x80xi32, #tpu.memory_space<vmem>>
      %dma_start3A_147 = tpu.memref_squeeze %dma_start3A_146 : memref<1x80xi32, #tpu.memory_space<vmem>> -> memref<80xi32, #tpu.memory_space<vmem>>
      %dma_start3A_148 = arith.constant 0 : i32
      %dma_start3A_149 = arith.constant 0 : i32
      %dma_start3A_150 = tpu.memref_slice %arg2[%dma_start3A_148, %dma_start3A_149] : memref<10000x128xf32, #tpu.memory_space<hbm>> -> memref<10000x128xf32, #tpu.memory_space<hbm>>
      tpu.enqueue_indirect_dma source(%dma_start3A_150 : memref<10000x128xf32, #tpu.memory_space<hbm>>) target(%arg9 : memref<80x128xf32, #tpu.memory_space<vmem>>) offsets(%dma_start3A_147 : memref<80xi32, #tpu.memory_space<vmem>>) semaphore(%arg12 : memref<!tpu.dma_semaphore, #tpu.memory_space<semaphore_mem>>)
      %add3A_151 = arith.constant 1 : i32
      %add3A_152 = arith.addi %mul3A_128, %add3A_151 : i32
      %dma_wait3A_153 = arith.constant 0 : i32
      %dma_wait3A_154 = tpu.memref_slice %arg7[%add3A_152, %dma_wait3A_153] : memref<25x80xi32, #tpu.memory_space<vmem>> -> memref<1x80xi32, #tpu.memory_space<vmem>>
      %dma_wait3A_155 = tpu.memref_squeeze %dma_wait3A_154 : memref<1x80xi32, #tpu.memory_space<vmem>> -> memref<80xi32, #tpu.memory_space<vmem>>
      %dma_wait3A_156 = arith.constant 0 : i32
      %dma_wait3A_157 = arith.constant 0 : i32
      %dma_wait3A_158 = tpu.memref_slice %arg2[%dma_wait3A_156, %dma_wait3A_157] : memref<10000x128xf32, #tpu.memory_space<hbm>> -> memref<10000x128xf32, #tpu.memory_space<hbm>>
      tpu.wait_indirect_dma semaphore(%arg13 : memref<!tpu.dma_semaphore, #tpu.memory_space<semaphore_mem>>) src(%dma_wait3A_158 : memref<10000x128xf32, #tpu.memory_space<hbm>>) dst(%arg10 : memref<80x128xf32, #tpu.memory_space<vmem>>)
      %add3A_159 = arith.constant 1 : i32
      %add3A_160 = arith.addi %mul3A_128, %add3A_159 : i32
      "tpu.region"() ({
        %run_scoped3A_161 = tpu.sem_alloc : memref<!tpu.dma_semaphore, #tpu.memory_space<semaphore_mem>>
        %dma_start3A_162 = arith.constant 0 : i32
        %dma_start3A_163 = tpu.memref_slice %arg8[%add3A_160, %dma_start3A_162] : memref<25x80xi32, #tpu.memory_space<vmem>> -> memref<1x80xi32, #tpu.memory_space<vmem>>
        %dma_start3A_164 = tpu.memref_squeeze %dma_start3A_163 : memref<1x80xi32, #tpu.memory_space<vmem>> -> memref<80xi32, #tpu.memory_space<vmem>>
        %dma_start3A_165 = arith.constant 0 : i32
        %dma_start3A_166 = arith.constant 0 : i32
        %dma_start3A_167 = tpu.memref_slice %arg11[%dma_start3A_165, %dma_start3A_166] : memref<10000x128xf32, #tpu.memory_space<vmem_shared>> -> memref<10000x128xf32, #tpu.memory_space<vmem_shared>>
        tpu.enqueue_indirect_dma source(%arg10 : memref<80x128xf32, #tpu.memory_space<vmem>>) target(%dma_start3A_167 : memref<10000x128xf32, #tpu.memory_space<vmem_shared>>) offsets(%dma_start3A_164 : memref<80xi32, #tpu.memory_space<vmem>>) semaphore(%run_scoped3A_161 : memref<!tpu.dma_semaphore, #tpu.memory_space<semaphore_mem>>) {add = true}
        %dma_wait3A_168 = arith.constant 0 : i32
        %dma_wait3A_169 = tpu.memref_slice %arg8[%add3A_160, %dma_wait3A_168] : memref<25x80xi32, #tpu.memory_space<vmem>> -> memref<1x80xi32, #tpu.memory_space<vmem>>
        %dma_wait3A_170 = tpu.memref_squeeze %dma_wait3A_169 : memref<1x80xi32, #tpu.memory_space<vmem>> -> memref<80xi32, #tpu.memory_space<vmem>>
        %dma_wait3A_171 = arith.constant 0 : i32
        %dma_wait3A_172 = arith.constant 0 : i32
        %dma_wait3A_173 = tpu.memref_slice %arg11[%dma_wait3A_171, %dma_wait3A_172] : memref<10000x128xf32, #tpu.memory_space<vmem_shared>> -> memref<10000x128xf32, #tpu.memory_space<vmem_shared>>
        tpu.wait_indirect_dma semaphore(%run_scoped3A_161 : memref<!tpu.dma_semaphore, #tpu.memory_space<semaphore_mem>>) src(%arg10 : memref<80x128xf32, #tpu.memory_space<vmem>>) dst(%dma_wait3A_173 : memref<10000x128xf32, #tpu.memory_space<vmem_shared>>)
        tpu.yield
      }) : () -> ()
    }
    %scan3A_16 = arith.constant 12 : i32
    %dma_wait3A = arith.constant 24 : i32
    %dma_wait3A_17 = arith.constant 0 : i32
    %dma_wait3A_18 = tpu.memref_slice %arg7[%dma_wait3A, %dma_wait3A_17] : memref<25x80xi32, #tpu.memory_space<vmem>> -> memref<1x80xi32, #tpu.memory_space<vmem>>
    %dma_wait3A_19 = tpu.memref_squeeze %dma_wait3A_18 : memref<1x80xi32, #tpu.memory_space<vmem>> -> memref<80xi32, #tpu.memory_space<vmem>>
    %dma_wait3A_20 = arith.constant 0 : i32
    %dma_wait3A_21 = arith.constant 0 : i32
    %dma_wait3A_22 = tpu.memref_slice %arg2[%dma_wait3A_20, %dma_wait3A_21] : memref<10000x128xf32, #tpu.memory_space<hbm>> -> memref<10000x128xf32, #tpu.memory_space<hbm>>
    tpu.wait_indirect_dma semaphore(%arg12 : memref<!tpu.dma_semaphore, #tpu.memory_space<semaphore_mem>>) src(%dma_wait3A_22 : memref<10000x128xf32, #tpu.memory_space<hbm>>) dst(%arg9 : memref<80x128xf32, #tpu.memory_space<vmem>>)
    %run_scoped3A_23 = arith.constant 24 : i32
    "tpu.region"() ({
      %run_scoped3A_126 = tpu.sem_alloc : memref<!tpu.dma_semaphore, #tpu.memory_space<semaphore_mem>>
      %dma_start3A_127 = arith.constant 0 : i32
      %dma_start3A_128 = tpu.memref_slice %arg8[%run_scoped3A_23, %dma_start3A_127] : memref<25x80xi32, #tpu.memory_space<vmem>> -> memref<1x80xi32, #tpu.memory_space<vmem>>
      %dma_start3A_129 = tpu.memref_squeeze %dma_start3A_128 : memref<1x80xi32, #tpu.memory_space<vmem>> -> memref<80xi32, #tpu.memory_space<vmem>>
      %dma_start3A_130 = arith.constant 0 : i32
      %dma_start3A_131 = arith.constant 0 : i32
      %dma_start3A_132 = tpu.memref_slice %arg11[%dma_start3A_130, %dma_start3A_131] : memref<10000x128xf32, #tpu.memory_space<vmem_shared>> -> memref<10000x128xf32, #tpu.memory_space<vmem_shared>>
      tpu.enqueue_indirect_dma source(%arg9 : memref<80x128xf32, #tpu.memory_space<vmem>>) target(%dma_start3A_132 : memref<10000x128xf32, #tpu.memory_space<vmem_shared>>) offsets(%dma_start3A_129 : memref<80xi32, #tpu.memory_space<vmem>>) semaphore(%run_scoped3A_126 : memref<!tpu.dma_semaphore, #tpu.memory_space<semaphore_mem>>) {add = true}
      %dma_wait3A_133 = arith.constant 0 : i32
      %dma_wait3A_134 = tpu.memref_slice %arg8[%run_scoped3A_23, %dma_wait3A_133] : memref<25x80xi32, #tpu.memory_space<vmem>> -> memref<1x80xi32, #tpu.memory_space<vmem>>
      %dma_wait3A_135 = tpu.memref_squeeze %dma_wait3A_134 : memref<1x80xi32, #tpu.memory_space<vmem>> -> memref<80xi32, #tpu.memory_space<vmem>>
      %dma_wait3A_136 = arith.constant 0 : i32
      %dma_wait3A_137 = arith.constant 0 : i32
      %dma_wait3A_138 = tpu.memref_slice %arg11[%dma_wait3A_136, %dma_wait3A_137] : memref<10000x128xf32, #tpu.memory_space<vmem_shared>> -> memref<10000x128xf32, #tpu.memory_space<vmem_shared>>
      tpu.wait_indirect_dma semaphore(%run_scoped3A_126 : memref<!tpu.dma_semaphore, #tpu.memory_space<semaphore_mem>>) src(%arg9 : memref<80x128xf32, #tpu.memory_space<vmem>>) dst(%dma_wait3A_138 : memref<10000x128xf32, #tpu.memory_space<vmem_shared>>)
      tpu.yield
    }) : () -> ()
    %run_scoped3A_24 = arith.constant 1 : i32
    "tpu.region"() ({
      %run_scoped3A_126 = tpu.sem_alloc : memref<!tpu.dma_semaphore, #tpu.memory_space<semaphore_mem>>
      %dma_start3A_127 = arith.constant 0 : i32
      %dma_start3A_128 = arith.constant 0 : i32
      %dma_start3A_129 = tpu.memref_slice %arg3[%add3A, %run_scoped3A_24, %dma_start3A_127, %dma_start3A_128] : memref<32x5x25x80xi32, #tpu.memory_space<hbm>> -> memref<1x1x25x80xi32, #tpu.memory_space<hbm>>
      %dma_start3A_130 = tpu.memref_squeeze %dma_start3A_129 : memref<1x1x25x80xi32, #tpu.memory_space<hbm>> -> memref<25x80xi32, #tpu.memory_space<hbm>>
      %dma_start3A_131 = arith.constant 0 : i32
      %dma_start3A_132 = arith.constant 0 : i32
      %dma_start3A_133 = tpu.memref_slice %arg3[%add3A, %run_scoped3A_24, %dma_start3A_131, %dma_start3A_132] : memref<32x5x25x80xi32, #tpu.memory_space<hbm>> -> memref<1x1x25x80xi32, #tpu.memory_space<hbm>>
      %dma_start3A_134 = tpu.memref_squeeze %dma_start3A_133 : memref<1x1x25x80xi32, #tpu.memory_space<hbm>> -> memref<25x80xi32, #tpu.memory_space<hbm>>
      tpu.enqueue_dma source(%dma_start3A_134 : memref<25x80xi32, #tpu.memory_space<hbm>>) target(%arg7 : memref<25x80xi32, #tpu.memory_space<vmem>>) target_semaphore(%run_scoped3A_126 : memref<!tpu.dma_semaphore, #tpu.memory_space<semaphore_mem>>)
      %dma_wait3A_135 = arith.constant 0 : i32
      %dma_wait3A_136 = arith.constant 0 : i32
      %dma_wait3A_137 = tpu.memref_slice %arg3[%add3A, %run_scoped3A_24, %dma_wait3A_135, %dma_wait3A_136] : memref<32x5x25x80xi32, #tpu.memory_space<hbm>> -> memref<1x1x25x80xi32, #tpu.memory_space<hbm>>
      %dma_wait3A_138 = tpu.memref_squeeze %dma_wait3A_137 : memref<1x1x25x80xi32, #tpu.memory_space<hbm>> -> memref<25x80xi32, #tpu.memory_space<hbm>>
      %dma_wait3A_139 = arith.constant 0 : i32
      %dma_wait3A_140 = arith.constant 0 : i32
      %dma_wait3A_141 = tpu.memref_slice %arg3[%add3A, %run_scoped3A_24, %dma_wait3A_139, %dma_wait3A_140] : memref<32x5x25x80xi32, #tpu.memory_space<hbm>> -> memref<1x1x25x80xi32, #tpu.memory_space<hbm>>
      %dma_wait3A_142 = tpu.memref_squeeze %dma_wait3A_141 : memref<1x1x25x80xi32, #tpu.memory_space<hbm>> -> memref<25x80xi32, #tpu.memory_space<hbm>>
      tpu.wait_dma2 semaphore(%run_scoped3A_126 : memref<!tpu.dma_semaphore, #tpu.memory_space<semaphore_mem>>) src(%dma_wait3A_142 : memref<25x80xi32, #tpu.memory_space<hbm>>) dst(%arg7 : memref<25x80xi32, #tpu.memory_space<vmem>>)
      tpu.yield
    }) : () -> ()
    %run_scoped3A_25 = arith.constant 1 : i32
    "tpu.region"() ({
      %run_scoped3A_126 = tpu.sem_alloc : memref<!tpu.dma_semaphore, #tpu.memory_space<semaphore_mem>>
      %dma_start3A_127 = arith.constant 0 : i32
      %dma_start3A_128 = arith.constant 0 : i32
      %dma_start3A_129 = tpu.memref_slice %arg4[%add3A, %run_scoped3A_25, %dma_start3A_127, %dma_start3A_128] : memref<32x5x25x80xi32, #tpu.memory_space<hbm>> -> memref<1x1x25x80xi32, #tpu.memory_space<hbm>>
      %dma_start3A_130 = tpu.memref_squeeze %dma_start3A_129 : memref<1x1x25x80xi32, #tpu.memory_space<hbm>> -> memref<25x80xi32, #tpu.memory_space<hbm>>
      %dma_start3A_131 = arith.constant 0 : i32
      %dma_start3A_132 = arith.constant 0 : i32
      %dma_start3A_133 = tpu.memref_slice %arg4[%add3A, %run_scoped3A_25, %dma_start3A_131, %dma_start3A_132] : memref<32x5x25x80xi32, #tpu.memory_space<hbm>> -> memref<1x1x25x80xi32, #tpu.memory_space<hbm>>
      %dma_start3A_134 = tpu.memref_squeeze %dma_start3A_133 : memref<1x1x25x80xi32, #tpu.memory_space<hbm>> -> memref<25x80xi32, #tpu.memory_space<hbm>>
      tpu.enqueue_dma source(%dma_start3A_134 : memref<25x80xi32, #tpu.memory_space<hbm>>) target(%arg8 : memref<25x80xi32, #tpu.memory_space<vmem>>) target_semaphore(%run_scoped3A_126 : memref<!tpu.dma_semaphore, #tpu.memory_space<semaphore_mem>>)
      %dma_wait3A_135 = arith.constant 0 : i32
      %dma_wait3A_136 = arith.constant 0 : i32
      %dma_wait3A_137 = tpu.memref_slice %arg4[%add3A, %run_scoped3A_25, %dma_wait3A_135, %dma_wait3A_136] : memref<32x5x25x80xi32, #tpu.memory_space<hbm>> -> memref<1x1x25x80xi32, #tpu.memory_space<hbm>>
      %dma_wait3A_138 = tpu.memref_squeeze %dma_wait3A_137 : memref<1x1x25x80xi32, #tpu.memory_space<hbm>> -> memref<25x80xi32, #tpu.memory_space<hbm>>
      %dma_wait3A_139 = arith.constant 0 : i32
      %dma_wait3A_140 = arith.constant 0 : i32
      %dma_wait3A_141 = tpu.memref_slice %arg4[%add3A, %run_scoped3A_25, %dma_wait3A_139, %dma_wait3A_140] : memref<32x5x25x80xi32, #tpu.memory_space<hbm>> -> memref<1x1x25x80xi32, #tpu.memory_space<hbm>>
      %dma_wait3A_142 = tpu.memref_squeeze %dma_wait3A_141 : memref<1x1x25x80xi32, #tpu.memory_space<hbm>> -> memref<25x80xi32, #tpu.memory_space<hbm>>
      tpu.wait_dma2 semaphore(%run_scoped3A_126 : memref<!tpu.dma_semaphore, #tpu.memory_space<semaphore_mem>>) src(%dma_wait3A_142 : memref<25x80xi32, #tpu.memory_space<hbm>>) dst(%arg8 : memref<25x80xi32, #tpu.memory_space<vmem>>)
      tpu.yield
    }) : () -> ()
    %dma_start3A_26 = arith.constant 0 : i32
    %dma_start3A_27 = arith.constant 0 : i32
    %dma_start3A_28 = tpu.memref_slice %arg7[%dma_start3A_26, %dma_start3A_27] : memref<25x80xi32, #tpu.memory_space<vmem>> -> memref<1x80xi32, #tpu.memory_space<vmem>>
    %dma_start3A_29 = tpu.memref_squeeze %dma_start3A_28 : memref<1x80xi32, #tpu.memory_space<vmem>> -> memref<80xi32, #tpu.memory_space<vmem>>
    %dma_start3A_30 = arith.constant 0 : i32
    %dma_start3A_31 = arith.constant 0 : i32
    %dma_start3A_32 = tpu.memref_slice %arg2[%dma_start3A_30, %dma_start3A_31] : memref<10000x128xf32, #tpu.memory_space<hbm>> -> memref<10000x128xf32, #tpu.memory_space<hbm>>
    tpu.enqueue_indirect_dma source(%dma_start3A_32 : memref<10000x128xf32, #tpu.memory_space<hbm>>) target(%arg9 : memref<80x128xf32, #tpu.memory_space<vmem>>) offsets(%dma_start3A_29 : memref<80xi32, #tpu.memory_space<vmem>>) semaphore(%arg12 : memref<!tpu.dma_semaphore, #tpu.memory_space<semaphore_mem>>)
    %scan3A_33 = arith.constant 0 : i32
    %scan3A_34 = arith.constant 0 : i32
    %scan3A_35 = arith.constant 12 : i32
    %scan3A_36 = arith.addi %scan3A_34, %scan3A_35 : i32
    %scan3A_37 = arith.constant 1 : i32
    scf.for %scan3A_126 = %scan3A_34 to %scan3A_36 step %scan3A_37  : i32 {
      %mul3A_127 = arith.constant 2 : i32
      %mul3A_128 = arith.muli %mul3A_127, %scan3A_126 : i32
      %add3A_129 = arith.constant 1 : i32
      %add3A_130 = arith.addi %mul3A_128, %add3A_129 : i32
      %dma_start3A_131 = arith.constant 0 : i32
      %dma_start3A_132 = tpu.memref_slice %arg7[%add3A_130, %dma_start3A_131] : memref<25x80xi32, #tpu.memory_space<vmem>> -> memref<1x80xi32, #tpu.memory_space<vmem>>
      %dma_start3A_133 = tpu.memref_squeeze %dma_start3A_132 : memref<1x80xi32, #tpu.memory_space<vmem>> -> memref<80xi32, #tpu.memory_space<vmem>>
      %dma_start3A_134 = arith.constant 0 : i32
      %dma_start3A_135 = arith.constant 0 : i32
      %dma_start3A_136 = tpu.memref_slice %arg2[%dma_start3A_134, %dma_start3A_135] : memref<10000x128xf32, #tpu.memory_space<hbm>> -> memref<10000x128xf32, #tpu.memory_space<hbm>>
      tpu.enqueue_indirect_dma source(%dma_start3A_136 : memref<10000x128xf32, #tpu.memory_space<hbm>>) target(%arg10 : memref<80x128xf32, #tpu.memory_space<vmem>>) offsets(%dma_start3A_133 : memref<80xi32, #tpu.memory_space<vmem>>) semaphore(%arg13 : memref<!tpu.dma_semaphore, #tpu.memory_space<semaphore_mem>>)
      %dma_wait3A_137 = arith.constant 0 : i32
      %dma_wait3A_138 = tpu.memref_slice %arg7[%mul3A_128, %dma_wait3A_137] : memref<25x80xi32, #tpu.memory_space<vmem>> -> memref<1x80xi32, #tpu.memory_space<vmem>>
      %dma_wait3A_139 = tpu.memref_squeeze %dma_wait3A_138 : memref<1x80xi32, #tpu.memory_space<vmem>> -> memref<80xi32, #tpu.memory_space<vmem>>
      %dma_wait3A_140 = arith.constant 0 : i32
      %dma_wait3A_141 = arith.constant 0 : i32
      %dma_wait3A_142 = tpu.memref_slice %arg2[%dma_wait3A_140, %dma_wait3A_141] : memref<10000x128xf32, #tpu.memory_space<hbm>> -> memref<10000x128xf32, #tpu.memory_space<hbm>>
      tpu.wait_indirect_dma semaphore(%arg12 : memref<!tpu.dma_semaphore, #tpu.memory_space<semaphore_mem>>) src(%dma_wait3A_142 : memref<10000x128xf32, #tpu.memory_space<hbm>>) dst(%arg9 : memref<80x128xf32, #tpu.memory_space<vmem>>)
      "tpu.region"() ({
        %run_scoped3A_161 = tpu.sem_alloc : memref<!tpu.dma_semaphore, #tpu.memory_space<semaphore_mem>>
        %dma_start3A_162 = arith.constant 0 : i32
        %dma_start3A_163 = tpu.memref_slice %arg8[%mul3A_128, %dma_start3A_162] : memref<25x80xi32, #tpu.memory_space<vmem>> -> memref<1x80xi32, #tpu.memory_space<vmem>>
        %dma_start3A_164 = tpu.memref_squeeze %dma_start3A_163 : memref<1x80xi32, #tpu.memory_space<vmem>> -> memref<80xi32, #tpu.memory_space<vmem>>
        %dma_start3A_165 = arith.constant 0 : i32
        %dma_start3A_166 = arith.constant 0 : i32
        %dma_start3A_167 = tpu.memref_slice %arg11[%dma_start3A_165, %dma_start3A_166] : memref<10000x128xf32, #tpu.memory_space<vmem_shared>> -> memref<10000x128xf32, #tpu.memory_space<vmem_shared>>
        tpu.enqueue_indirect_dma source(%arg9 : memref<80x128xf32, #tpu.memory_space<vmem>>) target(%dma_start3A_167 : memref<10000x128xf32, #tpu.memory_space<vmem_shared>>) offsets(%dma_start3A_164 : memref<80xi32, #tpu.memory_space<vmem>>) semaphore(%run_scoped3A_161 : memref<!tpu.dma_semaphore, #tpu.memory_space<semaphore_mem>>) {add = true}
        %dma_wait3A_168 = arith.constant 0 : i32
        %dma_wait3A_169 = tpu.memref_slice %arg8[%mul3A_128, %dma_wait3A_168] : memref<25x80xi32, #tpu.memory_space<vmem>> -> memref<1x80xi32, #tpu.memory_space<vmem>>
        %dma_wait3A_170 = tpu.memref_squeeze %dma_wait3A_169 : memref<1x80xi32, #tpu.memory_space<vmem>> -> memref<80xi32, #tpu.memory_space<vmem>>
        %dma_wait3A_171 = arith.constant 0 : i32
        %dma_wait3A_172 = arith.constant 0 : i32
        %dma_wait3A_173 = tpu.memref_slice %arg11[%dma_wait3A_171, %dma_wait3A_172] : memref<10000x128xf32, #tpu.memory_space<vmem_shared>> -> memref<10000x128xf32, #tpu.memory_space<vmem_shared>>
        tpu.wait_indirect_dma semaphore(%run_scoped3A_161 : memref<!tpu.dma_semaphore, #tpu.memory_space<semaphore_mem>>) src(%arg9 : memref<80x128xf32, #tpu.memory_space<vmem>>) dst(%dma_wait3A_173 : memref<10000x128xf32, #tpu.memory_space<vmem_shared>>)
        tpu.yield
      }) : () -> ()
      %add3A_143 = arith.constant 2 : i32
      %add3A_144 = arith.addi %mul3A_128, %add3A_143 : i32
      %dma_start3A_145 = arith.constant 0 : i32
      %dma_start3A_146 = tpu.memref_slice %arg7[%add3A_144, %dma_start3A_145] : memref<25x80xi32, #tpu.memory_space<vmem>> -> memref<1x80xi32, #tpu.memory_space<vmem>>
      %dma_start3A_147 = tpu.memref_squeeze %dma_start3A_146 : memref<1x80xi32, #tpu.memory_space<vmem>> -> memref<80xi32, #tpu.memory_space<vmem>>
      %dma_start3A_148 = arith.constant 0 : i32
      %dma_start3A_149 = arith.constant 0 : i32
      %dma_start3A_150 = tpu.memref_slice %arg2[%dma_start3A_148, %dma_start3A_149] : memref<10000x128xf32, #tpu.memory_space<hbm>> -> memref<10000x128xf32, #tpu.memory_space<hbm>>
      tpu.enqueue_indirect_dma source(%dma_start3A_150 : memref<10000x128xf32, #tpu.memory_space<hbm>>) target(%arg9 : memref<80x128xf32, #tpu.memory_space<vmem>>) offsets(%dma_start3A_147 : memref<80xi32, #tpu.memory_space<vmem>>) semaphore(%arg12 : memref<!tpu.dma_semaphore, #tpu.memory_space<semaphore_mem>>)
      %add3A_151 = arith.constant 1 : i32
      %add3A_152 = arith.addi %mul3A_128, %add3A_151 : i32
      %dma_wait3A_153 = arith.constant 0 : i32
      %dma_wait3A_154 = tpu.memref_slice %arg7[%add3A_152, %dma_wait3A_153] : memref<25x80xi32, #tpu.memory_space<vmem>> -> memref<1x80xi32, #tpu.memory_space<vmem>>
      %dma_wait3A_155 = tpu.memref_squeeze %dma_wait3A_154 : memref<1x80xi32, #tpu.memory_space<vmem>> -> memref<80xi32, #tpu.memory_space<vmem>>
      %dma_wait3A_156 = arith.constant 0 : i32
      %dma_wait3A_157 = arith.constant 0 : i32
      %dma_wait3A_158 = tpu.memref_slice %arg2[%dma_wait3A_156, %dma_wait3A_157] : memref<10000x128xf32, #tpu.memory_space<hbm>> -> memref<10000x128xf32, #tpu.memory_space<hbm>>
      tpu.wait_indirect_dma semaphore(%arg13 : memref<!tpu.dma_semaphore, #tpu.memory_space<semaphore_mem>>) src(%dma_wait3A_158 : memref<10000x128xf32, #tpu.memory_space<hbm>>) dst(%arg10 : memref<80x128xf32, #tpu.memory_space<vmem>>)
      %add3A_159 = arith.constant 1 : i32
      %add3A_160 = arith.addi %mul3A_128, %add3A_159 : i32
      "tpu.region"() ({
        %run_scoped3A_161 = tpu.sem_alloc : memref<!tpu.dma_semaphore, #tpu.memory_space<semaphore_mem>>
        %dma_start3A_162 = arith.constant 0 : i32
        %dma_start3A_163 = tpu.memref_slice %arg8[%add3A_160, %dma_start3A_162] : memref<25x80xi32, #tpu.memory_space<vmem>> -> memref<1x80xi32, #tpu.memory_space<vmem>>
        %dma_start3A_164 = tpu.memref_squeeze %dma_start3A_163 : memref<1x80xi32, #tpu.memory_space<vmem>> -> memref<80xi32, #tpu.memory_space<vmem>>
        %dma_start3A_165 = arith.constant 0 : i32
        %dma_start3A_166 = arith.constant 0 : i32
        %dma_start3A_167 = tpu.memref_slice %arg11[%dma_start3A_165, %dma_start3A_166] : memref<10000x128xf32, #tpu.memory_space<vmem_shared>> -> memref<10000x128xf32, #tpu.memory_space<vmem_shared>>
        tpu.enqueue_indirect_dma source(%arg10 : memref<80x128xf32, #tpu.memory_space<vmem>>) target(%dma_start3A_167 : memref<10000x128xf32, #tpu.memory_space<vmem_shared>>) offsets(%dma_start3A_164 : memref<80xi32, #tpu.memory_space<vmem>>) semaphore(%run_scoped3A_161 : memref<!tpu.dma_semaphore, #tpu.memory_space<semaphore_mem>>) {add = true}
        %dma_wait3A_168 = arith.constant 0 : i32
        %dma_wait3A_169 = tpu.memref_slice %arg8[%add3A_160, %dma_wait3A_168] : memref<25x80xi32, #tpu.memory_space<vmem>> -> memref<1x80xi32, #tpu.memory_space<vmem>>
        %dma_wait3A_170 = tpu.memref_squeeze %dma_wait3A_169 : memref<1x80xi32, #tpu.memory_space<vmem>> -> memref<80xi32, #tpu.memory_space<vmem>>
        %dma_wait3A_171 = arith.constant 0 : i32
        %dma_wait3A_172 = arith.constant 0 : i32
        %dma_wait3A_173 = tpu.memref_slice %arg11[%dma_wait3A_171, %dma_wait3A_172] : memref<10000x128xf32, #tpu.memory_space<vmem_shared>> -> memref<10000x128xf32, #tpu.memory_space<vmem_shared>>
        tpu.wait_indirect_dma semaphore(%run_scoped3A_161 : memref<!tpu.dma_semaphore, #tpu.memory_space<semaphore_mem>>) src(%arg10 : memref<80x128xf32, #tpu.memory_space<vmem>>) dst(%dma_wait3A_173 : memref<10000x128xf32, #tpu.memory_space<vmem_shared>>)
        tpu.yield
      }) : () -> ()
    }
    %scan3A_38 = arith.constant 12 : i32
    %dma_wait3A_39 = arith.constant 24 : i32
    %dma_wait3A_40 = arith.constant 0 : i32
    %dma_wait3A_41 = tpu.memref_slice %arg7[%dma_wait3A_39, %dma_wait3A_40] : memref<25x80xi32, #tpu.memory_space<vmem>> -> memref<1x80xi32, #tpu.memory_space<vmem>>
    %dma_wait3A_42 = tpu.memref_squeeze %dma_wait3A_41 : memref<1x80xi32, #tpu.memory_space<vmem>> -> memref<80xi32, #tpu.memory_space<vmem>>
    %dma_wait3A_43 = arith.constant 0 : i32
    %dma_wait3A_44 = arith.constant 0 : i32
    %dma_wait3A_45 = tpu.memref_slice %arg2[%dma_wait3A_43, %dma_wait3A_44] : memref<10000x128xf32, #tpu.memory_space<hbm>> -> memref<10000x128xf32, #tpu.memory_space<hbm>>
    tpu.wait_indirect_dma semaphore(%arg12 : memref<!tpu.dma_semaphore, #tpu.memory_space<semaphore_mem>>) src(%dma_wait3A_45 : memref<10000x128xf32, #tpu.memory_space<hbm>>) dst(%arg9 : memref<80x128xf32, #tpu.memory_space<vmem>>)
    %run_scoped3A_46 = arith.constant 24 : i32
    "tpu.region"() ({
      %run_scoped3A_126 = tpu.sem_alloc : memref<!tpu.dma_semaphore, #tpu.memory_space<semaphore_mem>>
      %dma_start3A_127 = arith.constant 0 : i32
      %dma_start3A_128 = tpu.memref_slice %arg8[%run_scoped3A_46, %dma_start3A_127] : memref<25x80xi32, #tpu.memory_space<vmem>> -> memref<1x80xi32, #tpu.memory_space<vmem>>
      %dma_start3A_129 = tpu.memref_squeeze %dma_start3A_128 : memref<1x80xi32, #tpu.memory_space<vmem>> -> memref<80xi32, #tpu.memory_space<vmem>>
      %dma_start3A_130 = arith.constant 0 : i32
      %dma_start3A_131 = arith.constant 0 : i32
      %dma_start3A_132 = tpu.memref_slice %arg11[%dma_start3A_130, %dma_start3A_131] : memref<10000x128xf32, #tpu.memory_space<vmem_shared>> -> memref<10000x128xf32, #tpu.memory_space<vmem_shared>>
      tpu.enqueue_indirect_dma source(%arg9 : memref<80x128xf32, #tpu.memory_space<vmem>>) target(%dma_start3A_132 : memref<10000x128xf32, #tpu.memory_space<vmem_shared>>) offsets(%dma_start3A_129 : memref<80xi32, #tpu.memory_space<vmem>>) semaphore(%run_scoped3A_126 : memref<!tpu.dma_semaphore, #tpu.memory_space<semaphore_mem>>) {add = true}
      %dma_wait3A_133 = arith.constant 0 : i32
      %dma_wait3A_134 = tpu.memref_slice %arg8[%run_scoped3A_46, %dma_wait3A_133] : memref<25x80xi32, #tpu.memory_space<vmem>> -> memref<1x80xi32, #tpu.memory_space<vmem>>
      %dma_wait3A_135 = tpu.memref_squeeze %dma_wait3A_134 : memref<1x80xi32, #tpu.memory_space<vmem>> -> memref<80xi32, #tpu.memory_space<vmem>>
      %dma_wait3A_136 = arith.constant 0 : i32
      %dma_wait3A_137 = arith.constant 0 : i32
      %dma_wait3A_138 = tpu.memref_slice %arg11[%dma_wait3A_136, %dma_wait3A_137] : memref<10000x128xf32, #tpu.memory_space<vmem_shared>> -> memref<10000x128xf32, #tpu.memory_space<vmem_shared>>
      tpu.wait_indirect_dma semaphore(%run_scoped3A_126 : memref<!tpu.dma_semaphore, #tpu.memory_space<semaphore_mem>>) src(%arg9 : memref<80x128xf32, #tpu.memory_space<vmem>>) dst(%dma_wait3A_138 : memref<10000x128xf32, #tpu.memory_space<vmem_shared>>)
      tpu.yield
    }) : () -> ()
    %run_scoped3A_47 = arith.constant 2 : i32
    "tpu.region"() ({
      %run_scoped3A_126 = tpu.sem_alloc : memref<!tpu.dma_semaphore, #tpu.memory_space<semaphore_mem>>
      %dma_start3A_127 = arith.constant 0 : i32
      %dma_start3A_128 = arith.constant 0 : i32
      %dma_start3A_129 = tpu.memref_slice %arg3[%add3A, %run_scoped3A_47, %dma_start3A_127, %dma_start3A_128] : memref<32x5x25x80xi32, #tpu.memory_space<hbm>> -> memref<1x1x25x80xi32, #tpu.memory_space<hbm>>
      %dma_start3A_130 = tpu.memref_squeeze %dma_start3A_129 : memref<1x1x25x80xi32, #tpu.memory_space<hbm>> -> memref<25x80xi32, #tpu.memory_space<hbm>>
      %dma_start3A_131 = arith.constant 0 : i32
      %dma_start3A_132 = arith.constant 0 : i32
      %dma_start3A_133 = tpu.memref_slice %arg3[%add3A, %run_scoped3A_47, %dma_start3A_131, %dma_start3A_132] : memref<32x5x25x80xi32, #tpu.memory_space<hbm>> -> memref<1x1x25x80xi32, #tpu.memory_space<hbm>>
      %dma_start3A_134 = tpu.memref_squeeze %dma_start3A_133 : memref<1x1x25x80xi32, #tpu.memory_space<hbm>> -> memref<25x80xi32, #tpu.memory_space<hbm>>
      tpu.enqueue_dma source(%dma_start3A_134 : memref<25x80xi32, #tpu.memory_space<hbm>>) target(%arg7 : memref<25x80xi32, #tpu.memory_space<vmem>>) target_semaphore(%run_scoped3A_126 : memref<!tpu.dma_semaphore, #tpu.memory_space<semaphore_mem>>)
      %dma_wait3A_135 = arith.constant 0 : i32
      %dma_wait3A_136 = arith.constant 0 : i32
      %dma_wait3A_137 = tpu.memref_slice %arg3[%add3A, %run_scoped3A_47, %dma_wait3A_135, %dma_wait3A_136] : memref<32x5x25x80xi32, #tpu.memory_space<hbm>> -> memref<1x1x25x80xi32, #tpu.memory_space<hbm>>
      %dma_wait3A_138 = tpu.memref_squeeze %dma_wait3A_137 : memref<1x1x25x80xi32, #tpu.memory_space<hbm>> -> memref<25x80xi32, #tpu.memory_space<hbm>>
      %dma_wait3A_139 = arith.constant 0 : i32
      %dma_wait3A_140 = arith.constant 0 : i32
      %dma_wait3A_141 = tpu.memref_slice %arg3[%add3A, %run_scoped3A_47, %dma_wait3A_139, %dma_wait3A_140] : memref<32x5x25x80xi32, #tpu.memory_space<hbm>> -> memref<1x1x25x80xi32, #tpu.memory_space<hbm>>
      %dma_wait3A_142 = tpu.memref_squeeze %dma_wait3A_141 : memref<1x1x25x80xi32, #tpu.memory_space<hbm>> -> memref<25x80xi32, #tpu.memory_space<hbm>>
      tpu.wait_dma2 semaphore(%run_scoped3A_126 : memref<!tpu.dma_semaphore, #tpu.memory_space<semaphore_mem>>) src(%dma_wait3A_142 : memref<25x80xi32, #tpu.memory_space<hbm>>) dst(%arg7 : memref<25x80xi32, #tpu.memory_space<vmem>>)
      tpu.yield
    }) : () -> ()
    %run_scoped3A_48 = arith.constant 2 : i32
    "tpu.region"() ({
      %run_scoped3A_126 = tpu.sem_alloc : memref<!tpu.dma_semaphore, #tpu.memory_space<semaphore_mem>>
      %dma_start3A_127 = arith.constant 0 : i32
      %dma_start3A_128 = arith.constant 0 : i32
      %dma_start3A_129 = tpu.memref_slice %arg4[%add3A, %run_scoped3A_48, %dma_start3A_127, %dma_start3A_128] : memref<32x5x25x80xi32, #tpu.memory_space<hbm>> -> memref<1x1x25x80xi32, #tpu.memory_space<hbm>>
      %dma_start3A_130 = tpu.memref_squeeze %dma_start3A_129 : memref<1x1x25x80xi32, #tpu.memory_space<hbm>> -> memref<25x80xi32, #tpu.memory_space<hbm>>
      %dma_start3A_131 = arith.constant 0 : i32
      %dma_start3A_132 = arith.constant 0 : i32
      %dma_start3A_133 = tpu.memref_slice %arg4[%add3A, %run_scoped3A_48, %dma_start3A_131, %dma_start3A_132] : memref<32x5x25x80xi32, #tpu.memory_space<hbm>> -> memref<1x1x25x80xi32, #tpu.memory_space<hbm>>
      %dma_start3A_134 = tpu.memref_squeeze %dma_start3A_133 : memref<1x1x25x80xi32, #tpu.memory_space<hbm>> -> memref<25x80xi32, #tpu.memory_space<hbm>>
      tpu.enqueue_dma source(%dma_start3A_134 : memref<25x80xi32, #tpu.memory_space<hbm>>) target(%arg8 : memref<25x80xi32, #tpu.memory_space<vmem>>) target_semaphore(%run_scoped3A_126 : memref<!tpu.dma_semaphore, #tpu.memory_space<semaphore_mem>>)
      %dma_wait3A_135 = arith.constant 0 : i32
      %dma_wait3A_136 = arith.constant 0 : i32
      %dma_wait3A_137 = tpu.memref_slice %arg4[%add3A, %run_scoped3A_48, %dma_wait3A_135, %dma_wait3A_136] : memref<32x5x25x80xi32, #tpu.memory_space<hbm>> -> memref<1x1x25x80xi32, #tpu.memory_space<hbm>>
      %dma_wait3A_138 = tpu.memref_squeeze %dma_wait3A_137 : memref<1x1x25x80xi32, #tpu.memory_space<hbm>> -> memref<25x80xi32, #tpu.memory_space<hbm>>
      %dma_wait3A_139 = arith.constant 0 : i32
      %dma_wait3A_140 = arith.constant 0 : i32
      %dma_wait3A_141 = tpu.memref_slice %arg4[%add3A, %run_scoped3A_48, %dma_wait3A_139, %dma_wait3A_140] : memref<32x5x25x80xi32, #tpu.memory_space<hbm>> -> memref<1x1x25x80xi32, #tpu.memory_space<hbm>>
      %dma_wait3A_142 = tpu.memref_squeeze %dma_wait3A_141 : memref<1x1x25x80xi32, #tpu.memory_space<hbm>> -> memref<25x80xi32, #tpu.memory_space<hbm>>
      tpu.wait_dma2 semaphore(%run_scoped3A_126 : memref<!tpu.dma_semaphore, #tpu.memory_space<semaphore_mem>>) src(%dma_wait3A_142 : memref<25x80xi32, #tpu.memory_space<hbm>>) dst(%arg8 : memref<25x80xi32, #tpu.memory_space<vmem>>)
      tpu.yield
    }) : () -> ()
    %dma_start3A_49 = arith.constant 0 : i32
    %dma_start3A_50 = arith.constant 0 : i32
    %dma_start3A_51 = tpu.memref_slice %arg7[%dma_start3A_49, %dma_start3A_50] : memref<25x80xi32, #tpu.memory_space<vmem>> -> memref<1x80xi32, #tpu.memory_space<vmem>>
    %dma_start3A_52 = tpu.memref_squeeze %dma_start3A_51 : memref<1x80xi32, #tpu.memory_space<vmem>> -> memref<80xi32, #tpu.memory_space<vmem>>
    %dma_start3A_53 = arith.constant 0 : i32
    %dma_start3A_54 = arith.constant 0 : i32
    %dma_start3A_55 = tpu.memref_slice %arg2[%dma_start3A_53, %dma_start3A_54] : memref<10000x128xf32, #tpu.memory_space<hbm>> -> memref<10000x128xf32, #tpu.memory_space<hbm>>
    tpu.enqueue_indirect_dma source(%dma_start3A_55 : memref<10000x128xf32, #tpu.memory_space<hbm>>) target(%arg9 : memref<80x128xf32, #tpu.memory_space<vmem>>) offsets(%dma_start3A_52 : memref<80xi32, #tpu.memory_space<vmem>>) semaphore(%arg12 : memref<!tpu.dma_semaphore, #tpu.memory_space<semaphore_mem>>)
    %scan3A_56 = arith.constant 0 : i32
    %scan3A_57 = arith.constant 0 : i32
    %scan3A_58 = arith.constant 12 : i32
    %scan3A_59 = arith.addi %scan3A_57, %scan3A_58 : i32
    %scan3A_60 = arith.constant 1 : i32
    scf.for %scan3A_126 = %scan3A_57 to %scan3A_59 step %scan3A_60  : i32 {
      %mul3A_127 = arith.constant 2 : i32
      %mul3A_128 = arith.muli %mul3A_127, %scan3A_126 : i32
      %add3A_129 = arith.constant 1 : i32
      %add3A_130 = arith.addi %mul3A_128, %add3A_129 : i32
      %dma_start3A_131 = arith.constant 0 : i32
      %dma_start3A_132 = tpu.memref_slice %arg7[%add3A_130, %dma_start3A_131] : memref<25x80xi32, #tpu.memory_space<vmem>> -> memref<1x80xi32, #tpu.memory_space<vmem>>
      %dma_start3A_133 = tpu.memref_squeeze %dma_start3A_132 : memref<1x80xi32, #tpu.memory_space<vmem>> -> memref<80xi32, #tpu.memory_space<vmem>>
      %dma_start3A_134 = arith.constant 0 : i32
      %dma_start3A_135 = arith.constant 0 : i32
      %dma_start3A_136 = tpu.memref_slice %arg2[%dma_start3A_134, %dma_start3A_135] : memref<10000x128xf32, #tpu.memory_space<hbm>> -> memref<10000x128xf32, #tpu.memory_space<hbm>>
      tpu.enqueue_indirect_dma source(%dma_start3A_136 : memref<10000x128xf32, #tpu.memory_space<hbm>>) target(%arg10 : memref<80x128xf32, #tpu.memory_space<vmem>>) offsets(%dma_start3A_133 : memref<80xi32, #tpu.memory_space<vmem>>) semaphore(%arg13 : memref<!tpu.dma_semaphore, #tpu.memory_space<semaphore_mem>>)
      %dma_wait3A_137 = arith.constant 0 : i32
      %dma_wait3A_138 = tpu.memref_slice %arg7[%mul3A_128, %dma_wait3A_137] : memref<25x80xi32, #tpu.memory_space<vmem>> -> memref<1x80xi32, #tpu.memory_space<vmem>>
      %dma_wait3A_139 = tpu.memref_squeeze %dma_wait3A_138 : memref<1x80xi32, #tpu.memory_space<vmem>> -> memref<80xi32, #tpu.memory_space<vmem>>
      %dma_wait3A_140 = arith.constant 0 : i32
      %dma_wait3A_141 = arith.constant 0 : i32
      %dma_wait3A_142 = tpu.memref_slice %arg2[%dma_wait3A_140, %dma_wait3A_141] : memref<10000x128xf32, #tpu.memory_space<hbm>> -> memref<10000x128xf32, #tpu.memory_space<hbm>>
      tpu.wait_indirect_dma semaphore(%arg12 : memref<!tpu.dma_semaphore, #tpu.memory_space<semaphore_mem>>) src(%dma_wait3A_142 : memref<10000x128xf32, #tpu.memory_space<hbm>>) dst(%arg9 : memref<80x128xf32, #tpu.memory_space<vmem>>)
      "tpu.region"() ({
        %run_scoped3A_161 = tpu.sem_alloc : memref<!tpu.dma_semaphore, #tpu.memory_space<semaphore_mem>>
        %dma_start3A_162 = arith.constant 0 : i32
        %dma_start3A_163 = tpu.memref_slice %arg8[%mul3A_128, %dma_start3A_162] : memref<25x80xi32, #tpu.memory_space<vmem>> -> memref<1x80xi32, #tpu.memory_space<vmem>>
        %dma_start3A_164 = tpu.memref_squeeze %dma_start3A_163 : memref<1x80xi32, #tpu.memory_space<vmem>> -> memref<80xi32, #tpu.memory_space<vmem>>
        %dma_start3A_165 = arith.constant 0 : i32
        %dma_start3A_166 = arith.constant 0 : i32
        %dma_start3A_167 = tpu.memref_slice %arg11[%dma_start3A_165, %dma_start3A_166] : memref<10000x128xf32, #tpu.memory_space<vmem_shared>> -> memref<10000x128xf32, #tpu.memory_space<vmem_shared>>
        tpu.enqueue_indirect_dma source(%arg9 : memref<80x128xf32, #tpu.memory_space<vmem>>) target(%dma_start3A_167 : memref<10000x128xf32, #tpu.memory_space<vmem_shared>>) offsets(%dma_start3A_164 : memref<80xi32, #tpu.memory_space<vmem>>) semaphore(%run_scoped3A_161 : memref<!tpu.dma_semaphore, #tpu.memory_space<semaphore_mem>>) {add = true}
        %dma_wait3A_168 = arith.constant 0 : i32
        %dma_wait3A_169 = tpu.memref_slice %arg8[%mul3A_128, %dma_wait3A_168] : memref<25x80xi32, #tpu.memory_space<vmem>> -> memref<1x80xi32, #tpu.memory_space<vmem>>
        %dma_wait3A_170 = tpu.memref_squeeze %dma_wait3A_169 : memref<1x80xi32, #tpu.memory_space<vmem>> -> memref<80xi32, #tpu.memory_space<vmem>>
        %dma_wait3A_171 = arith.constant 0 : i32
        %dma_wait3A_172 = arith.constant 0 : i32
        %dma_wait3A_173 = tpu.memref_slice %arg11[%dma_wait3A_171, %dma_wait3A_172] : memref<10000x128xf32, #tpu.memory_space<vmem_shared>> -> memref<10000x128xf32, #tpu.memory_space<vmem_shared>>
        tpu.wait_indirect_dma semaphore(%run_scoped3A_161 : memref<!tpu.dma_semaphore, #tpu.memory_space<semaphore_mem>>) src(%arg9 : memref<80x128xf32, #tpu.memory_space<vmem>>) dst(%dma_wait3A_173 : memref<10000x128xf32, #tpu.memory_space<vmem_shared>>)
        tpu.yield
      }) : () -> ()
      %add3A_143 = arith.constant 2 : i32
      %add3A_144 = arith.addi %mul3A_128, %add3A_143 : i32
      %dma_start3A_145 = arith.constant 0 : i32
      %dma_start3A_146 = tpu.memref_slice %arg7[%add3A_144, %dma_start3A_145] : memref<25x80xi32, #tpu.memory_space<vmem>> -> memref<1x80xi32, #tpu.memory_space<vmem>>
      %dma_start3A_147 = tpu.memref_squeeze %dma_start3A_146 : memref<1x80xi32, #tpu.memory_space<vmem>> -> memref<80xi32, #tpu.memory_space<vmem>>
      %dma_start3A_148 = arith.constant 0 : i32
      %dma_start3A_149 = arith.constant 0 : i32
      %dma_start3A_150 = tpu.memref_slice %arg2[%dma_start3A_148, %dma_start3A_149] : memref<10000x128xf32, #tpu.memory_space<hbm>> -> memref<10000x128xf32, #tpu.memory_space<hbm>>
      tpu.enqueue_indirect_dma source(%dma_start3A_150 : memref<10000x128xf32, #tpu.memory_space<hbm>>) target(%arg9 : memref<80x128xf32, #tpu.memory_space<vmem>>) offsets(%dma_start3A_147 : memref<80xi32, #tpu.memory_space<vmem>>) semaphore(%arg12 : memref<!tpu.dma_semaphore, #tpu.memory_space<semaphore_mem>>)
      %add3A_151 = arith.constant 1 : i32
      %add3A_152 = arith.addi %mul3A_128, %add3A_151 : i32
      %dma_wait3A_153 = arith.constant 0 : i32
      %dma_wait3A_154 = tpu.memref_slice %arg7[%add3A_152, %dma_wait3A_153] : memref<25x80xi32, #tpu.memory_space<vmem>> -> memref<1x80xi32, #tpu.memory_space<vmem>>
      %dma_wait3A_155 = tpu.memref_squeeze %dma_wait3A_154 : memref<1x80xi32, #tpu.memory_space<vmem>> -> memref<80xi32, #tpu.memory_space<vmem>>
      %dma_wait3A_156 = arith.constant 0 : i32
      %dma_wait3A_157 = arith.constant 0 : i32
      %dma_wait3A_158 = tpu.memref_slice %arg2[%dma_wait3A_156, %dma_wait3A_157] : memref<10000x128xf32, #tpu.memory_space<hbm>> -> memref<10000x128xf32, #tpu.memory_space<hbm>>
      tpu.wait_indirect_dma semaphore(%arg13 : memref<!tpu.dma_semaphore, #tpu.memory_space<semaphore_mem>>) src(%dma_wait3A_158 : memref<10000x128xf32, #tpu.memory_space<hbm>>) dst(%arg10 : memref<80x128xf32, #tpu.memory_space<vmem>>)
      %add3A_159 = arith.constant 1 : i32
      %add3A_160 = arith.addi %mul3A_128, %add3A_159 : i32
      "tpu.region"() ({
        %run_scoped3A_161 = tpu.sem_alloc : memref<!tpu.dma_semaphore, #tpu.memory_space<semaphore_mem>>
        %dma_start3A_162 = arith.constant 0 : i32
        %dma_start3A_163 = tpu.memref_slice %arg8[%add3A_160, %dma_start3A_162] : memref<25x80xi32, #tpu.memory_space<vmem>> -> memref<1x80xi32, #tpu.memory_space<vmem>>
        %dma_start3A_164 = tpu.memref_squeeze %dma_start3A_163 : memref<1x80xi32, #tpu.memory_space<vmem>> -> memref<80xi32, #tpu.memory_space<vmem>>
        %dma_start3A_165 = arith.constant 0 : i32
        %dma_start3A_166 = arith.constant 0 : i32
        %dma_start3A_167 = tpu.memref_slice %arg11[%dma_start3A_165, %dma_start3A_166] : memref<10000x128xf32, #tpu.memory_space<vmem_shared>> -> memref<10000x128xf32, #tpu.memory_space<vmem_shared>>
        tpu.enqueue_indirect_dma source(%arg10 : memref<80x128xf32, #tpu.memory_space<vmem>>) target(%dma_start3A_167 : memref<10000x128xf32, #tpu.memory_space<vmem_shared>>) offsets(%dma_start3A_164 : memref<80xi32, #tpu.memory_space<vmem>>) semaphore(%run_scoped3A_161 : memref<!tpu.dma_semaphore, #tpu.memory_space<semaphore_mem>>) {add = true}
        %dma_wait3A_168 = arith.constant 0 : i32
        %dma_wait3A_169 = tpu.memref_slice %arg8[%add3A_160, %dma_wait3A_168] : memref<25x80xi32, #tpu.memory_space<vmem>> -> memref<1x80xi32, #tpu.memory_space<vmem>>
        %dma_wait3A_170 = tpu.memref_squeeze %dma_wait3A_169 : memref<1x80xi32, #tpu.memory_space<vmem>> -> memref<80xi32, #tpu.memory_space<vmem>>
        %dma_wait3A_171 = arith.constant 0 : i32
        %dma_wait3A_172 = arith.constant 0 : i32
        %dma_wait3A_173 = tpu.memref_slice %arg11[%dma_wait3A_171, %dma_wait3A_172] : memref<10000x128xf32, #tpu.memory_space<vmem_shared>> -> memref<10000x128xf32, #tpu.memory_space<vmem_shared>>
        tpu.wait_indirect_dma semaphore(%run_scoped3A_161 : memref<!tpu.dma_semaphore, #tpu.memory_space<semaphore_mem>>) src(%arg10 : memref<80x128xf32, #tpu.memory_space<vmem>>) dst(%dma_wait3A_173 : memref<10000x128xf32, #tpu.memory_space<vmem_shared>>)
        tpu.yield
      }) : () -> ()
    }
    %scan3A_61 = arith.constant 12 : i32
    %dma_wait3A_62 = arith.constant 24 : i32
    %dma_wait3A_63 = arith.constant 0 : i32
    %dma_wait3A_64 = tpu.memref_slice %arg7[%dma_wait3A_62, %dma_wait3A_63] : memref<25x80xi32, #tpu.memory_space<vmem>> -> memref<1x80xi32, #tpu.memory_space<vmem>>
    %dma_wait3A_65 = tpu.memref_squeeze %dma_wait3A_64 : memref<1x80xi32, #tpu.memory_space<vmem>> -> memref<80xi32, #tpu.memory_space<vmem>>
    %dma_wait3A_66 = arith.constant 0 : i32
    %dma_wait3A_67 = arith.constant 0 : i32
    %dma_wait3A_68 = tpu.memref_slice %arg2[%dma_wait3A_66, %dma_wait3A_67] : memref<10000x128xf32, #tpu.memory_space<hbm>> -> memref<10000x128xf32, #tpu.memory_space<hbm>>
    tpu.wait_indirect_dma semaphore(%arg12 : memref<!tpu.dma_semaphore, #tpu.memory_space<semaphore_mem>>) src(%dma_wait3A_68 : memref<10000x128xf32, #tpu.memory_space<hbm>>) dst(%arg9 : memref<80x128xf32, #tpu.memory_space<vmem>>)
    %run_scoped3A_69 = arith.constant 24 : i32
    "tpu.region"() ({
      %run_scoped3A_126 = tpu.sem_alloc : memref<!tpu.dma_semaphore, #tpu.memory_space<semaphore_mem>>
      %dma_start3A_127 = arith.constant 0 : i32
      %dma_start3A_128 = tpu.memref_slice %arg8[%run_scoped3A_69, %dma_start3A_127] : memref<25x80xi32, #tpu.memory_space<vmem>> -> memref<1x80xi32, #tpu.memory_space<vmem>>
      %dma_start3A_129 = tpu.memref_squeeze %dma_start3A_128 : memref<1x80xi32, #tpu.memory_space<vmem>> -> memref<80xi32, #tpu.memory_space<vmem>>
      %dma_start3A_130 = arith.constant 0 : i32
      %dma_start3A_131 = arith.constant 0 : i32
      %dma_start3A_132 = tpu.memref_slice %arg11[%dma_start3A_130, %dma_start3A_131] : memref<10000x128xf32, #tpu.memory_space<vmem_shared>> -> memref<10000x128xf32, #tpu.memory_space<vmem_shared>>
      tpu.enqueue_indirect_dma source(%arg9 : memref<80x128xf32, #tpu.memory_space<vmem>>) target(%dma_start3A_132 : memref<10000x128xf32, #tpu.memory_space<vmem_shared>>) offsets(%dma_start3A_129 : memref<80xi32, #tpu.memory_space<vmem>>) semaphore(%run_scoped3A_126 : memref<!tpu.dma_semaphore, #tpu.memory_space<semaphore_mem>>) {add = true}
      %dma_wait3A_133 = arith.constant 0 : i32
      %dma_wait3A_134 = tpu.memref_slice %arg8[%run_scoped3A_69, %dma_wait3A_133] : memref<25x80xi32, #tpu.memory_space<vmem>> -> memref<1x80xi32, #tpu.memory_space<vmem>>
      %dma_wait3A_135 = tpu.memref_squeeze %dma_wait3A_134 : memref<1x80xi32, #tpu.memory_space<vmem>> -> memref<80xi32, #tpu.memory_space<vmem>>
      %dma_wait3A_136 = arith.constant 0 : i32
      %dma_wait3A_137 = arith.constant 0 : i32
      %dma_wait3A_138 = tpu.memref_slice %arg11[%dma_wait3A_136, %dma_wait3A_137] : memref<10000x128xf32, #tpu.memory_space<vmem_shared>> -> memref<10000x128xf32, #tpu.memory_space<vmem_shared>>
      tpu.wait_indirect_dma semaphore(%run_scoped3A_126 : memref<!tpu.dma_semaphore, #tpu.memory_space<semaphore_mem>>) src(%arg9 : memref<80x128xf32, #tpu.memory_space<vmem>>) dst(%dma_wait3A_138 : memref<10000x128xf32, #tpu.memory_space<vmem_shared>>)
      tpu.yield
    }) : () -> ()
    %run_scoped3A_70 = arith.constant 3 : i32
    "tpu.region"() ({
      %run_scoped3A_126 = tpu.sem_alloc : memref<!tpu.dma_semaphore, #tpu.memory_space<semaphore_mem>>
      %dma_start3A_127 = arith.constant 0 : i32
      %dma_start3A_128 = arith.constant 0 : i32
      %dma_start3A_129 = tpu.memref_slice %arg3[%add3A, %run_scoped3A_70, %dma_start3A_127, %dma_start3A_128] : memref<32x5x25x80xi32, #tpu.memory_space<hbm>> -> memref<1x1x25x80xi32, #tpu.memory_space<hbm>>
      %dma_start3A_130 = tpu.memref_squeeze %dma_start3A_129 : memref<1x1x25x80xi32, #tpu.memory_space<hbm>> -> memref<25x80xi32, #tpu.memory_space<hbm>>
      %dma_start3A_131 = arith.constant 0 : i32
      %dma_start3A_132 = arith.constant 0 : i32
      %dma_start3A_133 = tpu.memref_slice %arg3[%add3A, %run_scoped3A_70, %dma_start3A_131, %dma_start3A_132] : memref<32x5x25x80xi32, #tpu.memory_space<hbm>> -> memref<1x1x25x80xi32, #tpu.memory_space<hbm>>
      %dma_start3A_134 = tpu.memref_squeeze %dma_start3A_133 : memref<1x1x25x80xi32, #tpu.memory_space<hbm>> -> memref<25x80xi32, #tpu.memory_space<hbm>>
      tpu.enqueue_dma source(%dma_start3A_134 : memref<25x80xi32, #tpu.memory_space<hbm>>) target(%arg7 : memref<25x80xi32, #tpu.memory_space<vmem>>) target_semaphore(%run_scoped3A_126 : memref<!tpu.dma_semaphore, #tpu.memory_space<semaphore_mem>>)
      %dma_wait3A_135 = arith.constant 0 : i32
      %dma_wait3A_136 = arith.constant 0 : i32
      %dma_wait3A_137 = tpu.memref_slice %arg3[%add3A, %run_scoped3A_70, %dma_wait3A_135, %dma_wait3A_136] : memref<32x5x25x80xi32, #tpu.memory_space<hbm>> -> memref<1x1x25x80xi32, #tpu.memory_space<hbm>>
      %dma_wait3A_138 = tpu.memref_squeeze %dma_wait3A_137 : memref<1x1x25x80xi32, #tpu.memory_space<hbm>> -> memref<25x80xi32, #tpu.memory_space<hbm>>
      %dma_wait3A_139 = arith.constant 0 : i32
      %dma_wait3A_140 = arith.constant 0 : i32
      %dma_wait3A_141 = tpu.memref_slice %arg3[%add3A, %run_scoped3A_70, %dma_wait3A_139, %dma_wait3A_140] : memref<32x5x25x80xi32, #tpu.memory_space<hbm>> -> memref<1x1x25x80xi32, #tpu.memory_space<hbm>>
      %dma_wait3A_142 = tpu.memref_squeeze %dma_wait3A_141 : memref<1x1x25x80xi32, #tpu.memory_space<hbm>> -> memref<25x80xi32, #tpu.memory_space<hbm>>
      tpu.wait_dma2 semaphore(%run_scoped3A_126 : memref<!tpu.dma_semaphore, #tpu.memory_space<semaphore_mem>>) src(%dma_wait3A_142 : memref<25x80xi32, #tpu.memory_space<hbm>>) dst(%arg7 : memref<25x80xi32, #tpu.memory_space<vmem>>)
      tpu.yield
    }) : () -> ()
    %run_scoped3A_71 = arith.constant 3 : i32
    "tpu.region"() ({
      %run_scoped3A_126 = tpu.sem_alloc : memref<!tpu.dma_semaphore, #tpu.memory_space<semaphore_mem>>
      %dma_start3A_127 = arith.constant 0 : i32
      %dma_start3A_128 = arith.constant 0 : i32
      %dma_start3A_129 = tpu.memref_slice %arg4[%add3A, %run_scoped3A_71, %dma_start3A_127, %dma_start3A_128] : memref<32x5x25x80xi32, #tpu.memory_space<hbm>> -> memref<1x1x25x80xi32, #tpu.memory_space<hbm>>
      %dma_start3A_130 = tpu.memref_squeeze %dma_start3A_129 : memref<1x1x25x80xi32, #tpu.memory_space<hbm>> -> memref<25x80xi32, #tpu.memory_space<hbm>>
      %dma_start3A_131 = arith.constant 0 : i32
      %dma_start3A_132 = arith.constant 0 : i32
      %dma_start3A_133 = tpu.memref_slice %arg4[%add3A, %run_scoped3A_71, %dma_start3A_131, %dma_start3A_132] : memref<32x5x25x80xi32, #tpu.memory_space<hbm>> -> memref<1x1x25x80xi32, #tpu.memory_space<hbm>>
      %dma_start3A_134 = tpu.memref_squeeze %dma_start3A_133 : memref<1x1x25x80xi32, #tpu.memory_space<hbm>> -> memref<25x80xi32, #tpu.memory_space<hbm>>
      tpu.enqueue_dma source(%dma_start3A_134 : memref<25x80xi32, #tpu.memory_space<hbm>>) target(%arg8 : memref<25x80xi32, #tpu.memory_space<vmem>>) target_semaphore(%run_scoped3A_126 : memref<!tpu.dma_semaphore, #tpu.memory_space<semaphore_mem>>)
      %dma_wait3A_135 = arith.constant 0 : i32
      %dma_wait3A_136 = arith.constant 0 : i32
      %dma_wait3A_137 = tpu.memref_slice %arg4[%add3A, %run_scoped3A_71, %dma_wait3A_135, %dma_wait3A_136] : memref<32x5x25x80xi32, #tpu.memory_space<hbm>> -> memref<1x1x25x80xi32, #tpu.memory_space<hbm>>
      %dma_wait3A_138 = tpu.memref_squeeze %dma_wait3A_137 : memref<1x1x25x80xi32, #tpu.memory_space<hbm>> -> memref<25x80xi32, #tpu.memory_space<hbm>>
      %dma_wait3A_139 = arith.constant 0 : i32
      %dma_wait3A_140 = arith.constant 0 : i32
      %dma_wait3A_141 = tpu.memref_slice %arg4[%add3A, %run_scoped3A_71, %dma_wait3A_139, %dma_wait3A_140] : memref<32x5x25x80xi32, #tpu.memory_space<hbm>> -> memref<1x1x25x80xi32, #tpu.memory_space<hbm>>
      %dma_wait3A_142 = tpu.memref_squeeze %dma_wait3A_141 : memref<1x1x25x80xi32, #tpu.memory_space<hbm>> -> memref<25x80xi32, #tpu.memory_space<hbm>>
      tpu.wait_dma2 semaphore(%run_scoped3A_126 : memref<!tpu.dma_semaphore, #tpu.memory_space<semaphore_mem>>) src(%dma_wait3A_142 : memref<25x80xi32, #tpu.memory_space<hbm>>) dst(%arg8 : memref<25x80xi32, #tpu.memory_space<vmem>>)
      tpu.yield
    }) : () -> ()
    %dma_start3A_72 = arith.constant 0 : i32
    %dma_start3A_73 = arith.constant 0 : i32
    %dma_start3A_74 = tpu.memref_slice %arg7[%dma_start3A_72, %dma_start3A_73] : memref<25x80xi32, #tpu.memory_space<vmem>> -> memref<1x80xi32, #tpu.memory_space<vmem>>
    %dma_start3A_75 = tpu.memref_squeeze %dma_start3A_74 : memref<1x80xi32, #tpu.memory_space<vmem>> -> memref<80xi32, #tpu.memory_space<vmem>>
    %dma_start3A_76 = arith.constant 0 : i32
    %dma_start3A_77 = arith.constant 0 : i32
    %dma_start3A_78 = tpu.memref_slice %arg2[%dma_start3A_76, %dma_start3A_77] : memref<10000x128xf32, #tpu.memory_space<hbm>> -> memref<10000x128xf32, #tpu.memory_space<hbm>>
    tpu.enqueue_indirect_dma source(%dma_start3A_78 : memref<10000x128xf32, #tpu.memory_space<hbm>>) target(%arg9 : memref<80x128xf32, #tpu.memory_space<vmem>>) offsets(%dma_start3A_75 : memref<80xi32, #tpu.memory_space<vmem>>) semaphore(%arg12 : memref<!tpu.dma_semaphore, #tpu.memory_space<semaphore_mem>>)
    %scan3A_79 = arith.constant 0 : i32
    %scan3A_80 = arith.constant 0 : i32
    %scan3A_81 = arith.constant 12 : i32
    %scan3A_82 = arith.addi %scan3A_80, %scan3A_81 : i32
    %scan3A_83 = arith.constant 1 : i32
    scf.for %scan3A_126 = %scan3A_80 to %scan3A_82 step %scan3A_83  : i32 {
      %mul3A_127 = arith.constant 2 : i32
      %mul3A_128 = arith.muli %mul3A_127, %scan3A_126 : i32
      %add3A_129 = arith.constant 1 : i32
      %add3A_130 = arith.addi %mul3A_128, %add3A_129 : i32
      %dma_start3A_131 = arith.constant 0 : i32
      %dma_start3A_132 = tpu.memref_slice %arg7[%add3A_130, %dma_start3A_131] : memref<25x80xi32, #tpu.memory_space<vmem>> -> memref<1x80xi32, #tpu.memory_space<vmem>>
      %dma_start3A_133 = tpu.memref_squeeze %dma_start3A_132 : memref<1x80xi32, #tpu.memory_space<vmem>> -> memref<80xi32, #tpu.memory_space<vmem>>
      %dma_start3A_134 = arith.constant 0 : i32
      %dma_start3A_135 = arith.constant 0 : i32
      %dma_start3A_136 = tpu.memref_slice %arg2[%dma_start3A_134, %dma_start3A_135] : memref<10000x128xf32, #tpu.memory_space<hbm>> -> memref<10000x128xf32, #tpu.memory_space<hbm>>
      tpu.enqueue_indirect_dma source(%dma_start3A_136 : memref<10000x128xf32, #tpu.memory_space<hbm>>) target(%arg10 : memref<80x128xf32, #tpu.memory_space<vmem>>) offsets(%dma_start3A_133 : memref<80xi32, #tpu.memory_space<vmem>>) semaphore(%arg13 : memref<!tpu.dma_semaphore, #tpu.memory_space<semaphore_mem>>)
      %dma_wait3A_137 = arith.constant 0 : i32
      %dma_wait3A_138 = tpu.memref_slice %arg7[%mul3A_128, %dma_wait3A_137] : memref<25x80xi32, #tpu.memory_space<vmem>> -> memref<1x80xi32, #tpu.memory_space<vmem>>
      %dma_wait3A_139 = tpu.memref_squeeze %dma_wait3A_138 : memref<1x80xi32, #tpu.memory_space<vmem>> -> memref<80xi32, #tpu.memory_space<vmem>>
      %dma_wait3A_140 = arith.constant 0 : i32
      %dma_wait3A_141 = arith.constant 0 : i32
      %dma_wait3A_142 = tpu.memref_slice %arg2[%dma_wait3A_140, %dma_wait3A_141] : memref<10000x128xf32, #tpu.memory_space<hbm>> -> memref<10000x128xf32, #tpu.memory_space<hbm>>
      tpu.wait_indirect_dma semaphore(%arg12 : memref<!tpu.dma_semaphore, #tpu.memory_space<semaphore_mem>>) src(%dma_wait3A_142 : memref<10000x128xf32, #tpu.memory_space<hbm>>) dst(%arg9 : memref<80x128xf32, #tpu.memory_space<vmem>>)
      "tpu.region"() ({
        %run_scoped3A_161 = tpu.sem_alloc : memref<!tpu.dma_semaphore, #tpu.memory_space<semaphore_mem>>
        %dma_start3A_162 = arith.constant 0 : i32
        %dma_start3A_163 = tpu.memref_slice %arg8[%mul3A_128, %dma_start3A_162] : memref<25x80xi32, #tpu.memory_space<vmem>> -> memref<1x80xi32, #tpu.memory_space<vmem>>
        %dma_start3A_164 = tpu.memref_squeeze %dma_start3A_163 : memref<1x80xi32, #tpu.memory_space<vmem>> -> memref<80xi32, #tpu.memory_space<vmem>>
        %dma_start3A_165 = arith.constant 0 : i32
        %dma_start3A_166 = arith.constant 0 : i32
        %dma_start3A_167 = tpu.memref_slice %arg11[%dma_start3A_165, %dma_start3A_166] : memref<10000x128xf32, #tpu.memory_space<vmem_shared>> -> memref<10000x128xf32, #tpu.memory_space<vmem_shared>>
        tpu.enqueue_indirect_dma source(%arg9 : memref<80x128xf32, #tpu.memory_space<vmem>>) target(%dma_start3A_167 : memref<10000x128xf32, #tpu.memory_space<vmem_shared>>) offsets(%dma_start3A_164 : memref<80xi32, #tpu.memory_space<vmem>>) semaphore(%run_scoped3A_161 : memref<!tpu.dma_semaphore, #tpu.memory_space<semaphore_mem>>) {add = true}
        %dma_wait3A_168 = arith.constant 0 : i32
        %dma_wait3A_169 = tpu.memref_slice %arg8[%mul3A_128, %dma_wait3A_168] : memref<25x80xi32, #tpu.memory_space<vmem>> -> memref<1x80xi32, #tpu.memory_space<vmem>>
        %dma_wait3A_170 = tpu.memref_squeeze %dma_wait3A_169 : memref<1x80xi32, #tpu.memory_space<vmem>> -> memref<80xi32, #tpu.memory_space<vmem>>
        %dma_wait3A_171 = arith.constant 0 : i32
        %dma_wait3A_172 = arith.constant 0 : i32
        %dma_wait3A_173 = tpu.memref_slice %arg11[%dma_wait3A_171, %dma_wait3A_172] : memref<10000x128xf32, #tpu.memory_space<vmem_shared>> -> memref<10000x128xf32, #tpu.memory_space<vmem_shared>>
        tpu.wait_indirect_dma semaphore(%run_scoped3A_161 : memref<!tpu.dma_semaphore, #tpu.memory_space<semaphore_mem>>) src(%arg9 : memref<80x128xf32, #tpu.memory_space<vmem>>) dst(%dma_wait3A_173 : memref<10000x128xf32, #tpu.memory_space<vmem_shared>>)
        tpu.yield
      }) : () -> ()
      %add3A_143 = arith.constant 2 : i32
      %add3A_144 = arith.addi %mul3A_128, %add3A_143 : i32
      %dma_start3A_145 = arith.constant 0 : i32
      %dma_start3A_146 = tpu.memref_slice %arg7[%add3A_144, %dma_start3A_145] : memref<25x80xi32, #tpu.memory_space<vmem>> -> memref<1x80xi32, #tpu.memory_space<vmem>>
      %dma_start3A_147 = tpu.memref_squeeze %dma_start3A_146 : memref<1x80xi32, #tpu.memory_space<vmem>> -> memref<80xi32, #tpu.memory_space<vmem>>
      %dma_start3A_148 = arith.constant 0 : i32
      %dma_start3A_149 = arith.constant 0 : i32
      %dma_start3A_150 = tpu.memref_slice %arg2[%dma_start3A_148, %dma_start3A_149] : memref<10000x128xf32, #tpu.memory_space<hbm>> -> memref<10000x128xf32, #tpu.memory_space<hbm>>
      tpu.enqueue_indirect_dma source(%dma_start3A_150 : memref<10000x128xf32, #tpu.memory_space<hbm>>) target(%arg9 : memref<80x128xf32, #tpu.memory_space<vmem>>) offsets(%dma_start3A_147 : memref<80xi32, #tpu.memory_space<vmem>>) semaphore(%arg12 : memref<!tpu.dma_semaphore, #tpu.memory_space<semaphore_mem>>)
      %add3A_151 = arith.constant 1 : i32
      %add3A_152 = arith.addi %mul3A_128, %add3A_151 : i32
      %dma_wait3A_153 = arith.constant 0 : i32
      %dma_wait3A_154 = tpu.memref_slice %arg7[%add3A_152, %dma_wait3A_153] : memref<25x80xi32, #tpu.memory_space<vmem>> -> memref<1x80xi32, #tpu.memory_space<vmem>>
      %dma_wait3A_155 = tpu.memref_squeeze %dma_wait3A_154 : memref<1x80xi32, #tpu.memory_space<vmem>> -> memref<80xi32, #tpu.memory_space<vmem>>
      %dma_wait3A_156 = arith.constant 0 : i32
      %dma_wait3A_157 = arith.constant 0 : i32
      %dma_wait3A_158 = tpu.memref_slice %arg2[%dma_wait3A_156, %dma_wait3A_157] : memref<10000x128xf32, #tpu.memory_space<hbm>> -> memref<10000x128xf32, #tpu.memory_space<hbm>>
      tpu.wait_indirect_dma semaphore(%arg13 : memref<!tpu.dma_semaphore, #tpu.memory_space<semaphore_mem>>) src(%dma_wait3A_158 : memref<10000x128xf32, #tpu.memory_space<hbm>>) dst(%arg10 : memref<80x128xf32, #tpu.memory_space<vmem>>)
      %add3A_159 = arith.constant 1 : i32
      %add3A_160 = arith.addi %mul3A_128, %add3A_159 : i32
      "tpu.region"() ({
        %run_scoped3A_161 = tpu.sem_alloc : memref<!tpu.dma_semaphore, #tpu.memory_space<semaphore_mem>>
        %dma_start3A_162 = arith.constant 0 : i32
        %dma_start3A_163 = tpu.memref_slice %arg8[%add3A_160, %dma_start3A_162] : memref<25x80xi32, #tpu.memory_space<vmem>> -> memref<1x80xi32, #tpu.memory_space<vmem>>
        %dma_start3A_164 = tpu.memref_squeeze %dma_start3A_163 : memref<1x80xi32, #tpu.memory_space<vmem>> -> memref<80xi32, #tpu.memory_space<vmem>>
        %dma_start3A_165 = arith.constant 0 : i32
        %dma_start3A_166 = arith.constant 0 : i32
        %dma_start3A_167 = tpu.memref_slice %arg11[%dma_start3A_165, %dma_start3A_166] : memref<10000x128xf32, #tpu.memory_space<vmem_shared>> -> memref<10000x128xf32, #tpu.memory_space<vmem_shared>>
        tpu.enqueue_indirect_dma source(%arg10 : memref<80x128xf32, #tpu.memory_space<vmem>>) target(%dma_start3A_167 : memref<10000x128xf32, #tpu.memory_space<vmem_shared>>) offsets(%dma_start3A_164 : memref<80xi32, #tpu.memory_space<vmem>>) semaphore(%run_scoped3A_161 : memref<!tpu.dma_semaphore, #tpu.memory_space<semaphore_mem>>) {add = true}
        %dma_wait3A_168 = arith.constant 0 : i32
        %dma_wait3A_169 = tpu.memref_slice %arg8[%add3A_160, %dma_wait3A_168] : memref<25x80xi32, #tpu.memory_space<vmem>> -> memref<1x80xi32, #tpu.memory_space<vmem>>
        %dma_wait3A_170 = tpu.memref_squeeze %dma_wait3A_169 : memref<1x80xi32, #tpu.memory_space<vmem>> -> memref<80xi32, #tpu.memory_space<vmem>>
        %dma_wait3A_171 = arith.constant 0 : i32
        %dma_wait3A_172 = arith.constant 0 : i32
        %dma_wait3A_173 = tpu.memref_slice %arg11[%dma_wait3A_171, %dma_wait3A_172] : memref<10000x128xf32, #tpu.memory_space<vmem_shared>> -> memref<10000x128xf32, #tpu.memory_space<vmem_shared>>
        tpu.wait_indirect_dma semaphore(%run_scoped3A_161 : memref<!tpu.dma_semaphore, #tpu.memory_space<semaphore_mem>>) src(%arg10 : memref<80x128xf32, #tpu.memory_space<vmem>>) dst(%dma_wait3A_173 : memref<10000x128xf32, #tpu.memory_space<vmem_shared>>)
        tpu.yield
      }) : () -> ()
    }
    %scan3A_84 = arith.constant 12 : i32
    %dma_wait3A_85 = arith.constant 24 : i32
    %dma_wait3A_86 = arith.constant 0 : i32
    %dma_wait3A_87 = tpu.memref_slice %arg7[%dma_wait3A_85, %dma_wait3A_86] : memref<25x80xi32, #tpu.memory_space<vmem>> -> memref<1x80xi32, #tpu.memory_space<vmem>>
    %dma_wait3A_88 = tpu.memref_squeeze %dma_wait3A_87 : memref<1x80xi32, #tpu.memory_space<vmem>> -> memref<80xi32, #tpu.memory_space<vmem>>
    %dma_wait3A_89 = arith.constant 0 : i32
    %dma_wait3A_90 = arith.constant 0 : i32
    %dma_wait3A_91 = tpu.memref_slice %arg2[%dma_wait3A_89, %dma_wait3A_90] : memref<10000x128xf32, #tpu.memory_space<hbm>> -> memref<10000x128xf32, #tpu.memory_space<hbm>>
    tpu.wait_indirect_dma semaphore(%arg12 : memref<!tpu.dma_semaphore, #tpu.memory_space<semaphore_mem>>) src(%dma_wait3A_91 : memref<10000x128xf32, #tpu.memory_space<hbm>>) dst(%arg9 : memref<80x128xf32, #tpu.memory_space<vmem>>)
    %run_scoped3A_92 = arith.constant 24 : i32
    "tpu.region"() ({
      %run_scoped3A_126 = tpu.sem_alloc : memref<!tpu.dma_semaphore, #tpu.memory_space<semaphore_mem>>
      %dma_start3A_127 = arith.constant 0 : i32
      %dma_start3A_128 = tpu.memref_slice %arg8[%run_scoped3A_92, %dma_start3A_127] : memref<25x80xi32, #tpu.memory_space<vmem>> -> memref<1x80xi32, #tpu.memory_space<vmem>>
      %dma_start3A_129 = tpu.memref_squeeze %dma_start3A_128 : memref<1x80xi32, #tpu.memory_space<vmem>> -> memref<80xi32, #tpu.memory_space<vmem>>
      %dma_start3A_130 = arith.constant 0 : i32
      %dma_start3A_131 = arith.constant 0 : i32
      %dma_start3A_132 = tpu.memref_slice %arg11[%dma_start3A_130, %dma_start3A_131] : memref<10000x128xf32, #tpu.memory_space<vmem_shared>> -> memref<10000x128xf32, #tpu.memory_space<vmem_shared>>
      tpu.enqueue_indirect_dma source(%arg9 : memref<80x128xf32, #tpu.memory_space<vmem>>) target(%dma_start3A_132 : memref<10000x128xf32, #tpu.memory_space<vmem_shared>>) offsets(%dma_start3A_129 : memref<80xi32, #tpu.memory_space<vmem>>) semaphore(%run_scoped3A_126 : memref<!tpu.dma_semaphore, #tpu.memory_space<semaphore_mem>>) {add = true}
      %dma_wait3A_133 = arith.constant 0 : i32
      %dma_wait3A_134 = tpu.memref_slice %arg8[%run_scoped3A_92, %dma_wait3A_133] : memref<25x80xi32, #tpu.memory_space<vmem>> -> memref<1x80xi32, #tpu.memory_space<vmem>>
      %dma_wait3A_135 = tpu.memref_squeeze %dma_wait3A_134 : memref<1x80xi32, #tpu.memory_space<vmem>> -> memref<80xi32, #tpu.memory_space<vmem>>
      %dma_wait3A_136 = arith.constant 0 : i32
      %dma_wait3A_137 = arith.constant 0 : i32
      %dma_wait3A_138 = tpu.memref_slice %arg11[%dma_wait3A_136, %dma_wait3A_137] : memref<10000x128xf32, #tpu.memory_space<vmem_shared>> -> memref<10000x128xf32, #tpu.memory_space<vmem_shared>>
      tpu.wait_indirect_dma semaphore(%run_scoped3A_126 : memref<!tpu.dma_semaphore, #tpu.memory_space<semaphore_mem>>) src(%arg9 : memref<80x128xf32, #tpu.memory_space<vmem>>) dst(%dma_wait3A_138 : memref<10000x128xf32, #tpu.memory_space<vmem_shared>>)
      tpu.yield
    }) : () -> ()
    %run_scoped3A_93 = arith.constant 4 : i32
    "tpu.region"() ({
      %run_scoped3A_126 = tpu.sem_alloc : memref<!tpu.dma_semaphore, #tpu.memory_space<semaphore_mem>>
      %dma_start3A_127 = arith.constant 0 : i32
      %dma_start3A_128 = arith.constant 0 : i32
      %dma_start3A_129 = tpu.memref_slice %arg3[%add3A, %run_scoped3A_93, %dma_start3A_127, %dma_start3A_128] : memref<32x5x25x80xi32, #tpu.memory_space<hbm>> -> memref<1x1x25x80xi32, #tpu.memory_space<hbm>>
      %dma_start3A_130 = tpu.memref_squeeze %dma_start3A_129 : memref<1x1x25x80xi32, #tpu.memory_space<hbm>> -> memref<25x80xi32, #tpu.memory_space<hbm>>
      %dma_start3A_131 = arith.constant 0 : i32
      %dma_start3A_132 = arith.constant 0 : i32
      %dma_start3A_133 = tpu.memref_slice %arg3[%add3A, %run_scoped3A_93, %dma_start3A_131, %dma_start3A_132] : memref<32x5x25x80xi32, #tpu.memory_space<hbm>> -> memref<1x1x25x80xi32, #tpu.memory_space<hbm>>
      %dma_start3A_134 = tpu.memref_squeeze %dma_start3A_133 : memref<1x1x25x80xi32, #tpu.memory_space<hbm>> -> memref<25x80xi32, #tpu.memory_space<hbm>>
      tpu.enqueue_dma source(%dma_start3A_134 : memref<25x80xi32, #tpu.memory_space<hbm>>) target(%arg7 : memref<25x80xi32, #tpu.memory_space<vmem>>) target_semaphore(%run_scoped3A_126 : memref<!tpu.dma_semaphore, #tpu.memory_space<semaphore_mem>>)
      %dma_wait3A_135 = arith.constant 0 : i32
      %dma_wait3A_136 = arith.constant 0 : i32
      %dma_wait3A_137 = tpu.memref_slice %arg3[%add3A, %run_scoped3A_93, %dma_wait3A_135, %dma_wait3A_136] : memref<32x5x25x80xi32, #tpu.memory_space<hbm>> -> memref<1x1x25x80xi32, #tpu.memory_space<hbm>>
      %dma_wait3A_138 = tpu.memref_squeeze %dma_wait3A_137 : memref<1x1x25x80xi32, #tpu.memory_space<hbm>> -> memref<25x80xi32, #tpu.memory_space<hbm>>
      %dma_wait3A_139 = arith.constant 0 : i32
      %dma_wait3A_140 = arith.constant 0 : i32
      %dma_wait3A_141 = tpu.memref_slice %arg3[%add3A, %run_scoped3A_93, %dma_wait3A_139, %dma_wait3A_140] : memref<32x5x25x80xi32, #tpu.memory_space<hbm>> -> memref<1x1x25x80xi32, #tpu.memory_space<hbm>>
      %dma_wait3A_142 = tpu.memref_squeeze %dma_wait3A_141 : memref<1x1x25x80xi32, #tpu.memory_space<hbm>> -> memref<25x80xi32, #tpu.memory_space<hbm>>
      tpu.wait_dma2 semaphore(%run_scoped3A_126 : memref<!tpu.dma_semaphore, #tpu.memory_space<semaphore_mem>>) src(%dma_wait3A_142 : memref<25x80xi32, #tpu.memory_space<hbm>>) dst(%arg7 : memref<25x80xi32, #tpu.memory_space<vmem>>)
      tpu.yield
    }) : () -> ()
    %run_scoped3A_94 = arith.constant 4 : i32
    "tpu.region"() ({
      %run_scoped3A_126 = tpu.sem_alloc : memref<!tpu.dma_semaphore, #tpu.memory_space<semaphore_mem>>
      %dma_start3A_127 = arith.constant 0 : i32
      %dma_start3A_128 = arith.constant 0 : i32
      %dma_start3A_129 = tpu.memref_slice %arg4[%add3A, %run_scoped3A_94, %dma_start3A_127, %dma_start3A_128] : memref<32x5x25x80xi32, #tpu.memory_space<hbm>> -> memref<1x1x25x80xi32, #tpu.memory_space<hbm>>
      %dma_start3A_130 = tpu.memref_squeeze %dma_start3A_129 : memref<1x1x25x80xi32, #tpu.memory_space<hbm>> -> memref<25x80xi32, #tpu.memory_space<hbm>>
      %dma_start3A_131 = arith.constant 0 : i32
      %dma_start3A_132 = arith.constant 0 : i32
      %dma_start3A_133 = tpu.memref_slice %arg4[%add3A, %run_scoped3A_94, %dma_start3A_131, %dma_start3A_132] : memref<32x5x25x80xi32, #tpu.memory_space<hbm>> -> memref<1x1x25x80xi32, #tpu.memory_space<hbm>>
      %dma_start3A_134 = tpu.memref_squeeze %dma_start3A_133 : memref<1x1x25x80xi32, #tpu.memory_space<hbm>> -> memref<25x80xi32, #tpu.memory_space<hbm>>
      tpu.enqueue_dma source(%dma_start3A_134 : memref<25x80xi32, #tpu.memory_space<hbm>>) target(%arg8 : memref<25x80xi32, #tpu.memory_space<vmem>>) target_semaphore(%run_scoped3A_126 : memref<!tpu.dma_semaphore, #tpu.memory_space<semaphore_mem>>)
      %dma_wait3A_135 = arith.constant 0 : i32
      %dma_wait3A_136 = arith.constant 0 : i32
      %dma_wait3A_137 = tpu.memref_slice %arg4[%add3A, %run_scoped3A_94, %dma_wait3A_135, %dma_wait3A_136] : memref<32x5x25x80xi32, #tpu.memory_space<hbm>> -> memref<1x1x25x80xi32, #tpu.memory_space<hbm>>
      %dma_wait3A_138 = tpu.memref_squeeze %dma_wait3A_137 : memref<1x1x25x80xi32, #tpu.memory_space<hbm>> -> memref<25x80xi32, #tpu.memory_space<hbm>>
      %dma_wait3A_139 = arith.constant 0 : i32
      %dma_wait3A_140 = arith.constant 0 : i32
      %dma_wait3A_141 = tpu.memref_slice %arg4[%add3A, %run_scoped3A_94, %dma_wait3A_139, %dma_wait3A_140] : memref<32x5x25x80xi32, #tpu.memory_space<hbm>> -> memref<1x1x25x80xi32, #tpu.memory_space<hbm>>
      %dma_wait3A_142 = tpu.memref_squeeze %dma_wait3A_141 : memref<1x1x25x80xi32, #tpu.memory_space<hbm>> -> memref<25x80xi32, #tpu.memory_space<hbm>>
      tpu.wait_dma2 semaphore(%run_scoped3A_126 : memref<!tpu.dma_semaphore, #tpu.memory_space<semaphore_mem>>) src(%dma_wait3A_142 : memref<25x80xi32, #tpu.memory_space<hbm>>) dst(%arg8 : memref<25x80xi32, #tpu.memory_space<vmem>>)
      tpu.yield
    }) : () -> ()
    %dma_start3A_95 = arith.constant 0 : i32
    %dma_start3A_96 = arith.constant 0 : i32
    %dma_start3A_97 = tpu.memref_slice %arg7[%dma_start3A_95, %dma_start3A_96] : memref<25x80xi32, #tpu.memory_space<vmem>> -> memref<1x80xi32, #tpu.memory_space<vmem>>
    %dma_start3A_98 = tpu.memref_squeeze %dma_start3A_97 : memref<1x80xi32, #tpu.memory_space<vmem>> -> memref<80xi32, #tpu.memory_space<vmem>>
    %dma_start3A_99 = arith.constant 0 : i32
    %dma_start3A_100 = arith.constant 0 : i32
    %dma_start3A_101 = tpu.memref_slice %arg2[%dma_start3A_99, %dma_start3A_100] : memref<10000x128xf32, #tpu.memory_space<hbm>> -> memref<10000x128xf32, #tpu.memory_space<hbm>>
    tpu.enqueue_indirect_dma source(%dma_start3A_101 : memref<10000x128xf32, #tpu.memory_space<hbm>>) target(%arg9 : memref<80x128xf32, #tpu.memory_space<vmem>>) offsets(%dma_start3A_98 : memref<80xi32, #tpu.memory_space<vmem>>) semaphore(%arg12 : memref<!tpu.dma_semaphore, #tpu.memory_space<semaphore_mem>>)
    %scan3A_102 = arith.constant 0 : i32
    %scan3A_103 = arith.constant 0 : i32
    %scan3A_104 = arith.constant 12 : i32
    %scan3A_105 = arith.addi %scan3A_103, %scan3A_104 : i32
    %scan3A_106 = arith.constant 1 : i32
    scf.for %scan3A_126 = %scan3A_103 to %scan3A_105 step %scan3A_106  : i32 {
      %mul3A_127 = arith.constant 2 : i32
      %mul3A_128 = arith.muli %mul3A_127, %scan3A_126 : i32
      %add3A_129 = arith.constant 1 : i32
      %add3A_130 = arith.addi %mul3A_128, %add3A_129 : i32
      %dma_start3A_131 = arith.constant 0 : i32
      %dma_start3A_132 = tpu.memref_slice %arg7[%add3A_130, %dma_start3A_131] : memref<25x80xi32, #tpu.memory_space<vmem>> -> memref<1x80xi32, #tpu.memory_space<vmem>>
      %dma_start3A_133 = tpu.memref_squeeze %dma_start3A_132 : memref<1x80xi32, #tpu.memory_space<vmem>> -> memref<80xi32, #tpu.memory_space<vmem>>
      %dma_start3A_134 = arith.constant 0 : i32
      %dma_start3A_135 = arith.constant 0 : i32
      %dma_start3A_136 = tpu.memref_slice %arg2[%dma_start3A_134, %dma_start3A_135] : memref<10000x128xf32, #tpu.memory_space<hbm>> -> memref<10000x128xf32, #tpu.memory_space<hbm>>
      tpu.enqueue_indirect_dma source(%dma_start3A_136 : memref<10000x128xf32, #tpu.memory_space<hbm>>) target(%arg10 : memref<80x128xf32, #tpu.memory_space<vmem>>) offsets(%dma_start3A_133 : memref<80xi32, #tpu.memory_space<vmem>>) semaphore(%arg13 : memref<!tpu.dma_semaphore, #tpu.memory_space<semaphore_mem>>)
      %dma_wait3A_137 = arith.constant 0 : i32
      %dma_wait3A_138 = tpu.memref_slice %arg7[%mul3A_128, %dma_wait3A_137] : memref<25x80xi32, #tpu.memory_space<vmem>> -> memref<1x80xi32, #tpu.memory_space<vmem>>
      %dma_wait3A_139 = tpu.memref_squeeze %dma_wait3A_138 : memref<1x80xi32, #tpu.memory_space<vmem>> -> memref<80xi32, #tpu.memory_space<vmem>>
      %dma_wait3A_140 = arith.constant 0 : i32
      %dma_wait3A_141 = arith.constant 0 : i32
      %dma_wait3A_142 = tpu.memref_slice %arg2[%dma_wait3A_140, %dma_wait3A_141] : memref<10000x128xf32, #tpu.memory_space<hbm>> -> memref<10000x128xf32, #tpu.memory_space<hbm>>
      tpu.wait_indirect_dma semaphore(%arg12 : memref<!tpu.dma_semaphore, #tpu.memory_space<semaphore_mem>>) src(%dma_wait3A_142 : memref<10000x128xf32, #tpu.memory_space<hbm>>) dst(%arg9 : memref<80x128xf32, #tpu.memory_space<vmem>>)
      "tpu.region"() ({
        %run_scoped3A_161 = tpu.sem_alloc : memref<!tpu.dma_semaphore, #tpu.memory_space<semaphore_mem>>
        %dma_start3A_162 = arith.constant 0 : i32
        %dma_start3A_163 = tpu.memref_slice %arg8[%mul3A_128, %dma_start3A_162] : memref<25x80xi32, #tpu.memory_space<vmem>> -> memref<1x80xi32, #tpu.memory_space<vmem>>
        %dma_start3A_164 = tpu.memref_squeeze %dma_start3A_163 : memref<1x80xi32, #tpu.memory_space<vmem>> -> memref<80xi32, #tpu.memory_space<vmem>>
        %dma_start3A_165 = arith.constant 0 : i32
        %dma_start3A_166 = arith.constant 0 : i32
        %dma_start3A_167 = tpu.memref_slice %arg11[%dma_start3A_165, %dma_start3A_166] : memref<10000x128xf32, #tpu.memory_space<vmem_shared>> -> memref<10000x128xf32, #tpu.memory_space<vmem_shared>>
        tpu.enqueue_indirect_dma source(%arg9 : memref<80x128xf32, #tpu.memory_space<vmem>>) target(%dma_start3A_167 : memref<10000x128xf32, #tpu.memory_space<vmem_shared>>) offsets(%dma_start3A_164 : memref<80xi32, #tpu.memory_space<vmem>>) semaphore(%run_scoped3A_161 : memref<!tpu.dma_semaphore, #tpu.memory_space<semaphore_mem>>) {add = true}
        %dma_wait3A_168 = arith.constant 0 : i32
        %dma_wait3A_169 = tpu.memref_slice %arg8[%mul3A_128, %dma_wait3A_168] : memref<25x80xi32, #tpu.memory_space<vmem>> -> memref<1x80xi32, #tpu.memory_space<vmem>>
        %dma_wait3A_170 = tpu.memref_squeeze %dma_wait3A_169 : memref<1x80xi32, #tpu.memory_space<vmem>> -> memref<80xi32, #tpu.memory_space<vmem>>
        %dma_wait3A_171 = arith.constant 0 : i32
        %dma_wait3A_172 = arith.constant 0 : i32
        %dma_wait3A_173 = tpu.memref_slice %arg11[%dma_wait3A_171, %dma_wait3A_172] : memref<10000x128xf32, #tpu.memory_space<vmem_shared>> -> memref<10000x128xf32, #tpu.memory_space<vmem_shared>>
        tpu.wait_indirect_dma semaphore(%run_scoped3A_161 : memref<!tpu.dma_semaphore, #tpu.memory_space<semaphore_mem>>) src(%arg9 : memref<80x128xf32, #tpu.memory_space<vmem>>) dst(%dma_wait3A_173 : memref<10000x128xf32, #tpu.memory_space<vmem_shared>>)
        tpu.yield
      }) : () -> ()
      %add3A_143 = arith.constant 2 : i32
      %add3A_144 = arith.addi %mul3A_128, %add3A_143 : i32
      %dma_start3A_145 = arith.constant 0 : i32
      %dma_start3A_146 = tpu.memref_slice %arg7[%add3A_144, %dma_start3A_145] : memref<25x80xi32, #tpu.memory_space<vmem>> -> memref<1x80xi32, #tpu.memory_space<vmem>>
      %dma_start3A_147 = tpu.memref_squeeze %dma_start3A_146 : memref<1x80xi32, #tpu.memory_space<vmem>> -> memref<80xi32, #tpu.memory_space<vmem>>
      %dma_start3A_148 = arith.constant 0 : i32
      %dma_start3A_149 = arith.constant 0 : i32
      %dma_start3A_150 = tpu.memref_slice %arg2[%dma_start3A_148, %dma_start3A_149] : memref<10000x128xf32, #tpu.memory_space<hbm>> -> memref<10000x128xf32, #tpu.memory_space<hbm>>
      tpu.enqueue_indirect_dma source(%dma_start3A_150 : memref<10000x128xf32, #tpu.memory_space<hbm>>) target(%arg9 : memref<80x128xf32, #tpu.memory_space<vmem>>) offsets(%dma_start3A_147 : memref<80xi32, #tpu.memory_space<vmem>>) semaphore(%arg12 : memref<!tpu.dma_semaphore, #tpu.memory_space<semaphore_mem>>)
      %add3A_151 = arith.constant 1 : i32
      %add3A_152 = arith.addi %mul3A_128, %add3A_151 : i32
      %dma_wait3A_153 = arith.constant 0 : i32
      %dma_wait3A_154 = tpu.memref_slice %arg7[%add3A_152, %dma_wait3A_153] : memref<25x80xi32, #tpu.memory_space<vmem>> -> memref<1x80xi32, #tpu.memory_space<vmem>>
      %dma_wait3A_155 = tpu.memref_squeeze %dma_wait3A_154 : memref<1x80xi32, #tpu.memory_space<vmem>> -> memref<80xi32, #tpu.memory_space<vmem>>
      %dma_wait3A_156 = arith.constant 0 : i32
      %dma_wait3A_157 = arith.constant 0 : i32
      %dma_wait3A_158 = tpu.memref_slice %arg2[%dma_wait3A_156, %dma_wait3A_157] : memref<10000x128xf32, #tpu.memory_space<hbm>> -> memref<10000x128xf32, #tpu.memory_space<hbm>>
      tpu.wait_indirect_dma semaphore(%arg13 : memref<!tpu.dma_semaphore, #tpu.memory_space<semaphore_mem>>) src(%dma_wait3A_158 : memref<10000x128xf32, #tpu.memory_space<hbm>>) dst(%arg10 : memref<80x128xf32, #tpu.memory_space<vmem>>)
      %add3A_159 = arith.constant 1 : i32
      %add3A_160 = arith.addi %mul3A_128, %add3A_159 : i32
      "tpu.region"() ({
        %run_scoped3A_161 = tpu.sem_alloc : memref<!tpu.dma_semaphore, #tpu.memory_space<semaphore_mem>>
        %dma_start3A_162 = arith.constant 0 : i32
        %dma_start3A_163 = tpu.memref_slice %arg8[%add3A_160, %dma_start3A_162] : memref<25x80xi32, #tpu.memory_space<vmem>> -> memref<1x80xi32, #tpu.memory_space<vmem>>
        %dma_start3A_164 = tpu.memref_squeeze %dma_start3A_163 : memref<1x80xi32, #tpu.memory_space<vmem>> -> memref<80xi32, #tpu.memory_space<vmem>>
        %dma_start3A_165 = arith.constant 0 : i32
        %dma_start3A_166 = arith.constant 0 : i32
        %dma_start3A_167 = tpu.memref_slice %arg11[%dma_start3A_165, %dma_start3A_166] : memref<10000x128xf32, #tpu.memory_space<vmem_shared>> -> memref<10000x128xf32, #tpu.memory_space<vmem_shared>>
        tpu.enqueue_indirect_dma source(%arg10 : memref<80x128xf32, #tpu.memory_space<vmem>>) target(%dma_start3A_167 : memref<10000x128xf32, #tpu.memory_space<vmem_shared>>) offsets(%dma_start3A_164 : memref<80xi32, #tpu.memory_space<vmem>>) semaphore(%run_scoped3A_161 : memref<!tpu.dma_semaphore, #tpu.memory_space<semaphore_mem>>) {add = true}
        %dma_wait3A_168 = arith.constant 0 : i32
        %dma_wait3A_169 = tpu.memref_slice %arg8[%add3A_160, %dma_wait3A_168] : memref<25x80xi32, #tpu.memory_space<vmem>> -> memref<1x80xi32, #tpu.memory_space<vmem>>
        %dma_wait3A_170 = tpu.memref_squeeze %dma_wait3A_169 : memref<1x80xi32, #tpu.memory_space<vmem>> -> memref<80xi32, #tpu.memory_space<vmem>>
        %dma_wait3A_171 = arith.constant 0 : i32
        %dma_wait3A_172 = arith.constant 0 : i32
        %dma_wait3A_173 = tpu.memref_slice %arg11[%dma_wait3A_171, %dma_wait3A_172] : memref<10000x128xf32, #tpu.memory_space<vmem_shared>> -> memref<10000x128xf32, #tpu.memory_space<vmem_shared>>
        tpu.wait_indirect_dma semaphore(%run_scoped3A_161 : memref<!tpu.dma_semaphore, #tpu.memory_space<semaphore_mem>>) src(%arg10 : memref<80x128xf32, #tpu.memory_space<vmem>>) dst(%dma_wait3A_173 : memref<10000x128xf32, #tpu.memory_space<vmem_shared>>)
        tpu.yield
      }) : () -> ()
    }
    %scan3A_107 = arith.constant 12 : i32
    %dma_wait3A_108 = arith.constant 24 : i32
    %dma_wait3A_109 = arith.constant 0 : i32
    %dma_wait3A_110 = tpu.memref_slice %arg7[%dma_wait3A_108, %dma_wait3A_109] : memref<25x80xi32, #tpu.memory_space<vmem>> -> memref<1x80xi32, #tpu.memory_space<vmem>>
    %dma_wait3A_111 = tpu.memref_squeeze %dma_wait3A_110 : memref<1x80xi32, #tpu.memory_space<vmem>> -> memref<80xi32, #tpu.memory_space<vmem>>
    %dma_wait3A_112 = arith.constant 0 : i32
    %dma_wait3A_113 = arith.constant 0 : i32
    %dma_wait3A_114 = tpu.memref_slice %arg2[%dma_wait3A_112, %dma_wait3A_113] : memref<10000x128xf32, #tpu.memory_space<hbm>> -> memref<10000x128xf32, #tpu.memory_space<hbm>>
    tpu.wait_indirect_dma semaphore(%arg12 : memref<!tpu.dma_semaphore, #tpu.memory_space<semaphore_mem>>) src(%dma_wait3A_114 : memref<10000x128xf32, #tpu.memory_space<hbm>>) dst(%arg9 : memref<80x128xf32, #tpu.memory_space<vmem>>)
    %run_scoped3A_115 = arith.constant 24 : i32
    "tpu.region"() ({
      %run_scoped3A_126 = tpu.sem_alloc : memref<!tpu.dma_semaphore, #tpu.memory_space<semaphore_mem>>
      %dma_start3A_127 = arith.constant 0 : i32
      %dma_start3A_128 = tpu.memref_slice %arg8[%run_scoped3A_115, %dma_start3A_127] : memref<25x80xi32, #tpu.memory_space<vmem>> -> memref<1x80xi32, #tpu.memory_space<vmem>>
      %dma_start3A_129 = tpu.memref_squeeze %dma_start3A_128 : memref<1x80xi32, #tpu.memory_space<vmem>> -> memref<80xi32, #tpu.memory_space<vmem>>
      %dma_start3A_130 = arith.constant 0 : i32
      %dma_start3A_131 = arith.constant 0 : i32
      %dma_start3A_132 = tpu.memref_slice %arg11[%dma_start3A_130, %dma_start3A_131] : memref<10000x128xf32, #tpu.memory_space<vmem_shared>> -> memref<10000x128xf32, #tpu.memory_space<vmem_shared>>
      tpu.enqueue_indirect_dma source(%arg9 : memref<80x128xf32, #tpu.memory_space<vmem>>) target(%dma_start3A_132 : memref<10000x128xf32, #tpu.memory_space<vmem_shared>>) offsets(%dma_start3A_129 : memref<80xi32, #tpu.memory_space<vmem>>) semaphore(%run_scoped3A_126 : memref<!tpu.dma_semaphore, #tpu.memory_space<semaphore_mem>>) {add = true}
      %dma_wait3A_133 = arith.constant 0 : i32
      %dma_wait3A_134 = tpu.memref_slice %arg8[%run_scoped3A_115, %dma_wait3A_133] : memref<25x80xi32, #tpu.memory_space<vmem>> -> memref<1x80xi32, #tpu.memory_space<vmem>>
      %dma_wait3A_135 = tpu.memref_squeeze %dma_wait3A_134 : memref<1x80xi32, #tpu.memory_space<vmem>> -> memref<80xi32, #tpu.memory_space<vmem>>
      %dma_wait3A_136 = arith.constant 0 : i32
      %dma_wait3A_137 = arith.constant 0 : i32
      %dma_wait3A_138 = tpu.memref_slice %arg11[%dma_wait3A_136, %dma_wait3A_137] : memref<10000x128xf32, #tpu.memory_space<vmem_shared>> -> memref<10000x128xf32, #tpu.memory_space<vmem_shared>>
      tpu.wait_indirect_dma semaphore(%run_scoped3A_126 : memref<!tpu.dma_semaphore, #tpu.memory_space<semaphore_mem>>) src(%arg9 : memref<80x128xf32, #tpu.memory_space<vmem>>) dst(%dma_wait3A_138 : memref<10000x128xf32, #tpu.memory_space<vmem_shared>>)
      tpu.yield
    }) : () -> ()
    %barrier3A_116 = arith.constant 0 : index
    tpu.barrier barrier_id(%barrier3A_116)
    %mul3A_117 = arith.constant 624 : i32
    %mul3A_118 = arith.muli %arg1, %mul3A_117 : i32
    %mul3A_119 = arith.constant 624 : i32
    %mul3A_120 = arith.muli %arg1, %mul3A_119 : i32
    "tpu.region"() ({
      %run_scoped3A_126 = tpu.sem_alloc : memref<!tpu.dma_semaphore, #tpu.memory_space<semaphore_mem>>
      %dma_start3A_127 = arith.constant 0 : i32
      %dma_start3A_128 = tpu.memref_slice %arg6[%arg0, %mul3A_120, %dma_start3A_127] : memref<2x10000x128xf32, #tpu.memory_space<hbm>> -> memref<1x624x128xf32, #tpu.memory_space<hbm>>
      %dma_start3A_129 = tpu.memref_squeeze %dma_start3A_128 : memref<1x624x128xf32, #tpu.memory_space<hbm>> -> memref<624x128xf32, #tpu.memory_space<hbm>>
      %dma_start3A_130 = arith.constant 0 : i32
      %dma_start3A_131 = tpu.memref_slice %arg11[%mul3A_118, %dma_start3A_130] : memref<10000x128xf32, #tpu.memory_space<vmem_shared>> -> memref<624x128xf32, #tpu.memory_space<vmem_shared>>
      tpu.enqueue_dma source(%dma_start3A_131 : memref<624x128xf32, #tpu.memory_space<vmem_shared>>) target(%dma_start3A_129 : memref<624x128xf32, #tpu.memory_space<hbm>>) target_semaphore(%run_scoped3A_126 : memref<!tpu.dma_semaphore, #tpu.memory_space<semaphore_mem>>)
      %dma_wait3A_132 = arith.constant 0 : i32
      %dma_wait3A_133 = tpu.memref_slice %arg6[%arg0, %mul3A_120, %dma_wait3A_132] : memref<2x10000x128xf32, #tpu.memory_space<hbm>> -> memref<1x624x128xf32, #tpu.memory_space<hbm>>
      %dma_wait3A_134 = tpu.memref_squeeze %dma_wait3A_133 : memref<1x624x128xf32, #tpu.memory_space<hbm>> -> memref<624x128xf32, #tpu.memory_space<hbm>>
      %dma_wait3A_135 = arith.constant 0 : i32
      %dma_wait3A_136 = tpu.memref_slice %arg11[%mul3A_118, %dma_wait3A_135] : memref<10000x128xf32, #tpu.memory_space<vmem_shared>> -> memref<624x128xf32, #tpu.memory_space<vmem_shared>>
      tpu.wait_dma2 semaphore(%run_scoped3A_126 : memref<!tpu.dma_semaphore, #tpu.memory_space<semaphore_mem>>) src(%dma_wait3A_136 : memref<624x128xf32, #tpu.memory_space<vmem_shared>>) dst(%dma_wait3A_134 : memref<624x128xf32, #tpu.memory_space<hbm>>)
      tpu.yield
    }) : () -> ()
    %eq3A_121 = arith.constant 0 : i32
    %eq3A_122 = arith.cmpi eq, %arg1, %eq3A_121 : i32
    %convert_element_type3A_123 = arith.extui %eq3A_122 : i1 to i32
    %cond3A_124 = arith.constant 0 : i32
    %cond3A_125 = arith.cmpi ne, %convert_element_type3A_123, %cond3A_124 : i32
    scf.if %cond3A_125 {
      "tpu.region"() ({
        %run_scoped3A_126 = tpu.sem_alloc : memref<!tpu.dma_semaphore, #tpu.memory_space<semaphore_mem>>
        %dma_start3A_127 = arith.constant 9984 : i32
        %dma_start3A_128 = arith.constant 0 : i32
        %dma_start3A_129 = tpu.memref_slice %arg6[%arg0, %dma_start3A_127, %dma_start3A_128] : memref<2x10000x128xf32, #tpu.memory_space<hbm>> -> memref<1x16x128xf32, #tpu.memory_space<hbm>>
        %dma_start3A_130 = tpu.memref_squeeze %dma_start3A_129 : memref<1x16x128xf32, #tpu.memory_space<hbm>> -> memref<16x128xf32, #tpu.memory_space<hbm>>
        %dma_start3A_131 = arith.constant 9984 : i32
        %dma_start3A_132 = arith.constant 0 : i32
        %dma_start3A_133 = tpu.memref_slice %arg11[%dma_start3A_131, %dma_start3A_132] : memref<10000x128xf32, #tpu.memory_space<vmem_shared>> -> memref<16x128xf32, #tpu.memory_space<vmem_shared>>
        tpu.enqueue_dma source(%dma_start3A_133 : memref<16x128xf32, #tpu.memory_space<vmem_shared>>) target(%dma_start3A_130 : memref<16x128xf32, #tpu.memory_space<hbm>>) target_semaphore(%run_scoped3A_126 : memref<!tpu.dma_semaphore, #tpu.memory_space<semaphore_mem>>)
        %dma_wait3A_134 = arith.constant 9984 : i32
        %dma_wait3A_135 = arith.constant 0 : i32
        %dma_wait3A_136 = tpu.memref_slice %arg6[%arg0, %dma_wait3A_134, %dma_wait3A_135] : memref<2x10000x128xf32, #tpu.memory_space<hbm>> -> memref<1x16x128xf32, #tpu.memory_space<hbm>>
        %dma_wait3A_137 = tpu.memref_squeeze %dma_wait3A_136 : memref<1x16x128xf32, #tpu.memory_space<hbm>> -> memref<16x128xf32, #tpu.memory_space<hbm>>
        %dma_wait3A_138 = arith.constant 9984 : i32
        %dma_wait3A_139 = arith.constant 0 : i32
        %dma_wait3A_140 = tpu.memref_slice %arg11[%dma_wait3A_138, %dma_wait3A_139] : memref<10000x128xf32, #tpu.memory_space<vmem_shared>> -> memref<16x128xf32, #tpu.memory_space<vmem_shared>>
        tpu.wait_dma2 semaphore(%run_scoped3A_126 : memref<!tpu.dma_semaphore, #tpu.memory_space<semaphore_mem>>) src(%dma_wait3A_140 : memref<16x128xf32, #tpu.memory_space<vmem_shared>>) dst(%dma_wait3A_137 : memref<16x128xf32, #tpu.memory_space<hbm>>)
        tpu.yield
      }) : () -> ()
    } else {
    }
    return
  }
}

module attributes {stable_mosaic.version = 14 : i64} {
  func.func @body(%arg0: i32, %arg1: memref<1000x128xf32, #tpu.memory_space<vmem>>, %arg2: memref<2x1000x128xf32, #tpu.memory_space<vmem>>, %arg3: memref<1000x1xf32, #tpu.memory_space<vmem>>, %arg4: memref<1000x128xf32, #tpu.memory_space<vmem>>) attributes {dimension_semantics = [#tpu.dimension_semantics<arbitrary>], iteration_bounds = array<i64: 10>, scalar_prefetch = 0 : i64, scratch_operands = 0 : i64, tpu.core_type = #tpu.core_type<tc>, window_params = [{transform_indices = @transform_0, window_bounds = array<i64: 1000, 128>}, {transform_indices = @transform_1, window_bounds = array<i64: 2, 1000, 128>}, {transform_indices = @transform_2, window_bounds = array<i64: 1000, 1>}, {transform_indices = @transform_3, window_bounds = array<i64: 1000, 128>}]} {
    %get3A = arith.constant 0 : index
    %get3A_0 = arith.constant 0 : index
    %get3A_1 = arith.constant 0 : index
    %get3A_2 = vector.load %arg2[%get3A, %get3A_0, %get3A_1] : memref<2x1000x128xf32, #tpu.memory_space<vmem>>, vector<1x1000x1xf32>
    %get3A_3 = vector.shape_cast %get3A_2 : vector<1x1000x1xf32> to vector<1000x1xf32>
    %get3A_4 = arith.constant 1 : index
    %get3A_5 = arith.constant 0 : index
    %get3A_6 = arith.constant 0 : index
    %get3A_7 = vector.load %arg2[%get3A_4, %get3A_5, %get3A_6] : memref<2x1000x128xf32, #tpu.memory_space<vmem>>, vector<1x1000x1xf32>
    %get3A_8 = vector.shape_cast %get3A_7 : vector<1x1000x1xf32> to vector<1000x1xf32>
    %add3A = arith.addf %get3A_3, %get3A_8 : vector<1000x1xf32>
    %add3A_9 = arith.constant 1.000000e+00 : f32
    %add3A_10 = vector.broadcast %add3A_9 : f32 to vector<1000x1xf32>
    %add3A_11 = arith.addf %add3A, %add3A_10 : vector<1000x1xf32>
    %max3A = arith.constant 1.000000e+00 : f32
    %max3A_12 = vector.broadcast %max3A : f32 to vector<1000x1xf32>
    %max3A_13 = arith.maximumf %add3A_11, %max3A_12 : vector<1000x1xf32>
    %rsqrt3A = math.rsqrt %max3A_13 : vector<1000x1xf32>
    %swap3A = arith.constant 0 : index
    %swap3A_14 = arith.constant 0 : index
    %swap3A_15 = vector.load %arg3[%swap3A, %swap3A_14] : memref<1000x1xf32, #tpu.memory_space<vmem>>, vector<1000x1xf32>
    tpu.vector_store %arg3[%swap3A, %swap3A_14], %rsqrt3A {strides = array<i32>} : memref<1000x1xf32, #tpu.memory_space<vmem>>, vector<1000x1xf32>,
    %get3A_16 = arith.constant 0 : index
    %get3A_17 = arith.constant 0 : index
    %get3A_18 = vector.load %arg1[%get3A_16, %get3A_17] : memref<1000x128xf32, #tpu.memory_space<vmem>>, vector<1000x128xf32>
    %mul3A = vector.broadcast %rsqrt3A : vector<1000x1xf32> to vector<1000x128xf32>
    %mul3A_19 = arith.mulf %get3A_18, %mul3A : vector<1000x128xf32>
    %swap3A_20 = arith.constant 0 : index
    %swap3A_21 = arith.constant 0 : index
    %swap3A_22 = vector.load %arg4[%swap3A_20, %swap3A_21] : memref<1000x128xf32, #tpu.memory_space<vmem>>, vector<1000x128xf32>
    tpu.vector_store %arg4[%swap3A_20, %swap3A_21], %mul3A_19 {strides = array<i32>} : memref<1000x128xf32, #tpu.memory_space<vmem>>, vector<1000x128xf32>,
    return
  }
  func.func @transform_0(%arg0: i32) -> (i32, i32) {
    %c0_i32 = arith.constant 0 : i32
    %c0_i32_0 = arith.constant 0 : i32
    return %arg0, %c0_i32 : i32, i32
  }
  func.func @transform_1(%arg0: i32) -> (i32, i32, i32) {
    %c0_i32 = arith.constant 0 : i32
    %c0_i32_0 = arith.constant 0 : i32
    %c0_i32_1 = arith.constant 0 : i32
    return %c0_i32, %arg0, %c0_i32_0 : i32, i32, i32
  }
  func.func @transform_2(%arg0: i32) -> (i32, i32) {
    %c0_i32 = arith.constant 0 : i32
    %c0_i32_0 = arith.constant 0 : i32
    return %arg0, %c0_i32 : i32, i32
  }
  func.func @transform_3(%arg0: i32) -> (i32, i32) {
    %c0_i32 = arith.constant 0 : i32
    %c0_i32_0 = arith.constant 0 : i32
    return %arg0, %c0_i32 : i32, i32
  }
}

module attributes {stable_mosaic.version = 14 : i64} {
  func.func @body(%arg0: i32, %arg1: memref<2x1000x128xf32, #tpu.memory_space<vmem>>, %arg2: memref<1000x128xf32, #tpu.memory_space<vmem>>, %arg3: memref<1000x1xf32, #tpu.memory_space<vmem>>, %arg4: memref<128x256xf32, #tpu.memory_space<vmem>>, %arg5: memref<1000x256xf32, #tpu.memory_space<vmem>>, %arg6: memref<2x256xf32, #tpu.memory_space<vmem>>) attributes {dimension_semantics = [#tpu.dimension_semantics<arbitrary>], iteration_bounds = array<i64: 10>, scalar_prefetch = 0 : i64, scratch_operands = 0 : i64, tpu.core_type = #tpu.core_type<tc>, window_params = [{transform_indices = @transform_0, window_bounds = array<i64: 2, 1000, 128>}, {transform_indices = @transform_1, window_bounds = array<i64: 1000, 128>}, {transform_indices = @transform_2, window_bounds = array<i64: 1000, 1>}, {pipeline_mode = #tpu.pipeline_mode<synchronous>, transform_indices = @transform_3, window_bounds = array<i64: 128, 256>}, {transform_indices = @transform_4, window_bounds = array<i64: 1000, 256>}, {pipeline_mode = #tpu.pipeline_mode<synchronous>, transform_indices = @transform_5, window_bounds = array<i64: 2, 256>}]} {
    %get3A = arith.constant 0 : index
    %get3A_0 = arith.constant 0 : index
    %get3A_1 = arith.constant 0 : index
    %get3A_2 = vector.load %arg1[%get3A, %get3A_0, %get3A_1] : memref<2x1000x128xf32, #tpu.memory_space<vmem>>, vector<2x1000x128xf32>
    %get3A_3 = arith.constant 0 : index
    %get3A_4 = arith.constant 0 : index
    %get3A_5 = vector.load %arg3[%get3A_3, %get3A_4] : memref<1000x1xf32, #tpu.memory_space<vmem>>, vector<1000x1xf32>
    %slice3A = vector.extract_strided_slice %get3A_2 {offsets = [0, 0, 0], sizes = [1, 1000, 128], strides = [1, 1, 1]} : vector<2x1000x128xf32> to vector<1x1000x128xf32>
    %squeeze3A = vector.shape_cast %slice3A : vector<1x1000x128xf32> to vector<1000x128xf32>
    %slice3A_6 = vector.extract_strided_slice %get3A_2 {offsets = [1, 0, 0], sizes = [1, 1000, 128], strides = [1, 1, 1]} : vector<2x1000x128xf32> to vector<1x1000x128xf32>
    %squeeze3A_7 = vector.shape_cast %slice3A_6 : vector<1x1000x128xf32> to vector<1000x128xf32>
    %add3A = arith.addf %squeeze3A, %squeeze3A_7 : vector<1000x128xf32>
    %get3A_8 = arith.constant 0 : index
    %get3A_9 = arith.constant 0 : index
    %get3A_10 = vector.load %arg2[%get3A_8, %get3A_9] : memref<1000x128xf32, #tpu.memory_space<vmem>>, vector<1000x128xf32>
    %add3A_11 = arith.addf %add3A, %get3A_10 : vector<1000x128xf32>
    %mul3A = vector.broadcast %get3A_5 : vector<1000x1xf32> to vector<1000x128xf32>
    %mul3A_12 = arith.mulf %mul3A, %add3A_11 : vector<1000x128xf32>
    %get3A_13 = arith.constant 0 : index
    %get3A_14 = arith.constant 0 : index
    %get3A_15 = vector.load %arg4[%get3A_13, %get3A_14] : memref<128x256xf32, #tpu.memory_space<vmem>>, vector<128x256xf32>
    %dot_general3A = arith.constant dense<0.000000e+00> : vector<1000x256xf32>
    %dot_general3A_16 = tpu.matmul %mul3A_12, %get3A_15, %dot_general3A {dimension_numbers = #tpu.dot_dimension_numbers<[1], [0], [0], [1], [0, 0, 1, 1], [], []>, precision = #tpu.contract_precision<fp32>, transpose_lhs_hint = false} : vector<1000x128xf32>, vector<128x256xf32>, vector<1000x256xf32> -> vector<1000x256xf32>
    %swap3A = arith.constant 0 : index
    %swap3A_17 = arith.constant 0 : index
    %swap3A_18 = vector.load %arg5[%swap3A, %swap3A_17] : memref<1000x256xf32, #tpu.memory_space<vmem>>, vector<1000x256xf32>
    tpu.vector_store %arg5[%swap3A, %swap3A_17], %dot_general3A_16 {strides = array<i32>} : memref<1000x256xf32, #tpu.memory_space<vmem>>, vector<1000x256xf32>,
    %reduce_sum3A = arith.constant dense<0.000000e+00> : vector<256xf32>
    %reduce_sum3A_19 = vector.multi_reduction <add>, %dot_general3A_16, %reduce_sum3A [0] : vector<1000x256xf32> to vector<256xf32>
    %broadcast_in_dim3A = vector.shape_cast %reduce_sum3A_19 : vector<256xf32> to vector<1x256xf32>
    %mul3A_20 = arith.mulf %dot_general3A_16, %dot_general3A_16 : vector<1000x256xf32>
    %reduce_sum3A_21 = arith.constant dense<0.000000e+00> : vector<256xf32>
    %reduce_sum3A_22 = vector.multi_reduction <add>, %mul3A_20, %reduce_sum3A_21 [0] : vector<1000x256xf32> to vector<256xf32>
    %broadcast_in_dim3A_23 = vector.shape_cast %reduce_sum3A_22 : vector<256xf32> to vector<1x256xf32>
    %concatenate3A = tpu.concatenate %broadcast_in_dim3A, %broadcast_in_dim3A_23 in 0 : vector<1x256xf32>, vector<1x256xf32> -> vector<2x256xf32>
    %eq3A = arith.constant 0 : i32
    %eq3A_24 = arith.cmpi eq, %arg0, %eq3A : i32
    %convert_element_type3A = arith.extui %eq3A_24 : i1 to i32
    %cond3A = arith.constant 0 : i32
    %cond3A_25 = arith.cmpi ne, %convert_element_type3A, %cond3A : i32
    scf.if %cond3A_25 {
      %swap3A_30 = arith.constant 0 : index
      %swap3A_31 = arith.constant 0 : index
      %swap3A_32 = vector.load %arg6[%swap3A_30, %swap3A_31] : memref<2x256xf32, #tpu.memory_space<vmem>>, vector<2x256xf32>
      tpu.vector_store %arg6[%swap3A_30, %swap3A_31], %concatenate3A {strides = array<i32>} : memref<2x256xf32, #tpu.memory_space<vmem>>, vector<2x256xf32>,
    } else {
    }
    %ne3A = arith.constant 0 : i32
    %ne3A_26 = arith.cmpi ne, %arg0, %ne3A : i32
    %convert_element_type3A_27 = arith.extui %ne3A_26 : i1 to i32
    %cond3A_28 = arith.constant 0 : i32
    %cond3A_29 = arith.cmpi ne, %convert_element_type3A_27, %cond3A_28 : i32
    scf.if %cond3A_29 {
      %get3A_30 = arith.constant 0 : index
      %get3A_31 = arith.constant 0 : index
      %get3A_32 = vector.load %arg6[%get3A_30, %get3A_31] : memref<2x256xf32, #tpu.memory_space<vmem>>, vector<2x256xf32>
      %add3A_33 = arith.addf %get3A_32, %concatenate3A : vector<2x256xf32>
      %swap3A_34 = arith.constant 0 : index
      %swap3A_35 = arith.constant 0 : index
      %swap3A_36 = vector.load %arg6[%swap3A_34, %swap3A_35] : memref<2x256xf32, #tpu.memory_space<vmem>>, vector<2x256xf32>
      tpu.vector_store %arg6[%swap3A_34, %swap3A_35], %add3A_33 {strides = array<i32>} : memref<2x256xf32, #tpu.memory_space<vmem>>, vector<2x256xf32>,
    } else {
    }
    return
  }
  func.func @transform_0(%arg0: i32) -> (i32, i32, i32) {
    %c0_i32 = arith.constant 0 : i32
    %c0_i32_0 = arith.constant 0 : i32
    %c0_i32_1 = arith.constant 0 : i32
    return %c0_i32, %arg0, %c0_i32_0 : i32, i32, i32
  }
  func.func @transform_1(%arg0: i32) -> (i32, i32) {
    %c0_i32 = arith.constant 0 : i32
    %c0_i32_0 = arith.constant 0 : i32
    return %arg0, %c0_i32 : i32, i32
  }
  func.func @transform_2(%arg0: i32) -> (i32, i32) {
    %c0_i32 = arith.constant 0 : i32
    %c0_i32_0 = arith.constant 0 : i32
    return %arg0, %c0_i32 : i32, i32
  }
  func.func @transform_3(%arg0: i32) -> (i32, i32) {
    %c0_i32 = arith.constant 0 : i32
    %c0_i32_0 = arith.constant 0 : i32
    %c0_i32_1 = arith.constant 0 : i32
    return %c0_i32, %c0_i32_0 : i32, i32
  }
  func.func @transform_4(%arg0: i32) -> (i32, i32) {
    %c0_i32 = arith.constant 0 : i32
    %c0_i32_0 = arith.constant 0 : i32
    return %arg0, %c0_i32 : i32, i32
  }
  func.func @transform_5(%arg0: i32) -> (i32, i32) {
    %c0_i32 = arith.constant 0 : i32
    %c0_i32_0 = arith.constant 0 : i32
    %c0_i32_1 = arith.constant 0 : i32
    return %c0_i32, %c0_i32_0 : i32, i32
  }
}

module attributes {stable_mosaic.version = 14 : i64} {
  func.func @body(%arg0: i32, %arg1: memref<1000x256xf32, #tpu.memory_space<vmem>>, %arg2: memref<2x256xf32, #tpu.memory_space<vmem>>, %arg3: memref<1x256xf32, #tpu.memory_space<vmem>>, %arg4: memref<1x256xf32, #tpu.memory_space<vmem>>, %arg5: memref<1x256xf32, #tpu.memory_space<vmem>>, %arg6: memref<256x128xf32, #tpu.memory_space<vmem>>, %arg7: memref<1x128xf32, #tpu.memory_space<vmem>>, %arg8: memref<1000x1xf32, #tpu.memory_space<vmem>>, %arg9: memref<1000x128xf32, #tpu.memory_space<vmem>>) attributes {dimension_semantics = [#tpu.dimension_semantics<arbitrary>], iteration_bounds = array<i64: 10>, scalar_prefetch = 0 : i64, scratch_operands = 0 : i64, tpu.core_type = #tpu.core_type<tc>, window_params = [{transform_indices = @transform_0, window_bounds = array<i64: 1000, 256>}, {pipeline_mode = #tpu.pipeline_mode<synchronous>, transform_indices = @transform_1, window_bounds = array<i64: 2, 256>}, {pipeline_mode = #tpu.pipeline_mode<synchronous>, transform_indices = @transform_2, window_bounds = array<i64: 1, 256>}, {pipeline_mode = #tpu.pipeline_mode<synchronous>, transform_indices = @transform_3, window_bounds = array<i64: 1, 256>}, {pipeline_mode = #tpu.pipeline_mode<synchronous>, transform_indices = @transform_4, window_bounds = array<i64: 1, 256>}, {pipeline_mode = #tpu.pipeline_mode<synchronous>, transform_indices = @transform_5, window_bounds = array<i64: 256, 128>}, {pipeline_mode = #tpu.pipeline_mode<synchronous>, transform_indices = @transform_6, window_bounds = array<i64: 1, 128>}, {transform_indices = @transform_7, window_bounds = array<i64: 1000, 1>}, {transform_indices = @transform_8, window_bounds = array<i64: 1000, 128>}]} {
    %get3A = arith.constant 0 : index
    %get3A_0 = arith.constant 0 : index
    %get3A_1 = vector.load %arg1[%get3A, %get3A_0] : memref<1000x256xf32, #tpu.memory_space<vmem>>, vector<1000x256xf32>
    %get3A_2 = arith.constant 0 : index
    %get3A_3 = arith.constant 0 : index
    %get3A_4 = vector.load %arg2[%get3A_2, %get3A_3] : memref<2x256xf32, #tpu.memory_space<vmem>>, vector<2x256xf32>
    %slice3A = vector.extract_strided_slice %get3A_4 {offsets = [0, 0], sizes = [1, 256], strides = [1, 1]} : vector<2x256xf32> to vector<1x256xf32>
    %mul3A = arith.constant 9.99999974E-5 : f32
    %mul3A_5 = vector.broadcast %mul3A : f32 to vector<1x256xf32>
    %mul3A_6 = arith.mulf %slice3A, %mul3A_5 : vector<1x256xf32>
    %slice3A_7 = vector.extract_strided_slice %get3A_4 {offsets = [1, 0], sizes = [1, 256], strides = [1, 1]} : vector<2x256xf32> to vector<1x256xf32>
    %mul3A_8 = arith.constant 9.99999974E-5 : f32
    %mul3A_9 = vector.broadcast %mul3A_8 : f32 to vector<1x256xf32>
    %mul3A_10 = arith.mulf %slice3A_7, %mul3A_9 : vector<1x256xf32>
    %get3A_11 = arith.constant 0 : index
    %get3A_12 = arith.constant 0 : index
    %get3A_13 = vector.load %arg3[%get3A_11, %get3A_12] : memref<1x256xf32, #tpu.memory_space<vmem>>, vector<1x256xf32>
    %mul3A_14 = arith.mulf %mul3A_6, %mul3A_6 : vector<1x256xf32>
    %mul3A_15 = arith.mulf %mul3A_14, %get3A_13 : vector<1x256xf32>
    %sub3A = arith.constant 2.000000e+00 : f32
    %sub3A_16 = vector.broadcast %sub3A : f32 to vector<1x256xf32>
    %sub3A_17 = arith.subf %sub3A_16, %get3A_13 : vector<1x256xf32>
    %mul3A_18 = arith.mulf %mul3A_15, %sub3A_17 : vector<1x256xf32>
    %sub3A_19 = arith.subf %mul3A_10, %mul3A_18 : vector<1x256xf32>
    %mul3A_20 = arith.mulf %get3A_13, %mul3A_6 : vector<1x256xf32>
    %sub3A_21 = vector.broadcast %mul3A_20 : vector<1x256xf32> to vector<1000x256xf32>
    %sub3A_22 = arith.subf %get3A_1, %sub3A_21 : vector<1000x256xf32>
    %get3A_23 = arith.constant 0 : index
    %get3A_24 = arith.constant 0 : index
    %get3A_25 = vector.load %arg4[%get3A_23, %get3A_24] : memref<1x256xf32, #tpu.memory_space<vmem>>, vector<1x256xf32>
    %mul3A_26 = vector.broadcast %get3A_25 : vector<1x256xf32> to vector<1000x256xf32>
    %mul3A_27 = arith.mulf %mul3A_26, %sub3A_22 : vector<1000x256xf32>
    %add3A = arith.constant 9.99999974E-6 : f32
    %add3A_28 = vector.broadcast %add3A : f32 to vector<1x256xf32>
    %add3A_29 = arith.addf %sub3A_19, %add3A_28 : vector<1x256xf32>
    %rsqrt3A = math.rsqrt %add3A_29 : vector<1x256xf32>
    %mul3A_30 = vector.broadcast %rsqrt3A : vector<1x256xf32> to vector<1000x256xf32>
    %mul3A_31 = arith.mulf %mul3A_27, %mul3A_30 : vector<1000x256xf32>
    %get3A_32 = arith.constant 0 : index
    %get3A_33 = arith.constant 0 : index
    %get3A_34 = vector.load %arg5[%get3A_32, %get3A_33] : memref<1x256xf32, #tpu.memory_space<vmem>>, vector<1x256xf32>
    %add3A_35 = vector.broadcast %get3A_34 : vector<1x256xf32> to vector<1000x256xf32>
    %add3A_36 = arith.addf %mul3A_31, %add3A_35 : vector<1000x256xf32>
    %integer_pow3A = arith.mulf %add3A_36, %add3A_36 : vector<1000x256xf32>
    %integer_pow3A_37 = arith.mulf %add3A_36, %integer_pow3A : vector<1000x256xf32>
    %mul3A_38 = arith.constant 4.471500e-02 : f32
    %mul3A_39 = vector.broadcast %mul3A_38 : f32 to vector<1000x256xf32>
    %mul3A_40 = arith.mulf %mul3A_39, %integer_pow3A_37 : vector<1000x256xf32>
    %add3A_41 = arith.addf %add3A_36, %mul3A_40 : vector<1000x256xf32>
    %mul3A_42 = arith.constant 0.797884583 : f32
    %mul3A_43 = vector.broadcast %mul3A_42 : f32 to vector<1000x256xf32>
    %mul3A_44 = arith.mulf %mul3A_43, %add3A_41 : vector<1000x256xf32>
    %tanh3A = math.tanh %mul3A_44 : vector<1000x256xf32>
    %add3A_45 = arith.constant 1.000000e+00 : f32
    %add3A_46 = vector.broadcast %add3A_45 : f32 to vector<1000x256xf32>
    %add3A_47 = arith.addf %add3A_46, %tanh3A : vector<1000x256xf32>
    %mul3A_48 = arith.constant 5.000000e-01 : f32
    %mul3A_49 = vector.broadcast %mul3A_48 : f32 to vector<1000x256xf32>
    %mul3A_50 = arith.mulf %mul3A_49, %add3A_47 : vector<1000x256xf32>
    %mul3A_51 = arith.mulf %add3A_36, %mul3A_50 : vector<1000x256xf32>
    %get3A_52 = arith.constant 0 : index
    %get3A_53 = arith.constant 0 : index
    %get3A_54 = vector.load %arg6[%get3A_52, %get3A_53] : memref<256x128xf32, #tpu.memory_space<vmem>>, vector<256x128xf32>
    %dot_general3A = arith.constant dense<0.000000e+00> : vector<1000x128xf32>
    %dot_general3A_55 = tpu.matmul %mul3A_51, %get3A_54, %dot_general3A {dimension_numbers = #tpu.dot_dimension_numbers<[1], [0], [0], [1], [0, 0, 1, 1], [], []>, precision = #tpu.contract_precision<fp32>, transpose_lhs_hint = false} : vector<1000x256xf32>, vector<256x128xf32>, vector<1000x128xf32> -> vector<1000x128xf32>
    %get3A_56 = arith.constant 0 : index
    %get3A_57 = arith.constant 0 : index
    %get3A_58 = vector.load %arg7[%get3A_56, %get3A_57] : memref<1x128xf32, #tpu.memory_space<vmem>>, vector<1x128xf32>
    %add3A_59 = vector.broadcast %get3A_58 : vector<1x128xf32> to vector<1000x128xf32>
    %add3A_60 = arith.addf %dot_general3A_55, %add3A_59 : vector<1000x128xf32>
    %get3A_61 = arith.constant 0 : index
    %get3A_62 = arith.constant 0 : index
    %get3A_63 = vector.load %arg8[%get3A_61, %get3A_62] : memref<1000x1xf32, #tpu.memory_space<vmem>>, vector<1000x1xf32>
    %mul3A_64 = vector.broadcast %get3A_63 : vector<1000x1xf32> to vector<1000x128xf32>
    %mul3A_65 = arith.mulf %add3A_60, %mul3A_64 : vector<1000x128xf32>
    %swap3A = arith.constant 0 : index
    %swap3A_66 = arith.constant 0 : index
    %swap3A_67 = vector.load %arg9[%swap3A, %swap3A_66] : memref<1000x128xf32, #tpu.memory_space<vmem>>, vector<1000x128xf32>
    tpu.vector_store %arg9[%swap3A, %swap3A_66], %mul3A_65 {strides = array<i32>} : memref<1000x128xf32, #tpu.memory_space<vmem>>, vector<1000x128xf32>,
    return
  }
  func.func @transform_0(%arg0: i32) -> (i32, i32) {
    %c0_i32 = arith.constant 0 : i32
    %c0_i32_0 = arith.constant 0 : i32
    return %arg0, %c0_i32 : i32, i32
  }
  func.func @transform_1(%arg0: i32) -> (i32, i32) {
    %c0_i32 = arith.constant 0 : i32
    %c0_i32_0 = arith.constant 0 : i32
    %c0_i32_1 = arith.constant 0 : i32
    return %c0_i32, %c0_i32_0 : i32, i32
  }
  func.func @transform_2(%arg0: i32) -> (i32, i32) {
    %c0_i32 = arith.constant 0 : i32
    %c0_i32_0 = arith.constant 0 : i32
    %c0_i32_1 = arith.constant 0 : i32
    return %c0_i32, %c0_i32_0 : i32, i32
  }
  func.func @transform_3(%arg0: i32) -> (i32, i32) {
    %c0_i32 = arith.constant 0 : i32
    %c0_i32_0 = arith.constant 0 : i32
    %c0_i32_1 = arith.constant 0 : i32
    return %c0_i32, %c0_i32_0 : i32, i32
  }
  func.func @transform_4(%arg0: i32) -> (i32, i32) {
    %c0_i32 = arith.constant 0 : i32
    %c0_i32_0 = arith.constant 0 : i32
    %c0_i32_1 = arith.constant 0 : i32
    return %c0_i32, %c0_i32_0 : i32, i32
  }
  func.func @transform_5(%arg0: i32) -> (i32, i32) {
    %c0_i32 = arith.constant 0 : i32
    %c0_i32_0 = arith.constant 0 : i32
    %c0_i32_1 = arith.constant 0 : i32
    return %c0_i32, %c0_i32_0 : i32, i32
  }
  func.func @transform_6(%arg0: i32) -> (i32, i32) {
    %c0_i32 = arith.constant 0 : i32
    %c0_i32_0 = arith.constant 0 : i32
    %c0_i32_1 = arith.constant 0 : i32
    return %c0_i32, %c0_i32_0 : i32, i32
  }
  func.func @transform_7(%arg0: i32) -> (i32, i32) {
    %c0_i32 = arith.constant 0 : i32
    %c0_i32_0 = arith.constant 0 : i32
    return %arg0, %c0_i32 : i32, i32
  }
  func.func @transform_8(%arg0: i32) -> (i32, i32) {
    %c0_i32 = arith.constant 0 : i32
    %c0_i32_0 = arith.constant 0 : i32
    return %arg0, %c0_i32 : i32, i32
  }
}

module attributes {stable_mosaic.version = 14 : i64} {
  func.func @body(%arg0: i32, %arg1: memref<2x1000x128xf32, #tpu.memory_space<vmem>>, %arg2: memref<1000x128xf32, #tpu.memory_space<vmem>>, %arg3: memref<1000x1xf32, #tpu.memory_space<vmem>>, %arg4: memref<1000x128xf32, #tpu.memory_space<vmem>>, %arg5: memref<2x128xf32, #tpu.memory_space<vmem>>) attributes {dimension_semantics = [#tpu.dimension_semantics<arbitrary>], iteration_bounds = array<i64: 10>, scalar_prefetch = 0 : i64, scratch_operands = 0 : i64, tpu.core_type = #tpu.core_type<tc>, window_params = [{transform_indices = @transform_0, window_bounds = array<i64: 2, 1000, 128>}, {transform_indices = @transform_1, window_bounds = array<i64: 1000, 128>}, {transform_indices = @transform_2, window_bounds = array<i64: 1000, 1>}, {transform_indices = @transform_3, window_bounds = array<i64: 1000, 128>}, {pipeline_mode = #tpu.pipeline_mode<synchronous>, transform_indices = @transform_4, window_bounds = array<i64: 2, 128>}]} {
    %get3A = arith.constant 0 : index
    %get3A_0 = arith.constant 0 : index
    %get3A_1 = vector.load %arg3[%get3A, %get3A_0] : memref<1000x1xf32, #tpu.memory_space<vmem>>, vector<1000x1xf32>
    %get3A_2 = arith.constant 0 : index
    %get3A_3 = arith.constant 0 : index
    %get3A_4 = arith.constant 0 : index
    %get3A_5 = vector.load %arg1[%get3A_2, %get3A_3, %get3A_4] : memref<2x1000x128xf32, #tpu.memory_space<vmem>>, vector<2x1000x128xf32>
    %slice3A = vector.extract_strided_slice %get3A_5 {offsets = [0, 0, 0], sizes = [1, 1000, 128], strides = [1, 1, 1]} : vector<2x1000x128xf32> to vector<1x1000x128xf32>
    %squeeze3A = vector.shape_cast %slice3A : vector<1x1000x128xf32> to vector<1000x128xf32>
    %slice3A_6 = vector.extract_strided_slice %get3A_5 {offsets = [1, 0, 0], sizes = [1, 1000, 128], strides = [1, 1, 1]} : vector<2x1000x128xf32> to vector<1x1000x128xf32>
    %squeeze3A_7 = vector.shape_cast %slice3A_6 : vector<1x1000x128xf32> to vector<1000x128xf32>
    %add3A = arith.addf %squeeze3A, %squeeze3A_7 : vector<1000x128xf32>
    %get3A_8 = arith.constant 0 : index
    %get3A_9 = arith.constant 0 : index
    %get3A_10 = vector.load %arg2[%get3A_8, %get3A_9] : memref<1000x128xf32, #tpu.memory_space<vmem>>, vector<1000x128xf32>
    %add3A_11 = arith.addf %add3A, %get3A_10 : vector<1000x128xf32>
    %mul3A = vector.broadcast %get3A_1 : vector<1000x1xf32> to vector<1000x128xf32>
    %mul3A_12 = arith.mulf %mul3A, %add3A_11 : vector<1000x128xf32>
    %swap3A = arith.constant 0 : index
    %swap3A_13 = arith.constant 0 : index
    %swap3A_14 = vector.load %arg4[%swap3A, %swap3A_13] : memref<1000x128xf32, #tpu.memory_space<vmem>>, vector<1000x128xf32>
    tpu.vector_store %arg4[%swap3A, %swap3A_13], %mul3A_12 {strides = array<i32>} : memref<1000x128xf32, #tpu.memory_space<vmem>>, vector<1000x128xf32>,
    %reduce_sum3A = arith.constant dense<0.000000e+00> : vector<128xf32>
    %reduce_sum3A_15 = vector.multi_reduction <add>, %mul3A_12, %reduce_sum3A [0] : vector<1000x128xf32> to vector<128xf32>
    %broadcast_in_dim3A = vector.shape_cast %reduce_sum3A_15 : vector<128xf32> to vector<1x128xf32>
    %mul3A_16 = arith.mulf %mul3A_12, %mul3A_12 : vector<1000x128xf32>
    %reduce_sum3A_17 = arith.constant dense<0.000000e+00> : vector<128xf32>
    %reduce_sum3A_18 = vector.multi_reduction <add>, %mul3A_16, %reduce_sum3A_17 [0] : vector<1000x128xf32> to vector<128xf32>
    %broadcast_in_dim3A_19 = vector.shape_cast %reduce_sum3A_18 : vector<128xf32> to vector<1x128xf32>
    %concatenate3A = tpu.concatenate %broadcast_in_dim3A, %broadcast_in_dim3A_19 in 0 : vector<1x128xf32>, vector<1x128xf32> -> vector<2x128xf32>
    %eq3A = arith.constant 0 : i32
    %eq3A_20 = arith.cmpi eq, %arg0, %eq3A : i32
    %convert_element_type3A = arith.extui %eq3A_20 : i1 to i32
    %cond3A = arith.constant 0 : i32
    %cond3A_21 = arith.cmpi ne, %convert_element_type3A, %cond3A : i32
    scf.if %cond3A_21 {
      %swap3A_26 = arith.constant 0 : index
      %swap3A_27 = arith.constant 0 : index
      %swap3A_28 = vector.load %arg5[%swap3A_26, %swap3A_27] : memref<2x128xf32, #tpu.memory_space<vmem>>, vector<2x128xf32>
      tpu.vector_store %arg5[%swap3A_26, %swap3A_27], %concatenate3A {strides = array<i32>} : memref<2x128xf32, #tpu.memory_space<vmem>>, vector<2x128xf32>,
    } else {
    }
    %ne3A = arith.constant 0 : i32
    %ne3A_22 = arith.cmpi ne, %arg0, %ne3A : i32
    %convert_element_type3A_23 = arith.extui %ne3A_22 : i1 to i32
    %cond3A_24 = arith.constant 0 : i32
    %cond3A_25 = arith.cmpi ne, %convert_element_type3A_23, %cond3A_24 : i32
    scf.if %cond3A_25 {
      %get3A_26 = arith.constant 0 : index
      %get3A_27 = arith.constant 0 : index
      %get3A_28 = vector.load %arg5[%get3A_26, %get3A_27] : memref<2x128xf32, #tpu.memory_space<vmem>>, vector<2x128xf32>
      %add3A_29 = arith.addf %get3A_28, %concatenate3A : vector<2x128xf32>
      %swap3A_30 = arith.constant 0 : index
      %swap3A_31 = arith.constant 0 : index
      %swap3A_32 = vector.load %arg5[%swap3A_30, %swap3A_31] : memref<2x128xf32, #tpu.memory_space<vmem>>, vector<2x128xf32>
      tpu.vector_store %arg5[%swap3A_30, %swap3A_31], %add3A_29 {strides = array<i32>} : memref<2x128xf32, #tpu.memory_space<vmem>>, vector<2x128xf32>,
    } else {
    }
    return
  }
  func.func @transform_0(%arg0: i32) -> (i32, i32, i32) {
    %c0_i32 = arith.constant 0 : i32
    %c0_i32_0 = arith.constant 0 : i32
    %c0_i32_1 = arith.constant 0 : i32
    return %c0_i32, %arg0, %c0_i32_0 : i32, i32, i32
  }
  func.func @transform_1(%arg0: i32) -> (i32, i32) {
    %c0_i32 = arith.constant 0 : i32
    %c0_i32_0 = arith.constant 0 : i32
    return %arg0, %c0_i32 : i32, i32
  }
  func.func @transform_2(%arg0: i32) -> (i32, i32) {
    %c0_i32 = arith.constant 0 : i32
    %c0_i32_0 = arith.constant 0 : i32
    return %arg0, %c0_i32 : i32, i32
  }
  func.func @transform_3(%arg0: i32) -> (i32, i32) {
    %c0_i32 = arith.constant 0 : i32
    %c0_i32_0 = arith.constant 0 : i32
    return %arg0, %c0_i32 : i32, i32
  }
  func.func @transform_4(%arg0: i32) -> (i32, i32) {
    %c0_i32 = arith.constant 0 : i32
    %c0_i32_0 = arith.constant 0 : i32
    %c0_i32_1 = arith.constant 0 : i32
    return %c0_i32, %c0_i32_0 : i32, i32
  }
}

module attributes {stable_mosaic.version = 14 : i64} {
  func.func @body(%arg0: i32, %arg1: memref<1000x128xf32, #tpu.memory_space<vmem>>, %arg2: memref<2x128xf32, #tpu.memory_space<vmem>>, %arg3: memref<1x128xf32, #tpu.memory_space<vmem>>, %arg4: memref<1x128xf32, #tpu.memory_space<vmem>>, %arg5: memref<1x128xf32, #tpu.memory_space<vmem>>, %arg6: memref<128x64xf32, #tpu.memory_space<vmem>>, %arg7: memref<1x64xf32, #tpu.memory_space<vmem>>, %arg8: memref<1000x1xf32, #tpu.memory_space<vmem>>, %arg9: memref<1000x128xf32, #tpu.memory_space<vmem>>) attributes {dimension_semantics = [#tpu.dimension_semantics<arbitrary>], iteration_bounds = array<i64: 10>, scalar_prefetch = 0 : i64, scratch_operands = 0 : i64, tpu.core_type = #tpu.core_type<tc>, window_params = [{transform_indices = @transform_0, window_bounds = array<i64: 1000, 128>}, {pipeline_mode = #tpu.pipeline_mode<synchronous>, transform_indices = @transform_1, window_bounds = array<i64: 2, 128>}, {pipeline_mode = #tpu.pipeline_mode<synchronous>, transform_indices = @transform_2, window_bounds = array<i64: 1, 128>}, {pipeline_mode = #tpu.pipeline_mode<synchronous>, transform_indices = @transform_3, window_bounds = array<i64: 1, 128>}, {pipeline_mode = #tpu.pipeline_mode<synchronous>, transform_indices = @transform_4, window_bounds = array<i64: 1, 128>}, {pipeline_mode = #tpu.pipeline_mode<synchronous>, transform_indices = @transform_5, window_bounds = array<i64: 128, 64>}, {pipeline_mode = #tpu.pipeline_mode<synchronous>, transform_indices = @transform_6, window_bounds = array<i64: 1, 64>}, {transform_indices = @transform_7, window_bounds = array<i64: 1000, 1>}, {transform_indices = @transform_8, window_bounds = array<i64: 1000, 128>}]} {
    %get3A = arith.constant 0 : index
    %get3A_0 = arith.constant 0 : index
    %get3A_1 = vector.load %arg1[%get3A, %get3A_0] : memref<1000x128xf32, #tpu.memory_space<vmem>>, vector<1000x128xf32>
    %get3A_2 = arith.constant 0 : index
    %get3A_3 = arith.constant 0 : index
    %get3A_4 = vector.load %arg2[%get3A_2, %get3A_3] : memref<2x128xf32, #tpu.memory_space<vmem>>, vector<2x128xf32>
    %slice3A = vector.extract_strided_slice %get3A_4 {offsets = [0, 0], sizes = [1, 128], strides = [1, 1]} : vector<2x128xf32> to vector<1x128xf32>
    %mul3A = arith.constant 9.99999974E-5 : f32
    %mul3A_5 = vector.broadcast %mul3A : f32 to vector<1x128xf32>
    %mul3A_6 = arith.mulf %slice3A, %mul3A_5 : vector<1x128xf32>
    %slice3A_7 = vector.extract_strided_slice %get3A_4 {offsets = [1, 0], sizes = [1, 128], strides = [1, 1]} : vector<2x128xf32> to vector<1x128xf32>
    %mul3A_8 = arith.constant 9.99999974E-5 : f32
    %mul3A_9 = vector.broadcast %mul3A_8 : f32 to vector<1x128xf32>
    %mul3A_10 = arith.mulf %slice3A_7, %mul3A_9 : vector<1x128xf32>
    %get3A_11 = arith.constant 0 : index
    %get3A_12 = arith.constant 0 : index
    %get3A_13 = vector.load %arg3[%get3A_11, %get3A_12] : memref<1x128xf32, #tpu.memory_space<vmem>>, vector<1x128xf32>
    %mul3A_14 = arith.mulf %mul3A_6, %mul3A_6 : vector<1x128xf32>
    %mul3A_15 = arith.mulf %mul3A_14, %get3A_13 : vector<1x128xf32>
    %sub3A = arith.constant 2.000000e+00 : f32
    %sub3A_16 = vector.broadcast %sub3A : f32 to vector<1x128xf32>
    %sub3A_17 = arith.subf %sub3A_16, %get3A_13 : vector<1x128xf32>
    %mul3A_18 = arith.mulf %mul3A_15, %sub3A_17 : vector<1x128xf32>
    %sub3A_19 = arith.subf %mul3A_10, %mul3A_18 : vector<1x128xf32>
    %mul3A_20 = arith.mulf %get3A_13, %mul3A_6 : vector<1x128xf32>
    %sub3A_21 = vector.broadcast %mul3A_20 : vector<1x128xf32> to vector<1000x128xf32>
    %sub3A_22 = arith.subf %get3A_1, %sub3A_21 : vector<1000x128xf32>
    %get3A_23 = arith.constant 0 : index
    %get3A_24 = arith.constant 0 : index
    %get3A_25 = vector.load %arg4[%get3A_23, %get3A_24] : memref<1x128xf32, #tpu.memory_space<vmem>>, vector<1x128xf32>
    %mul3A_26 = vector.broadcast %get3A_25 : vector<1x128xf32> to vector<1000x128xf32>
    %mul3A_27 = arith.mulf %mul3A_26, %sub3A_22 : vector<1000x128xf32>
    %add3A = arith.constant 9.99999974E-6 : f32
    %add3A_28 = vector.broadcast %add3A : f32 to vector<1x128xf32>
    %add3A_29 = arith.addf %sub3A_19, %add3A_28 : vector<1x128xf32>
    %rsqrt3A = math.rsqrt %add3A_29 : vector<1x128xf32>
    %mul3A_30 = vector.broadcast %rsqrt3A : vector<1x128xf32> to vector<1000x128xf32>
    %mul3A_31 = arith.mulf %mul3A_27, %mul3A_30 : vector<1000x128xf32>
    %get3A_32 = arith.constant 0 : index
    %get3A_33 = arith.constant 0 : index
    %get3A_34 = vector.load %arg5[%get3A_32, %get3A_33] : memref<1x128xf32, #tpu.memory_space<vmem>>, vector<1x128xf32>
    %add3A_35 = vector.broadcast %get3A_34 : vector<1x128xf32> to vector<1000x128xf32>
    %add3A_36 = arith.addf %mul3A_31, %add3A_35 : vector<1000x128xf32>
    %integer_pow3A = arith.mulf %add3A_36, %add3A_36 : vector<1000x128xf32>
    %integer_pow3A_37 = arith.mulf %add3A_36, %integer_pow3A : vector<1000x128xf32>
    %mul3A_38 = arith.constant 4.471500e-02 : f32
    %mul3A_39 = vector.broadcast %mul3A_38 : f32 to vector<1000x128xf32>
    %mul3A_40 = arith.mulf %mul3A_39, %integer_pow3A_37 : vector<1000x128xf32>
    %add3A_41 = arith.addf %add3A_36, %mul3A_40 : vector<1000x128xf32>
    %mul3A_42 = arith.constant 0.797884583 : f32
    %mul3A_43 = vector.broadcast %mul3A_42 : f32 to vector<1000x128xf32>
    %mul3A_44 = arith.mulf %mul3A_43, %add3A_41 : vector<1000x128xf32>
    %tanh3A = math.tanh %mul3A_44 : vector<1000x128xf32>
    %add3A_45 = arith.constant 1.000000e+00 : f32
    %add3A_46 = vector.broadcast %add3A_45 : f32 to vector<1000x128xf32>
    %add3A_47 = arith.addf %add3A_46, %tanh3A : vector<1000x128xf32>
    %mul3A_48 = arith.constant 5.000000e-01 : f32
    %mul3A_49 = vector.broadcast %mul3A_48 : f32 to vector<1000x128xf32>
    %mul3A_50 = arith.mulf %mul3A_49, %add3A_47 : vector<1000x128xf32>
    %mul3A_51 = arith.mulf %add3A_36, %mul3A_50 : vector<1000x128xf32>
    %get3A_52 = arith.constant 0 : index
    %get3A_53 = arith.constant 0 : index
    %get3A_54 = vector.load %arg6[%get3A_52, %get3A_53] : memref<128x64xf32, #tpu.memory_space<vmem>>, vector<128x64xf32>
    %dot_general3A = arith.constant dense<0.000000e+00> : vector<1000x64xf32>
    %dot_general3A_55 = tpu.matmul %mul3A_51, %get3A_54, %dot_general3A {dimension_numbers = #tpu.dot_dimension_numbers<[1], [0], [0], [1], [0, 0, 1, 1], [], []>, precision = #tpu.contract_precision<fp32>, transpose_lhs_hint = false} : vector<1000x128xf32>, vector<128x64xf32>, vector<1000x64xf32> -> vector<1000x64xf32>
    %get3A_56 = arith.constant 0 : index
    %get3A_57 = arith.constant 0 : index
    %get3A_58 = vector.load %arg7[%get3A_56, %get3A_57] : memref<1x64xf32, #tpu.memory_space<vmem>>, vector<1x64xf32>
    %add3A_59 = vector.broadcast %get3A_58 : vector<1x64xf32> to vector<1000x64xf32>
    %add3A_60 = arith.addf %dot_general3A_55, %add3A_59 : vector<1000x64xf32>
    %get3A_61 = arith.constant 0 : index
    %get3A_62 = arith.constant 0 : index
    %get3A_63 = vector.load %arg8[%get3A_61, %get3A_62] : memref<1000x1xf32, #tpu.memory_space<vmem>>, vector<1000x1xf32>
    %mul3A_64 = vector.broadcast %get3A_63 : vector<1000x1xf32> to vector<1000x64xf32>
    %mul3A_65 = arith.mulf %add3A_60, %mul3A_64 : vector<1000x64xf32>
    %broadcast_in_dim3A = arith.constant 0.000000e+00 : f32
    %broadcast_in_dim3A_66 = vector.broadcast %broadcast_in_dim3A : f32 to vector<1000x64xf32>
    %concatenate3A = tpu.concatenate %mul3A_65, %broadcast_in_dim3A_66 in 1 : vector<1000x64xf32>, vector<1000x64xf32> -> vector<1000x128xf32>
    %swap3A = arith.constant 0 : index
    %swap3A_67 = arith.constant 0 : index
    %swap3A_68 = vector.load %arg9[%swap3A, %swap3A_67] : memref<1000x128xf32, #tpu.memory_space<vmem>>, vector<1000x128xf32>
    tpu.vector_store %arg9[%swap3A, %swap3A_67], %concatenate3A {strides = array<i32>} : memref<1000x128xf32, #tpu.memory_space<vmem>>, vector<1000x128xf32>,
    return
  }
  func.func @transform_0(%arg0: i32) -> (i32, i32) {
    %c0_i32 = arith.constant 0 : i32
    %c0_i32_0 = arith.constant 0 : i32
    return %arg0, %c0_i32 : i32, i32
  }
  func.func @transform_1(%arg0: i32) -> (i32, i32) {
    %c0_i32 = arith.constant 0 : i32
    %c0_i32_0 = arith.constant 0 : i32
    %c0_i32_1 = arith.constant 0 : i32
    return %c0_i32, %c0_i32_0 : i32, i32
  }
  func.func @transform_2(%arg0: i32) -> (i32, i32) {
    %c0_i32 = arith.constant 0 : i32
    %c0_i32_0 = arith.constant 0 : i32
    %c0_i32_1 = arith.constant 0 : i32
    return %c0_i32, %c0_i32_0 : i32, i32
  }
  func.func @transform_3(%arg0: i32) -> (i32, i32) {
    %c0_i32 = arith.constant 0 : i32
    %c0_i32_0 = arith.constant 0 : i32
    %c0_i32_1 = arith.constant 0 : i32
    return %c0_i32, %c0_i32_0 : i32, i32
  }
  func.func @transform_4(%arg0: i32) -> (i32, i32) {
    %c0_i32 = arith.constant 0 : i32
    %c0_i32_0 = arith.constant 0 : i32
    %c0_i32_1 = arith.constant 0 : i32
    return %c0_i32, %c0_i32_0 : i32, i32
  }
  func.func @transform_5(%arg0: i32) -> (i32, i32) {
    %c0_i32 = arith.constant 0 : i32
    %c0_i32_0 = arith.constant 0 : i32
    %c0_i32_1 = arith.constant 0 : i32
    return %c0_i32, %c0_i32_0 : i32, i32
  }
  func.func @transform_6(%arg0: i32) -> (i32, i32) {
    %c0_i32 = arith.constant 0 : i32
    %c0_i32_0 = arith.constant 0 : i32
    %c0_i32_1 = arith.constant 0 : i32
    return %c0_i32, %c0_i32_0 : i32, i32
  }
  func.func @transform_7(%arg0: i32) -> (i32, i32) {
    %c0_i32 = arith.constant 0 : i32
    %c0_i32_0 = arith.constant 0 : i32
    return %arg0, %c0_i32 : i32, i32
  }
  func.func @transform_8(%arg0: i32) -> (i32, i32) {
    %c0_i32 = arith.constant 0 : i32
    %c0_i32_0 = arith.constant 0 : i32
    return %arg0, %c0_i32 : i32, i32
  }
}

module attributes {stable_mosaic.version = 14 : i64} {
  func.func @body(%arg0: i32, %arg1: memref<2x1000x128xf32, #tpu.memory_space<vmem>>, %arg2: memref<1000x128xf32, #tpu.memory_space<vmem>>, %arg3: memref<1000x1xf32, #tpu.memory_space<vmem>>, %arg4: memref<1000x64xf32, #tpu.memory_space<vmem>>, %arg5: memref<2x64xf32, #tpu.memory_space<vmem>>) attributes {dimension_semantics = [#tpu.dimension_semantics<arbitrary>], iteration_bounds = array<i64: 10>, scalar_prefetch = 0 : i64, scratch_operands = 0 : i64, tpu.core_type = #tpu.core_type<tc>, window_params = [{transform_indices = @transform_0, window_bounds = array<i64: 2, 1000, 128>}, {transform_indices = @transform_1, window_bounds = array<i64: 1000, 128>}, {transform_indices = @transform_2, window_bounds = array<i64: 1000, 1>}, {transform_indices = @transform_3, window_bounds = array<i64: 1000, 64>}, {pipeline_mode = #tpu.pipeline_mode<synchronous>, transform_indices = @transform_4, window_bounds = array<i64: 2, 64>}]} {
    %get3A = arith.constant 0 : index
    %get3A_0 = arith.constant 0 : index
    %get3A_1 = vector.load %arg3[%get3A, %get3A_0] : memref<1000x1xf32, #tpu.memory_space<vmem>>, vector<1000x1xf32>
    %get3A_2 = arith.constant 0 : index
    %get3A_3 = arith.constant 0 : index
    %get3A_4 = arith.constant 0 : index
    %get3A_5 = vector.load %arg1[%get3A_2, %get3A_3, %get3A_4] : memref<2x1000x128xf32, #tpu.memory_space<vmem>>, vector<2x1000x128xf32>
    %slice3A = vector.extract_strided_slice %get3A_5 {offsets = [0, 0, 0], sizes = [1, 1000, 128], strides = [1, 1, 1]} : vector<2x1000x128xf32> to vector<1x1000x128xf32>
    %squeeze3A = vector.shape_cast %slice3A : vector<1x1000x128xf32> to vector<1000x128xf32>
    %slice3A_6 = vector.extract_strided_slice %get3A_5 {offsets = [1, 0, 0], sizes = [1, 1000, 128], strides = [1, 1, 1]} : vector<2x1000x128xf32> to vector<1x1000x128xf32>
    %squeeze3A_7 = vector.shape_cast %slice3A_6 : vector<1x1000x128xf32> to vector<1000x128xf32>
    %add3A = arith.addf %squeeze3A, %squeeze3A_7 : vector<1000x128xf32>
    %get3A_8 = arith.constant 0 : index
    %get3A_9 = arith.constant 0 : index
    %get3A_10 = vector.load %arg2[%get3A_8, %get3A_9] : memref<1000x128xf32, #tpu.memory_space<vmem>>, vector<1000x128xf32>
    %add3A_11 = arith.addf %add3A, %get3A_10 : vector<1000x128xf32>
    %mul3A = vector.broadcast %get3A_1 : vector<1000x1xf32> to vector<1000x128xf32>
    %mul3A_12 = arith.mulf %mul3A, %add3A_11 : vector<1000x128xf32>
    %slice3A_13 = vector.extract_strided_slice %mul3A_12 {offsets = [0, 0], sizes = [1000, 64], strides = [1, 1]} : vector<1000x128xf32> to vector<1000x64xf32>
    %swap3A = arith.constant 0 : index
    %swap3A_14 = arith.constant 0 : index
    %swap3A_15 = vector.load %arg4[%swap3A, %swap3A_14] : memref<1000x64xf32, #tpu.memory_space<vmem>>, vector<1000x64xf32>
    tpu.vector_store %arg4[%swap3A, %swap3A_14], %slice3A_13 {strides = array<i32>} : memref<1000x64xf32, #tpu.memory_space<vmem>>, vector<1000x64xf32>,
    %reduce_sum3A = arith.constant dense<0.000000e+00> : vector<64xf32>
    %reduce_sum3A_16 = vector.multi_reduction <add>, %slice3A_13, %reduce_sum3A [0] : vector<1000x64xf32> to vector<64xf32>
    %broadcast_in_dim3A = vector.shape_cast %reduce_sum3A_16 : vector<64xf32> to vector<1x64xf32>
    %mul3A_17 = arith.mulf %slice3A_13, %slice3A_13 : vector<1000x64xf32>
    %reduce_sum3A_18 = arith.constant dense<0.000000e+00> : vector<64xf32>
    %reduce_sum3A_19 = vector.multi_reduction <add>, %mul3A_17, %reduce_sum3A_18 [0] : vector<1000x64xf32> to vector<64xf32>
    %broadcast_in_dim3A_20 = vector.shape_cast %reduce_sum3A_19 : vector<64xf32> to vector<1x64xf32>
    %concatenate3A = tpu.concatenate %broadcast_in_dim3A, %broadcast_in_dim3A_20 in 0 : vector<1x64xf32>, vector<1x64xf32> -> vector<2x64xf32>
    %eq3A = arith.constant 0 : i32
    %eq3A_21 = arith.cmpi eq, %arg0, %eq3A : i32
    %convert_element_type3A = arith.extui %eq3A_21 : i1 to i32
    %cond3A = arith.constant 0 : i32
    %cond3A_22 = arith.cmpi ne, %convert_element_type3A, %cond3A : i32
    scf.if %cond3A_22 {
      %swap3A_27 = arith.constant 0 : index
      %swap3A_28 = arith.constant 0 : index
      %swap3A_29 = vector.load %arg5[%swap3A_27, %swap3A_28] : memref<2x64xf32, #tpu.memory_space<vmem>>, vector<2x64xf32>
      tpu.vector_store %arg5[%swap3A_27, %swap3A_28], %concatenate3A {strides = array<i32>} : memref<2x64xf32, #tpu.memory_space<vmem>>, vector<2x64xf32>,
    } else {
    }
    %ne3A = arith.constant 0 : i32
    %ne3A_23 = arith.cmpi ne, %arg0, %ne3A : i32
    %convert_element_type3A_24 = arith.extui %ne3A_23 : i1 to i32
    %cond3A_25 = arith.constant 0 : i32
    %cond3A_26 = arith.cmpi ne, %convert_element_type3A_24, %cond3A_25 : i32
    scf.if %cond3A_26 {
      %get3A_27 = arith.constant 0 : index
      %get3A_28 = arith.constant 0 : index
      %get3A_29 = vector.load %arg5[%get3A_27, %get3A_28] : memref<2x64xf32, #tpu.memory_space<vmem>>, vector<2x64xf32>
      %add3A_30 = arith.addf %get3A_29, %concatenate3A : vector<2x64xf32>
      %swap3A_31 = arith.constant 0 : index
      %swap3A_32 = arith.constant 0 : index
      %swap3A_33 = vector.load %arg5[%swap3A_31, %swap3A_32] : memref<2x64xf32, #tpu.memory_space<vmem>>, vector<2x64xf32>
      tpu.vector_store %arg5[%swap3A_31, %swap3A_32], %add3A_30 {strides = array<i32>} : memref<2x64xf32, #tpu.memory_space<vmem>>, vector<2x64xf32>,
    } else {
    }
    return
  }
  func.func @transform_0(%arg0: i32) -> (i32, i32, i32) {
    %c0_i32 = arith.constant 0 : i32
    %c0_i32_0 = arith.constant 0 : i32
    %c0_i32_1 = arith.constant 0 : i32
    return %c0_i32, %arg0, %c0_i32_0 : i32, i32, i32
  }
  func.func @transform_1(%arg0: i32) -> (i32, i32) {
    %c0_i32 = arith.constant 0 : i32
    %c0_i32_0 = arith.constant 0 : i32
    return %arg0, %c0_i32 : i32, i32
  }
  func.func @transform_2(%arg0: i32) -> (i32, i32) {
    %c0_i32 = arith.constant 0 : i32
    %c0_i32_0 = arith.constant 0 : i32
    return %arg0, %c0_i32 : i32, i32
  }
  func.func @transform_3(%arg0: i32) -> (i32, i32) {
    %c0_i32 = arith.constant 0 : i32
    %c0_i32_0 = arith.constant 0 : i32
    return %arg0, %c0_i32 : i32, i32
  }
  func.func @transform_4(%arg0: i32) -> (i32, i32) {
    %c0_i32 = arith.constant 0 : i32
    %c0_i32_0 = arith.constant 0 : i32
    %c0_i32_1 = arith.constant 0 : i32
    return %c0_i32, %c0_i32_0 : i32, i32
  }
}

module attributes {stable_mosaic.version = 14 : i64} {
  func.func @body(%arg0: i32, %arg1: memref<1000x64xf32, #tpu.memory_space<vmem>>, %arg2: memref<2x64xf32, #tpu.memory_space<vmem>>, %arg3: memref<1x64xf32, #tpu.memory_space<vmem>>, %arg4: memref<1x64xf32, #tpu.memory_space<vmem>>, %arg5: memref<1x64xf32, #tpu.memory_space<vmem>>, %arg6: memref<192x64xf32, #tpu.memory_space<vmem>>, %arg7: memref<1x64xf32, #tpu.memory_space<vmem>>, %arg8: memref<1x64xf32, #tpu.memory_space<vmem>>, %arg9: memref<1x64xf32, #tpu.memory_space<vmem>>, %arg10: memref<64x128xf32, #tpu.memory_space<vmem>>, %arg11: memref<1x128xf32, #tpu.memory_space<vmem>>, %arg12: memref<1x128xf32, #tpu.memory_space<vmem>>, %arg13: memref<8x64xf32, #tpu.memory_space<vmem>>, %arg14: memref<8x64xf32, #tpu.memory_space<vmem>>) attributes {dimension_semantics = [#tpu.dimension_semantics<arbitrary>], iteration_bounds = array<i64: 10>, scalar_prefetch = 0 : i64, scratch_operands = 2 : i64, tpu.core_type = #tpu.core_type<tc>, window_params = [{transform_indices = @transform_0, window_bounds = array<i64: 1000, 64>}, {pipeline_mode = #tpu.pipeline_mode<synchronous>, transform_indices = @transform_1, window_bounds = array<i64: 2, 64>}, {pipeline_mode = #tpu.pipeline_mode<synchronous>, transform_indices = @transform_2, window_bounds = array<i64: 1, 64>}, {pipeline_mode = #tpu.pipeline_mode<synchronous>, transform_indices = @transform_3, window_bounds = array<i64: 1, 64>}, {pipeline_mode = #tpu.pipeline_mode<synchronous>, transform_indices = @transform_4, window_bounds = array<i64: 1, 64>}, {pipeline_mode = #tpu.pipeline_mode<synchronous>, transform_indices = @transform_5, window_bounds = array<i64: 192, 64>}, {pipeline_mode = #tpu.pipeline_mode<synchronous>, transform_indices = @transform_6, window_bounds = array<i64: 1, 64>}, {pipeline_mode = #tpu.pipeline_mode<synchronous>, transform_indices = @transform_7, window_bounds = array<i64: 1, 64>}, {pipeline_mode = #tpu.pipeline_mode<synchronous>, transform_indices = @transform_8, window_bounds = array<i64: 1, 64>}, {pipeline_mode = #tpu.pipeline_mode<synchronous>, transform_indices = @transform_9, window_bounds = array<i64: 64, 128>}, {pipeline_mode = #tpu.pipeline_mode<synchronous>, transform_indices = @transform_10, window_bounds = array<i64: 1, 128>}, {pipeline_mode = #tpu.pipeline_mode<synchronous>, transform_indices = @transform_11, window_bounds = array<i64: 1, 128>}]} {
    %get3A = arith.constant 0 : index
    %get3A_0 = arith.constant 0 : index
    %get3A_1 = vector.load %arg1[%get3A, %get3A_0] : memref<1000x64xf32, #tpu.memory_space<vmem>>, vector<1000x64xf32>
    %get3A_2 = arith.constant 0 : index
    %get3A_3 = arith.constant 0 : index
    %get3A_4 = vector.load %arg2[%get3A_2, %get3A_3] : memref<2x64xf32, #tpu.memory_space<vmem>>, vector<2x64xf32>
    %slice3A = vector.extract_strided_slice %get3A_4 {offsets = [0, 0], sizes = [1, 64], strides = [1, 1]} : vector<2x64xf32> to vector<1x64xf32>
    %mul3A = arith.constant 9.99999974E-5 : f32
    %mul3A_5 = vector.broadcast %mul3A : f32 to vector<1x64xf32>
    %mul3A_6 = arith.mulf %slice3A, %mul3A_5 : vector<1x64xf32>
    %slice3A_7 = vector.extract_strided_slice %get3A_4 {offsets = [1, 0], sizes = [1, 64], strides = [1, 1]} : vector<2x64xf32> to vector<1x64xf32>
    %mul3A_8 = arith.constant 9.99999974E-5 : f32
    %mul3A_9 = vector.broadcast %mul3A_8 : f32 to vector<1x64xf32>
    %mul3A_10 = arith.mulf %slice3A_7, %mul3A_9 : vector<1x64xf32>
    %get3A_11 = arith.constant 0 : index
    %get3A_12 = arith.constant 0 : index
    %get3A_13 = vector.load %arg3[%get3A_11, %get3A_12] : memref<1x64xf32, #tpu.memory_space<vmem>>, vector<1x64xf32>
    %mul3A_14 = arith.mulf %mul3A_6, %mul3A_6 : vector<1x64xf32>
    %mul3A_15 = arith.mulf %mul3A_14, %get3A_13 : vector<1x64xf32>
    %sub3A = arith.constant 2.000000e+00 : f32
    %sub3A_16 = vector.broadcast %sub3A : f32 to vector<1x64xf32>
    %sub3A_17 = arith.subf %sub3A_16, %get3A_13 : vector<1x64xf32>
    %mul3A_18 = arith.mulf %mul3A_15, %sub3A_17 : vector<1x64xf32>
    %sub3A_19 = arith.subf %mul3A_10, %mul3A_18 : vector<1x64xf32>
    %mul3A_20 = arith.mulf %get3A_13, %mul3A_6 : vector<1x64xf32>
    %sub3A_21 = vector.broadcast %mul3A_20 : vector<1x64xf32> to vector<1000x64xf32>
    %sub3A_22 = arith.subf %get3A_1, %sub3A_21 : vector<1000x64xf32>
    %get3A_23 = arith.constant 0 : index
    %get3A_24 = arith.constant 0 : index
    %get3A_25 = vector.load %arg4[%get3A_23, %get3A_24] : memref<1x64xf32, #tpu.memory_space<vmem>>, vector<1x64xf32>
    %mul3A_26 = vector.broadcast %get3A_25 : vector<1x64xf32> to vector<1000x64xf32>
    %mul3A_27 = arith.mulf %mul3A_26, %sub3A_22 : vector<1000x64xf32>
    %add3A = arith.constant 9.99999974E-6 : f32
    %add3A_28 = vector.broadcast %add3A : f32 to vector<1x64xf32>
    %add3A_29 = arith.addf %sub3A_19, %add3A_28 : vector<1x64xf32>
    %rsqrt3A = math.rsqrt %add3A_29 : vector<1x64xf32>
    %mul3A_30 = vector.broadcast %rsqrt3A : vector<1x64xf32> to vector<1000x64xf32>
    %mul3A_31 = arith.mulf %mul3A_27, %mul3A_30 : vector<1000x64xf32>
    %get3A_32 = arith.constant 0 : index
    %get3A_33 = arith.constant 0 : index
    %get3A_34 = vector.load %arg5[%get3A_32, %get3A_33] : memref<1x64xf32, #tpu.memory_space<vmem>>, vector<1x64xf32>
    %add3A_35 = vector.broadcast %get3A_34 : vector<1x64xf32> to vector<1000x64xf32>
    %add3A_36 = arith.addf %mul3A_31, %add3A_35 : vector<1000x64xf32>
    %integer_pow3A = arith.mulf %add3A_36, %add3A_36 : vector<1000x64xf32>
    %integer_pow3A_37 = arith.mulf %add3A_36, %integer_pow3A : vector<1000x64xf32>
    %mul3A_38 = arith.constant 4.471500e-02 : f32
    %mul3A_39 = vector.broadcast %mul3A_38 : f32 to vector<1000x64xf32>
    %mul3A_40 = arith.mulf %mul3A_39, %integer_pow3A_37 : vector<1000x64xf32>
    %add3A_41 = arith.addf %add3A_36, %mul3A_40 : vector<1000x64xf32>
    %mul3A_42 = arith.constant 0.797884583 : f32
    %mul3A_43 = vector.broadcast %mul3A_42 : f32 to vector<1000x64xf32>
    %mul3A_44 = arith.mulf %mul3A_43, %add3A_41 : vector<1000x64xf32>
    %tanh3A = math.tanh %mul3A_44 : vector<1000x64xf32>
    %add3A_45 = arith.constant 1.000000e+00 : f32
    %add3A_46 = vector.broadcast %add3A_45 : f32 to vector<1000x64xf32>
    %add3A_47 = arith.addf %add3A_46, %tanh3A : vector<1000x64xf32>
    %mul3A_48 = arith.constant 5.000000e-01 : f32
    %mul3A_49 = vector.broadcast %mul3A_48 : f32 to vector<1000x64xf32>
    %mul3A_50 = arith.mulf %mul3A_49, %add3A_47 : vector<1000x64xf32>
    %mul3A_51 = arith.mulf %add3A_36, %mul3A_50 : vector<1000x64xf32>
    %reshape3A = vector.shape_cast %mul3A_51 : vector<1000x64xf32> to vector<125x8x64xf32>
    %reduce_sum3A = arith.constant dense<0.000000e+00> : vector<8x64xf32>
    %reduce_sum3A_52 = vector.multi_reduction <add>, %reshape3A, %reduce_sum3A [0] : vector<125x8x64xf32> to vector<8x64xf32>
    %reduce_max3A = arith.constant dense<0xFF800000> : vector<8x64xf32>
    %reduce_max3A_53 = vector.multi_reduction <maximumf>, %reshape3A, %reduce_max3A [0] : vector<125x8x64xf32> to vector<8x64xf32>
    %eq3A = arith.constant 0 : i32
    %eq3A_54 = arith.cmpi eq, %arg0, %eq3A : i32
    %convert_element_type3A = arith.extui %eq3A_54 : i1 to i32
    %cond3A = arith.constant 0 : i32
    %cond3A_55 = arith.cmpi ne, %convert_element_type3A, %cond3A : i32
    scf.if %cond3A_55 {
      %swap3A = arith.constant 0 : index
      %swap3A_65 = arith.constant 0 : index
      %swap3A_66 = vector.load %arg13[%swap3A, %swap3A_65] : memref<8x64xf32, #tpu.memory_space<vmem>>, vector<8x64xf32>
      tpu.vector_store %arg13[%swap3A, %swap3A_65], %reduce_sum3A_52 {strides = array<i32>} : memref<8x64xf32, #tpu.memory_space<vmem>>, vector<8x64xf32>,
      %swap3A_67 = arith.constant 0 : index
      %swap3A_68 = arith.constant 0 : index
      %swap3A_69 = vector.load %arg14[%swap3A_67, %swap3A_68] : memref<8x64xf32, #tpu.memory_space<vmem>>, vector<8x64xf32>
      tpu.vector_store %arg14[%swap3A_67, %swap3A_68], %reduce_max3A_53 {strides = array<i32>} : memref<8x64xf32, #tpu.memory_space<vmem>>, vector<8x64xf32>,
    } else {
    }
    %ne3A = arith.constant 0 : i32
    %ne3A_56 = arith.cmpi ne, %arg0, %ne3A : i32
    %convert_element_type3A_57 = arith.extui %ne3A_56 : i1 to i32
    %cond3A_58 = arith.constant 0 : i32
    %cond3A_59 = arith.cmpi ne, %convert_element_type3A_57, %cond3A_58 : i32
    scf.if %cond3A_59 {
      %get3A_65 = arith.constant 0 : index
      %get3A_66 = arith.constant 0 : index
      %get3A_67 = vector.load %arg13[%get3A_65, %get3A_66] : memref<8x64xf32, #tpu.memory_space<vmem>>, vector<8x64xf32>
      %add3A_68 = arith.addf %get3A_67, %reduce_sum3A_52 : vector<8x64xf32>
      %swap3A = arith.constant 0 : index
      %swap3A_69 = arith.constant 0 : index
      %swap3A_70 = vector.load %arg13[%swap3A, %swap3A_69] : memref<8x64xf32, #tpu.memory_space<vmem>>, vector<8x64xf32>
      tpu.vector_store %arg13[%swap3A, %swap3A_69], %add3A_68 {strides = array<i32>} : memref<8x64xf32, #tpu.memory_space<vmem>>, vector<8x64xf32>,
      %get3A_71 = arith.constant 0 : index
      %get3A_72 = arith.constant 0 : index
      %get3A_73 = vector.load %arg14[%get3A_71, %get3A_72] : memref<8x64xf32, #tpu.memory_space<vmem>>, vector<8x64xf32>
      %max3A = arith.maximumf %get3A_73, %reduce_max3A_53 : vector<8x64xf32>
      %swap3A_74 = arith.constant 0 : index
      %swap3A_75 = arith.constant 0 : index
      %swap3A_76 = vector.load %arg14[%swap3A_74, %swap3A_75] : memref<8x64xf32, #tpu.memory_space<vmem>>, vector<8x64xf32>
      tpu.vector_store %arg14[%swap3A_74, %swap3A_75], %max3A {strides = array<i32>} : memref<8x64xf32, #tpu.memory_space<vmem>>, vector<8x64xf32>,
    } else {
    }
    %eq3A_60 = arith.constant 9 : i32
    %eq3A_61 = arith.cmpi eq, %arg0, %eq3A_60 : i32
    %convert_element_type3A_62 = arith.extui %eq3A_61 : i1 to i32
    %cond3A_63 = arith.constant 0 : i32
    %cond3A_64 = arith.cmpi ne, %convert_element_type3A_62, %cond3A_63 : i32
    scf.if %cond3A_64 {
      %get3A_65 = arith.constant 0 : index
      %get3A_66 = arith.constant 0 : index
      %get3A_67 = vector.load %arg13[%get3A_65, %get3A_66] : memref<8x64xf32, #tpu.memory_space<vmem>>, vector<8x64xf32>
      %reduce_sum3A_68 = arith.constant dense<0.000000e+00> : vector<64xf32>
      %reduce_sum3A_69 = vector.multi_reduction <add>, %get3A_67, %reduce_sum3A_68 [0] : vector<8x64xf32> to vector<64xf32>
      %broadcast_in_dim3A = vector.shape_cast %reduce_sum3A_69 : vector<64xf32> to vector<1x64xf32>
      %get3A_70 = arith.constant 0 : index
      %get3A_71 = arith.constant 0 : index
      %get3A_72 = vector.load %arg14[%get3A_70, %get3A_71] : memref<8x64xf32, #tpu.memory_space<vmem>>, vector<8x64xf32>
      %reduce_max3A_73 = arith.constant dense<0xFF800000> : vector<64xf32>
      %reduce_max3A_74 = vector.multi_reduction <maximumf>, %get3A_72, %reduce_max3A_73 [0] : vector<8x64xf32> to vector<64xf32>
      %broadcast_in_dim3A_75 = vector.shape_cast %reduce_max3A_74 : vector<64xf32> to vector<1x64xf32>
      %mul3A_76 = arith.constant 9.99999974E-5 : f32
      %mul3A_77 = vector.broadcast %mul3A_76 : f32 to vector<1x64xf32>
      %mul3A_78 = arith.mulf %broadcast_in_dim3A, %mul3A_77 : vector<1x64xf32>
      %concatenate3A = tpu.concatenate %mul3A_78, %broadcast_in_dim3A_75, %broadcast_in_dim3A in 1 : vector<1x64xf32>, vector<1x64xf32>, vector<1x64xf32> -> vector<1x192xf32>
      %get3A_79 = arith.constant 0 : index
      %get3A_80 = arith.constant 0 : index
      %get3A_81 = vector.load %arg6[%get3A_79, %get3A_80] : memref<192x64xf32, #tpu.memory_space<vmem>>, vector<192x64xf32>
      %dot_general3A = arith.constant dense<0.000000e+00> : vector<1x64xf32>
      %dot_general3A_82 = tpu.matmul %concatenate3A, %get3A_81, %dot_general3A {dimension_numbers = #tpu.dot_dimension_numbers<[1], [0], [0], [1], [0, 0, 1, 1], [], []>, precision = #tpu.contract_precision<fp32>, transpose_lhs_hint = false} : vector<1x192xf32>, vector<192x64xf32>, vector<1x64xf32> -> vector<1x64xf32>
      %get3A_83 = arith.constant 0 : index
      %get3A_84 = arith.constant 0 : index
      %get3A_85 = vector.load %arg7[%get3A_83, %get3A_84] : memref<1x64xf32, #tpu.memory_space<vmem>>, vector<1x64xf32>
      %add3A_86 = arith.addf %dot_general3A_82, %get3A_85 : vector<1x64xf32>
      %reduce_sum3A_87 = arith.constant dense<0.000000e+00> : vector<1xf32>
      %reduce_sum3A_88 = vector.multi_reduction <add>, %add3A_86, %reduce_sum3A_87 [1] : vector<1x64xf32> to vector<1xf32>
      %broadcast_in_dim3A_89 = vector.shape_cast %reduce_sum3A_88 : vector<1xf32> to vector<1x1xf32>
      %div3A = arith.constant 6.400000e+01 : f32
      %div3A_90 = vector.broadcast %div3A : f32 to vector<1x1xf32>
      %div3A_91 = arith.divf %broadcast_in_dim3A_89, %div3A_90 : vector<1x1xf32>
      %sub3A_92 = vector.broadcast %div3A_91 : vector<1x1xf32> to vector<1x64xf32>
      %sub3A_93 = arith.subf %add3A_86, %sub3A_92 : vector<1x64xf32>
      %sub3A_94 = vector.broadcast %div3A_91 : vector<1x1xf32> to vector<1x64xf32>
      %sub3A_95 = arith.subf %add3A_86, %sub3A_94 : vector<1x64xf32>
      %mul3A_96 = arith.mulf %sub3A_93, %sub3A_95 : vector<1x64xf32>
      %reduce_sum3A_97 = arith.constant dense<0.000000e+00> : vector<1xf32>
      %reduce_sum3A_98 = vector.multi_reduction <add>, %mul3A_96, %reduce_sum3A_97 [1] : vector<1x64xf32> to vector<1xf32>
      %broadcast_in_dim3A_99 = vector.shape_cast %reduce_sum3A_98 : vector<1xf32> to vector<1x1xf32>
      %div3A_100 = arith.constant 6.400000e+01 : f32
      %div3A_101 = vector.broadcast %div3A_100 : f32 to vector<1x1xf32>
      %div3A_102 = arith.divf %broadcast_in_dim3A_99, %div3A_101 : vector<1x1xf32>
      %get3A_103 = arith.constant 0 : index
      %get3A_104 = arith.constant 0 : index
      %get3A_105 = vector.load %arg8[%get3A_103, %get3A_104] : memref<1x64xf32, #tpu.memory_space<vmem>>, vector<1x64xf32>
      %sub3A_106 = vector.broadcast %div3A_91 : vector<1x1xf32> to vector<1x64xf32>
      %sub3A_107 = arith.subf %add3A_86, %sub3A_106 : vector<1x64xf32>
      %mul3A_108 = arith.mulf %get3A_105, %sub3A_107 : vector<1x64xf32>
      %add3A_109 = arith.constant 9.99999974E-6 : f32
      %add3A_110 = vector.broadcast %add3A_109 : f32 to vector<1x1xf32>
      %add3A_111 = arith.addf %div3A_102, %add3A_110 : vector<1x1xf32>
      %rsqrt3A_112 = math.rsqrt %add3A_111 : vector<1x1xf32>
      %mul3A_113 = vector.broadcast %rsqrt3A_112 : vector<1x1xf32> to vector<1x64xf32>
      %mul3A_114 = arith.mulf %mul3A_108, %mul3A_113 : vector<1x64xf32>
      %get3A_115 = arith.constant 0 : index
      %get3A_116 = arith.constant 0 : index
      %get3A_117 = vector.load %arg9[%get3A_115, %get3A_116] : memref<1x64xf32, #tpu.memory_space<vmem>>, vector<1x64xf32>
      %add3A_118 = arith.addf %mul3A_114, %get3A_117 : vector<1x64xf32>
      %integer_pow3A_119 = arith.mulf %add3A_118, %add3A_118 : vector<1x64xf32>
      %integer_pow3A_120 = arith.mulf %add3A_118, %integer_pow3A_119 : vector<1x64xf32>
      %mul3A_121 = arith.constant 4.471500e-02 : f32
      %mul3A_122 = vector.broadcast %mul3A_121 : f32 to vector<1x64xf32>
      %mul3A_123 = arith.mulf %mul3A_122, %integer_pow3A_120 : vector<1x64xf32>
      %add3A_124 = arith.addf %add3A_118, %mul3A_123 : vector<1x64xf32>
      %mul3A_125 = arith.constant 0.797884583 : f32
      %mul3A_126 = vector.broadcast %mul3A_125 : f32 to vector<1x64xf32>
      %mul3A_127 = arith.mulf %mul3A_126, %add3A_124 : vector<1x64xf32>
      %tanh3A_128 = math.tanh %mul3A_127 : vector<1x64xf32>
      %add3A_129 = arith.constant 1.000000e+00 : f32
      %add3A_130 = vector.broadcast %add3A_129 : f32 to vector<1x64xf32>
      %add3A_131 = arith.addf %add3A_130, %tanh3A_128 : vector<1x64xf32>
      %mul3A_132 = arith.constant 5.000000e-01 : f32
      %mul3A_133 = vector.broadcast %mul3A_132 : f32 to vector<1x64xf32>
      %mul3A_134 = arith.mulf %mul3A_133, %add3A_131 : vector<1x64xf32>
      %mul3A_135 = arith.mulf %add3A_118, %mul3A_134 : vector<1x64xf32>
      %get3A_136 = arith.constant 0 : index
      %get3A_137 = arith.constant 0 : index
      %get3A_138 = vector.load %arg10[%get3A_136, %get3A_137] : memref<64x128xf32, #tpu.memory_space<vmem>>, vector<64x128xf32>
      %dot_general3A_139 = arith.constant dense<0.000000e+00> : vector<1x128xf32>
      %dot_general3A_140 = tpu.matmul %mul3A_135, %get3A_138, %dot_general3A_139 {dimension_numbers = #tpu.dot_dimension_numbers<[1], [0], [0], [1], [0, 0, 1, 1], [], []>, precision = #tpu.contract_precision<fp32>, transpose_lhs_hint = false} : vector<1x64xf32>, vector<64x128xf32>, vector<1x128xf32> -> vector<1x128xf32>
      %get3A_141 = arith.constant 0 : index
      %get3A_142 = arith.constant 0 : index
      %get3A_143 = vector.load %arg11[%get3A_141, %get3A_142] : memref<1x128xf32, #tpu.memory_space<vmem>>, vector<1x128xf32>
      %add3A_144 = arith.addf %dot_general3A_140, %get3A_143 : vector<1x128xf32>
      %swap3A = arith.constant 0 : index
      %swap3A_145 = arith.constant 0 : index
      %swap3A_146 = vector.load %arg12[%swap3A, %swap3A_145] : memref<1x128xf32, #tpu.memory_space<vmem>>, vector<1x128xf32>
      tpu.vector_store %arg12[%swap3A, %swap3A_145], %add3A_144 {strides = array<i32>} : memref<1x128xf32, #tpu.memory_space<vmem>>, vector<1x128xf32>,
    } else {
    }
    return
  }
  func.func @transform_0(%arg0: i32) -> (i32, i32) {
    %c0_i32 = arith.constant 0 : i32
    %c0_i32_0 = arith.constant 0 : i32
    return %arg0, %c0_i32 : i32, i32
  }
  func.func @transform_1(%arg0: i32) -> (i32, i32) {
    %c0_i32 = arith.constant 0 : i32
    %c0_i32_0 = arith.constant 0 : i32
    %c0_i32_1 = arith.constant 0 : i32
    return %c0_i32, %c0_i32_0 : i32, i32
  }
  func.func @transform_2(%arg0: i32) -> (i32, i32) {
    %c0_i32 = arith.constant 0 : i32
    %c0_i32_0 = arith.constant 0 : i32
    %c0_i32_1 = arith.constant 0 : i32
    return %c0_i32, %c0_i32_0 : i32, i32
  }
  func.func @transform_3(%arg0: i32) -> (i32, i32) {
    %c0_i32 = arith.constant 0 : i32
    %c0_i32_0 = arith.constant 0 : i32
    %c0_i32_1 = arith.constant 0 : i32
    return %c0_i32, %c0_i32_0 : i32, i32
  }
  func.func @transform_4(%arg0: i32) -> (i32, i32) {
    %c0_i32 = arith.constant 0 : i32
    %c0_i32_0 = arith.constant 0 : i32
    %c0_i32_1 = arith.constant 0 : i32
    return %c0_i32, %c0_i32_0 : i32, i32
  }
  func.func @transform_5(%arg0: i32) -> (i32, i32) {
    %c0_i32 = arith.constant 0 : i32
    %c0_i32_0 = arith.constant 0 : i32
    %c0_i32_1 = arith.constant 0 : i32
    return %c0_i32, %c0_i32_0 : i32, i32
  }
  func.func @transform_6(%arg0: i32) -> (i32, i32) {
    %c0_i32 = arith.constant 0 : i32
    %c0_i32_0 = arith.constant 0 : i32
    %c0_i32_1 = arith.constant 0 : i32
    return %c0_i32, %c0_i32_0 : i32, i32
  }
  func.func @transform_7(%arg0: i32) -> (i32, i32) {
    %c0_i32 = arith.constant 0 : i32
    %c0_i32_0 = arith.constant 0 : i32
    %c0_i32_1 = arith.constant 0 : i32
    return %c0_i32, %c0_i32_0 : i32, i32
  }
  func.func @transform_8(%arg0: i32) -> (i32, i32) {
    %c0_i32 = arith.constant 0 : i32
    %c0_i32_0 = arith.constant 0 : i32
    %c0_i32_1 = arith.constant 0 : i32
    return %c0_i32, %c0_i32_0 : i32, i32
  }
  func.func @transform_9(%arg0: i32) -> (i32, i32) {
    %c0_i32 = arith.constant 0 : i32
    %c0_i32_0 = arith.constant 0 : i32
    %c0_i32_1 = arith.constant 0 : i32
    return %c0_i32, %c0_i32_0 : i32, i32
  }
  func.func @transform_10(%arg0: i32) -> (i32, i32) {
    %c0_i32 = arith.constant 0 : i32
    %c0_i32_0 = arith.constant 0 : i32
    %c0_i32_1 = arith.constant 0 : i32
    return %c0_i32, %c0_i32_0 : i32, i32
  }
  func.func @transform_11(%arg0: i32) -> (i32, i32) {
    %c0_i32 = arith.constant 0 : i32
    %c0_i32_0 = arith.constant 0 : i32
    %c0_i32_1 = arith.constant 0 : i32
    return %c0_i32, %c0_i32_0 : i32, i32
  }
}

</mosaic_0001>

<sc_bundles>
// kernel: kernel.13.cloned.1.call-start
scs
__scs_entry_jumppad:
0x0: {  	(pc) =	sbr.rel $0x88, $3  }
0x1: {  	(tag) =	ssettag $0x0;
	lr =	simm.s32 $0x1  }
0x2: {  	[smem:$0x3F8B] =	sst lr;
	_ =	strace $0xD0000000  }
0x3: {  	_ = 	snop  }
0x4: {  	_ = 	snop  }
0x5: {  	_ = 	snop  }
0x6: {  	_ = 	snop  }
0x7: {  	_ = 	snop  }
__scs_overlays_trampoline_lowered:
0x8: {  	[smem:$0x3F9A] =	sst s0  }
0x9: {  	[smem:$0x3F9B] =	sst s1  }
0xa: {  	[smem:$0x3F9C] =	sst s2  }
0xb: {  	[smem:$0x3F9D] =	sst s3  }
0xc: {  	[smem:$0x3F9E] =	sst s4  }
0xd: {  	[smem:$0x3F9F] =	sst s5  }
0xe: {  	[smem:$0x3FA0] =	sst s6  }
0xf: {  	[smem:$0x3FA1] =	sst s7  }
0x10: {  	[smem:$0x3FA2] =	sst s8  }
0x11: {  	[smem:$0x3FA3] =	sst s9;
	s0 =	simm.s32 @!p0 $0x0  }
0x12: {  	s1 =	sld [smem:$0x3F89];
	s0 =	simm.s32 @p0 $0x1  }
0x13: {  	[smem:$0x3FA4] =	sst s0;
	s0 =	simm.s32 @!p1 $0x0  }
0x14: {  	s2 =	sld [smem:$0x3F88];
	s0 =	simm.s32 @p1 $0x1  }
0x15: {  	[smem:$0x3FA5] =	sst s0;
	s0 =	simm.s32 @!p2 $0x0  }
0x16: {  	s3 =	sld [smem:$0x3FDB];
	s0 =	simm.s32 @p2 $0x1  }
0x17: {  	s4 =	simm.s32 $0x1BF5;
	[smem:$0x3FA7] =	sst s0  }
0x18: {  	s0 =	sld [smem:$0x3F8A];
	_ =	swait.ge [sflag:s4], $0x0  }
0x19: {  	s7 =	sld [smem:$0x3F8B]  }
0x1a: {  	s8 =	sadd.s32 $0xFFFFE003, lr  }
0x1b: {  	s9 =	sadd.s32 $0xFFFFFEF7, lr;
	s5 =	simm.s32 $0xFFFFFFFF;
	p2 =	slt.u32 s8, $0xFFFFF086  }
0x1c: {  	p1 =	slt.u32 s9, $0xF7A;
	s5 =	simm.s32 @!p2 $0x0  }
0x1d: {  	s5 =	simm.s32 @p1 $0x1;
	p0 =	seq.s32 s7, s2  }
0x1e: {  	s7 =	smul.u32 @!p0 $0xF7A, s2;
	p2 =	seq.s32 @!p0 s5, $0x0  }
0x1f: {  	s9 =	smul.u32 $0xF7A, s1;
	s8 =	simm.s32 @!p0 $0x1BF5;
	p2 =	por !p2, p0  }
0x20: {  	[sflag:s8] =	ssyncset.s32 @!p0 $0xFFFFF086;
	s6 =	sadd.s32 @!p0 s3, s7;
	s7 =	simm.s32 @!p0 $0x108  }
0x21: {  	s3 =	sadd.s32 s3, s9;
	s6 =	sadd.s32 @!p0 $0x88, s6;
	s7 =	simm.s32 @p2 $0x1082  }
0x22: {  	[simem:s7], [sflag:s8] =	dma.local @!p0 [hbm:s6], $0xF7A  }
0x23: {  	s9 =	sor.u32 $0xD0000000, s2;
	s6 =	simm.s32 $0x108;
	_ =	swait.ge @!p0 [sflag:s8], $0x0  }
0x24: {  	s3 =	sadd.s32 $0x88, s3;
	s6 =	simm.s32 @!p1 $0x1082;
	[sflag:s4] =	ssyncset.s32 $0xFFFFF086  }
0x25: {  	[simem:s6], [sflag:s4] =	dma.local [hbm:s3], $0xF7A  }
0x26: {  	[smem:$0x3F8B] =	sst s1;
	(tag) =	ssettag s2;
	_ =	strace s9  }
0x27: {  	s1 =	sld [smem:$0x3F9B]  }
0x28: {  	s2 =	sld [smem:$0x3F9C]  }
0x29: {  	s4 =	sld [smem:$0x3F9E]  }
0x2a: {  	p0 =	seq.s32 s5, $0x0;
	s5 =	sld [smem:$0x3F9F]  }
0x2b: {  	s6 =	sld [smem:$0x3FA0]  }
0x2c: {  	s7 =	sld [smem:$0x3FA1]  }
0x2d: {  	s3 =	simm.s32 $0x108;
	s8 =	sld [smem:$0x3FA2]  }
0x2e: {  	s3 =	simm.s32 @!p0 $0x1082;
	s9 =	sld [smem:$0x3FA3]  }
0x2f: {  	lr =	sadd.s32 s0, s3;
	s0 =	sld [smem:$0x3F9A]  }
0x30: {  	s3 =	sld [smem:$0x3F9D]  }
0x31: {  	[smem:$0x3FA6] =	sst s10  }
0x32: {  	s10 =	sld [smem:$0x3FA4];
	_ =	sdelay $0x3  }
0x33: {  	p0 =	seq.s32 s10, $0x1;
	s10 =	sld [smem:$0x3FA6];
	_ =	sdelay $0x3  }
0x34: {  	[smem:$0x3FA6] =	sst s10  }
0x35: {  	s10 =	sld [smem:$0x3FA5];
	_ =	sdelay $0x3  }
0x36: {  	p1 =	seq.s32 s10, $0x1;
	s10 =	sld [smem:$0x3FA6];
	_ =	sdelay $0x3  }
0x37: {  	[smem:$0x3FA6] =	sst s10  }
0x38: {  	s10 =	sld [smem:$0x3FA7]  }
0x39: {  	_ = 	snop;
	(pc) =	sbr.ind lr, $3  }
0x3a: {  	_ = 	snop  }
0x3b: {  	_ = 	snop  }
0x3c: {  	p2 =	seq.s32 s10, $0x1;
	s10 =	sld [smem:$0x3FA6]  }
0x3d: {  	_ =	shalt  }
0x3e: {  	_ =	shalt  }
0x3f: {  	_ =	shalt  }
0x40: {  	_ =	shalt  }
0x41: {  	_ =	shalt  }
0x42: {  	_ =	shalt  }
0x43: {  	_ =	shalt  }
0x44: {  	_ =	shalt  }
0x45: {  	_ =	shalt  }
0x46: {  	_ =	shalt  }
0x47: {  	_ =	shalt  }
0x48: {  	_ =	shalt  }
0x49: {  	_ =	shalt  }
0x4a: {  	_ =	shalt  }
0x4b: {  	_ =	shalt  }
0x4c: {  	_ =	shalt  }
0x4d: {  	_ =	shalt  }
0x4e: {  	_ =	shalt  }
0x4f: {  	_ =	shalt  }
0x50: {  	_ =	shalt  }
0x51: {  	_ =	shalt  }
0x52: {  	_ =	shalt  }
0x53: {  	_ =	shalt  }
0x54: {  	_ =	shalt  }
0x55: {  	_ =	shalt  }
0x56: {  	_ =	shalt  }
0x57: {  	_ =	shalt  }
0x58: {  	_ =	shalt  }
0x59: {  	_ =	shalt  }
0x5a: {  	_ =	shalt  }
0x5b: {  	_ =	shalt  }
0x5c: {  	_ =	shalt  }
0x5d: {  	_ =	shalt  }
0x5e: {  	_ =	shalt  }
0x5f: {  	_ =	shalt  }
0x60: {  	_ =	shalt  }
0x61: {  	_ =	shalt  }
0x62: {  	_ =	shalt  }
0x63: {  	_ =	shalt  }
0x64: {  	_ =	shalt  }
0x65: {  	_ =	shalt  }
0x66: {  	_ =	shalt  }
0x67: {  	_ =	shalt  }
0x68: {  	_ =	shalt  }
0x69: {  	_ =	shalt  }
0x6a: {  	_ =	shalt  }
0x6b: {  	_ =	shalt  }
0x6c: {  	_ =	shalt  }
0x6d: {  	_ =	shalt  }
0x6e: {  	_ =	shalt  }
0x6f: {  	_ =	shalt  }
0x70: {  	_ =	shalt  }
0x71: {  	_ =	shalt  }
0x72: {  	_ =	shalt  }
0x73: {  	_ =	shalt  }
0x74: {  	_ =	shalt  }
0x75: {  	_ =	shalt  }
0x76: {  	_ =	shalt  }
0x77: {  	_ =	shalt  }
0x78: {  	_ =	shalt  }
0x79: {  	_ =	shalt  }
0x7a: {  	_ =	shalt  }
0x7b: {  	_ =	shalt  }
0x7c: {  	_ =	shalt  }
0x7d: {  	_ =	shalt  }
0x7e: {  	_ =	shalt  }
0x7f: {  	_ =	shalt  }
0x80: {  	_ =	shalt  }
0x81: {  	_ =	shalt  }
0x82: {  	_ =	shalt  }
0x83: {  	_ =	shalt  }
0x84: {  	_ =	shalt  }
0x85: {  	_ =	shalt  }
0x86: {  	_ =	shalt  }
0x87: {  	_ =	shalt  }
.Lfunc_end0:
.L_simem_size_0:
called_computation_lowered:
.L_overlay_start_0:
0x88: {  	s2 =	sld [smem:$0x3FD9]  }
0x89: {  	s3 =	sld [smem:$0x3FFE];
	_ =	sdelay $0x1  }
0x8a: {  	s1 =	srdreg.scid  }
0x8b: {  	s0 =	sand.u32 $0x1, s1  }
0x8c: {  	s16 =	sshll.u32 s0, $0xA;
	s2 =	sadd.s32 s3, s2  }
0x8d: {  	s2 =	sadd.s32 s2, s16  }
0x8e: {  	[smem:$0x3FB2] =	sst s2  }
0x8f: {  	_ = 	snop  }
0x90: {  	(tm) =	ssettm $0x1  }
0x91: {  	s17 =	sld [smem:$0x3FFB];
	_ =	sdelay $0x3  }
0x92: {  	_ =	strace s17  }
0x93: {  	s2 =	sld [smem:$0x3FFC];
	_ =	sdelay $0x3  }
0x94: {  	_ =	strace s2  }
0x95: {  	s2 =	sld [smem:$0x3FFD];
	_ =	sdelay $0x3  }
0x96: {  	_ =	strace s2  }
0x97: {  	_ =	strace $0x8FFFFFFF  }
0x98: {  	s18 =	sld [smem:$0x3FDB];
	_ =	sdelay $0x1  }
0x99: {  	s19 =	simm.s32 $_scs_section_size  }
0x9a: {  	s4 =	simm.s32 $_size__tile_overlayer_lowered;
	s5 =	simm.s32 $_tile_overlayer_lowered  }
0x9b: {  	s22 =	simm.s32 $0x1BFF;
	s21 =	sshll.u32 s5, $0x1;
	s2 =	sadd.s32 s19, s18  }
0x9c: {  	s6 =	simm.s32 $0x0;
	s20 =	sshll.u32 s4, $0x1;
	s4 =	sadd.s32 s21, s2  }
0x9d: {  	[timem:s6], [sflag:s22] =	dma.local [hbm:s4], s20  }
0x9e: {  	_ =	swait.ge [sflag:s22], s20  }
0x9f: {  	s3 =	ssub.s32 $0x0, s20;
	[sflag:s22] =	ssyncset.done $0x0  }
0xa0: {  	[sflag:s22] =	ssyncadd.s32 s3;
	_ =	sdelay $0x1  }
0xa1: {  	s23 =	simm.s32 $0x1B8B  }
0xa2: {  	_ =	swait.ge [sflag:s23], $0x1  }
0xa3: {  	[sflag:s23] =	ssyncset.done $0x0  }
0xa4: {  	s25 =	simm.s32 $0x1B8E;
	s24 =	sld [smem:$0x3FFE];
	[sflag:s23] =	ssyncadd.s32 $0xFFFFFFFF  }
0xa5: {  	s26 =	simm.s32 $execute0_lowered;
	[smem:$0x3FD2] =	sst s25  }
0xa6: {  	s4 =	sshll.u32 s26, $0x1;
	_ =	strace $0x80000046;
	[dreg:$0x1] =	wrdreg $0xFFFFFFFF  }
0xa7: {  	s28 =	simm.s32 $_size_execute0_lowered;
	s2 =	sadd.s32 s2, s4;
	[dreg:$0x0] =	wrdreg $0x0  }
0xa8: {  	s4 =	sshll.u32 s28, $0x1;
	[dreg:$0x2] =	wrdreg s2  }
0xa9: {  	[dreg:$0x3] =	wrdreg s4  }
0xaa: {  	[dreg:$0x4] =	wrdreg $0xC0  }
0xab: {  	_ =	task [dreg:s6], $0x5FFFF  }
0xac: {  	[dreg:$0x1] =	wrdreg $0xFFFFFFFF  }
0xad: {  	[dreg:$0x0] =	wrdreg $0x60  }
0xae: {  	[dreg:$0x2] =	wrdreg s24  }
0xaf: {  	[dreg:$0x3] =	wrdreg $0x68000  }
0xb0: {  	[dreg:$0x4] =	wrdreg $0x9  }
0xb1: {  	_ =	task.clear_ibuf [dreg:s6], $0x5FFFF;
	_ =	strace $0x90000046  }
0xb2: {  	s29 =	simm.s32 $0x9;
	_ =	strace $0x80000048  }
0xb3: {  	_ =	swait.ge [sflag:s29], $0x1  }
0xb4: {  	[sflag:s29] =	ssyncadd.s32 $0xFFFFFFFF  }
0xb5: {  	_ =	strace $0x90000048  }
0xb6: {  	_ =	sfence  }
0xb7: {  	s30 =	sld [smem:$0x0];
	_ =	sdelay $0x2  }
0xb8: {  	s31 =	sshll.u32 s1, $0xD;
	s1 =	sshrl.u32 s1, $0x2  }
0xb9: {  	s3 =	sand.u32 $0x4000, s31;
	s1 =	sadd.s32 s1, s30  }
0xba: {  	s0 =	sor.u32 s3, s0;
	s1 =	sshll.u32 s1, $0x11  }
0xbb: {  	s0 =	sor.u32 s1, s0  }
0xbc: {  	s0 =	sadd.s32 $0x8F2B, s0  }
0xbd: {  	[sflag:s0] =	ssyncadd.remote.s32 $0x1  }
0xbe: {  	_ =	sfence.sel $0xFFFF  }
0xbf: {  	[dreg:$0x0] =	wrdreg $0xFFFFFFFF;
	(pc) =	sbr.abs _section_cstart, $3  }
0xc0: {  	[dreg:$0x1] =	wrdreg $0xFFFFFFFF  }
0xc1: {  	_ =	task.clear_ibuf [dreg:s6], $0x2FFFF;
	_ =	strace $0x9FFFFFFF  }
0xc2: {  	(tm) =	ssettm $0x7FFFFFFF  }
0xc3: {  	_ =	shalt  }
tec
execute0_lowered:
.L_overlay_start_1:
0x0: {  	(tag) =	ssettag $0x1  }
0x1: {  	s5 =	rddreg [dreg:$0x0]  }
0x2: {  	s1 =	rddreg [dreg:$0x1]  }
0x3: {  	s0 =	rddreg [dreg:$0x2]  }
0x4: {  	s2 =	simm.s32 $0x0;
	s10 =	stileid.u32;
	s4 =	srdreg.scid  }
0x5: {  	[smem:$0x7FF] =	sst s2;
	s3 =	sshll.u32 s10, $0xB;
	s7 =	sand.u32 $0x1, s4  }
0x6: {  	s4 =	sadd.s32 $0x14A00, s5;
	s9 =	smul.u32 $0x4E000, s10;
	s11 =	sadd.s32 $0x17800, s5  }
0x7: {  	s13 =	sshll.u32 s10, $0x6;
	s14 =	smul.u32 $0x13800, s10;
	p0 =	sne.s32 s10, $0x0  }
0x8: {  	_ =	strace $0x80000047;
	s6 =	sadd.s32 s3, s5;
	s3 =	sadd.s32 $0x17200, s5  }
0x9: {  	s8 =	ssub.s32 $0x2, s7;
	s12 =	smul.u32 $0x138800, s7;
	s5 =	sor.u32 $0x1C01, s13  }
0xa: {  	s13 =	sadd.s32 $0x138000, s1;
	s7 =	sshll.u32 s7, $0xF;
	s28 =	sshrl.u32 s8, $0x1  }
0xb: {  	s9 =	sshrl.u32 s9, $0x2;
	s6 =	sadd.s32 s7, s6;
	s15 =	ssub.s32 s8, s28  }
0xc: {  	s16 =	sadd.s32 s9, s1;
	s29 =	sadd.s32 s14, s12;
	s31 =	sshrl.u32 s12, $0x3  }
0xd: {  	s6 =	sadd.s32 $0x4A00, s6;
	s12 =	sshrl.u32 @!p0 s13, $0x3;
	s13 =	simm.s32 $0x4000  }
0xe: {  	s14 =	simm.s32 $0x50;
	s30 =	sshrl.u32 s29, $0x3;
	s8 =	sadd.s32 s11, s31  }
0xf: {  	s9 =	smax.u32 s15, $0x1;
	s10 =	sshrl.u32 s16, $0x3;
	s15 =	simm.s32 $0x0  }
0x10: {  	s7 =	sadd.s32 s11, s30;
	s8 =	sadd.s32 $0x27000, s8;
	s11 =	simm.s32 $0x1  }
.LBB2_1:
0x11: {  	[spmem:s10], [sflag:s5] =	dma.local [hbm:s4], $0x2700  }
0x12: {  	_ =	swait.ge [sflag:s11], $0x2700  }
0x13: {  	[sflag:s11] =	ssyncset.done $0x0  }
0x14: {  	s16 =	simm.s32 @!p0 $0x1;
	[sflag:s11] =	ssyncadd.s32 $0xFFFFD900  }
0x15: {  	[spmem:s12], [sflag:s5] =	dma.local @!p0 [hbm:s4], $0x100  }
0x16: {  	_ =	swait.ge @!p0 [sflag:s16], $0x100  }
0x17: {  	[sflag:s16] =	ssyncset.done @!p0 $0x0  }
0x18: {  	[sflag:s16] =	ssyncadd.s32 @!p0 $0xFFFFFF00  }
0x19: {  	[tilespmem:s2], [sflag:$0x1] =	stream.linear.gather [hbm4b:s6+s2], $0x3E80, $0x38;
	[tilespmem:$0x1A080] =	vst v63  }
0x1a: {  	_ =	swait.ge [sflag:s11], $0x3E80  }
0x1b: {  	[sflag:s11] =	ssyncset.done $0x0  }
0x1c: {  	[sflag:s11] =	ssyncadd.s32 $0xFFFFC180  }
0x1d: {  	[tilespmem:s13], [sflag:$0x1] =	stream.linear.gather [hbm4b:s3+s2], $0x2800, $0x38;
	[tilespmem:$0x1A080] =	vst v63  }
0x1e: {  	_ =	swait.ge [sflag:s11], $0x2800  }
0x1f: {  	[sflag:s11] =	ssyncset.done $0x0  }
0x20: {  	[sflag:s11] =	ssyncadd.s32 $0xFFFFD800  }
0x21: {  	s31 =	simm.s32 $0x0;
	[bflag:$0x0] =	sbarrier.arrive $0xFFFF  }
0x22: {  	[spmem:s1] =	stream.indirect.scatter.add.f32 [tilespmem:s13], [sflag:$0x1], $0x80, s31, s14, $0xb8;
	[tilespmem:$0x1A080] =	vst v63  }
0x23: {  	_ =	swait.ge [sflag:s11], $0x2800  }
0x24: {  	s16 =	simm.s32 $0x200;
	[sflag:s11] =	ssyncset.done $0x0  }
.LBB2_2:
0x25: {  	s17 =	sshra.s32 s16, $0x2;
	[sflag:s11] =	ssyncadd.s32 $0xFFFFD800;
	p1 =	sne.s32 s16, $0xF800  }
0x26: {  	[spmem:s1] =	stream.indirect.scatter.add.f32 [tilespmem:s13], [sflag:$0x1], $0x80, s17, s14, $0xb8;
	[tilespmem:$0x1A080] =	vst v63  }
.Ltmp0:
0x27: {  	_ = 	snop;
	(pc) =	sbr.rel @p1 .LBB2_2-.Ltmp0, $4  }
0x28: {  	_ = 	snop  }
0x29: {  	s16 =	sadd.s32 $0x200, s16  }
0x2a: {  	_ =	swait.ge [sflag:s11], $0x2800  }
0x2b: {  	[sflag:s11] =	ssyncset.done $0x0  }
0x2c: {  	[sflag:s11] =	ssyncadd.s32 $0xFFFFD800  }
0x2d: {  	[bflag:$0x0] =	sbarrier.arrive $0xFFFF  }
0x2e: {  	[hbm:s7], [sflag:s5] =	dma.local [spmem:s10], $0x2700  }
0x2f: {  	s15 =	sadd.s32 $0x1, s15;
	_ =	swait.ge [sflag:s11], $0x2700  }
0x30: {  	p1 =	sne.s32 s15, s9;
	[sflag:s11] =	ssyncset.done $0x0  }
.Ltmp1:
0x31: {  	s16 =	simm.s32 @!p0 $0x1;
	[sflag:s11] =	ssyncadd.s32 $0xFFFFD900;
	(pc) =	sbr.rel @p1 .LBB2_1-.Ltmp1, $4  }
0x32: {  	[hbm:s8], [sflag:s5] =	dma.local @!p0 [spmem:s12], $0x100  }
0x33: {  	_ =	swait.ge @!p0 [sflag:s16], $0x100  }
0x34: {  	[sflag:s16] =	ssyncset.done @!p0 $0x0  }
0x35: {  	[sflag:s16] =	ssyncadd.s32 @!p0 $0xFFFFFF00  }
0x36: {  	_ =	sfence.sel $0x180000  }
0x37: {  	[bflag:$0x0] =	sbarrier.arrive $0xFFFF  }
0x38: {  	_ =	strace $0x90000047  }
0x39: {  	s0 =	sadd.s32 @!p0 $0x100000, s0;
	[bflag:$0x2] =	sbarrier.arrive $0xFFFF  }
0x3a: {  	[sflag:s0] =	ssyncadd.tile.s32 @!p0 $0x1;
	_ =	shalt  }
.Lfunc_end2:
_tile_overlayer_lowered:
.L_overlay_start_2:
0x3b: {  	(tag) =	ssettag $0x2  }
0x3c: {  	s0 =	rddreg [dreg:$0x0];
	s2 =	stileid.u32  }
0x3d: {  	s1 =	rddreg [dreg:$0x1];
	p0 =	sne.s32 s2, $0x0  }
0x3e: {  	s3 =	rddreg [dreg:$0x2];
	[bflag:$0x3] =	sbarrier.arrive $0xFFFF;
	s2 =	simm.s32 @!p0 $0x1C01  }
0x3f: {  	[timem:s3], [sflag:s2] =	dma.local @!p0 [hbm:s0], s1  }
0x40: {  	s0 =	simm.s32 @!p0 $0x1  }
0x41: {  	_ =	swait.ge @!p0 [sflag:s0], s1  }
0x42: {  	s1 =	ssub.s32 @!p0 $0x0, s1;
	[sflag:s0] =	ssyncset.done @!p0 $0x0  }
0x43: {  	[sflag:s0] =	ssyncadd.s32 @!p0 s1  }
0x44: {  	[bflag:$0x3] =	sbarrier.arrive $0xFFFF  }
0x45: {  	_ =	shalt  }

// kernel: kernel.16.cloned.1.call-start
scs
__scs_entry_jumppad:
0x0: {  	(pc) =	sbr.rel $0x88, $3  }
0x1: {  	(tag) =	ssettag $0x0;
	lr =	simm.s32 $0x1  }
0x2: {  	[smem:$0x3F8B] =	sst lr;
	_ =	strace $0xD0000000  }
0x3: {  	_ = 	snop  }
0x4: {  	_ = 	snop  }
0x5: {  	_ = 	snop  }
0x6: {  	_ = 	snop  }
0x7: {  	_ = 	snop  }
__scs_overlays_trampoline_lowered:
0x8: {  	[smem:$0x3F9A] =	sst s0  }
0x9: {  	[smem:$0x3F9B] =	sst s1  }
0xa: {  	[smem:$0x3F9C] =	sst s2  }
0xb: {  	[smem:$0x3F9D] =	sst s3  }
0xc: {  	[smem:$0x3F9E] =	sst s4  }
0xd: {  	[smem:$0x3F9F] =	sst s5  }
0xe: {  	[smem:$0x3FA0] =	sst s6  }
0xf: {  	[smem:$0x3FA1] =	sst s7  }
0x10: {  	[smem:$0x3FA2] =	sst s8  }
0x11: {  	[smem:$0x3FA3] =	sst s9;
	s0 =	simm.s32 @!p0 $0x0  }
0x12: {  	s1 =	sld [smem:$0x3F89];
	s0 =	simm.s32 @p0 $0x1  }
0x13: {  	[smem:$0x3FA4] =	sst s0;
	s0 =	simm.s32 @!p1 $0x0  }
0x14: {  	s2 =	sld [smem:$0x3F88];
	s0 =	simm.s32 @p1 $0x1  }
0x15: {  	[smem:$0x3FA5] =	sst s0;
	s0 =	simm.s32 @!p2 $0x0  }
0x16: {  	s3 =	sld [smem:$0x3FDB];
	s0 =	simm.s32 @p2 $0x1  }
0x17: {  	s4 =	simm.s32 $0x1BF5;
	[smem:$0x3FA7] =	sst s0  }
0x18: {  	s0 =	sld [smem:$0x3F8A];
	_ =	swait.ge [sflag:s4], $0x0  }
0x19: {  	s7 =	sld [smem:$0x3F8B]  }
0x1a: {  	s8 =	sadd.s32 $0xFFFFE003, lr  }
0x1b: {  	s9 =	sadd.s32 $0xFFFFFEF7, lr;
	s5 =	simm.s32 $0xFFFFFFFF;
	p2 =	slt.u32 s8, $0xFFFFF086  }
0x1c: {  	p1 =	slt.u32 s9, $0xF7A;
	s5 =	simm.s32 @!p2 $0x0  }
0x1d: {  	s5 =	simm.s32 @p1 $0x1;
	p0 =	seq.s32 s7, s2  }
0x1e: {  	s7 =	smul.u32 @!p0 $0xF7A, s2;
	p2 =	seq.s32 @!p0 s5, $0x0  }
0x1f: {  	s9 =	smul.u32 $0xF7A, s1;
	s8 =	simm.s32 @!p0 $0x1BF5;
	p2 =	por !p2, p0  }
0x20: {  	[sflag:s8] =	ssyncset.s32 @!p0 $0xFFFFF086;
	s6 =	sadd.s32 @!p0 s3, s7;
	s7 =	simm.s32 @!p0 $0x108  }
0x21: {  	s3 =	sadd.s32 s3, s9;
	s6 =	sadd.s32 @!p0 $0x88, s6;
	s7 =	simm.s32 @p2 $0x1082  }
0x22: {  	[simem:s7], [sflag:s8] =	dma.local @!p0 [hbm:s6], $0xF7A  }
0x23: {  	s9 =	sor.u32 $0xD0000000, s2;
	s6 =	simm.s32 $0x108;
	_ =	swait.ge @!p0 [sflag:s8], $0x0  }
0x24: {  	s3 =	sadd.s32 $0x88, s3;
	s6 =	simm.s32 @!p1 $0x1082;
	[sflag:s4] =	ssyncset.s32 $0xFFFFF086  }
0x25: {  	[simem:s6], [sflag:s4] =	dma.local [hbm:s3], $0xF7A  }
0x26: {  	[smem:$0x3F8B] =	sst s1;
	(tag) =	ssettag s2;
	_ =	strace s9  }
0x27: {  	s1 =	sld [smem:$0x3F9B]  }
0x28: {  	s2 =	sld [smem:$0x3F9C]  }
0x29: {  	s4 =	sld [smem:$0x3F9E]  }
0x2a: {  	p0 =	seq.s32 s5, $0x0;
	s5 =	sld [smem:$0x3F9F]  }
0x2b: {  	s6 =	sld [smem:$0x3FA0]  }
0x2c: {  	s7 =	sld [smem:$0x3FA1]  }
0x2d: {  	s3 =	simm.s32 $0x108;
	s8 =	sld [smem:$0x3FA2]  }
0x2e: {  	s3 =	simm.s32 @!p0 $0x1082;
	s9 =	sld [smem:$0x3FA3]  }
0x2f: {  	lr =	sadd.s32 s0, s3;
	s0 =	sld [smem:$0x3F9A]  }
0x30: {  	s3 =	sld [smem:$0x3F9D]  }
0x31: {  	[smem:$0x3FA6] =	sst s10  }
0x32: {  	s10 =	sld [smem:$0x3FA4];
	_ =	sdelay $0x3  }
0x33: {  	p0 =	seq.s32 s10, $0x1;
	s10 =	sld [smem:$0x3FA6];
	_ =	sdelay $0x3  }
0x34: {  	[smem:$0x3FA6] =	sst s10  }
0x35: {  	s10 =	sld [smem:$0x3FA5];
	_ =	sdelay $0x3  }
0x36: {  	p1 =	seq.s32 s10, $0x1;
	s10 =	sld [smem:$0x3FA6];
	_ =	sdelay $0x3  }
0x37: {  	[smem:$0x3FA6] =	sst s10  }
0x38: {  	s10 =	sld [smem:$0x3FA7]  }
0x39: {  	_ = 	snop;
	(pc) =	sbr.ind lr, $3  }
0x3a: {  	_ = 	snop  }
0x3b: {  	_ = 	snop  }
0x3c: {  	p2 =	seq.s32 s10, $0x1;
	s10 =	sld [smem:$0x3FA6]  }
0x3d: {  	_ =	shalt  }
0x3e: {  	_ =	shalt  }
0x3f: {  	_ =	shalt  }
0x40: {  	_ =	shalt  }
0x41: {  	_ =	shalt  }
0x42: {  	_ =	shalt  }
0x43: {  	_ =	shalt  }
0x44: {  	_ =	shalt  }
0x45: {  	_ =	shalt  }
0x46: {  	_ =	shalt  }
0x47: {  	_ =	shalt  }
0x48: {  	_ =	shalt  }
0x49: {  	_ =	shalt  }
0x4a: {  	_ =	shalt  }
0x4b: {  	_ =	shalt  }
0x4c: {  	_ =	shalt  }
0x4d: {  	_ =	shalt  }
0x4e: {  	_ =	shalt  }
0x4f: {  	_ =	shalt  }
0x50: {  	_ =	shalt  }
0x51: {  	_ =	shalt  }
0x52: {  	_ =	shalt  }
0x53: {  	_ =	shalt  }
0x54: {  	_ =	shalt  }
0x55: {  	_ =	shalt  }
0x56: {  	_ =	shalt  }
0x57: {  	_ =	shalt  }
0x58: {  	_ =	shalt  }
0x59: {  	_ =	shalt  }
0x5a: {  	_ =	shalt  }
0x5b: {  	_ =	shalt  }
0x5c: {  	_ =	shalt  }
0x5d: {  	_ =	shalt  }
0x5e: {  	_ =	shalt  }
0x5f: {  	_ =	shalt  }
0x60: {  	_ =	shalt  }
0x61: {  	_ =	shalt  }
0x62: {  	_ =	shalt  }
0x63: {  	_ =	shalt  }
0x64: {  	_ =	shalt  }
0x65: {  	_ =	shalt  }
0x66: {  	_ =	shalt  }
0x67: {  	_ =	shalt  }
0x68: {  	_ =	shalt  }
0x69: {  	_ =	shalt  }
0x6a: {  	_ =	shalt  }
0x6b: {  	_ =	shalt  }
0x6c: {  	_ =	shalt  }
0x6d: {  	_ =	shalt  }
0x6e: {  	_ =	shalt  }
0x6f: {  	_ =	shalt  }
0x70: {  	_ =	shalt  }
0x71: {  	_ =	shalt  }
0x72: {  	_ =	shalt  }
0x73: {  	_ =	shalt  }
0x74: {  	_ =	shalt  }
0x75: {  	_ =	shalt  }
0x76: {  	_ =	shalt  }
0x77: {  	_ =	shalt  }
0x78: {  	_ =	shalt  }
0x79: {  	_ =	shalt  }
0x7a: {  	_ =	shalt  }
0x7b: {  	_ =	shalt  }
0x7c: {  	_ =	shalt  }
0x7d: {  	_ =	shalt  }
0x7e: {  	_ =	shalt  }
0x7f: {  	_ =	shalt  }
0x80: {  	_ =	shalt  }
0x81: {  	_ =	shalt  }
0x82: {  	_ =	shalt  }
0x83: {  	_ =	shalt  }
0x84: {  	_ =	shalt  }
0x85: {  	_ =	shalt  }
0x86: {  	_ =	shalt  }
0x87: {  	_ =	shalt  }
.Lfunc_end0:
.L_simem_size_0:
called_computation.1_lowered:
.L_overlay_start_0:
0x88: {  	s2 =	sld [smem:$0x3FD9]  }
0x89: {  	s3 =	sld [smem:$0x3FFE];
	_ =	sdelay $0x1  }
0x8a: {  	s1 =	srdreg.scid  }
0x8b: {  	s0 =	sand.u32 $0x1, s1  }
0x8c: {  	s16 =	sshll.u32 s0, $0xA;
	s2 =	sadd.s32 s3, s2  }
0x8d: {  	s2 =	sadd.s32 s2, s16  }
0x8e: {  	[smem:$0x3FB2] =	sst s2  }
0x8f: {  	_ = 	snop  }
0x90: {  	(tm) =	ssettm $0x1  }
0x91: {  	s17 =	sld [smem:$0x3FFB];
	_ =	sdelay $0x3  }
0x92: {  	_ =	strace s17  }
0x93: {  	s2 =	sld [smem:$0x3FFC];
	_ =	sdelay $0x3  }
0x94: {  	_ =	strace s2  }
0x95: {  	s2 =	sld [smem:$0x3FFD];
	_ =	sdelay $0x3  }
0x96: {  	_ =	strace s2  }
0x97: {  	_ =	strace $0x8FFFFFFF  }
0x98: {  	s18 =	sld [smem:$0x3FDB];
	_ =	sdelay $0x1  }
0x99: {  	s19 =	simm.s32 $_scs_section_size  }
0x9a: {  	s4 =	simm.s32 $_size__tile_overlayer_lowered;
	s5 =	simm.s32 $_tile_overlayer_lowered  }
0x9b: {  	s22 =	simm.s32 $0x1BFF;
	s21 =	sshll.u32 s5, $0x1;
	s2 =	sadd.s32 s19, s18  }
0x9c: {  	s6 =	simm.s32 $0x0;
	s20 =	sshll.u32 s4, $0x1;
	s4 =	sadd.s32 s21, s2  }
0x9d: {  	[timem:s6], [sflag:s22] =	dma.local [hbm:s4], s20  }
0x9e: {  	_ =	swait.ge [sflag:s22], s20  }
0x9f: {  	s3 =	ssub.s32 $0x0, s20;
	[sflag:s22] =	ssyncset.done $0x0  }
0xa0: {  	[sflag:s22] =	ssyncadd.s32 s3;
	_ =	sdelay $0x1  }
0xa1: {  	s23 =	simm.s32 $0x1B8B  }
0xa2: {  	_ =	swait.ge [sflag:s23], $0x1  }
0xa3: {  	[sflag:s23] =	ssyncset.done $0x0  }
0xa4: {  	s25 =	simm.s32 $0x1B8E;
	s24 =	sld [smem:$0x3FFE];
	[sflag:s23] =	ssyncadd.s32 $0xFFFFFFFF  }
0xa5: {  	s26 =	simm.s32 $execute0_lowered;
	[smem:$0x3FD2] =	sst s25  }
0xa6: {  	s4 =	sshll.u32 s26, $0x1;
	_ =	strace $0x80000049;
	[dreg:$0x1] =	wrdreg $0xFFFFFFFF  }
0xa7: {  	s28 =	simm.s32 $_size_execute0_lowered;
	s2 =	sadd.s32 s2, s4;
	[dreg:$0x0] =	wrdreg $0x0  }
0xa8: {  	s4 =	sshll.u32 s28, $0x1;
	[dreg:$0x2] =	wrdreg s2  }
0xa9: {  	[dreg:$0x3] =	wrdreg s4  }
0xaa: {  	[dreg:$0x4] =	wrdreg $0xC0  }
0xab: {  	_ =	task [dreg:s6], $0x5FFFF  }
0xac: {  	[dreg:$0x1] =	wrdreg $0xFFFFFFFF  }
0xad: {  	[dreg:$0x0] =	wrdreg $0x60  }
0xae: {  	[dreg:$0x2] =	wrdreg s24  }
0xaf: {  	[dreg:$0x3] =	wrdreg $0x70000  }
0xb0: {  	[dreg:$0x4] =	wrdreg $0x9  }
0xb1: {  	_ =	task.clear_ibuf [dreg:s6], $0x5FFFF;
	_ =	strace $0x90000049  }
0xb2: {  	s29 =	simm.s32 $0x9;
	_ =	strace $0x8000004B  }
0xb3: {  	_ =	swait.ge [sflag:s29], $0x1  }
0xb4: {  	[sflag:s29] =	ssyncadd.s32 $0xFFFFFFFF  }
0xb5: {  	_ =	strace $0x9000004B  }
0xb6: {  	_ =	sfence  }
0xb7: {  	s30 =	sld [smem:$0x0];
	_ =	sdelay $0x2  }
0xb8: {  	s31 =	sshll.u32 s1, $0xD;
	s1 =	sshrl.u32 s1, $0x2  }
0xb9: {  	s3 =	sand.u32 $0x4000, s31;
	s1 =	sadd.s32 s1, s30  }
0xba: {  	s0 =	sor.u32 s3, s0;
	s1 =	sshll.u32 s1, $0x11  }
0xbb: {  	s0 =	sor.u32 s1, s0  }
0xbc: {  	s0 =	sadd.s32 $0x8F2B, s0  }
0xbd: {  	[sflag:s0] =	ssyncadd.remote.s32 $0x1  }
0xbe: {  	_ =	sfence.sel $0xFFFF  }
0xbf: {  	[dreg:$0x0] =	wrdreg $0xFFFFFFFF;
	(pc) =	sbr.abs _section_cstart, $3  }
0xc0: {  	[dreg:$0x1] =	wrdreg $0xFFFFFFFF  }
0xc1: {  	_ =	task.clear_ibuf [dreg:s6], $0x2FFFF;
	_ =	strace $0x9FFFFFFF  }
0xc2: {  	(tm) =	ssettm $0x7FFFFFFF  }
0xc3: {  	_ =	shalt  }
tec
execute0_lowered:
.L_overlay_start_1:
0x0: {  	(tag) =	ssettag $0x1  }
0x1: {  	s0 =	rddreg [dreg:$0x0]  }
0x2: {  	s1 =	rddreg [dreg:$0x1];
	s2 =	simm.s32 $0x0;
	s4 =	srdreg.scid  }
0x3: {  	s21 =	stileid.u32;
	s28 =	simm.s32 $0x2;
	s29 =	simm.s32 $0x1C00  }
0x4: {  	s30 =	simm.s32 $0x0;
	[smem:$0x7FF] =	sst s2;
	s3 =	sadd.s32 $0x17200, s0  }
0x5: {  	s5 =	sadd.s32 $0x79A00, s0;
	s7 =	sadd.s32 $0x65A00, s0;
	s12 =	sand.u32 $0x1, s4  }
0x6: {  	s4 =	sadd.s32 $0x14A00, s0;
	s8 =	smul.u32 $0x4E000, s21;
	s0 =	sadd.s32 $0x8DA00, s0  }
0x7: {  	s22 =	sshll.u32 s21, $0x6;
	s23 =	sadd.s32 $0x138000, s1;
	s18 =	smul.u32 $0x13800, s21  }
0x8: {  	p0 =	sne.s32 s21, $0x0;
	_ =	strace $0x8000004A;
	s6 =	sshll.u32 s12, $0x4  }
0x9: {  	s9 =	ssub.s32 $0x2, s12;
	[dreg:$0x4] =	wrdreg s23;
	s17 =	smul.u32 $0x138800, s12  }
0xa: {  	s23 =	simm.s32 $0x50;
	s6 =	sor.u32 s21, s6;
	s10 =	sshrl.u32 s9, $0x1  }
0xb: {  	s8 =	sshrl.u32 s8, $0x2;
	s21 =	simm.s32 $0x3;
	s11 =	smul.u32 $0x5000, s6  }
0xc: {  	s20 =	ssub.s32 s9, s10;
	s19 =	sadd.s32 s8, s1;
	s6 =	sor.u32 $0x1C03, s22  }
0xd: {  	s18 =	sadd.s32 s18, s17;
	s22 =	sshrl.u32 s17, $0x3;
	[dreg:$0x3] =	wrdreg s19  }
0xe: {  	s31 =	sshrl.u32 s18, $0x3;
	s20 =	smax.u32 s20, $0x1;
	s16 =	sshrl.u32 s11, $0x3  }
0xf: {  	s18 =	sadd.s32 s0, s31;
	s0 =	sadd.s32 s0, s22;
	s22 =	simm.s32 $0x1000  }
0x10: {  	s24 =	sadd.s32 s5, s16;
	s25 =	sadd.s32 s7, s16;
	s11 =	sadd.s32 $0x200, s16  }
0x11: {  	s13 =	sadd.s32 $0x400, s16;
	s15 =	sadd.s32 $0x600, s16;
	[dreg:$0x5] =	wrdreg s24  }
0x12: {  	s19 =	sadd.s32 $0x800, s16;
	[dreg:$0x6] =	wrdreg s25;
	s26 =	sadd.s32 s5, s11  }
0x13: {  	s11 =	sadd.s32 s7, s11;
	s12 =	sadd.s32 s5, s13;
	s13 =	sadd.s32 s7, s13  }
0x14: {  	s14 =	sadd.s32 s5, s15;
	s15 =	sadd.s32 s7, s15;
	s16 =	sadd.s32 s5, s19  }
0x15: {  	s17 =	sadd.s32 s7, s19;
	s19 =	sadd.s32 $0x27000, s0;
	s24 =	simm.s32 $0x2000  }
0x16: {  	s25 =	simm.s32 $0x4800;
	[dreg:$0x7] =	wrdreg s26;
	s26 =	simm.s32 $0x1  }
.LBB2_1:
0x17: {  	s0 =	rddreg [dreg:$0x3]  }
0x18: {  	s31 =	sshrl.u32 s0, $0x3  }
0x19: {  	[spmem:s31], [sflag:s6] =	dma.local [hbm:s4], $0x2700  }
0x1a: {  	_ =	swait.ge [sflag:s21], $0x2700  }
0x1b: {  	[sflag:s21] =	ssyncset.done $0x0;
	s0 =	rddreg [dreg:$0x4]  }
0x1c: {  	s5 =	simm.s32 @!p0 $0x3;
	[sflag:s21] =	ssyncadd.s32 $0xFFFFD900;
	s0 =	sshrl.u32 @!p0 s0, $0x3  }
0x1d: {  	[spmem:s0], [sflag:s6] =	dma.local @!p0 [hbm:s4], $0x100  }
0x1e: {  	_ =	swait.ge @!p0 [sflag:s5], $0x100  }
0x1f: {  	[sflag:s5] =	ssyncset.done @!p0 $0x0  }
0x20: {  	[sflag:s5] =	ssyncadd.s32 @!p0 $0xFFFFFF00  }
0x21: {  	[bflag:$0x0] =	sbarrier.arrive $0xFFFF  }
0x22: {  	s9 =	rddreg [dreg:$0x5]  }
0x23: {  	[tilespmem:s2], [sflag:$0x3] =	stream.linear.gather [hbm4b:s9+s2], $0xC80, $0x38;
	[tilespmem:$0x1A880] =	vst v63  }
0x24: {  	_ =	swait.ge [sflag:s21], $0xC80  }
0x25: {  	[sflag:s21] =	ssyncset.done $0x0  }
0x26: {  	s10 =	rddreg [dreg:$0x6];
	[sflag:s21] =	ssyncadd.s32 $0xFFFFF380  }
0x27: {  	[tilespmem:s22], [sflag:$0x3] =	stream.linear.gather [hbm4b:s10+s2], $0xC80, $0x38;
	[tilespmem:$0x1A880] =	vst v63  }
0x28: {  	_ =	swait.ge [sflag:s21], $0xC80  }
0x29: {  	[sflag:s21] =	ssyncset.done $0x0  }
0x2a: {  	[sflag:s21] =	ssyncadd.s32 $0xFFFFF380  }
0x2b: {  	[tilespmem:s24], [sflag:$0x1] =	stream.indirect.gather [hbm4b:s3+s23], $0x80, s2, s23, $0xb8;
	[tilespmem:$0x1A880] =	vst v63  }
0x2c: {  	s7 =	simm.s32 $0x80  }
0x2d: {  	[tilespmem:s25], [sflag:$0x2] =	stream.indirect.gather [hbm4b:s3+s23], $0x80, s7, s23, $0xb8;
	[tilespmem:$0x1A880] =	vst v63  }
0x2e: {  	_ =	swait.ge [sflag:s26], $0x2800  }
0x2f: {  	[sflag:s26] =	ssyncset.done $0x0  }
0x30: {  	s8 =	simm.s32 $0x1000;
	[sflag:s26] =	ssyncadd.s32 $0xFFFFD800  }
0x31: {  	[spmem:s1] =	stream.indirect.scatter.add.f32 [tilespmem:s24], [sflag:$0x3], $0x80, s8, s23, $0xb8;
	[tilespmem:$0x1A880] =	vst v63  }
0x32: {  	_ =	swait.ge [sflag:s21], $0x2800  }
0x33: {  	[sflag:s21] =	ssyncset.done $0x0  }
0x34: {  	s9 =	simm.s32 $0x100;
	[sflag:s21] =	ssyncadd.s32 $0xFFFFD800  }
0x35: {  	[tilespmem:s24], [sflag:$0x1] =	stream.indirect.gather [hbm4b:s3+s23], $0x80, s9, s23, $0xb8;
	[tilespmem:$0x1A880] =	vst v63  }
0x36: {  	_ =	swait.ge [sflag:s28], $0x2800  }
0x37: {  	[sflag:s28] =	ssyncset.done $0x0  }
0x38: {  	s10 =	simm.s32 $0x1080;
	[sflag:s28] =	ssyncadd.s32 $0xFFFFD800  }
0x39: {  	[spmem:s1] =	stream.indirect.scatter.add.f32 [tilespmem:s25], [sflag:$0x3], $0x80, s10, s23, $0xb8;
	[tilespmem:$0x1A880] =	vst v63  }
0x3a: {  	_ =	swait.ge [sflag:s21], $0x2800  }
0x3b: {  	s5 =	simm.s32 $0x100;
	s7 =	simm.s32 $0x800;
	[sflag:s21] =	ssyncset.done $0x0  }
.LBB2_2:
0x3c: {  	s8 =	sadd.s32 $0x80, s5  }
0x3d: {  	[sflag:s21] =	ssyncadd.s32 $0xFFFFD800;
	s9 =	smov.u32 s7;
	s10 =	sadd.s32 $0x400, s7  }
0x3e: {  	[tilespmem:s25], [sflag:$0x2] =	stream.indirect.gather [hbm4b:s3+s23], $0x80, s8, s23, $0xb8;
	[tilespmem:$0x1A880] =	vst v63  }
0x3f: {  	p1 =	sne.s32 s7, $0x2C00;
	_ =	swait.ge [sflag:s26], $0x2800  }
0x40: {  	[sflag:s26] =	ssyncset.done $0x0  }
0x41: {  	s7 =	sadd.s32 $0x1000, s5;
	[sflag:s26] =	ssyncadd.s32 $0xFFFFD800  }
0x42: {  	[spmem:s1] =	stream.indirect.scatter.add.f32 [tilespmem:s24], [sflag:$0x3], $0x80, s7, s23, $0xb8;
	[tilespmem:$0x1A880] =	vst v63  }
0x43: {  	_ =	swait.ge [sflag:s21], $0x2800  }
0x44: {  	[sflag:s21] =	ssyncset.done $0x0  }
0x45: {  	s7 =	sadd.s32 $0x100, s5;
	[sflag:s21] =	ssyncadd.s32 $0xFFFFD800  }
0x46: {  	[tilespmem:s24], [sflag:$0x1] =	stream.indirect.gather [hbm4b:s3+s23], $0x80, s7, s23, $0xb8;
	[tilespmem:$0x1A880] =	vst v63  }
0x47: {  	_ =	swait.ge [sflag:s28], $0x2800  }
.Ltmp0:
0x48: {  	[sflag:s28] =	ssyncset.done $0x0;
	(pc) =	sbr.rel @p1 .LBB2_2-.Ltmp0, $4  }
0x49: {  	s5 =	sadd.s32 $0x1080, s5;
	[sflag:s28] =	ssyncadd.s32 $0xFFFFD800  }
0x4a: {  	[spmem:s1] =	stream.indirect.scatter.add.f32 [tilespmem:s25], [sflag:$0x3], $0x80, s5, s23, $0xb8;
	[tilespmem:$0x1A880] =	vst v63  }
0x4b: {  	_ =	swait.ge [sflag:s21], $0x2800  }
0x4c: {  	s7 =	smov.u32 s10;
	s5 =	sshra.s32 s9, $0x2;
	[sflag:s21] =	ssyncset.done $0x0  }
0x4d: {  	s7 =	sadd.s32 $0x80, s5;
	[sflag:s21] =	ssyncadd.s32 $0xFFFFD800  }
0x4e: {  	[tilespmem:s25], [sflag:$0x2] =	stream.indirect.gather [hbm4b:s3+s23], $0x80, s7, s23, $0xb8;
	[tilespmem:$0x1A880] =	vst v63  }
0x4f: {  	_ =	swait.ge [sflag:s26], $0x2800  }
0x50: {  	[sflag:s26] =	ssyncset.done $0x0  }
0x51: {  	s9 =	sadd.s32 $0x1000, s5;
	[sflag:s26] =	ssyncadd.s32 $0xFFFFD800  }
0x52: {  	[spmem:s1] =	stream.indirect.scatter.add.f32 [tilespmem:s24], [sflag:$0x3], $0x80, s9, s23, $0xb8;
	[tilespmem:$0x1A880] =	vst v63  }
0x53: {  	_ =	swait.ge [sflag:s21], $0x2800  }
0x54: {  	[sflag:s21] =	ssyncset.done $0x0  }
0x55: {  	s10 =	sadd.s32 $0x100, s5;
	[sflag:s21] =	ssyncadd.s32 $0xFFFFD800  }
0x56: {  	[tilespmem:s24], [sflag:$0x1] =	stream.indirect.gather [hbm4b:s3+s23], $0x80, s10, s23, $0xb8;
	[tilespmem:$0x1A880] =	vst v63  }
0x57: {  	_ =	swait.ge [sflag:s28], $0x2800  }
0x58: {  	[sflag:s28] =	ssyncset.done $0x0  }
0x59: {  	s8 =	sadd.s32 $0x1080, s5;
	[sflag:s28] =	ssyncadd.s32 $0xFFFFD800  }
0x5a: {  	[spmem:s1] =	stream.indirect.scatter.add.f32 [tilespmem:s25], [sflag:$0x3], $0x80, s8, s23, $0xb8;
	[tilespmem:$0x1A880] =	vst v63  }
0x5b: {  	_ =	swait.ge [sflag:s21], $0x2800  }
0x5c: {  	[sflag:s21] =	ssyncset.done $0x0  }
0x5d: {  	[sflag:s21] =	ssyncadd.s32 $0xFFFFD800  }
0x5e: {  	_ =	swait.ge [sflag:s26], $0x2800  }
0x5f: {  	[sflag:s26] =	ssyncset.done $0x0  }
0x60: {  	[sflag:s26] =	ssyncadd.s32 $0xFFFFD800  }
0x61: {  	[spmem:s1] =	stream.indirect.scatter.add.f32 [tilespmem:s24], [sflag:$0x3], $0x80, s29, s23, $0xb8;
	[tilespmem:$0x1A880] =	vst v63  }
0x62: {  	_ =	swait.ge [sflag:s21], $0x2800  }
0x63: {  	[sflag:s21] =	ssyncset.done $0x0  }
0x64: {  	s9 =	simm.s32 $0x0;
	s10 =	rddreg [dreg:$0x7];
	[sflag:s21] =	ssyncadd.s32 $0xFFFFD800  }
0x65: {  	[tilespmem:s9], [sflag:$0x3] =	stream.linear.gather [hbm4b:s10+s9], $0xC80, $0x38;
	[tilespmem:$0x1A880] =	vst v63  }
0x66: {  	_ =	swait.ge [sflag:s21], $0xC80  }
0x67: {  	[sflag:s21] =	ssyncset.done $0x0  }
0x68: {  	[sflag:s21] =	ssyncadd.s32 $0xFFFFF380  }
0x69: {  	[tilespmem:s22], [sflag:$0x3] =	stream.linear.gather [hbm4b:s11+s9], $0xC80, $0x38;
	[tilespmem:$0x1A880] =	vst v63  }
0x6a: {  	_ =	swait.ge [sflag:s21], $0xC80  }
0x6b: {  	[sflag:s21] =	ssyncset.done $0x0  }
0x6c: {  	[sflag:s21] =	ssyncadd.s32 $0xFFFFF380  }
0x6d: {  	[tilespmem:s24], [sflag:$0x1] =	stream.indirect.gather [hbm4b:s3+s23], $0x80, s9, s23, $0xb8;
	[tilespmem:$0x1A880] =	vst v63  }
0x6e: {  	s7 =	simm.s32 $0x80  }
0x6f: {  	[tilespmem:s25], [sflag:$0x2] =	stream.indirect.gather [hbm4b:s3+s23], $0x80, s7, s23, $0xb8;
	[tilespmem:$0x1A880] =	vst v63  }
0x70: {  	_ =	swait.ge [sflag:s26], $0x2800  }
0x71: {  	[sflag:s26] =	ssyncset.done $0x0  }
0x72: {  	s8 =	simm.s32 $0x1000;
	[sflag:s26] =	ssyncadd.s32 $0xFFFFD800  }
0x73: {  	[spmem:s1] =	stream.indirect.scatter.add.f32 [tilespmem:s24], [sflag:$0x3], $0x80, s8, s23, $0xb8;
	[tilespmem:$0x1A880] =	vst v63  }
0x74: {  	_ =	swait.ge [sflag:s21], $0x2800  }
0x75: {  	[sflag:s21] =	ssyncset.done $0x0  }
0x76: {  	s9 =	simm.s32 $0x100;
	[sflag:s21] =	ssyncadd.s32 $0xFFFFD800  }
0x77: {  	[tilespmem:s24], [sflag:$0x1] =	stream.indirect.gather [hbm4b:s3+s23], $0x80, s9, s23, $0xb8;
	[tilespmem:$0x1A880] =	vst v63  }
0x78: {  	_ =	swait.ge [sflag:s28], $0x2800  }
0x79: {  	[sflag:s28] =	ssyncset.done $0x0  }
0x7a: {  	s10 =	simm.s32 $0x1080;
	[sflag:s28] =	ssyncadd.s32 $0xFFFFD800  }
0x7b: {  	[spmem:s1] =	stream.indirect.scatter.add.f32 [tilespmem:s25], [sflag:$0x3], $0x80, s10, s23, $0xb8;
	[tilespmem:$0x1A880] =	vst v63  }
0x7c: {  	_ =	swait.ge [sflag:s21], $0x2800  }
0x7d: {  	s5 =	simm.s32 $0x100;
	s7 =	simm.s32 $0x800;
	[sflag:s21] =	ssyncset.done $0x0  }
.LBB2_4:
0x7e: {  	s8 =	sadd.s32 $0x80, s5  }
0x7f: {  	[sflag:s21] =	ssyncadd.s32 $0xFFFFD800;
	s9 =	smov.u32 s7;
	s10 =	sadd.s32 $0x400, s7  }
0x80: {  	[tilespmem:s25], [sflag:$0x2] =	stream.indirect.gather [hbm4b:s3+s23], $0x80, s8, s23, $0xb8;
	[tilespmem:$0x1A880] =	vst v63  }
0x81: {  	p1 =	sne.s32 s7, $0x2C00;
	_ =	swait.ge [sflag:s26], $0x2800  }
0x82: {  	[sflag:s26] =	ssyncset.done $0x0  }
0x83: {  	s7 =	sadd.s32 $0x1000, s5;
	[sflag:s26] =	ssyncadd.s32 $0xFFFFD800  }
0x84: {  	[spmem:s1] =	stream.indirect.scatter.add.f32 [tilespmem:s24], [sflag:$0x3], $0x80, s7, s23, $0xb8;
	[tilespmem:$0x1A880] =	vst v63  }
0x85: {  	_ =	swait.ge [sflag:s21], $0x2800  }
0x86: {  	[sflag:s21] =	ssyncset.done $0x0  }
0x87: {  	s7 =	sadd.s32 $0x100, s5;
	[sflag:s21] =	ssyncadd.s32 $0xFFFFD800  }
0x88: {  	[tilespmem:s24], [sflag:$0x1] =	stream.indirect.gather [hbm4b:s3+s23], $0x80, s7, s23, $0xb8;
	[tilespmem:$0x1A880] =	vst v63  }
0x89: {  	_ =	swait.ge [sflag:s28], $0x2800  }
.Ltmp1:
0x8a: {  	[sflag:s28] =	ssyncset.done $0x0;
	(pc) =	sbr.rel @p1 .LBB2_4-.Ltmp1, $4  }
0x8b: {  	s5 =	sadd.s32 $0x1080, s5;
	[sflag:s28] =	ssyncadd.s32 $0xFFFFD800  }
0x8c: {  	[spmem:s1] =	stream.indirect.scatter.add.f32 [tilespmem:s25], [sflag:$0x3], $0x80, s5, s23, $0xb8;
	[tilespmem:$0x1A880] =	vst v63  }
0x8d: {  	_ =	swait.ge [sflag:s21], $0x2800  }
0x8e: {  	s7 =	smov.u32 s10;
	s5 =	sshra.s32 s9, $0x2;
	[sflag:s21] =	ssyncset.done $0x0  }
0x8f: {  	s7 =	sadd.s32 $0x80, s5;
	[sflag:s21] =	ssyncadd.s32 $0xFFFFD800  }
0x90: {  	[tilespmem:s25], [sflag:$0x2] =	stream.indirect.gather [hbm4b:s3+s23], $0x80, s7, s23, $0xb8;
	[tilespmem:$0x1A880] =	vst v63  }
0x91: {  	_ =	swait.ge [sflag:s26], $0x2800  }
0x92: {  	[sflag:s26] =	ssyncset.done $0x0  }
0x93: {  	s10 =	sadd.s32 $0x1000, s5;
	[sflag:s26] =	ssyncadd.s32 $0xFFFFD800  }
0x94: {  	[spmem:s1] =	stream.indirect.scatter.add.f32 [tilespmem:s24], [sflag:$0x3], $0x80, s10, s23, $0xb8;
	[tilespmem:$0x1A880] =	vst v63  }
0x95: {  	_ =	swait.ge [sflag:s21], $0x2800  }
0x96: {  	[sflag:s21] =	ssyncset.done $0x0  }
0x97: {  	s8 =	sadd.s32 $0x100, s5;
	[sflag:s21] =	ssyncadd.s32 $0xFFFFD800  }
0x98: {  	[tilespmem:s24], [sflag:$0x1] =	stream.indirect.gather [hbm4b:s3+s23], $0x80, s8, s23, $0xb8;
	[tilespmem:$0x1A880] =	vst v63  }
0x99: {  	_ =	swait.ge [sflag:s28], $0x2800  }
0x9a: {  	[sflag:s28] =	ssyncset.done $0x0  }
0x9b: {  	s9 =	sadd.s32 $0x1080, s5;
	[sflag:s28] =	ssyncadd.s32 $0xFFFFD800  }
0x9c: {  	[spmem:s1] =	stream.indirect.scatter.add.f32 [tilespmem:s25], [sflag:$0x3], $0x80, s9, s23, $0xb8;
	[tilespmem:$0x1A880] =	vst v63  }
0x9d: {  	_ =	swait.ge [sflag:s21], $0x2800  }
0x9e: {  	[sflag:s21] =	ssyncset.done $0x0  }
0x9f: {  	[sflag:s21] =	ssyncadd.s32 $0xFFFFD800  }
0xa0: {  	_ =	swait.ge [sflag:s26], $0x2800  }
0xa1: {  	[sflag:s26] =	ssyncset.done $0x0  }
0xa2: {  	[sflag:s26] =	ssyncadd.s32 $0xFFFFD800  }
0xa3: {  	[spmem:s1] =	stream.indirect.scatter.add.f32 [tilespmem:s24], [sflag:$0x3], $0x80, s29, s23, $0xb8;
	[tilespmem:$0x1A880] =	vst v63  }
0xa4: {  	_ =	swait.ge [sflag:s21], $0x2800  }
0xa5: {  	[sflag:s21] =	ssyncset.done $0x0  }
0xa6: {  	s10 =	simm.s32 $0x0;
	[sflag:s21] =	ssyncadd.s32 $0xFFFFD800  }
0xa7: {  	[tilespmem:s10], [sflag:$0x3] =	stream.linear.gather [hbm4b:s12+s10], $0xC80, $0x38;
	[tilespmem:$0x1A880] =	vst v63  }
0xa8: {  	_ =	swait.ge [sflag:s21], $0xC80  }
0xa9: {  	[sflag:s21] =	ssyncset.done $0x0  }
0xaa: {  	[sflag:s21] =	ssyncadd.s32 $0xFFFFF380  }
0xab: {  	[tilespmem:s22], [sflag:$0x3] =	stream.linear.gather [hbm4b:s13+s10], $0xC80, $0x38;
	[tilespmem:$0x1A880] =	vst v63  }
0xac: {  	_ =	swait.ge [sflag:s21], $0xC80  }
0xad: {  	[sflag:s21] =	ssyncset.done $0x0  }
0xae: {  	[sflag:s21] =	ssyncadd.s32 $0xFFFFF380  }
0xaf: {  	[tilespmem:s24], [sflag:$0x1] =	stream.indirect.gather [hbm4b:s3+s23], $0x80, s10, s23, $0xb8;
	[tilespmem:$0x1A880] =	vst v63  }
0xb0: {  	s7 =	simm.s32 $0x80  }
0xb1: {  	[tilespmem:s25], [sflag:$0x2] =	stream.indirect.gather [hbm4b:s3+s23], $0x80, s7, s23, $0xb8;
	[tilespmem:$0x1A880] =	vst v63  }
0xb2: {  	_ =	swait.ge [sflag:s26], $0x2800  }
0xb3: {  	[sflag:s26] =	ssyncset.done $0x0  }
0xb4: {  	s8 =	simm.s32 $0x1000;
	[sflag:s26] =	ssyncadd.s32 $0xFFFFD800  }
0xb5: {  	[spmem:s1] =	stream.indirect.scatter.add.f32 [tilespmem:s24], [sflag:$0x3], $0x80, s8, s23, $0xb8;
	[tilespmem:$0x1A880] =	vst v63  }
0xb6: {  	_ =	swait.ge [sflag:s21], $0x2800  }
0xb7: {  	[sflag:s21] =	ssyncset.done $0x0  }
0xb8: {  	s9 =	simm.s32 $0x100;
	[sflag:s21] =	ssyncadd.s32 $0xFFFFD800  }
0xb9: {  	[tilespmem:s24], [sflag:$0x1] =	stream.indirect.gather [hbm4b:s3+s23], $0x80, s9, s23, $0xb8;
	[tilespmem:$0x1A880] =	vst v63  }
0xba: {  	_ =	swait.ge [sflag:s28], $0x2800  }
0xbb: {  	[sflag:s28] =	ssyncset.done $0x0  }
0xbc: {  	s10 =	simm.s32 $0x1080;
	[sflag:s28] =	ssyncadd.s32 $0xFFFFD800  }
0xbd: {  	[spmem:s1] =	stream.indirect.scatter.add.f32 [tilespmem:s25], [sflag:$0x3], $0x80, s10, s23, $0xb8;
	[tilespmem:$0x1A880] =	vst v63  }
0xbe: {  	_ =	swait.ge [sflag:s21], $0x2800  }
0xbf: {  	s5 =	simm.s32 $0x100;
	s7 =	simm.s32 $0x800;
	[sflag:s21] =	ssyncset.done $0x0  }
.LBB2_6:
0xc0: {  	s8 =	sadd.s32 $0x80, s5  }
0xc1: {  	[sflag:s21] =	ssyncadd.s32 $0xFFFFD800;
	s9 =	smov.u32 s7;
	s10 =	sadd.s32 $0x400, s7  }
0xc2: {  	[tilespmem:s25], [sflag:$0x2] =	stream.indirect.gather [hbm4b:s3+s23], $0x80, s8, s23, $0xb8;
	[tilespmem:$0x1A880] =	vst v63  }
0xc3: {  	p1 =	sne.s32 s7, $0x2C00;
	_ =	swait.ge [sflag:s26], $0x2800  }
0xc4: {  	[sflag:s26] =	ssyncset.done $0x0  }
0xc5: {  	s7 =	sadd.s32 $0x1000, s5;
	[sflag:s26] =	ssyncadd.s32 $0xFFFFD800  }
0xc6: {  	[spmem:s1] =	stream.indirect.scatter.add.f32 [tilespmem:s24], [sflag:$0x3], $0x80, s7, s23, $0xb8;
	[tilespmem:$0x1A880] =	vst v63  }
0xc7: {  	_ =	swait.ge [sflag:s21], $0x2800  }
0xc8: {  	[sflag:s21] =	ssyncset.done $0x0  }
0xc9: {  	s7 =	sadd.s32 $0x100, s5;
	[sflag:s21] =	ssyncadd.s32 $0xFFFFD800  }
0xca: {  	[tilespmem:s24], [sflag:$0x1] =	stream.indirect.gather [hbm4b:s3+s23], $0x80, s7, s23, $0xb8;
	[tilespmem:$0x1A880] =	vst v63  }
0xcb: {  	_ =	swait.ge [sflag:s28], $0x2800  }
.Ltmp2:
0xcc: {  	[sflag:s28] =	ssyncset.done $0x0;
	(pc) =	sbr.rel @p1 .LBB2_6-.Ltmp2, $4  }
0xcd: {  	s5 =	sadd.s32 $0x1080, s5;
	[sflag:s28] =	ssyncadd.s32 $0xFFFFD800  }
0xce: {  	[spmem:s1] =	stream.indirect.scatter.add.f32 [tilespmem:s25], [sflag:$0x3], $0x80, s5, s23, $0xb8;
	[tilespmem:$0x1A880] =	vst v63  }
0xcf: {  	_ =	swait.ge [sflag:s21], $0x2800  }
0xd0: {  	s7 =	smov.u32 s10;
	s5 =	sshra.s32 s9, $0x2;
	[sflag:s21] =	ssyncset.done $0x0  }
0xd1: {  	s7 =	sadd.s32 $0x80, s5;
	[sflag:s21] =	ssyncadd.s32 $0xFFFFD800  }
0xd2: {  	[tilespmem:s25], [sflag:$0x2] =	stream.indirect.gather [hbm4b:s3+s23], $0x80, s7, s23, $0xb8;
	[tilespmem:$0x1A880] =	vst v63  }
0xd3: {  	_ =	swait.ge [sflag:s26], $0x2800  }
0xd4: {  	[sflag:s26] =	ssyncset.done $0x0  }
0xd5: {  	s10 =	sadd.s32 $0x1000, s5;
	[sflag:s26] =	ssyncadd.s32 $0xFFFFD800  }
0xd6: {  	[spmem:s1] =	stream.indirect.scatter.add.f32 [tilespmem:s24], [sflag:$0x3], $0x80, s10, s23, $0xb8;
	[tilespmem:$0x1A880] =	vst v63  }
0xd7: {  	_ =	swait.ge [sflag:s21], $0x2800  }
0xd8: {  	[sflag:s21] =	ssyncset.done $0x0  }
0xd9: {  	s8 =	sadd.s32 $0x100, s5;
	[sflag:s21] =	ssyncadd.s32 $0xFFFFD800  }
0xda: {  	[tilespmem:s24], [sflag:$0x1] =	stream.indirect.gather [hbm4b:s3+s23], $0x80, s8, s23, $0xb8;
	[tilespmem:$0x1A880] =	vst v63  }
0xdb: {  	_ =	swait.ge [sflag:s28], $0x2800  }
0xdc: {  	[sflag:s28] =	ssyncset.done $0x0  }
0xdd: {  	s9 =	sadd.s32 $0x1080, s5;
	[sflag:s28] =	ssyncadd.s32 $0xFFFFD800  }
0xde: {  	[spmem:s1] =	stream.indirect.scatter.add.f32 [tilespmem:s25], [sflag:$0x3], $0x80, s9, s23, $0xb8;
	[tilespmem:$0x1A880] =	vst v63  }
0xdf: {  	_ =	swait.ge [sflag:s21], $0x2800  }
0xe0: {  	[sflag:s21] =	ssyncset.done $0x0  }
0xe1: {  	[sflag:s21] =	ssyncadd.s32 $0xFFFFD800  }
0xe2: {  	_ =	swait.ge [sflag:s26], $0x2800  }
0xe3: {  	[sflag:s26] =	ssyncset.done $0x0  }
0xe4: {  	[sflag:s26] =	ssyncadd.s32 $0xFFFFD800  }
0xe5: {  	[spmem:s1] =	stream.indirect.scatter.add.f32 [tilespmem:s24], [sflag:$0x3], $0x80, s29, s23, $0xb8;
	[tilespmem:$0x1A880] =	vst v63  }
0xe6: {  	_ =	swait.ge [sflag:s21], $0x2800  }
0xe7: {  	[sflag:s21] =	ssyncset.done $0x0  }
0xe8: {  	s10 =	simm.s32 $0x0;
	[sflag:s21] =	ssyncadd.s32 $0xFFFFD800  }
0xe9: {  	[tilespmem:s10], [sflag:$0x3] =	stream.linear.gather [hbm4b:s14+s10], $0xC80, $0x38;
	[tilespmem:$0x1A880] =	vst v63  }
0xea: {  	_ =	swait.ge [sflag:s21], $0xC80  }
0xeb: {  	[sflag:s21] =	ssyncset.done $0x0  }
0xec: {  	[sflag:s21] =	ssyncadd.s32 $0xFFFFF380  }
0xed: {  	[tilespmem:s22], [sflag:$0x3] =	stream.linear.gather [hbm4b:s15+s10], $0xC80, $0x38;
	[tilespmem:$0x1A880] =	vst v63  }
0xee: {  	_ =	swait.ge [sflag:s21], $0xC80  }
0xef: {  	[sflag:s21] =	ssyncset.done $0x0  }
0xf0: {  	[sflag:s21] =	ssyncadd.s32 $0xFFFFF380  }
0xf1: {  	[tilespmem:s24], [sflag:$0x1] =	stream.indirect.gather [hbm4b:s3+s23], $0x80, s10, s23, $0xb8;
	[tilespmem:$0x1A880] =	vst v63  }
0xf2: {  	s7 =	simm.s32 $0x80  }
0xf3: {  	[tilespmem:s25], [sflag:$0x2] =	stream.indirect.gather [hbm4b:s3+s23], $0x80, s7, s23, $0xb8;
	[tilespmem:$0x1A880] =	vst v63  }
0xf4: {  	_ =	swait.ge [sflag:s26], $0x2800  }
0xf5: {  	[sflag:s26] =	ssyncset.done $0x0  }
0xf6: {  	s8 =	simm.s32 $0x1000;
	[sflag:s26] =	ssyncadd.s32 $0xFFFFD800  }
0xf7: {  	[spmem:s1] =	stream.indirect.scatter.add.f32 [tilespmem:s24], [sflag:$0x3], $0x80, s8, s23, $0xb8;
	[tilespmem:$0x1A880] =	vst v63  }
0xf8: {  	_ =	swait.ge [sflag:s21], $0x2800  }
0xf9: {  	[sflag:s21] =	ssyncset.done $0x0  }
0xfa: {  	s9 =	simm.s32 $0x100;
	[sflag:s21] =	ssyncadd.s32 $0xFFFFD800  }
0xfb: {  	[tilespmem:s24], [sflag:$0x1] =	stream.indirect.gather [hbm4b:s3+s23], $0x80, s9, s23, $0xb8;
	[tilespmem:$0x1A880] =	vst v63  }
0xfc: {  	_ =	swait.ge [sflag:s28], $0x2800  }
0xfd: {  	[sflag:s28] =	ssyncset.done $0x0  }
0xfe: {  	s10 =	simm.s32 $0x1080;
	[sflag:s28] =	ssyncadd.s32 $0xFFFFD800  }
0xff: {  	[spmem:s1] =	stream.indirect.scatter.add.f32 [tilespmem:s25], [sflag:$0x3], $0x80, s10, s23, $0xb8;
	[tilespmem:$0x1A880] =	vst v63  }
0x100: {  	_ =	swait.ge [sflag:s21], $0x2800  }
0x101: {  	s5 =	simm.s32 $0x100;
	s7 =	simm.s32 $0x800;
	[sflag:s21] =	ssyncset.done $0x0  }
.LBB2_8:
0x102: {  	s8 =	sadd.s32 $0x80, s5  }
0x103: {  	[sflag:s21] =	ssyncadd.s32 $0xFFFFD800;
	s9 =	smov.u32 s7;
	s10 =	sadd.s32 $0x400, s7  }
0x104: {  	[tilespmem:s25], [sflag:$0x2] =	stream.indirect.gather [hbm4b:s3+s23], $0x80, s8, s23, $0xb8;
	[tilespmem:$0x1A880] =	vst v63  }
0x105: {  	p1 =	sne.s32 s7, $0x2C00;
	_ =	swait.ge [sflag:s26], $0x2800  }
0x106: {  	[sflag:s26] =	ssyncset.done $0x0  }
0x107: {  	s7 =	sadd.s32 $0x1000, s5;
	[sflag:s26] =	ssyncadd.s32 $0xFFFFD800  }
0x108: {  	[spmem:s1] =	stream.indirect.scatter.add.f32 [tilespmem:s24], [sflag:$0x3], $0x80, s7, s23, $0xb8;
	[tilespmem:$0x1A880] =	vst v63  }
0x109: {  	_ =	swait.ge [sflag:s21], $0x2800  }
0x10a: {  	[sflag:s21] =	ssyncset.done $0x0  }
0x10b: {  	s7 =	sadd.s32 $0x100, s5;
	[sflag:s21] =	ssyncadd.s32 $0xFFFFD800  }
0x10c: {  	[tilespmem:s24], [sflag:$0x1] =	stream.indirect.gather [hbm4b:s3+s23], $0x80, s7, s23, $0xb8;
	[tilespmem:$0x1A880] =	vst v63  }
0x10d: {  	_ =	swait.ge [sflag:s28], $0x2800  }
.Ltmp3:
0x10e: {  	[sflag:s28] =	ssyncset.done $0x0;
	(pc) =	sbr.rel @p1 .LBB2_8-.Ltmp3, $4  }
0x10f: {  	s5 =	sadd.s32 $0x1080, s5;
	[sflag:s28] =	ssyncadd.s32 $0xFFFFD800  }
0x110: {  	[spmem:s1] =	stream.indirect.scatter.add.f32 [tilespmem:s25], [sflag:$0x3], $0x80, s5, s23, $0xb8;
	[tilespmem:$0x1A880] =	vst v63  }
0x111: {  	_ =	swait.ge [sflag:s21], $0x2800  }
0x112: {  	s7 =	smov.u32 s10;
	s5 =	sshra.s32 s9, $0x2;
	[sflag:s21] =	ssyncset.done $0x0  }
0x113: {  	s7 =	sadd.s32 $0x80, s5;
	[sflag:s21] =	ssyncadd.s32 $0xFFFFD800  }
0x114: {  	[tilespmem:s25], [sflag:$0x2] =	stream.indirect.gather [hbm4b:s3+s23], $0x80, s7, s23, $0xb8;
	[tilespmem:$0x1A880] =	vst v63  }
0x115: {  	_ =	swait.ge [sflag:s26], $0x2800  }
0x116: {  	[sflag:s26] =	ssyncset.done $0x0  }
0x117: {  	s10 =	sadd.s32 $0x1000, s5;
	[sflag:s26] =	ssyncadd.s32 $0xFFFFD800  }
0x118: {  	[spmem:s1] =	stream.indirect.scatter.add.f32 [tilespmem:s24], [sflag:$0x3], $0x80, s10, s23, $0xb8;
	[tilespmem:$0x1A880] =	vst v63  }
0x119: {  	_ =	swait.ge [sflag:s21], $0x2800  }
0x11a: {  	[sflag:s21] =	ssyncset.done $0x0  }
0x11b: {  	s8 =	sadd.s32 $0x100, s5;
	[sflag:s21] =	ssyncadd.s32 $0xFFFFD800  }
0x11c: {  	[tilespmem:s24], [sflag:$0x1] =	stream.indirect.gather [hbm4b:s3+s23], $0x80, s8, s23, $0xb8;
	[tilespmem:$0x1A880] =	vst v63  }
0x11d: {  	_ =	swait.ge [sflag:s28], $0x2800  }
0x11e: {  	[sflag:s28] =	ssyncset.done $0x0  }
0x11f: {  	s9 =	sadd.s32 $0x1080, s5;
	[sflag:s28] =	ssyncadd.s32 $0xFFFFD800  }
0x120: {  	[spmem:s1] =	stream.indirect.scatter.add.f32 [tilespmem:s25], [sflag:$0x3], $0x80, s9, s23, $0xb8;
	[tilespmem:$0x1A880] =	vst v63  }
0x121: {  	_ =	swait.ge [sflag:s21], $0x2800  }
0x122: {  	[sflag:s21] =	ssyncset.done $0x0  }
0x123: {  	[sflag:s21] =	ssyncadd.s32 $0xFFFFD800  }
0x124: {  	_ =	swait.ge [sflag:s26], $0x2800  }
0x125: {  	[sflag:s26] =	ssyncset.done $0x0  }
0x126: {  	[sflag:s26] =	ssyncadd.s32 $0xFFFFD800  }
0x127: {  	[spmem:s1] =	stream.indirect.scatter.add.f32 [tilespmem:s24], [sflag:$0x3], $0x80, s29, s23, $0xb8;
	[tilespmem:$0x1A880] =	vst v63  }
0x128: {  	_ =	swait.ge [sflag:s21], $0x2800  }
0x129: {  	[sflag:s21] =	ssyncset.done $0x0  }
0x12a: {  	s10 =	simm.s32 $0x0;
	[sflag:s21] =	ssyncadd.s32 $0xFFFFD800  }
0x12b: {  	[tilespmem:s10], [sflag:$0x3] =	stream.linear.gather [hbm4b:s16+s10], $0xC80, $0x38;
	[tilespmem:$0x1A880] =	vst v63  }
0x12c: {  	_ =	swait.ge [sflag:s21], $0xC80  }
0x12d: {  	[sflag:s21] =	ssyncset.done $0x0  }
0x12e: {  	[sflag:s21] =	ssyncadd.s32 $0xFFFFF380  }
0x12f: {  	[tilespmem:s22], [sflag:$0x3] =	stream.linear.gather [hbm4b:s17+s10], $0xC80, $0x38;
	[tilespmem:$0x1A880] =	vst v63  }
0x130: {  	_ =	swait.ge [sflag:s21], $0xC80  }
0x131: {  	[sflag:s21] =	ssyncset.done $0x0  }
0x132: {  	[sflag:s21] =	ssyncadd.s32 $0xFFFFF380  }
0x133: {  	[tilespmem:s24], [sflag:$0x1] =	stream.indirect.gather [hbm4b:s3+s23], $0x80, s10, s23, $0xb8;
	[tilespmem:$0x1A880] =	vst v63  }
0x134: {  	s7 =	simm.s32 $0x80  }
0x135: {  	[tilespmem:s25], [sflag:$0x2] =	stream.indirect.gather [hbm4b:s3+s23], $0x80, s7, s23, $0xb8;
	[tilespmem:$0x1A880] =	vst v63  }
0x136: {  	_ =	swait.ge [sflag:s26], $0x2800  }
0x137: {  	[sflag:s26] =	ssyncset.done $0x0  }
0x138: {  	s8 =	simm.s32 $0x1000;
	[sflag:s26] =	ssyncadd.s32 $0xFFFFD800  }
0x139: {  	[spmem:s1] =	stream.indirect.scatter.add.f32 [tilespmem:s24], [sflag:$0x3], $0x80, s8, s23, $0xb8;
	[tilespmem:$0x1A880] =	vst v63  }
0x13a: {  	_ =	swait.ge [sflag:s21], $0x2800  }
0x13b: {  	[sflag:s21] =	ssyncset.done $0x0  }
0x13c: {  	s9 =	simm.s32 $0x100;
	[sflag:s21] =	ssyncadd.s32 $0xFFFFD800  }
0x13d: {  	[tilespmem:s24], [sflag:$0x1] =	stream.indirect.gather [hbm4b:s3+s23], $0x80, s9, s23, $0xb8;
	[tilespmem:$0x1A880] =	vst v63  }
0x13e: {  	_ =	swait.ge [sflag:s28], $0x2800  }
0x13f: {  	[sflag:s28] =	ssyncset.done $0x0  }
0x140: {  	s10 =	simm.s32 $0x1080;
	[sflag:s28] =	ssyncadd.s32 $0xFFFFD800  }
0x141: {  	[spmem:s1] =	stream.indirect.scatter.add.f32 [tilespmem:s25], [sflag:$0x3], $0x80, s10, s23, $0xb8;
	[tilespmem:$0x1A880] =	vst v63  }
0x142: {  	_ =	swait.ge [sflag:s21], $0x2800  }
0x143: {  	s5 =	simm.s32 $0x100;
	s7 =	simm.s32 $0x800;
	[sflag:s21] =	ssyncset.done $0x0  }
.LBB2_10:
0x144: {  	s8 =	sadd.s32 $0x80, s5  }
0x145: {  	[sflag:s21] =	ssyncadd.s32 $0xFFFFD800;
	s9 =	smov.u32 s7;
	s10 =	sadd.s32 $0x400, s7  }
0x146: {  	[tilespmem:s25], [sflag:$0x2] =	stream.indirect.gather [hbm4b:s3+s23], $0x80, s8, s23, $0xb8;
	[tilespmem:$0x1A880] =	vst v63  }
0x147: {  	p1 =	sne.s32 s7, $0x2C00;
	_ =	swait.ge [sflag:s26], $0x2800  }
0x148: {  	[sflag:s26] =	ssyncset.done $0x0  }
0x149: {  	s7 =	sadd.s32 $0x1000, s5;
	[sflag:s26] =	ssyncadd.s32 $0xFFFFD800  }
0x14a: {  	[spmem:s1] =	stream.indirect.scatter.add.f32 [tilespmem:s24], [sflag:$0x3], $0x80, s7, s23, $0xb8;
	[tilespmem:$0x1A880] =	vst v63  }
0x14b: {  	_ =	swait.ge [sflag:s21], $0x2800  }
0x14c: {  	[sflag:s21] =	ssyncset.done $0x0  }
0x14d: {  	s7 =	sadd.s32 $0x100, s5;
	[sflag:s21] =	ssyncadd.s32 $0xFFFFD800  }
0x14e: {  	[tilespmem:s24], [sflag:$0x1] =	stream.indirect.gather [hbm4b:s3+s23], $0x80, s7, s23, $0xb8;
	[tilespmem:$0x1A880] =	vst v63  }
0x14f: {  	_ =	swait.ge [sflag:s28], $0x2800  }
.Ltmp4:
0x150: {  	[sflag:s28] =	ssyncset.done $0x0;
	(pc) =	sbr.rel @p1 .LBB2_10-.Ltmp4, $4  }
0x151: {  	s5 =	sadd.s32 $0x1080, s5;
	[sflag:s28] =	ssyncadd.s32 $0xFFFFD800  }
0x152: {  	[spmem:s1] =	stream.indirect.scatter.add.f32 [tilespmem:s25], [sflag:$0x3], $0x80, s5, s23, $0xb8;
	[tilespmem:$0x1A880] =	vst v63  }
0x153: {  	_ =	swait.ge [sflag:s21], $0x2800  }
0x154: {  	s7 =	smov.u32 s10;
	s5 =	sshra.s32 s9, $0x2;
	[sflag:s21] =	ssyncset.done $0x0  }
0x155: {  	s7 =	sadd.s32 $0x80, s5;
	[sflag:s21] =	ssyncadd.s32 $0xFFFFD800  }
0x156: {  	[tilespmem:s25], [sflag:$0x2] =	stream.indirect.gather [hbm4b:s3+s23], $0x80, s7, s23, $0xb8;
	[tilespmem:$0x1A880] =	vst v63  }
0x157: {  	_ =	swait.ge [sflag:s26], $0x2800  }
0x158: {  	[sflag:s26] =	ssyncset.done $0x0  }
0x159: {  	s8 =	sadd.s32 $0x1000, s5;
	[sflag:s26] =	ssyncadd.s32 $0xFFFFD800  }
0x15a: {  	[spmem:s1] =	stream.indirect.scatter.add.f32 [tilespmem:s24], [sflag:$0x3], $0x80, s8, s23, $0xb8;
	[tilespmem:$0x1A880] =	vst v63  }
0x15b: {  	_ =	swait.ge [sflag:s21], $0x2800  }
0x15c: {  	[sflag:s21] =	ssyncset.done $0x0  }
0x15d: {  	s9 =	sadd.s32 $0x100, s5;
	[sflag:s21] =	ssyncadd.s32 $0xFFFFD800  }
0x15e: {  	[tilespmem:s24], [sflag:$0x1] =	stream.indirect.gather [hbm4b:s3+s23], $0x80, s9, s23, $0xb8;
	[tilespmem:$0x1A880] =	vst v63  }
0x15f: {  	_ =	swait.ge [sflag:s28], $0x2800  }
0x160: {  	[sflag:s28] =	ssyncset.done $0x0  }
0x161: {  	s10 =	sadd.s32 $0x1080, s5;
	[sflag:s28] =	ssyncadd.s32 $0xFFFFD800  }
0x162: {  	[spmem:s1] =	stream.indirect.scatter.add.f32 [tilespmem:s25], [sflag:$0x3], $0x80, s10, s23, $0xb8;
	[tilespmem:$0x1A880] =	vst v63  }
0x163: {  	_ =	swait.ge [sflag:s21], $0x2800  }
0x164: {  	[sflag:s21] =	ssyncset.done $0x0  }
0x165: {  	[sflag:s21] =	ssyncadd.s32 $0xFFFFD800  }
0x166: {  	_ =	swait.ge [sflag:s26], $0x2800  }
0x167: {  	[sflag:s26] =	ssyncset.done $0x0  }
0x168: {  	[sflag:s26] =	ssyncadd.s32 $0xFFFFD800  }
0x169: {  	[spmem:s1] =	stream.indirect.scatter.add.f32 [tilespmem:s24], [sflag:$0x3], $0x80, s29, s23, $0xb8;
	[tilespmem:$0x1A880] =	vst v63  }
0x16a: {  	_ =	swait.ge [sflag:s21], $0x2800  }
0x16b: {  	[sflag:s21] =	ssyncset.done $0x0  }
0x16c: {  	[sflag:s21] =	ssyncadd.s32 $0xFFFFD800  }
0x16d: {  	[bflag:$0x0] =	sbarrier.arrive $0xFFFF  }
0x16e: {  	[hbm:s18], [sflag:s6] =	dma.local [spmem:s31], $0x2700  }
0x16f: {  	_ =	swait.ge [sflag:s21], $0x2700  }
0x170: {  	s30 =	sadd.s32 $0x1, s30;
	[sflag:s21] =	ssyncset.done $0x0  }
0x171: {  	p1 =	sne.s32 s30, s20;
	[sflag:s21] =	ssyncadd.s32 $0xFFFFD900  }
0x172: {  	[hbm:s19], [sflag:s6] =	dma.local @!p0 [spmem:s0], $0x100  }
.Ltmp5:
0x173: {  	_ = 	snop;
	(pc) =	sbr.rel @p1 .LBB2_1-.Ltmp5, $4  }
0x174: {  	s0 =	simm.s32 @!p0 $0x3  }
0x175: {  	_ =	swait.ge @!p0 [sflag:s0], $0x100  }
0x176: {  	[sflag:s0] =	ssyncset.done @!p0 $0x0  }
0x177: {  	[sflag:s0] =	ssyncadd.s32 @!p0 $0xFFFFFF00  }
0x178: {  	_ =	sfence.sel $0x180000  }
0x179: {  	[bflag:$0x0] =	sbarrier.arrive $0xFFFF  }
0x17a: {  	_ =	strace $0x9000004A  }
0x17b: {  	[bflag:$0x2] =	sbarrier.arrive $0xFFFF  }
0x17c: {  	s0 =	rddreg [dreg:$0x2]  }
0x17d: {  	s0 =	sadd.s32 @!p0 $0x100000, s0  }
0x17e: {  	[sflag:s0] =	ssyncadd.tile.s32 @!p0 $0x1;
	_ =	shalt  }
.Lfunc_end2:
_tile_overlayer_lowered:
.L_overlay_start_2:
0x17f: {  	(tag) =	ssettag $0x2  }
0x180: {  	s0 =	rddreg [dreg:$0x0];
	s2 =	stileid.u32  }
0x181: {  	s1 =	rddreg [dreg:$0x1];
	p0 =	sne.s32 s2, $0x0  }
0x182: {  	s3 =	rddreg [dreg:$0x2];
	[bflag:$0x3] =	sbarrier.arrive $0xFFFF;
	s2 =	simm.s32 @!p0 $0x1C03  }
0x183: {  	[timem:s3], [sflag:s2] =	dma.local @!p0 [hbm:s0], s1  }
0x184: {  	s0 =	simm.s32 @!p0 $0x3  }
0x185: {  	_ =	swait.ge @!p0 [sflag:s0], s1  }
0x186: {  	s1 =	ssub.s32 @!p0 $0x0, s1;
	[sflag:s0] =	ssyncset.done @!p0 $0x0  }
0x187: {  	[sflag:s0] =	ssyncadd.s32 @!p0 s1  }
0x188: {  	[bflag:$0x3] =	sbarrier.arrive $0xFFFF  }
0x189: {  	_ =	shalt  }

// kernel: kernel.19.cloned.1.call-start
scs
__scs_entry_jumppad:
0x0: {  	(pc) =	sbr.rel $0x88, $3  }
0x1: {  	(tag) =	ssettag $0x0;
	lr =	simm.s32 $0x1  }
0x2: {  	[smem:$0x3F8B] =	sst lr;
	_ =	strace $0xD0000000  }
0x3: {  	_ = 	snop  }
0x4: {  	_ = 	snop  }
0x5: {  	_ = 	snop  }
0x6: {  	_ = 	snop  }
0x7: {  	_ = 	snop  }
__scs_overlays_trampoline_lowered:
0x8: {  	[smem:$0x3F9A] =	sst s0  }
0x9: {  	[smem:$0x3F9B] =	sst s1  }
0xa: {  	[smem:$0x3F9C] =	sst s2  }
0xb: {  	[smem:$0x3F9D] =	sst s3  }
0xc: {  	[smem:$0x3F9E] =	sst s4  }
0xd: {  	[smem:$0x3F9F] =	sst s5  }
0xe: {  	[smem:$0x3FA0] =	sst s6  }
0xf: {  	[smem:$0x3FA1] =	sst s7  }
0x10: {  	[smem:$0x3FA2] =	sst s8  }
0x11: {  	[smem:$0x3FA3] =	sst s9;
	s0 =	simm.s32 @!p0 $0x0  }
0x12: {  	s1 =	sld [smem:$0x3F89];
	s0 =	simm.s32 @p0 $0x1  }
0x13: {  	[smem:$0x3FA4] =	sst s0;
	s0 =	simm.s32 @!p1 $0x0  }
0x14: {  	s2 =	sld [smem:$0x3F88];
	s0 =	simm.s32 @p1 $0x1  }
0x15: {  	[smem:$0x3FA5] =	sst s0;
	s0 =	simm.s32 @!p2 $0x0  }
0x16: {  	s3 =	sld [smem:$0x3FDB];
	s0 =	simm.s32 @p2 $0x1  }
0x17: {  	s4 =	simm.s32 $0x1BF5;
	[smem:$0x3FA7] =	sst s0  }
0x18: {  	s0 =	sld [smem:$0x3F8A];
	_ =	swait.ge [sflag:s4], $0x0  }
0x19: {  	s7 =	sld [smem:$0x3F8B]  }
0x1a: {  	s8 =	sadd.s32 $0xFFFFE003, lr  }
0x1b: {  	s9 =	sadd.s32 $0xFFFFFEF7, lr;
	s5 =	simm.s32 $0xFFFFFFFF;
	p2 =	slt.u32 s8, $0xFFFFF086  }
0x1c: {  	p1 =	slt.u32 s9, $0xF7A;
	s5 =	simm.s32 @!p2 $0x0  }
0x1d: {  	s5 =	simm.s32 @p1 $0x1;
	p0 =	seq.s32 s7, s2  }
0x1e: {  	s7 =	smul.u32 @!p0 $0xF7A, s2;
	p2 =	seq.s32 @!p0 s5, $0x0  }
0x1f: {  	s9 =	smul.u32 $0xF7A, s1;
	s8 =	simm.s32 @!p0 $0x1BF5;
	p2 =	por !p2, p0  }
0x20: {  	[sflag:s8] =	ssyncset.s32 @!p0 $0xFFFFF086;
	s6 =	sadd.s32 @!p0 s3, s7;
	s7 =	simm.s32 @!p0 $0x108  }
0x21: {  	s3 =	sadd.s32 s3, s9;
	s6 =	sadd.s32 @!p0 $0x88, s6;
	s7 =	simm.s32 @p2 $0x1082  }
0x22: {  	[simem:s7], [sflag:s8] =	dma.local @!p0 [hbm:s6], $0xF7A  }
0x23: {  	s9 =	sor.u32 $0xD0000000, s2;
	s6 =	simm.s32 $0x108;
	_ =	swait.ge @!p0 [sflag:s8], $0x0  }
0x24: {  	s3 =	sadd.s32 $0x88, s3;
	s6 =	simm.s32 @!p1 $0x1082;
	[sflag:s4] =	ssyncset.s32 $0xFFFFF086  }
0x25: {  	[simem:s6], [sflag:s4] =	dma.local [hbm:s3], $0xF7A  }
0x26: {  	[smem:$0x3F8B] =	sst s1;
	(tag) =	ssettag s2;
	_ =	strace s9  }
0x27: {  	s1 =	sld [smem:$0x3F9B]  }
0x28: {  	s2 =	sld [smem:$0x3F9C]  }
0x29: {  	s4 =	sld [smem:$0x3F9E]  }
0x2a: {  	p0 =	seq.s32 s5, $0x0;
	s5 =	sld [smem:$0x3F9F]  }
0x2b: {  	s6 =	sld [smem:$0x3FA0]  }
0x2c: {  	s7 =	sld [smem:$0x3FA1]  }
0x2d: {  	s3 =	simm.s32 $0x108;
	s8 =	sld [smem:$0x3FA2]  }
0x2e: {  	s3 =	simm.s32 @!p0 $0x1082;
	s9 =	sld [smem:$0x3FA3]  }
0x2f: {  	lr =	sadd.s32 s0, s3;
	s0 =	sld [smem:$0x3F9A]  }
0x30: {  	s3 =	sld [smem:$0x3F9D]  }
0x31: {  	[smem:$0x3FA6] =	sst s10  }
0x32: {  	s10 =	sld [smem:$0x3FA4];
	_ =	sdelay $0x3  }
0x33: {  	p0 =	seq.s32 s10, $0x1;
	s10 =	sld [smem:$0x3FA6];
	_ =	sdelay $0x3  }
0x34: {  	[smem:$0x3FA6] =	sst s10  }
0x35: {  	s10 =	sld [smem:$0x3FA5];
	_ =	sdelay $0x3  }
0x36: {  	p1 =	seq.s32 s10, $0x1;
	s10 =	sld [smem:$0x3FA6];
	_ =	sdelay $0x3  }
0x37: {  	[smem:$0x3FA6] =	sst s10  }
0x38: {  	s10 =	sld [smem:$0x3FA7]  }
0x39: {  	_ = 	snop;
	(pc) =	sbr.ind lr, $3  }
0x3a: {  	_ = 	snop  }
0x3b: {  	_ = 	snop  }
0x3c: {  	p2 =	seq.s32 s10, $0x1;
	s10 =	sld [smem:$0x3FA6]  }
0x3d: {  	_ =	shalt  }
0x3e: {  	_ =	shalt  }
0x3f: {  	_ =	shalt  }
0x40: {  	_ =	shalt  }
0x41: {  	_ =	shalt  }
0x42: {  	_ =	shalt  }
0x43: {  	_ =	shalt  }
0x44: {  	_ =	shalt  }
0x45: {  	_ =	shalt  }
0x46: {  	_ =	shalt  }
0x47: {  	_ =	shalt  }
0x48: {  	_ =	shalt  }
0x49: {  	_ =	shalt  }
0x4a: {  	_ =	shalt  }
0x4b: {  	_ =	shalt  }
0x4c: {  	_ =	shalt  }
0x4d: {  	_ =	shalt  }
0x4e: {  	_ =	shalt  }
0x4f: {  	_ =	shalt  }
0x50: {  	_ =	shalt  }
0x51: {  	_ =	shalt  }
0x52: {  	_ =	shalt  }
0x53: {  	_ =	shalt  }
0x54: {  	_ =	shalt  }
0x55: {  	_ =	shalt  }
0x56: {  	_ =	shalt  }
0x57: {  	_ =	shalt  }
0x58: {  	_ =	shalt  }
0x59: {  	_ =	shalt  }
0x5a: {  	_ =	shalt  }
0x5b: {  	_ =	shalt  }
0x5c: {  	_ =	shalt  }
0x5d: {  	_ =	shalt  }
0x5e: {  	_ =	shalt  }
0x5f: {  	_ =	shalt  }
0x60: {  	_ =	shalt  }
0x61: {  	_ =	shalt  }
0x62: {  	_ =	shalt  }
0x63: {  	_ =	shalt  }
0x64: {  	_ =	shalt  }
0x65: {  	_ =	shalt  }
0x66: {  	_ =	shalt  }
0x67: {  	_ =	shalt  }
0x68: {  	_ =	shalt  }
0x69: {  	_ =	shalt  }
0x6a: {  	_ =	shalt  }
0x6b: {  	_ =	shalt  }
0x6c: {  	_ =	shalt  }
0x6d: {  	_ =	shalt  }
0x6e: {  	_ =	shalt  }
0x6f: {  	_ =	shalt  }
0x70: {  	_ =	shalt  }
0x71: {  	_ =	shalt  }
0x72: {  	_ =	shalt  }
0x73: {  	_ =	shalt  }
0x74: {  	_ =	shalt  }
0x75: {  	_ =	shalt  }
0x76: {  	_ =	shalt  }
0x77: {  	_ =	shalt  }
0x78: {  	_ =	shalt  }
0x79: {  	_ =	shalt  }
0x7a: {  	_ =	shalt  }
0x7b: {  	_ =	shalt  }
0x7c: {  	_ =	shalt  }
0x7d: {  	_ =	shalt  }
0x7e: {  	_ =	shalt  }
0x7f: {  	_ =	shalt  }
0x80: {  	_ =	shalt  }
0x81: {  	_ =	shalt  }
0x82: {  	_ =	shalt  }
0x83: {  	_ =	shalt  }
0x84: {  	_ =	shalt  }
0x85: {  	_ =	shalt  }
0x86: {  	_ =	shalt  }
0x87: {  	_ =	shalt  }
.Lfunc_end0:
.L_simem_size_0:
called_computation.2_lowered:
.L_overlay_start_0:
0x88: {  	s2 =	sld [smem:$0x3FD9]  }
0x89: {  	s3 =	sld [smem:$0x3FFE];
	_ =	sdelay $0x1  }
0x8a: {  	s1 =	srdreg.scid  }
0x8b: {  	s0 =	sand.u32 $0x1, s1  }
0x8c: {  	s16 =	sshll.u32 s0, $0xA;
	s2 =	sadd.s32 s3, s2  }
0x8d: {  	s2 =	sadd.s32 s2, s16  }
0x8e: {  	[smem:$0x3FB2] =	sst s2  }
0x8f: {  	_ = 	snop  }
0x90: {  	(tm) =	ssettm $0x1  }
0x91: {  	s17 =	sld [smem:$0x3FFB];
	_ =	sdelay $0x3  }
0x92: {  	_ =	strace s17  }
0x93: {  	s2 =	sld [smem:$0x3FFC];
	_ =	sdelay $0x3  }
0x94: {  	_ =	strace s2  }
0x95: {  	s2 =	sld [smem:$0x3FFD];
	_ =	sdelay $0x3  }
0x96: {  	_ =	strace s2  }
0x97: {  	_ =	strace $0x8FFFFFFF  }
0x98: {  	s18 =	sld [smem:$0x3FDB];
	_ =	sdelay $0x1  }
0x99: {  	s19 =	simm.s32 $_scs_section_size  }
0x9a: {  	s4 =	simm.s32 $_size__tile_overlayer_lowered;
	s5 =	simm.s32 $_tile_overlayer_lowered  }
0x9b: {  	s22 =	simm.s32 $0x1BFF;
	s21 =	sshll.u32 s5, $0x1;
	s2 =	sadd.s32 s19, s18  }
0x9c: {  	s6 =	simm.s32 $0x0;
	s20 =	sshll.u32 s4, $0x1;
	s4 =	sadd.s32 s21, s2  }
0x9d: {  	[timem:s6], [sflag:s22] =	dma.local [hbm:s4], s20  }
0x9e: {  	_ =	swait.ge [sflag:s22], s20  }
0x9f: {  	s3 =	ssub.s32 $0x0, s20;
	[sflag:s22] =	ssyncset.done $0x0  }
0xa0: {  	[sflag:s22] =	ssyncadd.s32 s3;
	_ =	sdelay $0x1  }
0xa1: {  	s23 =	simm.s32 $0x1B8B  }
0xa2: {  	_ =	swait.ge [sflag:s23], $0x1  }
0xa3: {  	[sflag:s23] =	ssyncset.done $0x0  }
0xa4: {  	s25 =	simm.s32 $0x1B8E;
	s24 =	sld [smem:$0x3FFE];
	[sflag:s23] =	ssyncadd.s32 $0xFFFFFFFF  }
0xa5: {  	s26 =	simm.s32 $execute0_lowered;
	[smem:$0x3FD2] =	sst s25  }
0xa6: {  	s4 =	sshll.u32 s26, $0x1;
	_ =	strace $0x8000004C;
	[dreg:$0x1] =	wrdreg $0xFFFFFFFF  }
0xa7: {  	s28 =	simm.s32 $_size_execute0_lowered;
	s2 =	sadd.s32 s2, s4;
	[dreg:$0x0] =	wrdreg $0x0  }
0xa8: {  	s4 =	sshll.u32 s28, $0x1;
	[dreg:$0x2] =	wrdreg s2  }
0xa9: {  	[dreg:$0x3] =	wrdreg s4  }
0xaa: {  	[dreg:$0x4] =	wrdreg $0xC0  }
0xab: {  	_ =	task [dreg:s6], $0x5FFFF  }
0xac: {  	[dreg:$0x1] =	wrdreg $0xFFFFFFFF  }
0xad: {  	[dreg:$0x0] =	wrdreg $0x60  }
0xae: {  	[dreg:$0x2] =	wrdreg s24  }
0xaf: {  	[dreg:$0x3] =	wrdreg $0x70000  }
0xb0: {  	[dreg:$0x4] =	wrdreg $0x9  }
0xb1: {  	_ =	task.clear_ibuf [dreg:s6], $0x5FFFF;
	_ =	strace $0x9000004C  }
0xb2: {  	s29 =	simm.s32 $0x9;
	_ =	strace $0x8000004E  }
0xb3: {  	_ =	swait.ge [sflag:s29], $0x1  }
0xb4: {  	[sflag:s29] =	ssyncadd.s32 $0xFFFFFFFF  }
0xb5: {  	_ =	strace $0x9000004E  }
0xb6: {  	_ =	sfence  }
0xb7: {  	s30 =	sld [smem:$0x0];
	_ =	sdelay $0x2  }
0xb8: {  	s31 =	sshll.u32 s1, $0xD;
	s1 =	sshrl.u32 s1, $0x2  }
0xb9: {  	s3 =	sand.u32 $0x4000, s31;
	s1 =	sadd.s32 s1, s30  }
0xba: {  	s0 =	sor.u32 s3, s0;
	s1 =	sshll.u32 s1, $0x11  }
0xbb: {  	s0 =	sor.u32 s1, s0  }
0xbc: {  	s0 =	sadd.s32 $0x8F2B, s0  }
0xbd: {  	[sflag:s0] =	ssyncadd.remote.s32 $0x1  }
0xbe: {  	_ =	sfence.sel $0xFFFF  }
0xbf: {  	[dreg:$0x0] =	wrdreg $0xFFFFFFFF;
	(pc) =	sbr.abs _section_cstart, $3  }
0xc0: {  	[dreg:$0x1] =	wrdreg $0xFFFFFFFF  }
0xc1: {  	_ =	task.clear_ibuf [dreg:s6], $0x2FFFF;
	_ =	strace $0x9FFFFFFF  }
0xc2: {  	(tm) =	ssettm $0x7FFFFFFF  }
0xc3: {  	_ =	shalt  }
tec
execute0_lowered:
.L_overlay_start_1:
0x0: {  	(tag) =	ssettag $0x1  }
0x1: {  	s0 =	rddreg [dreg:$0x0]  }
0x2: {  	s1 =	rddreg [dreg:$0x1];
	s2 =	simm.s32 $0x0;
	s4 =	srdreg.scid  }
0x3: {  	s21 =	stileid.u32;
	s28 =	simm.s32 $0x2;
	s29 =	simm.s32 $0x1C00  }
0x4: {  	s30 =	simm.s32 $0x0;
	[smem:$0x7FF] =	sst s2;
	s3 =	sadd.s32 $0x17200, s0  }
0x5: {  	s5 =	sadd.s32 $0x79A00, s0;
	s7 =	sadd.s32 $0x65A00, s0;
	s12 =	sand.u32 $0x1, s4  }
0x6: {  	s4 =	sadd.s32 $0x14A00, s0;
	s8 =	smul.u32 $0x4E000, s21;
	s0 =	sadd.s32 $0x8DA00, s0  }
0x7: {  	s22 =	sshll.u32 s21, $0x6;
	s23 =	sadd.s32 $0x138000, s1;
	s18 =	smul.u32 $0x13800, s21  }
0x8: {  	p0 =	sne.s32 s21, $0x0;
	_ =	strace $0x8000004D;
	s6 =	sshll.u32 s12, $0x4  }
0x9: {  	s9 =	ssub.s32 $0x2, s12;
	[dreg:$0x4] =	wrdreg s23;
	s17 =	smul.u32 $0x138800, s12  }
0xa: {  	s23 =	simm.s32 $0x50;
	s6 =	sor.u32 s21, s6;
	s10 =	sshrl.u32 s9, $0x1  }
0xb: {  	s8 =	sshrl.u32 s8, $0x2;
	s21 =	simm.s32 $0x3;
	s11 =	smul.u32 $0x5000, s6  }
0xc: {  	s20 =	ssub.s32 s9, s10;
	s19 =	sadd.s32 s8, s1;
	s6 =	sor.u32 $0x1C03, s22  }
0xd: {  	s18 =	sadd.s32 s18, s17;
	s22 =	sshrl.u32 s17, $0x3;
	[dreg:$0x3] =	wrdreg s19  }
0xe: {  	s31 =	sshrl.u32 s18, $0x3;
	s20 =	smax.u32 s20, $0x1;
	s16 =	sshrl.u32 s11, $0x3  }
0xf: {  	s18 =	sadd.s32 s0, s31;
	s0 =	sadd.s32 s0, s22;
	s22 =	simm.s32 $0x1000  }
0x10: {  	s24 =	sadd.s32 s5, s16;
	s25 =	sadd.s32 s7, s16;
	s11 =	sadd.s32 $0x200, s16  }
0x11: {  	s13 =	sadd.s32 $0x400, s16;
	s15 =	sadd.s32 $0x600, s16;
	[dreg:$0x5] =	wrdreg s24  }
0x12: {  	s19 =	sadd.s32 $0x800, s16;
	[dreg:$0x6] =	wrdreg s25;
	s26 =	sadd.s32 s5, s11  }
0x13: {  	s11 =	sadd.s32 s7, s11;
	s12 =	sadd.s32 s5, s13;
	s13 =	sadd.s32 s7, s13  }
0x14: {  	s14 =	sadd.s32 s5, s15;
	s15 =	sadd.s32 s7, s15;
	s16 =	sadd.s32 s5, s19  }
0x15: {  	s17 =	sadd.s32 s7, s19;
	s19 =	sadd.s32 $0x27000, s0;
	s24 =	simm.s32 $0x2000  }
0x16: {  	s25 =	simm.s32 $0x4800;
	[dreg:$0x7] =	wrdreg s26;
	s26 =	simm.s32 $0x1  }
.LBB2_1:
0x17: {  	s0 =	rddreg [dreg:$0x3]  }
0x18: {  	s31 =	sshrl.u32 s0, $0x3  }
0x19: {  	[spmem:s31], [sflag:s6] =	dma.local [hbm:s4], $0x2700  }
0x1a: {  	_ =	swait.ge [sflag:s21], $0x2700  }
0x1b: {  	[sflag:s21] =	ssyncset.done $0x0;
	s0 =	rddreg [dreg:$0x4]  }
0x1c: {  	s5 =	simm.s32 @!p0 $0x3;
	[sflag:s21] =	ssyncadd.s32 $0xFFFFD900;
	s0 =	sshrl.u32 @!p0 s0, $0x3  }
0x1d: {  	[spmem:s0], [sflag:s6] =	dma.local @!p0 [hbm:s4], $0x100  }
0x1e: {  	_ =	swait.ge @!p0 [sflag:s5], $0x100  }
0x1f: {  	[sflag:s5] =	ssyncset.done @!p0 $0x0  }
0x20: {  	[sflag:s5] =	ssyncadd.s32 @!p0 $0xFFFFFF00  }
0x21: {  	[bflag:$0x0] =	sbarrier.arrive $0xFFFF  }
0x22: {  	s9 =	rddreg [dreg:$0x5]  }
0x23: {  	[tilespmem:s2], [sflag:$0x3] =	stream.linear.gather [hbm4b:s9+s2], $0xC80, $0x38;
	[tilespmem:$0x1A880] =	vst v63  }
0x24: {  	_ =	swait.ge [sflag:s21], $0xC80  }
0x25: {  	[sflag:s21] =	ssyncset.done $0x0  }
0x26: {  	s10 =	rddreg [dreg:$0x6];
	[sflag:s21] =	ssyncadd.s32 $0xFFFFF380  }
0x27: {  	[tilespmem:s22], [sflag:$0x3] =	stream.linear.gather [hbm4b:s10+s2], $0xC80, $0x38;
	[tilespmem:$0x1A880] =	vst v63  }
0x28: {  	_ =	swait.ge [sflag:s21], $0xC80  }
0x29: {  	[sflag:s21] =	ssyncset.done $0x0  }
0x2a: {  	[sflag:s21] =	ssyncadd.s32 $0xFFFFF380  }
0x2b: {  	[tilespmem:s24], [sflag:$0x1] =	stream.indirect.gather [hbm4b:s3+s23], $0x80, s2, s23, $0xb8;
	[tilespmem:$0x1A880] =	vst v63  }
0x2c: {  	s7 =	simm.s32 $0x80  }
0x2d: {  	[tilespmem:s25], [sflag:$0x2] =	stream.indirect.gather [hbm4b:s3+s23], $0x80, s7, s23, $0xb8;
	[tilespmem:$0x1A880] =	vst v63  }
0x2e: {  	_ =	swait.ge [sflag:s26], $0x2800  }
0x2f: {  	[sflag:s26] =	ssyncset.done $0x0  }
0x30: {  	s8 =	simm.s32 $0x1000;
	[sflag:s26] =	ssyncadd.s32 $0xFFFFD800  }
0x31: {  	[spmem:s1] =	stream.indirect.scatter.add.f32 [tilespmem:s24], [sflag:$0x3], $0x80, s8, s23, $0xb8;
	[tilespmem:$0x1A880] =	vst v63  }
0x32: {  	_ =	swait.ge [sflag:s21], $0x2800  }
0x33: {  	[sflag:s21] =	ssyncset.done $0x0  }
0x34: {  	s9 =	simm.s32 $0x100;
	[sflag:s21] =	ssyncadd.s32 $0xFFFFD800  }
0x35: {  	[tilespmem:s24], [sflag:$0x1] =	stream.indirect.gather [hbm4b:s3+s23], $0x80, s9, s23, $0xb8;
	[tilespmem:$0x1A880] =	vst v63  }
0x36: {  	_ =	swait.ge [sflag:s28], $0x2800  }
0x37: {  	[sflag:s28] =	ssyncset.done $0x0  }
0x38: {  	s10 =	simm.s32 $0x1080;
	[sflag:s28] =	ssyncadd.s32 $0xFFFFD800  }
0x39: {  	[spmem:s1] =	stream.indirect.scatter.add.f32 [tilespmem:s25], [sflag:$0x3], $0x80, s10, s23, $0xb8;
	[tilespmem:$0x1A880] =	vst v63  }
0x3a: {  	_ =	swait.ge [sflag:s21], $0x2800  }
0x3b: {  	s5 =	simm.s32 $0x100;
	s7 =	simm.s32 $0x800;
	[sflag:s21] =	ssyncset.done $0x0  }
.LBB2_2:
0x3c: {  	s8 =	sadd.s32 $0x80, s5  }
0x3d: {  	[sflag:s21] =	ssyncadd.s32 $0xFFFFD800;
	s9 =	smov.u32 s7;
	s10 =	sadd.s32 $0x400, s7  }
0x3e: {  	[tilespmem:s25], [sflag:$0x2] =	stream.indirect.gather [hbm4b:s3+s23], $0x80, s8, s23, $0xb8;
	[tilespmem:$0x1A880] =	vst v63  }
0x3f: {  	p1 =	sne.s32 s7, $0x2C00;
	_ =	swait.ge [sflag:s26], $0x2800  }
0x40: {  	[sflag:s26] =	ssyncset.done $0x0  }
0x41: {  	s7 =	sadd.s32 $0x1000, s5;
	[sflag:s26] =	ssyncadd.s32 $0xFFFFD800  }
0x42: {  	[spmem:s1] =	stream.indirect.scatter.add.f32 [tilespmem:s24], [sflag:$0x3], $0x80, s7, s23, $0xb8;
	[tilespmem:$0x1A880] =	vst v63  }
0x43: {  	_ =	swait.ge [sflag:s21], $0x2800  }
0x44: {  	[sflag:s21] =	ssyncset.done $0x0  }
0x45: {  	s7 =	sadd.s32 $0x100, s5;
	[sflag:s21] =	ssyncadd.s32 $0xFFFFD800  }
0x46: {  	[tilespmem:s24], [sflag:$0x1] =	stream.indirect.gather [hbm4b:s3+s23], $0x80, s7, s23, $0xb8;
	[tilespmem:$0x1A880] =	vst v63  }
0x47: {  	_ =	swait.ge [sflag:s28], $0x2800  }
.Ltmp0:
0x48: {  	[sflag:s28] =	ssyncset.done $0x0;
	(pc) =	sbr.rel @p1 .LBB2_2-.Ltmp0, $4  }
0x49: {  	s5 =	sadd.s32 $0x1080, s5;
	[sflag:s28] =	ssyncadd.s32 $0xFFFFD800  }
0x4a: {  	[spmem:s1] =	stream.indirect.scatter.add.f32 [tilespmem:s25], [sflag:$0x3], $0x80, s5, s23, $0xb8;
	[tilespmem:$0x1A880] =	vst v63  }
0x4b: {  	_ =	swait.ge [sflag:s21], $0x2800  }
0x4c: {  	s7 =	smov.u32 s10;
	s5 =	sshra.s32 s9, $0x2;
	[sflag:s21] =	ssyncset.done $0x0  }
0x4d: {  	s7 =	sadd.s32 $0x80, s5;
	[sflag:s21] =	ssyncadd.s32 $0xFFFFD800  }
0x4e: {  	[tilespmem:s25], [sflag:$0x2] =	stream.indirect.gather [hbm4b:s3+s23], $0x80, s7, s23, $0xb8;
	[tilespmem:$0x1A880] =	vst v63  }
0x4f: {  	_ =	swait.ge [sflag:s26], $0x2800  }
0x50: {  	[sflag:s26] =	ssyncset.done $0x0  }
0x51: {  	s9 =	sadd.s32 $0x1000, s5;
	[sflag:s26] =	ssyncadd.s32 $0xFFFFD800  }
0x52: {  	[spmem:s1] =	stream.indirect.scatter.add.f32 [tilespmem:s24], [sflag:$0x3], $0x80, s9, s23, $0xb8;
	[tilespmem:$0x1A880] =	vst v63  }
0x53: {  	_ =	swait.ge [sflag:s21], $0x2800  }
0x54: {  	[sflag:s21] =	ssyncset.done $0x0  }
0x55: {  	s10 =	sadd.s32 $0x100, s5;
	[sflag:s21] =	ssyncadd.s32 $0xFFFFD800  }
0x56: {  	[tilespmem:s24], [sflag:$0x1] =	stream.indirect.gather [hbm4b:s3+s23], $0x80, s10, s23, $0xb8;
	[tilespmem:$0x1A880] =	vst v63  }
0x57: {  	_ =	swait.ge [sflag:s28], $0x2800  }
0x58: {  	[sflag:s28] =	ssyncset.done $0x0  }
0x59: {  	s8 =	sadd.s32 $0x1080, s5;
	[sflag:s28] =	ssyncadd.s32 $0xFFFFD800  }
0x5a: {  	[spmem:s1] =	stream.indirect.scatter.add.f32 [tilespmem:s25], [sflag:$0x3], $0x80, s8, s23, $0xb8;
	[tilespmem:$0x1A880] =	vst v63  }
0x5b: {  	_ =	swait.ge [sflag:s21], $0x2800  }
0x5c: {  	[sflag:s21] =	ssyncset.done $0x0  }
0x5d: {  	[sflag:s21] =	ssyncadd.s32 $0xFFFFD800  }
0x5e: {  	_ =	swait.ge [sflag:s26], $0x2800  }
0x5f: {  	[sflag:s26] =	ssyncset.done $0x0  }
0x60: {  	[sflag:s26] =	ssyncadd.s32 $0xFFFFD800  }
0x61: {  	[spmem:s1] =	stream.indirect.scatter.add.f32 [tilespmem:s24], [sflag:$0x3], $0x80, s29, s23, $0xb8;
	[tilespmem:$0x1A880] =	vst v63  }
0x62: {  	_ =	swait.ge [sflag:s21], $0x2800  }
0x63: {  	[sflag:s21] =	ssyncset.done $0x0  }
0x64: {  	s9 =	simm.s32 $0x0;
	s10 =	rddreg [dreg:$0x7];
	[sflag:s21] =	ssyncadd.s32 $0xFFFFD800  }
0x65: {  	[tilespmem:s9], [sflag:$0x3] =	stream.linear.gather [hbm4b:s10+s9], $0xC80, $0x38;
	[tilespmem:$0x1A880] =	vst v63  }
0x66: {  	_ =	swait.ge [sflag:s21], $0xC80  }
0x67: {  	[sflag:s21] =	ssyncset.done $0x0  }
0x68: {  	[sflag:s21] =	ssyncadd.s32 $0xFFFFF380  }
0x69: {  	[tilespmem:s22], [sflag:$0x3] =	stream.linear.gather [hbm4b:s11+s9], $0xC80, $0x38;
	[tilespmem:$0x1A880] =	vst v63  }
0x6a: {  	_ =	swait.ge [sflag:s21], $0xC80  }
0x6b: {  	[sflag:s21] =	ssyncset.done $0x0  }
0x6c: {  	[sflag:s21] =	ssyncadd.s32 $0xFFFFF380  }
0x6d: {  	[tilespmem:s24], [sflag:$0x1] =	stream.indirect.gather [hbm4b:s3+s23], $0x80, s9, s23, $0xb8;
	[tilespmem:$0x1A880] =	vst v63  }
0x6e: {  	s7 =	simm.s32 $0x80  }
0x6f: {  	[tilespmem:s25], [sflag:$0x2] =	stream.indirect.gather [hbm4b:s3+s23], $0x80, s7, s23, $0xb8;
	[tilespmem:$0x1A880] =	vst v63  }
0x70: {  	_ =	swait.ge [sflag:s26], $0x2800  }
0x71: {  	[sflag:s26] =	ssyncset.done $0x0  }
0x72: {  	s8 =	simm.s32 $0x1000;
	[sflag:s26] =	ssyncadd.s32 $0xFFFFD800  }
0x73: {  	[spmem:s1] =	stream.indirect.scatter.add.f32 [tilespmem:s24], [sflag:$0x3], $0x80, s8, s23, $0xb8;
	[tilespmem:$0x1A880] =	vst v63  }
0x74: {  	_ =	swait.ge [sflag:s21], $0x2800  }
0x75: {  	[sflag:s21] =	ssyncset.done $0x0  }
0x76: {  	s9 =	simm.s32 $0x100;
	[sflag:s21] =	ssyncadd.s32 $0xFFFFD800  }
0x77: {  	[tilespmem:s24], [sflag:$0x1] =	stream.indirect.gather [hbm4b:s3+s23], $0x80, s9, s23, $0xb8;
	[tilespmem:$0x1A880] =	vst v63  }
0x78: {  	_ =	swait.ge [sflag:s28], $0x2800  }
0x79: {  	[sflag:s28] =	ssyncset.done $0x0  }
0x7a: {  	s10 =	simm.s32 $0x1080;
	[sflag:s28] =	ssyncadd.s32 $0xFFFFD800  }
0x7b: {  	[spmem:s1] =	stream.indirect.scatter.add.f32 [tilespmem:s25], [sflag:$0x3], $0x80, s10, s23, $0xb8;
	[tilespmem:$0x1A880] =	vst v63  }
0x7c: {  	_ =	swait.ge [sflag:s21], $0x2800  }
0x7d: {  	s5 =	simm.s32 $0x100;
	s7 =	simm.s32 $0x800;
	[sflag:s21] =	ssyncset.done $0x0  }
.LBB2_4:
0x7e: {  	s8 =	sadd.s32 $0x80, s5  }
0x7f: {  	[sflag:s21] =	ssyncadd.s32 $0xFFFFD800;
	s9 =	smov.u32 s7;
	s10 =	sadd.s32 $0x400, s7  }
0x80: {  	[tilespmem:s25], [sflag:$0x2] =	stream.indirect.gather [hbm4b:s3+s23], $0x80, s8, s23, $0xb8;
	[tilespmem:$0x1A880] =	vst v63  }
0x81: {  	p1 =	sne.s32 s7, $0x2C00;
	_ =	swait.ge [sflag:s26], $0x2800  }
0x82: {  	[sflag:s26] =	ssyncset.done $0x0  }
0x83: {  	s7 =	sadd.s32 $0x1000, s5;
	[sflag:s26] =	ssyncadd.s32 $0xFFFFD800  }
0x84: {  	[spmem:s1] =	stream.indirect.scatter.add.f32 [tilespmem:s24], [sflag:$0x3], $0x80, s7, s23, $0xb8;
	[tilespmem:$0x1A880] =	vst v63  }
0x85: {  	_ =	swait.ge [sflag:s21], $0x2800  }
0x86: {  	[sflag:s21] =	ssyncset.done $0x0  }
0x87: {  	s7 =	sadd.s32 $0x100, s5;
	[sflag:s21] =	ssyncadd.s32 $0xFFFFD800  }
0x88: {  	[tilespmem:s24], [sflag:$0x1] =	stream.indirect.gather [hbm4b:s3+s23], $0x80, s7, s23, $0xb8;
	[tilespmem:$0x1A880] =	vst v63  }
0x89: {  	_ =	swait.ge [sflag:s28], $0x2800  }
.Ltmp1:
0x8a: {  	[sflag:s28] =	ssyncset.done $0x0;
	(pc) =	sbr.rel @p1 .LBB2_4-.Ltmp1, $4  }
0x8b: {  	s5 =	sadd.s32 $0x1080, s5;
	[sflag:s28] =	ssyncadd.s32 $0xFFFFD800  }
0x8c: {  	[spmem:s1] =	stream.indirect.scatter.add.f32 [tilespmem:s25], [sflag:$0x3], $0x80, s5, s23, $0xb8;
	[tilespmem:$0x1A880] =	vst v63  }
0x8d: {  	_ =	swait.ge [sflag:s21], $0x2800  }
0x8e: {  	s7 =	smov.u32 s10;
	s5 =	sshra.s32 s9, $0x2;
	[sflag:s21] =	ssyncset.done $0x0  }
0x8f: {  	s7 =	sadd.s32 $0x80, s5;
	[sflag:s21] =	ssyncadd.s32 $0xFFFFD800  }
0x90: {  	[tilespmem:s25], [sflag:$0x2] =	stream.indirect.gather [hbm4b:s3+s23], $0x80, s7, s23, $0xb8;
	[tilespmem:$0x1A880] =	vst v63  }
0x91: {  	_ =	swait.ge [sflag:s26], $0x2800  }
0x92: {  	[sflag:s26] =	ssyncset.done $0x0  }
0x93: {  	s10 =	sadd.s32 $0x1000, s5;
	[sflag:s26] =	ssyncadd.s32 $0xFFFFD800  }
0x94: {  	[spmem:s1] =	stream.indirect.scatter.add.f32 [tilespmem:s24], [sflag:$0x3], $0x80, s10, s23, $0xb8;
	[tilespmem:$0x1A880] =	vst v63  }
0x95: {  	_ =	swait.ge [sflag:s21], $0x2800  }
0x96: {  	[sflag:s21] =	ssyncset.done $0x0  }
0x97: {  	s8 =	sadd.s32 $0x100, s5;
	[sflag:s21] =	ssyncadd.s32 $0xFFFFD800  }
0x98: {  	[tilespmem:s24], [sflag:$0x1] =	stream.indirect.gather [hbm4b:s3+s23], $0x80, s8, s23, $0xb8;
	[tilespmem:$0x1A880] =	vst v63  }
0x99: {  	_ =	swait.ge [sflag:s28], $0x2800  }
0x9a: {  	[sflag:s28] =	ssyncset.done $0x0  }
0x9b: {  	s9 =	sadd.s32 $0x1080, s5;
	[sflag:s28] =	ssyncadd.s32 $0xFFFFD800  }
0x9c: {  	[spmem:s1] =	stream.indirect.scatter.add.f32 [tilespmem:s25], [sflag:$0x3], $0x80, s9, s23, $0xb8;
	[tilespmem:$0x1A880] =	vst v63  }
0x9d: {  	_ =	swait.ge [sflag:s21], $0x2800  }
0x9e: {  	[sflag:s21] =	ssyncset.done $0x0  }
0x9f: {  	[sflag:s21] =	ssyncadd.s32 $0xFFFFD800  }
0xa0: {  	_ =	swait.ge [sflag:s26], $0x2800  }
0xa1: {  	[sflag:s26] =	ssyncset.done $0x0  }
0xa2: {  	[sflag:s26] =	ssyncadd.s32 $0xFFFFD800  }
0xa3: {  	[spmem:s1] =	stream.indirect.scatter.add.f32 [tilespmem:s24], [sflag:$0x3], $0x80, s29, s23, $0xb8;
	[tilespmem:$0x1A880] =	vst v63  }
0xa4: {  	_ =	swait.ge [sflag:s21], $0x2800  }
0xa5: {  	[sflag:s21] =	ssyncset.done $0x0  }
0xa6: {  	s10 =	simm.s32 $0x0;
	[sflag:s21] =	ssyncadd.s32 $0xFFFFD800  }
0xa7: {  	[tilespmem:s10], [sflag:$0x3] =	stream.linear.gather [hbm4b:s12+s10], $0xC80, $0x38;
	[tilespmem:$0x1A880] =	vst v63  }
0xa8: {  	_ =	swait.ge [sflag:s21], $0xC80  }
0xa9: {  	[sflag:s21] =	ssyncset.done $0x0  }
0xaa: {  	[sflag:s21] =	ssyncadd.s32 $0xFFFFF380  }
0xab: {  	[tilespmem:s22], [sflag:$0x3] =	stream.linear.gather [hbm4b:s13+s10], $0xC80, $0x38;
	[tilespmem:$0x1A880] =	vst v63  }
0xac: {  	_ =	swait.ge [sflag:s21], $0xC80  }
0xad: {  	[sflag:s21] =	ssyncset.done $0x0  }
0xae: {  	[sflag:s21] =	ssyncadd.s32 $0xFFFFF380  }
0xaf: {  	[tilespmem:s24], [sflag:$0x1] =	stream.indirect.gather [hbm4b:s3+s23], $0x80, s10, s23, $0xb8;
	[tilespmem:$0x1A880] =	vst v63  }
0xb0: {  	s7 =	simm.s32 $0x80  }
0xb1: {  	[tilespmem:s25], [sflag:$0x2] =	stream.indirect.gather [hbm4b:s3+s23], $0x80, s7, s23, $0xb8;
	[tilespmem:$0x1A880] =	vst v63  }
0xb2: {  	_ =	swait.ge [sflag:s26], $0x2800  }
0xb3: {  	[sflag:s26] =	ssyncset.done $0x0  }
0xb4: {  	s8 =	simm.s32 $0x1000;
	[sflag:s26] =	ssyncadd.s32 $0xFFFFD800  }
0xb5: {  	[spmem:s1] =	stream.indirect.scatter.add.f32 [tilespmem:s24], [sflag:$0x3], $0x80, s8, s23, $0xb8;
	[tilespmem:$0x1A880] =	vst v63  }
0xb6: {  	_ =	swait.ge [sflag:s21], $0x2800  }
0xb7: {  	[sflag:s21] =	ssyncset.done $0x0  }
0xb8: {  	s9 =	simm.s32 $0x100;
	[sflag:s21] =	ssyncadd.s32 $0xFFFFD800  }
0xb9: {  	[tilespmem:s24], [sflag:$0x1] =	stream.indirect.gather [hbm4b:s3+s23], $0x80, s9, s23, $0xb8;
	[tilespmem:$0x1A880] =	vst v63  }
0xba: {  	_ =	swait.ge [sflag:s28], $0x2800  }
0xbb: {  	[sflag:s28] =	ssyncset.done $0x0  }
0xbc: {  	s10 =	simm.s32 $0x1080;
	[sflag:s28] =	ssyncadd.s32 $0xFFFFD800  }
0xbd: {  	[spmem:s1] =	stream.indirect.scatter.add.f32 [tilespmem:s25], [sflag:$0x3], $0x80, s10, s23, $0xb8;
	[tilespmem:$0x1A880] =	vst v63  }
0xbe: {  	_ =	swait.ge [sflag:s21], $0x2800  }
0xbf: {  	s5 =	simm.s32 $0x100;
	s7 =	simm.s32 $0x800;
	[sflag:s21] =	ssyncset.done $0x0  }
.LBB2_6:
0xc0: {  	s8 =	sadd.s32 $0x80, s5  }
0xc1: {  	[sflag:s21] =	ssyncadd.s32 $0xFFFFD800;
	s9 =	smov.u32 s7;
	s10 =	sadd.s32 $0x400, s7  }
0xc2: {  	[tilespmem:s25], [sflag:$0x2] =	stream.indirect.gather [hbm4b:s3+s23], $0x80, s8, s23, $0xb8;
	[tilespmem:$0x1A880] =	vst v63  }
0xc3: {  	p1 =	sne.s32 s7, $0x2C00;
	_ =	swait.ge [sflag:s26], $0x2800  }
0xc4: {  	[sflag:s26] =	ssyncset.done $0x0  }
0xc5: {  	s7 =	sadd.s32 $0x1000, s5;
	[sflag:s26] =	ssyncadd.s32 $0xFFFFD800  }
0xc6: {  	[spmem:s1] =	stream.indirect.scatter.add.f32 [tilespmem:s24], [sflag:$0x3], $0x80, s7, s23, $0xb8;
	[tilespmem:$0x1A880] =	vst v63  }
0xc7: {  	_ =	swait.ge [sflag:s21], $0x2800  }
0xc8: {  	[sflag:s21] =	ssyncset.done $0x0  }
0xc9: {  	s7 =	sadd.s32 $0x100, s5;
	[sflag:s21] =	ssyncadd.s32 $0xFFFFD800  }
0xca: {  	[tilespmem:s24], [sflag:$0x1] =	stream.indirect.gather [hbm4b:s3+s23], $0x80, s7, s23, $0xb8;
	[tilespmem:$0x1A880] =	vst v63  }
0xcb: {  	_ =	swait.ge [sflag:s28], $0x2800  }
.Ltmp2:
0xcc: {  	[sflag:s28] =	ssyncset.done $0x0;
	(pc) =	sbr.rel @p1 .LBB2_6-.Ltmp2, $4  }
0xcd: {  	s5 =	sadd.s32 $0x1080, s5;
	[sflag:s28] =	ssyncadd.s32 $0xFFFFD800  }
0xce: {  	[spmem:s1] =	stream.indirect.scatter.add.f32 [tilespmem:s25], [sflag:$0x3], $0x80, s5, s23, $0xb8;
	[tilespmem:$0x1A880] =	vst v63  }
0xcf: {  	_ =	swait.ge [sflag:s21], $0x2800  }
0xd0: {  	s7 =	smov.u32 s10;
	s5 =	sshra.s32 s9, $0x2;
	[sflag:s21] =	ssyncset.done $0x0  }
0xd1: {  	s7 =	sadd.s32 $0x80, s5;
	[sflag:s21] =	ssyncadd.s32 $0xFFFFD800  }
0xd2: {  	[tilespmem:s25], [sflag:$0x2] =	stream.indirect.gather [hbm4b:s3+s23], $0x80, s7, s23, $0xb8;
	[tilespmem:$0x1A880] =	vst v63  }
0xd3: {  	_ =	swait.ge [sflag:s26], $0x2800  }
0xd4: {  	[sflag:s26] =	ssyncset.done $0x0  }
0xd5: {  	s10 =	sadd.s32 $0x1000, s5;
	[sflag:s26] =	ssyncadd.s32 $0xFFFFD800  }
0xd6: {  	[spmem:s1] =	stream.indirect.scatter.add.f32 [tilespmem:s24], [sflag:$0x3], $0x80, s10, s23, $0xb8;
	[tilespmem:$0x1A880] =	vst v63  }
0xd7: {  	_ =	swait.ge [sflag:s21], $0x2800  }
0xd8: {  	[sflag:s21] =	ssyncset.done $0x0  }
0xd9: {  	s8 =	sadd.s32 $0x100, s5;
	[sflag:s21] =	ssyncadd.s32 $0xFFFFD800  }
0xda: {  	[tilespmem:s24], [sflag:$0x1] =	stream.indirect.gather [hbm4b:s3+s23], $0x80, s8, s23, $0xb8;
	[tilespmem:$0x1A880] =	vst v63  }
0xdb: {  	_ =	swait.ge [sflag:s28], $0x2800  }
0xdc: {  	[sflag:s28] =	ssyncset.done $0x0  }
0xdd: {  	s9 =	sadd.s32 $0x1080, s5;
	[sflag:s28] =	ssyncadd.s32 $0xFFFFD800  }
0xde: {  	[spmem:s1] =	stream.indirect.scatter.add.f32 [tilespmem:s25], [sflag:$0x3], $0x80, s9, s23, $0xb8;
	[tilespmem:$0x1A880] =	vst v63  }
0xdf: {  	_ =	swait.ge [sflag:s21], $0x2800  }
0xe0: {  	[sflag:s21] =	ssyncset.done $0x0  }
0xe1: {  	[sflag:s21] =	ssyncadd.s32 $0xFFFFD800  }
0xe2: {  	_ =	swait.ge [sflag:s26], $0x2800  }
0xe3: {  	[sflag:s26] =	ssyncset.done $0x0  }
0xe4: {  	[sflag:s26] =	ssyncadd.s32 $0xFFFFD800  }
0xe5: {  	[spmem:s1] =	stream.indirect.scatter.add.f32 [tilespmem:s24], [sflag:$0x3], $0x80, s29, s23, $0xb8;
	[tilespmem:$0x1A880] =	vst v63  }
0xe6: {  	_ =	swait.ge [sflag:s21], $0x2800  }
0xe7: {  	[sflag:s21] =	ssyncset.done $0x0  }
0xe8: {  	s10 =	simm.s32 $0x0;
	[sflag:s21] =	ssyncadd.s32 $0xFFFFD800  }
0xe9: {  	[tilespmem:s10], [sflag:$0x3] =	stream.linear.gather [hbm4b:s14+s10], $0xC80, $0x38;
	[tilespmem:$0x1A880] =	vst v63  }
0xea: {  	_ =	swait.ge [sflag:s21], $0xC80  }
0xeb: {  	[sflag:s21] =	ssyncset.done $0x0  }
0xec: {  	[sflag:s21] =	ssyncadd.s32 $0xFFFFF380  }
0xed: {  	[tilespmem:s22], [sflag:$0x3] =	stream.linear.gather [hbm4b:s15+s10], $0xC80, $0x38;
	[tilespmem:$0x1A880] =	vst v63  }
0xee: {  	_ =	swait.ge [sflag:s21], $0xC80  }
0xef: {  	[sflag:s21] =	ssyncset.done $0x0  }
0xf0: {  	[sflag:s21] =	ssyncadd.s32 $0xFFFFF380  }
0xf1: {  	[tilespmem:s24], [sflag:$0x1] =	stream.indirect.gather [hbm4b:s3+s23], $0x80, s10, s23, $0xb8;
	[tilespmem:$0x1A880] =	vst v63  }
0xf2: {  	s7 =	simm.s32 $0x80  }
0xf3: {  	[tilespmem:s25], [sflag:$0x2] =	stream.indirect.gather [hbm4b:s3+s23], $0x80, s7, s23, $0xb8;
	[tilespmem:$0x1A880] =	vst v63  }
0xf4: {  	_ =	swait.ge [sflag:s26], $0x2800  }
0xf5: {  	[sflag:s26] =	ssyncset.done $0x0  }
0xf6: {  	s8 =	simm.s32 $0x1000;
	[sflag:s26] =	ssyncadd.s32 $0xFFFFD800  }
0xf7: {  	[spmem:s1] =	stream.indirect.scatter.add.f32 [tilespmem:s24], [sflag:$0x3], $0x80, s8, s23, $0xb8;
	[tilespmem:$0x1A880] =	vst v63  }
0xf8: {  	_ =	swait.ge [sflag:s21], $0x2800  }
0xf9: {  	[sflag:s21] =	ssyncset.done $0x0  }
0xfa: {  	s9 =	simm.s32 $0x100;
	[sflag:s21] =	ssyncadd.s32 $0xFFFFD800  }
0xfb: {  	[tilespmem:s24], [sflag:$0x1] =	stream.indirect.gather [hbm4b:s3+s23], $0x80, s9, s23, $0xb8;
	[tilespmem:$0x1A880] =	vst v63  }
0xfc: {  	_ =	swait.ge [sflag:s28], $0x2800  }
0xfd: {  	[sflag:s28] =	ssyncset.done $0x0  }
0xfe: {  	s10 =	simm.s32 $0x1080;
	[sflag:s28] =	ssyncadd.s32 $0xFFFFD800  }
0xff: {  	[spmem:s1] =	stream.indirect.scatter.add.f32 [tilespmem:s25], [sflag:$0x3], $0x80, s10, s23, $0xb8;
	[tilespmem:$0x1A880] =	vst v63  }
0x100: {  	_ =	swait.ge [sflag:s21], $0x2800  }
0x101: {  	s5 =	simm.s32 $0x100;
	s7 =	simm.s32 $0x800;
	[sflag:s21] =	ssyncset.done $0x0  }
.LBB2_8:
0x102: {  	s8 =	sadd.s32 $0x80, s5  }
0x103: {  	[sflag:s21] =	ssyncadd.s32 $0xFFFFD800;
	s9 =	smov.u32 s7;
	s10 =	sadd.s32 $0x400, s7  }
0x104: {  	[tilespmem:s25], [sflag:$0x2] =	stream.indirect.gather [hbm4b:s3+s23], $0x80, s8, s23, $0xb8;
	[tilespmem:$0x1A880] =	vst v63  }
0x105: {  	p1 =	sne.s32 s7, $0x2C00;
	_ =	swait.ge [sflag:s26], $0x2800  }
0x106: {  	[sflag:s26] =	ssyncset.done $0x0  }
0x107: {  	s7 =	sadd.s32 $0x1000, s5;
	[sflag:s26] =	ssyncadd.s32 $0xFFFFD800  }
0x108: {  	[spmem:s1] =	stream.indirect.scatter.add.f32 [tilespmem:s24], [sflag:$0x3], $0x80, s7, s23, $0xb8;
	[tilespmem:$0x1A880] =	vst v63  }
0x109: {  	_ =	swait.ge [sflag:s21], $0x2800  }
0x10a: {  	[sflag:s21] =	ssyncset.done $0x0  }
0x10b: {  	s7 =	sadd.s32 $0x100, s5;
	[sflag:s21] =	ssyncadd.s32 $0xFFFFD800  }
0x10c: {  	[tilespmem:s24], [sflag:$0x1] =	stream.indirect.gather [hbm4b:s3+s23], $0x80, s7, s23, $0xb8;
	[tilespmem:$0x1A880] =	vst v63  }
0x10d: {  	_ =	swait.ge [sflag:s28], $0x2800  }
.Ltmp3:
0x10e: {  	[sflag:s28] =	ssyncset.done $0x0;
	(pc) =	sbr.rel @p1 .LBB2_8-.Ltmp3, $4  }
0x10f: {  	s5 =	sadd.s32 $0x1080, s5;
	[sflag:s28] =	ssyncadd.s32 $0xFFFFD800  }
0x110: {  	[spmem:s1] =	stream.indirect.scatter.add.f32 [tilespmem:s25], [sflag:$0x3], $0x80, s5, s23, $0xb8;
	[tilespmem:$0x1A880] =	vst v63  }
0x111: {  	_ =	swait.ge [sflag:s21], $0x2800  }
0x112: {  	s7 =	smov.u32 s10;
	s5 =	sshra.s32 s9, $0x2;
	[sflag:s21] =	ssyncset.done $0x0  }
0x113: {  	s7 =	sadd.s32 $0x80, s5;
	[sflag:s21] =	ssyncadd.s32 $0xFFFFD800  }
0x114: {  	[tilespmem:s25], [sflag:$0x2] =	stream.indirect.gather [hbm4b:s3+s23], $0x80, s7, s23, $0xb8;
	[tilespmem:$0x1A880] =	vst v63  }
0x115: {  	_ =	swait.ge [sflag:s26], $0x2800  }
0x116: {  	[sflag:s26] =	ssyncset.done $0x0  }
0x117: {  	s10 =	sadd.s32 $0x1000, s5;
	[sflag:s26] =	ssyncadd.s32 $0xFFFFD800  }
0x118: {  	[spmem:s1] =	stream.indirect.scatter.add.f32 [tilespmem:s24], [sflag:$0x3], $0x80, s10, s23, $0xb8;
	[tilespmem:$0x1A880] =	vst v63  }
0x119: {  	_ =	swait.ge [sflag:s21], $0x2800  }
0x11a: {  	[sflag:s21] =	ssyncset.done $0x0  }
0x11b: {  	s8 =	sadd.s32 $0x100, s5;
	[sflag:s21] =	ssyncadd.s32 $0xFFFFD800  }
0x11c: {  	[tilespmem:s24], [sflag:$0x1] =	stream.indirect.gather [hbm4b:s3+s23], $0x80, s8, s23, $0xb8;
	[tilespmem:$0x1A880] =	vst v63  }
0x11d: {  	_ =	swait.ge [sflag:s28], $0x2800  }
0x11e: {  	[sflag:s28] =	ssyncset.done $0x0  }
0x11f: {  	s9 =	sadd.s32 $0x1080, s5;
	[sflag:s28] =	ssyncadd.s32 $0xFFFFD800  }
0x120: {  	[spmem:s1] =	stream.indirect.scatter.add.f32 [tilespmem:s25], [sflag:$0x3], $0x80, s9, s23, $0xb8;
	[tilespmem:$0x1A880] =	vst v63  }
0x121: {  	_ =	swait.ge [sflag:s21], $0x2800  }
0x122: {  	[sflag:s21] =	ssyncset.done $0x0  }
0x123: {  	[sflag:s21] =	ssyncadd.s32 $0xFFFFD800  }
0x124: {  	_ =	swait.ge [sflag:s26], $0x2800  }
0x125: {  	[sflag:s26] =	ssyncset.done $0x0  }
0x126: {  	[sflag:s26] =	ssyncadd.s32 $0xFFFFD800  }
0x127: {  	[spmem:s1] =	stream.indirect.scatter.add.f32 [tilespmem:s24], [sflag:$0x3], $0x80, s29, s23, $0xb8;
	[tilespmem:$0x1A880] =	vst v63  }
0x128: {  	_ =	swait.ge [sflag:s21], $0x2800  }
0x129: {  	[sflag:s21] =	ssyncset.done $0x0  }
0x12a: {  	s10 =	simm.s32 $0x0;
	[sflag:s21] =	ssyncadd.s32 $0xFFFFD800  }
0x12b: {  	[tilespmem:s10], [sflag:$0x3] =	stream.linear.gather [hbm4b:s16+s10], $0xC80, $0x38;
	[tilespmem:$0x1A880] =	vst v63  }
0x12c: {  	_ =	swait.ge [sflag:s21], $0xC80  }
0x12d: {  	[sflag:s21] =	ssyncset.done $0x0  }
0x12e: {  	[sflag:s21] =	ssyncadd.s32 $0xFFFFF380  }
0x12f: {  	[tilespmem:s22], [sflag:$0x3] =	stream.linear.gather [hbm4b:s17+s10], $0xC80, $0x38;
	[tilespmem:$0x1A880] =	vst v63  }
0x130: {  	_ =	swait.ge [sflag:s21], $0xC80  }
0x131: {  	[sflag:s21] =	ssyncset.done $0x0  }
0x132: {  	[sflag:s21] =	ssyncadd.s32 $0xFFFFF380  }
0x133: {  	[tilespmem:s24], [sflag:$0x1] =	stream.indirect.gather [hbm4b:s3+s23], $0x80, s10, s23, $0xb8;
	[tilespmem:$0x1A880] =	vst v63  }
0x134: {  	s7 =	simm.s32 $0x80  }
0x135: {  	[tilespmem:s25], [sflag:$0x2] =	stream.indirect.gather [hbm4b:s3+s23], $0x80, s7, s23, $0xb8;
	[tilespmem:$0x1A880] =	vst v63  }
0x136: {  	_ =	swait.ge [sflag:s26], $0x2800  }
0x137: {  	[sflag:s26] =	ssyncset.done $0x0  }
0x138: {  	s8 =	simm.s32 $0x1000;
	[sflag:s26] =	ssyncadd.s32 $0xFFFFD800  }
0x139: {  	[spmem:s1] =	stream.indirect.scatter.add.f32 [tilespmem:s24], [sflag:$0x3], $0x80, s8, s23, $0xb8;
	[tilespmem:$0x1A880] =	vst v63  }
0x13a: {  	_ =	swait.ge [sflag:s21], $0x2800  }
0x13b: {  	[sflag:s21] =	ssyncset.done $0x0  }
0x13c: {  	s9 =	simm.s32 $0x100;
	[sflag:s21] =	ssyncadd.s32 $0xFFFFD800  }
0x13d: {  	[tilespmem:s24], [sflag:$0x1] =	stream.indirect.gather [hbm4b:s3+s23], $0x80, s9, s23, $0xb8;
	[tilespmem:$0x1A880] =	vst v63  }
0x13e: {  	_ =	swait.ge [sflag:s28], $0x2800  }
0x13f: {  	[sflag:s28] =	ssyncset.done $0x0  }
0x140: {  	s10 =	simm.s32 $0x1080;
	[sflag:s28] =	ssyncadd.s32 $0xFFFFD800  }
0x141: {  	[spmem:s1] =	stream.indirect.scatter.add.f32 [tilespmem:s25], [sflag:$0x3], $0x80, s10, s23, $0xb8;
	[tilespmem:$0x1A880] =	vst v63  }
0x142: {  	_ =	swait.ge [sflag:s21], $0x2800  }
0x143: {  	s5 =	simm.s32 $0x100;
	s7 =	simm.s32 $0x800;
	[sflag:s21] =	ssyncset.done $0x0  }
.LBB2_10:
0x144: {  	s8 =	sadd.s32 $0x80, s5  }
0x145: {  	[sflag:s21] =	ssyncadd.s32 $0xFFFFD800;
	s9 =	smov.u32 s7;
	s10 =	sadd.s32 $0x400, s7  }
0x146: {  	[tilespmem:s25], [sflag:$0x2] =	stream.indirect.gather [hbm4b:s3+s23], $0x80, s8, s23, $0xb8;
	[tilespmem:$0x1A880] =	vst v63  }
0x147: {  	p1 =	sne.s32 s7, $0x2C00;
	_ =	swait.ge [sflag:s26], $0x2800  }
0x148: {  	[sflag:s26] =	ssyncset.done $0x0  }
0x149: {  	s7 =	sadd.s32 $0x1000, s5;
	[sflag:s26] =	ssyncadd.s32 $0xFFFFD800  }
0x14a: {  	[spmem:s1] =	stream.indirect.scatter.add.f32 [tilespmem:s24], [sflag:$0x3], $0x80, s7, s23, $0xb8;
	[tilespmem:$0x1A880] =	vst v63  }
0x14b: {  	_ =	swait.ge [sflag:s21], $0x2800  }
0x14c: {  	[sflag:s21] =	ssyncset.done $0x0  }
0x14d: {  	s7 =	sadd.s32 $0x100, s5;
	[sflag:s21] =	ssyncadd.s32 $0xFFFFD800  }
0x14e: {  	[tilespmem:s24], [sflag:$0x1] =	stream.indirect.gather [hbm4b:s3+s23], $0x80, s7, s23, $0xb8;
	[tilespmem:$0x1A880] =	vst v63  }
0x14f: {  	_ =	swait.ge [sflag:s28], $0x2800  }
.Ltmp4:
0x150: {  	[sflag:s28] =	ssyncset.done $0x0;
	(pc) =	sbr.rel @p1 .LBB2_10-.Ltmp4, $4  }
0x151: {  	s5 =	sadd.s32 $0x1080, s5;
	[sflag:s28] =	ssyncadd.s32 $0xFFFFD800  }
0x152: {  	[spmem:s1] =	stream.indirect.scatter.add.f32 [tilespmem:s25], [sflag:$0x3], $0x80, s5, s23, $0xb8;
	[tilespmem:$0x1A880] =	vst v63  }
0x153: {  	_ =	swait.ge [sflag:s21], $0x2800  }
0x154: {  	s7 =	smov.u32 s10;
	s5 =	sshra.s32 s9, $0x2;
	[sflag:s21] =	ssyncset.done $0x0  }
0x155: {  	s7 =	sadd.s32 $0x80, s5;
	[sflag:s21] =	ssyncadd.s32 $0xFFFFD800  }
0x156: {  	[tilespmem:s25], [sflag:$0x2] =	stream.indirect.gather [hbm4b:s3+s23], $0x80, s7, s23, $0xb8;
	[tilespmem:$0x1A880] =	vst v63  }
0x157: {  	_ =	swait.ge [sflag:s26], $0x2800  }
0x158: {  	[sflag:s26] =	ssyncset.done $0x0  }
0x159: {  	s8 =	sadd.s32 $0x1000, s5;
	[sflag:s26] =	ssyncadd.s32 $0xFFFFD800  }
0x15a: {  	[spmem:s1] =	stream.indirect.scatter.add.f32 [tilespmem:s24], [sflag:$0x3], $0x80, s8, s23, $0xb8;
	[tilespmem:$0x1A880] =	vst v63  }
0x15b: {  	_ =	swait.ge [sflag:s21], $0x2800  }
0x15c: {  	[sflag:s21] =	ssyncset.done $0x0  }
0x15d: {  	s9 =	sadd.s32 $0x100, s5;
	[sflag:s21] =	ssyncadd.s32 $0xFFFFD800  }
0x15e: {  	[tilespmem:s24], [sflag:$0x1] =	stream.indirect.gather [hbm4b:s3+s23], $0x80, s9, s23, $0xb8;
	[tilespmem:$0x1A880] =	vst v63  }
0x15f: {  	_ =	swait.ge [sflag:s28], $0x2800  }
0x160: {  	[sflag:s28] =	ssyncset.done $0x0  }
0x161: {  	s10 =	sadd.s32 $0x1080, s5;
	[sflag:s28] =	ssyncadd.s32 $0xFFFFD800  }
0x162: {  	[spmem:s1] =	stream.indirect.scatter.add.f32 [tilespmem:s25], [sflag:$0x3], $0x80, s10, s23, $0xb8;
	[tilespmem:$0x1A880] =	vst v63  }
0x163: {  	_ =	swait.ge [sflag:s21], $0x2800  }
0x164: {  	[sflag:s21] =	ssyncset.done $0x0  }
0x165: {  	[sflag:s21] =	ssyncadd.s32 $0xFFFFD800  }
0x166: {  	_ =	swait.ge [sflag:s26], $0x2800  }
0x167: {  	[sflag:s26] =	ssyncset.done $0x0  }
0x168: {  	[sflag:s26] =	ssyncadd.s32 $0xFFFFD800  }
0x169: {  	[spmem:s1] =	stream.indirect.scatter.add.f32 [tilespmem:s24], [sflag:$0x3], $0x80, s29, s23, $0xb8;
	[tilespmem:$0x1A880] =	vst v63  }
0x16a: {  	_ =	swait.ge [sflag:s21], $0x2800  }
0x16b: {  	[sflag:s21] =	ssyncset.done $0x0  }
0x16c: {  	[sflag:s21] =	ssyncadd.s32 $0xFFFFD800  }
0x16d: {  	[bflag:$0x0] =	sbarrier.arrive $0xFFFF  }
0x16e: {  	[hbm:s18], [sflag:s6] =	dma.local [spmem:s31], $0x2700  }
0x16f: {  	_ =	swait.ge [sflag:s21], $0x2700  }
0x170: {  	s30 =	sadd.s32 $0x1, s30;
	[sflag:s21] =	ssyncset.done $0x0  }
0x171: {  	p1 =	sne.s32 s30, s20;
	[sflag:s21] =	ssyncadd.s32 $0xFFFFD900  }
0x172: {  	[hbm:s19], [sflag:s6] =	dma.local @!p0 [spmem:s0], $0x100  }
.Ltmp5:
0x173: {  	_ = 	snop;
	(pc) =	sbr.rel @p1 .LBB2_1-.Ltmp5, $4  }
0x174: {  	s0 =	simm.s32 @!p0 $0x3  }
0x175: {  	_ =	swait.ge @!p0 [sflag:s0], $0x100  }
0x176: {  	[sflag:s0] =	ssyncset.done @!p0 $0x0  }
0x177: {  	[sflag:s0] =	ssyncadd.s32 @!p0 $0xFFFFFF00  }
0x178: {  	_ =	sfence.sel $0x180000  }
0x179: {  	[bflag:$0x0] =	sbarrier.arrive $0xFFFF  }
0x17a: {  	_ =	strace $0x9000004D  }
0x17b: {  	[bflag:$0x2] =	sbarrier.arrive $0xFFFF  }
0x17c: {  	s0 =	rddreg [dreg:$0x2]  }
0x17d: {  	s0 =	sadd.s32 @!p0 $0x100000, s0  }
0x17e: {  	[sflag:s0] =	ssyncadd.tile.s32 @!p0 $0x1;
	_ =	shalt  }
.Lfunc_end2:
_tile_overlayer_lowered:
.L_overlay_start_2:
0x17f: {  	(tag) =	ssettag $0x2  }
0x180: {  	s0 =	rddreg [dreg:$0x0];
	s2 =	stileid.u32  }
0x181: {  	s1 =	rddreg [dreg:$0x1];
	p0 =	sne.s32 s2, $0x0  }
0x182: {  	s3 =	rddreg [dreg:$0x2];
	[bflag:$0x3] =	sbarrier.arrive $0xFFFF;
	s2 =	simm.s32 @!p0 $0x1C03  }
0x183: {  	[timem:s3], [sflag:s2] =	dma.local @!p0 [hbm:s0], s1  }
0x184: {  	s0 =	simm.s32 @!p0 $0x3  }
0x185: {  	_ =	swait.ge @!p0 [sflag:s0], s1  }
0x186: {  	s1 =	ssub.s32 @!p0 $0x0, s1;
	[sflag:s0] =	ssyncset.done @!p0 $0x0  }
0x187: {  	[sflag:s0] =	ssyncadd.s32 @!p0 s1  }
0x188: {  	[bflag:$0x3] =	sbarrier.arrive $0xFFFF  }
0x189: {  	_ =	shalt  }

// kernel: kernel.22.cloned.1.call-start
scs
__scs_entry_jumppad:
0x0: {  	(pc) =	sbr.rel $0x88, $3  }
0x1: {  	(tag) =	ssettag $0x0;
	lr =	simm.s32 $0x1  }
0x2: {  	[smem:$0x3F8B] =	sst lr;
	_ =	strace $0xD0000000  }
0x3: {  	_ = 	snop  }
0x4: {  	_ = 	snop  }
0x5: {  	_ = 	snop  }
0x6: {  	_ = 	snop  }
0x7: {  	_ = 	snop  }
__scs_overlays_trampoline_lowered:
0x8: {  	[smem:$0x3F9A] =	sst s0  }
0x9: {  	[smem:$0x3F9B] =	sst s1  }
0xa: {  	[smem:$0x3F9C] =	sst s2  }
0xb: {  	[smem:$0x3F9D] =	sst s3  }
0xc: {  	[smem:$0x3F9E] =	sst s4  }
0xd: {  	[smem:$0x3F9F] =	sst s5  }
0xe: {  	[smem:$0x3FA0] =	sst s6  }
0xf: {  	[smem:$0x3FA1] =	sst s7  }
0x10: {  	[smem:$0x3FA2] =	sst s8  }
0x11: {  	[smem:$0x3FA3] =	sst s9;
	s0 =	simm.s32 @!p0 $0x0  }
0x12: {  	s1 =	sld [smem:$0x3F89];
	s0 =	simm.s32 @p0 $0x1  }
0x13: {  	[smem:$0x3FA4] =	sst s0;
	s0 =	simm.s32 @!p1 $0x0  }
0x14: {  	s2 =	sld [smem:$0x3F88];
	s0 =	simm.s32 @p1 $0x1  }
0x15: {  	[smem:$0x3FA5] =	sst s0;
	s0 =	simm.s32 @!p2 $0x0  }
0x16: {  	s3 =	sld [smem:$0x3FDB];
	s0 =	simm.s32 @p2 $0x1  }
0x17: {  	s4 =	simm.s32 $0x1BF5;
	[smem:$0x3FA7] =	sst s0  }
0x18: {  	s0 =	sld [smem:$0x3F8A];
	_ =	swait.ge [sflag:s4], $0x0  }
0x19: {  	s7 =	sld [smem:$0x3F8B]  }
0x1a: {  	s8 =	sadd.s32 $0xFFFFE003, lr  }
0x1b: {  	s9 =	sadd.s32 $0xFFFFFEF7, lr;
	s5 =	simm.s32 $0xFFFFFFFF;
	p2 =	slt.u32 s8, $0xFFFFF086  }
0x1c: {  	p1 =	slt.u32 s9, $0xF7A;
	s5 =	simm.s32 @!p2 $0x0  }
0x1d: {  	s5 =	simm.s32 @p1 $0x1;
	p0 =	seq.s32 s7, s2  }
0x1e: {  	s7 =	smul.u32 @!p0 $0xF7A, s2;
	p2 =	seq.s32 @!p0 s5, $0x0  }
0x1f: {  	s9 =	smul.u32 $0xF7A, s1;
	s8 =	simm.s32 @!p0 $0x1BF5;
	p2 =	por !p2, p0  }
0x20: {  	[sflag:s8] =	ssyncset.s32 @!p0 $0xFFFFF086;
	s6 =	sadd.s32 @!p0 s3, s7;
	s7 =	simm.s32 @!p0 $0x108  }
0x21: {  	s3 =	sadd.s32 s3, s9;
	s6 =	sadd.s32 @!p0 $0x88, s6;
	s7 =	simm.s32 @p2 $0x1082  }
0x22: {  	[simem:s7], [sflag:s8] =	dma.local @!p0 [hbm:s6], $0xF7A  }
0x23: {  	s9 =	sor.u32 $0xD0000000, s2;
	s6 =	simm.s32 $0x108;
	_ =	swait.ge @!p0 [sflag:s8], $0x0  }
0x24: {  	s3 =	sadd.s32 $0x88, s3;
	s6 =	simm.s32 @!p1 $0x1082;
	[sflag:s4] =	ssyncset.s32 $0xFFFFF086  }
0x25: {  	[simem:s6], [sflag:s4] =	dma.local [hbm:s3], $0xF7A  }
0x26: {  	[smem:$0x3F8B] =	sst s1;
	(tag) =	ssettag s2;
	_ =	strace s9  }
0x27: {  	s1 =	sld [smem:$0x3F9B]  }
0x28: {  	s2 =	sld [smem:$0x3F9C]  }
0x29: {  	s4 =	sld [smem:$0x3F9E]  }
0x2a: {  	p0 =	seq.s32 s5, $0x0;
	s5 =	sld [smem:$0x3F9F]  }
0x2b: {  	s6 =	sld [smem:$0x3FA0]  }
0x2c: {  	s7 =	sld [smem:$0x3FA1]  }
0x2d: {  	s3 =	simm.s32 $0x108;
	s8 =	sld [smem:$0x3FA2]  }
0x2e: {  	s3 =	simm.s32 @!p0 $0x1082;
	s9 =	sld [smem:$0x3FA3]  }
0x2f: {  	lr =	sadd.s32 s0, s3;
	s0 =	sld [smem:$0x3F9A]  }
0x30: {  	s3 =	sld [smem:$0x3F9D]  }
0x31: {  	[smem:$0x3FA6] =	sst s10  }
0x32: {  	s10 =	sld [smem:$0x3FA4];
	_ =	sdelay $0x3  }
0x33: {  	p0 =	seq.s32 s10, $0x1;
	s10 =	sld [smem:$0x3FA6];
	_ =	sdelay $0x3  }
0x34: {  	[smem:$0x3FA6] =	sst s10  }
0x35: {  	s10 =	sld [smem:$0x3FA5];
	_ =	sdelay $0x3  }
0x36: {  	p1 =	seq.s32 s10, $0x1;
	s10 =	sld [smem:$0x3FA6];
	_ =	sdelay $0x3  }
0x37: {  	[smem:$0x3FA6] =	sst s10  }
0x38: {  	s10 =	sld [smem:$0x3FA7]  }
0x39: {  	_ = 	snop;
	(pc) =	sbr.ind lr, $3  }
0x3a: {  	_ = 	snop  }
0x3b: {  	_ = 	snop  }
0x3c: {  	p2 =	seq.s32 s10, $0x1;
	s10 =	sld [smem:$0x3FA6]  }
0x3d: {  	_ =	shalt  }
0x3e: {  	_ =	shalt  }
0x3f: {  	_ =	shalt  }
0x40: {  	_ =	shalt  }
0x41: {  	_ =	shalt  }
0x42: {  	_ =	shalt  }
0x43: {  	_ =	shalt  }
0x44: {  	_ =	shalt  }
0x45: {  	_ =	shalt  }
0x46: {  	_ =	shalt  }
0x47: {  	_ =	shalt  }
0x48: {  	_ =	shalt  }
0x49: {  	_ =	shalt  }
0x4a: {  	_ =	shalt  }
0x4b: {  	_ =	shalt  }
0x4c: {  	_ =	shalt  }
0x4d: {  	_ =	shalt  }
0x4e: {  	_ =	shalt  }
0x4f: {  	_ =	shalt  }
0x50: {  	_ =	shalt  }
0x51: {  	_ =	shalt  }
0x52: {  	_ =	shalt  }
0x53: {  	_ =	shalt  }
0x54: {  	_ =	shalt  }
0x55: {  	_ =	shalt  }
0x56: {  	_ =	shalt  }
0x57: {  	_ =	shalt  }
0x58: {  	_ =	shalt  }
0x59: {  	_ =	shalt  }
0x5a: {  	_ =	shalt  }
0x5b: {  	_ =	shalt  }
0x5c: {  	_ =	shalt  }
0x5d: {  	_ =	shalt  }
0x5e: {  	_ =	shalt  }
0x5f: {  	_ =	shalt  }
0x60: {  	_ =	shalt  }
0x61: {  	_ =	shalt  }
0x62: {  	_ =	shalt  }
0x63: {  	_ =	shalt  }
0x64: {  	_ =	shalt  }
0x65: {  	_ =	shalt  }
0x66: {  	_ =	shalt  }
0x67: {  	_ =	shalt  }
0x68: {  	_ =	shalt  }
0x69: {  	_ =	shalt  }
0x6a: {  	_ =	shalt  }
0x6b: {  	_ =	shalt  }
0x6c: {  	_ =	shalt  }
0x6d: {  	_ =	shalt  }
0x6e: {  	_ =	shalt  }
0x6f: {  	_ =	shalt  }
0x70: {  	_ =	shalt  }
0x71: {  	_ =	shalt  }
0x72: {  	_ =	shalt  }
0x73: {  	_ =	shalt  }
0x74: {  	_ =	shalt  }
0x75: {  	_ =	shalt  }
0x76: {  	_ =	shalt  }
0x77: {  	_ =	shalt  }
0x78: {  	_ =	shalt  }
0x79: {  	_ =	shalt  }
0x7a: {  	_ =	shalt  }
0x7b: {  	_ =	shalt  }
0x7c: {  	_ =	shalt  }
0x7d: {  	_ =	shalt  }
0x7e: {  	_ =	shalt  }
0x7f: {  	_ =	shalt  }
0x80: {  	_ =	shalt  }
0x81: {  	_ =	shalt  }
0x82: {  	_ =	shalt  }
0x83: {  	_ =	shalt  }
0x84: {  	_ =	shalt  }
0x85: {  	_ =	shalt  }
0x86: {  	_ =	shalt  }
0x87: {  	_ =	shalt  }
.Lfunc_end0:
.L_simem_size_0:
called_computation.3_lowered:
.L_overlay_start_0:
0x88: {  	s2 =	sld [smem:$0x3FD9]  }
0x89: {  	s3 =	sld [smem:$0x3FFE];
	_ =	sdelay $0x1  }
0x8a: {  	s1 =	srdreg.scid  }
0x8b: {  	s0 =	sand.u32 $0x1, s1  }
0x8c: {  	s16 =	sshll.u32 s0, $0xA;
	s2 =	sadd.s32 s3, s2  }
0x8d: {  	s2 =	sadd.s32 s2, s16  }
0x8e: {  	[smem:$0x3FB2] =	sst s2  }
0x8f: {  	_ = 	snop  }
0x90: {  	(tm) =	ssettm $0x1  }
0x91: {  	s17 =	sld [smem:$0x3FFB];
	_ =	sdelay $0x3  }
0x92: {  	_ =	strace s17  }
0x93: {  	s2 =	sld [smem:$0x3FFC];
	_ =	sdelay $0x3  }
0x94: {  	_ =	strace s2  }
0x95: {  	s2 =	sld [smem:$0x3FFD];
	_ =	sdelay $0x3  }
0x96: {  	_ =	strace s2  }
0x97: {  	_ =	strace $0x8FFFFFFF  }
0x98: {  	s18 =	sld [smem:$0x3FDB];
	_ =	sdelay $0x1  }
0x99: {  	s19 =	simm.s32 $_scs_section_size  }
0x9a: {  	s4 =	simm.s32 $_size__tile_overlayer_lowered;
	s5 =	simm.s32 $_tile_overlayer_lowered  }
0x9b: {  	s22 =	simm.s32 $0x1BFF;
	s21 =	sshll.u32 s5, $0x1;
	s2 =	sadd.s32 s19, s18  }
0x9c: {  	s6 =	simm.s32 $0x0;
	s20 =	sshll.u32 s4, $0x1;
	s4 =	sadd.s32 s21, s2  }
0x9d: {  	[timem:s6], [sflag:s22] =	dma.local [hbm:s4], s20  }
0x9e: {  	_ =	swait.ge [sflag:s22], s20  }
0x9f: {  	s3 =	ssub.s32 $0x0, s20;
	[sflag:s22] =	ssyncset.done $0x0  }
0xa0: {  	[sflag:s22] =	ssyncadd.s32 s3;
	_ =	sdelay $0x1  }
0xa1: {  	s23 =	simm.s32 $0x1B8B  }
0xa2: {  	_ =	swait.ge [sflag:s23], $0x1  }
0xa3: {  	[sflag:s23] =	ssyncset.done $0x0  }
0xa4: {  	s25 =	simm.s32 $0x1B8E;
	s24 =	sld [smem:$0x3FFE];
	[sflag:s23] =	ssyncadd.s32 $0xFFFFFFFF  }
0xa5: {  	s26 =	simm.s32 $execute0_lowered;
	[smem:$0x3FD2] =	sst s25  }
0xa6: {  	s4 =	sshll.u32 s26, $0x1;
	_ =	strace $0x8000004F;
	[dreg:$0x1] =	wrdreg $0xFFFFFFFF  }
0xa7: {  	s28 =	simm.s32 $_size_execute0_lowered;
	s2 =	sadd.s32 s2, s4;
	[dreg:$0x0] =	wrdreg $0x0  }
0xa8: {  	s4 =	sshll.u32 s28, $0x1;
	[dreg:$0x2] =	wrdreg s2  }
0xa9: {  	[dreg:$0x3] =	wrdreg s4  }
0xaa: {  	[dreg:$0x4] =	wrdreg $0xC0  }
0xab: {  	_ =	task [dreg:s6], $0x5FFFF  }
0xac: {  	[dreg:$0x1] =	wrdreg $0xFFFFFFFF  }
0xad: {  	[dreg:$0x0] =	wrdreg $0x60  }
0xae: {  	[dreg:$0x2] =	wrdreg s24  }
0xaf: {  	[dreg:$0x3] =	wrdreg $0x70000  }
0xb0: {  	[dreg:$0x4] =	wrdreg $0x9  }
0xb1: {  	_ =	task.clear_ibuf [dreg:s6], $0x5FFFF;
	_ =	strace $0x9000004F  }
0xb2: {  	s29 =	simm.s32 $0x9;
	_ =	strace $0x80000051  }
0xb3: {  	_ =	swait.ge [sflag:s29], $0x1  }
0xb4: {  	[sflag:s29] =	ssyncadd.s32 $0xFFFFFFFF  }
0xb5: {  	_ =	strace $0x90000051  }
0xb6: {  	_ =	sfence  }
0xb7: {  	s30 =	sld [smem:$0x0];
	_ =	sdelay $0x2  }
0xb8: {  	s31 =	sshll.u32 s1, $0xD;
	s1 =	sshrl.u32 s1, $0x2  }
0xb9: {  	s3 =	sand.u32 $0x4000, s31;
	s1 =	sadd.s32 s1, s30  }
0xba: {  	s0 =	sor.u32 s3, s0;
	s1 =	sshll.u32 s1, $0x11  }
0xbb: {  	s0 =	sor.u32 s1, s0  }
0xbc: {  	s0 =	sadd.s32 $0x8F2B, s0  }
0xbd: {  	[sflag:s0] =	ssyncadd.remote.s32 $0x1  }
0xbe: {  	_ =	sfence.sel $0xFFFF  }
0xbf: {  	[dreg:$0x0] =	wrdreg $0xFFFFFFFF;
	(pc) =	sbr.abs _section_cstart, $3  }
0xc0: {  	[dreg:$0x1] =	wrdreg $0xFFFFFFFF  }
0xc1: {  	_ =	task.clear_ibuf [dreg:s6], $0x2FFFF;
	_ =	strace $0x9FFFFFFF  }
0xc2: {  	(tm) =	ssettm $0x7FFFFFFF  }
0xc3: {  	_ =	shalt  }
tec
execute0_lowered:
.L_overlay_start_1:
0x0: {  	(tag) =	ssettag $0x1  }
0x1: {  	s0 =	rddreg [dreg:$0x0]  }
0x2: {  	s1 =	rddreg [dreg:$0x1];
	s2 =	simm.s32 $0x0;
	s4 =	srdreg.scid  }
0x3: {  	s21 =	stileid.u32;
	s28 =	simm.s32 $0x2;
	s29 =	simm.s32 $0x1C00  }
0x4: {  	s30 =	simm.s32 $0x0;
	[smem:$0x7FF] =	sst s2;
	s3 =	sadd.s32 $0x17200, s0  }
0x5: {  	s5 =	sadd.s32 $0x79A00, s0;
	s7 =	sadd.s32 $0x65A00, s0;
	s12 =	sand.u32 $0x1, s4  }
0x6: {  	s4 =	sadd.s32 $0x14A00, s0;
	s8 =	smul.u32 $0x4E000, s21;
	s0 =	sadd.s32 $0x8DA00, s0  }
0x7: {  	s22 =	sshll.u32 s21, $0x6;
	s23 =	sadd.s32 $0x138000, s1;
	s18 =	smul.u32 $0x13800, s21  }
0x8: {  	p0 =	sne.s32 s21, $0x0;
	_ =	strace $0x80000050;
	s6 =	sshll.u32 s12, $0x4  }
0x9: {  	s9 =	ssub.s32 $0x2, s12;
	[dreg:$0x4] =	wrdreg s23;
	s17 =	smul.u32 $0x138800, s12  }
0xa: {  	s23 =	simm.s32 $0x50;
	s6 =	sor.u32 s21, s6;
	s10 =	sshrl.u32 s9, $0x1  }
0xb: {  	s8 =	sshrl.u32 s8, $0x2;
	s21 =	simm.s32 $0x3;
	s11 =	smul.u32 $0x5000, s6  }
0xc: {  	s20 =	ssub.s32 s9, s10;
	s19 =	sadd.s32 s8, s1;
	s6 =	sor.u32 $0x1C03, s22  }
0xd: {  	s18 =	sadd.s32 s18, s17;
	s22 =	sshrl.u32 s17, $0x3;
	[dreg:$0x3] =	wrdreg s19  }
0xe: {  	s31 =	sshrl.u32 s18, $0x3;
	s20 =	smax.u32 s20, $0x1;
	s16 =	sshrl.u32 s11, $0x3  }
0xf: {  	s18 =	sadd.s32 s0, s31;
	s0 =	sadd.s32 s0, s22;
	s22 =	simm.s32 $0x1000  }
0x10: {  	s24 =	sadd.s32 s5, s16;
	s25 =	sadd.s32 s7, s16;
	s11 =	sadd.s32 $0x200, s16  }
0x11: {  	s13 =	sadd.s32 $0x400, s16;
	s15 =	sadd.s32 $0x600, s16;
	[dreg:$0x5] =	wrdreg s24  }
0x12: {  	s19 =	sadd.s32 $0x800, s16;
	[dreg:$0x6] =	wrdreg s25;
	s26 =	sadd.s32 s5, s11  }
0x13: {  	s11 =	sadd.s32 s7, s11;
	s12 =	sadd.s32 s5, s13;
	s13 =	sadd.s32 s7, s13  }
0x14: {  	s14 =	sadd.s32 s5, s15;
	s15 =	sadd.s32 s7, s15;
	s16 =	sadd.s32 s5, s19  }
0x15: {  	s17 =	sadd.s32 s7, s19;
	s19 =	sadd.s32 $0x27000, s0;
	s24 =	simm.s32 $0x2000  }
0x16: {  	s25 =	simm.s32 $0x4800;
	[dreg:$0x7] =	wrdreg s26;
	s26 =	simm.s32 $0x1  }
.LBB2_1:
0x17: {  	s0 =	rddreg [dreg:$0x3]  }
0x18: {  	s31 =	sshrl.u32 s0, $0x3  }
0x19: {  	[spmem:s31], [sflag:s6] =	dma.local [hbm:s4], $0x2700  }
0x1a: {  	_ =	swait.ge [sflag:s21], $0x2700  }
0x1b: {  	[sflag:s21] =	ssyncset.done $0x0;
	s0 =	rddreg [dreg:$0x4]  }
0x1c: {  	s5 =	simm.s32 @!p0 $0x3;
	[sflag:s21] =	ssyncadd.s32 $0xFFFFD900;
	s0 =	sshrl.u32 @!p0 s0, $0x3  }
0x1d: {  	[spmem:s0], [sflag:s6] =	dma.local @!p0 [hbm:s4], $0x100  }
0x1e: {  	_ =	swait.ge @!p0 [sflag:s5], $0x100  }
0x1f: {  	[sflag:s5] =	ssyncset.done @!p0 $0x0  }
0x20: {  	[sflag:s5] =	ssyncadd.s32 @!p0 $0xFFFFFF00  }
0x21: {  	[bflag:$0x0] =	sbarrier.arrive $0xFFFF  }
0x22: {  	s9 =	rddreg [dreg:$0x5]  }
0x23: {  	[tilespmem:s2], [sflag:$0x3] =	stream.linear.gather [hbm4b:s9+s2], $0xC80, $0x38;
	[tilespmem:$0x1A880] =	vst v63  }
0x24: {  	_ =	swait.ge [sflag:s21], $0xC80  }
0x25: {  	[sflag:s21] =	ssyncset.done $0x0  }
0x26: {  	s10 =	rddreg [dreg:$0x6];
	[sflag:s21] =	ssyncadd.s32 $0xFFFFF380  }
0x27: {  	[tilespmem:s22], [sflag:$0x3] =	stream.linear.gather [hbm4b:s10+s2], $0xC80, $0x38;
	[tilespmem:$0x1A880] =	vst v63  }
0x28: {  	_ =	swait.ge [sflag:s21], $0xC80  }
0x29: {  	[sflag:s21] =	ssyncset.done $0x0  }
0x2a: {  	[sflag:s21] =	ssyncadd.s32 $0xFFFFF380  }
0x2b: {  	[tilespmem:s24], [sflag:$0x1] =	stream.indirect.gather [hbm4b:s3+s23], $0x80, s2, s23, $0xb8;
	[tilespmem:$0x1A880] =	vst v63  }
0x2c: {  	s7 =	simm.s32 $0x80  }
0x2d: {  	[tilespmem:s25], [sflag:$0x2] =	stream.indirect.gather [hbm4b:s3+s23], $0x80, s7, s23, $0xb8;
	[tilespmem:$0x1A880] =	vst v63  }
0x2e: {  	_ =	swait.ge [sflag:s26], $0x2800  }
0x2f: {  	[sflag:s26] =	ssyncset.done $0x0  }
0x30: {  	s8 =	simm.s32 $0x1000;
	[sflag:s26] =	ssyncadd.s32 $0xFFFFD800  }
0x31: {  	[spmem:s1] =	stream.indirect.scatter.add.f32 [tilespmem:s24], [sflag:$0x3], $0x80, s8, s23, $0xb8;
	[tilespmem:$0x1A880] =	vst v63  }
0x32: {  	_ =	swait.ge [sflag:s21], $0x2800  }
0x33: {  	[sflag:s21] =	ssyncset.done $0x0  }
0x34: {  	s9 =	simm.s32 $0x100;
	[sflag:s21] =	ssyncadd.s32 $0xFFFFD800  }
0x35: {  	[tilespmem:s24], [sflag:$0x1] =	stream.indirect.gather [hbm4b:s3+s23], $0x80, s9, s23, $0xb8;
	[tilespmem:$0x1A880] =	vst v63  }
0x36: {  	_ =	swait.ge [sflag:s28], $0x2800  }
0x37: {  	[sflag:s28] =	ssyncset.done $0x0  }
0x38: {  	s10 =	simm.s32 $0x1080;
	[sflag:s28] =	ssyncadd.s32 $0xFFFFD800  }
0x39: {  	[spmem:s1] =	stream.indirect.scatter.add.f32 [tilespmem:s25], [sflag:$0x3], $0x80, s10, s23, $0xb8;
	[tilespmem:$0x1A880] =	vst v63  }
0x3a: {  	_ =	swait.ge [sflag:s21], $0x2800  }
0x3b: {  	s5 =	simm.s32 $0x100;
	s7 =	simm.s32 $0x800;
	[sflag:s21] =	ssyncset.done $0x0  }
.LBB2_2:
0x3c: {  	s8 =	sadd.s32 $0x80, s5  }
0x3d: {  	[sflag:s21] =	ssyncadd.s32 $0xFFFFD800;
	s9 =	smov.u32 s7;
	s10 =	sadd.s32 $0x400, s7  }
0x3e: {  	[tilespmem:s25], [sflag:$0x2] =	stream.indirect.gather [hbm4b:s3+s23], $0x80, s8, s23, $0xb8;
	[tilespmem:$0x1A880] =	vst v63  }
0x3f: {  	p1 =	sne.s32 s7, $0x2C00;
	_ =	swait.ge [sflag:s26], $0x2800  }
0x40: {  	[sflag:s26] =	ssyncset.done $0x0  }
0x41: {  	s7 =	sadd.s32 $0x1000, s5;
	[sflag:s26] =	ssyncadd.s32 $0xFFFFD800  }
0x42: {  	[spmem:s1] =	stream.indirect.scatter.add.f32 [tilespmem:s24], [sflag:$0x3], $0x80, s7, s23, $0xb8;
	[tilespmem:$0x1A880] =	vst v63  }
0x43: {  	_ =	swait.ge [sflag:s21], $0x2800  }
0x44: {  	[sflag:s21] =	ssyncset.done $0x0  }
0x45: {  	s7 =	sadd.s32 $0x100, s5;
	[sflag:s21] =	ssyncadd.s32 $0xFFFFD800  }
0x46: {  	[tilespmem:s24], [sflag:$0x1] =	stream.indirect.gather [hbm4b:s3+s23], $0x80, s7, s23, $0xb8;
	[tilespmem:$0x1A880] =	vst v63  }
0x47: {  	_ =	swait.ge [sflag:s28], $0x2800  }
.Ltmp0:
0x48: {  	[sflag:s28] =	ssyncset.done $0x0;
	(pc) =	sbr.rel @p1 .LBB2_2-.Ltmp0, $4  }
0x49: {  	s5 =	sadd.s32 $0x1080, s5;
	[sflag:s28] =	ssyncadd.s32 $0xFFFFD800  }
0x4a: {  	[spmem:s1] =	stream.indirect.scatter.add.f32 [tilespmem:s25], [sflag:$0x3], $0x80, s5, s23, $0xb8;
	[tilespmem:$0x1A880] =	vst v63  }
0x4b: {  	_ =	swait.ge [sflag:s21], $0x2800  }
0x4c: {  	s7 =	smov.u32 s10;
	s5 =	sshra.s32 s9, $0x2;
	[sflag:s21] =	ssyncset.done $0x0  }
0x4d: {  	s7 =	sadd.s32 $0x80, s5;
	[sflag:s21] =	ssyncadd.s32 $0xFFFFD800  }
0x4e: {  	[tilespmem:s25], [sflag:$0x2] =	stream.indirect.gather [hbm4b:s3+s23], $0x80, s7, s23, $0xb8;
	[tilespmem:$0x1A880] =	vst v63  }
0x4f: {  	_ =	swait.ge [sflag:s26], $0x2800  }
0x50: {  	[sflag:s26] =	ssyncset.done $0x0  }
0x51: {  	s9 =	sadd.s32 $0x1000, s5;
	[sflag:s26] =	ssyncadd.s32 $0xFFFFD800  }
0x52: {  	[spmem:s1] =	stream.indirect.scatter.add.f32 [tilespmem:s24], [sflag:$0x3], $0x80, s9, s23, $0xb8;
	[tilespmem:$0x1A880] =	vst v63  }
0x53: {  	_ =	swait.ge [sflag:s21], $0x2800  }
0x54: {  	[sflag:s21] =	ssyncset.done $0x0  }
0x55: {  	s10 =	sadd.s32 $0x100, s5;
	[sflag:s21] =	ssyncadd.s32 $0xFFFFD800  }
0x56: {  	[tilespmem:s24], [sflag:$0x1] =	stream.indirect.gather [hbm4b:s3+s23], $0x80, s10, s23, $0xb8;
	[tilespmem:$0x1A880] =	vst v63  }
0x57: {  	_ =	swait.ge [sflag:s28], $0x2800  }
0x58: {  	[sflag:s28] =	ssyncset.done $0x0  }
0x59: {  	s8 =	sadd.s32 $0x1080, s5;
	[sflag:s28] =	ssyncadd.s32 $0xFFFFD800  }
0x5a: {  	[spmem:s1] =	stream.indirect.scatter.add.f32 [tilespmem:s25], [sflag:$0x3], $0x80, s8, s23, $0xb8;
	[tilespmem:$0x1A880] =	vst v63  }
0x5b: {  	_ =	swait.ge [sflag:s21], $0x2800  }
0x5c: {  	[sflag:s21] =	ssyncset.done $0x0  }
0x5d: {  	[sflag:s21] =	ssyncadd.s32 $0xFFFFD800  }
0x5e: {  	_ =	swait.ge [sflag:s26], $0x2800  }
0x5f: {  	[sflag:s26] =	ssyncset.done $0x0  }
0x60: {  	[sflag:s26] =	ssyncadd.s32 $0xFFFFD800  }
0x61: {  	[spmem:s1] =	stream.indirect.scatter.add.f32 [tilespmem:s24], [sflag:$0x3], $0x80, s29, s23, $0xb8;
	[tilespmem:$0x1A880] =	vst v63  }
0x62: {  	_ =	swait.ge [sflag:s21], $0x2800  }
0x63: {  	[sflag:s21] =	ssyncset.done $0x0  }
0x64: {  	s9 =	simm.s32 $0x0;
	s10 =	rddreg [dreg:$0x7];
	[sflag:s21] =	ssyncadd.s32 $0xFFFFD800  }
0x65: {  	[tilespmem:s9], [sflag:$0x3] =	stream.linear.gather [hbm4b:s10+s9], $0xC80, $0x38;
	[tilespmem:$0x1A880] =	vst v63  }
0x66: {  	_ =	swait.ge [sflag:s21], $0xC80  }
0x67: {  	[sflag:s21] =	ssyncset.done $0x0  }
0x68: {  	[sflag:s21] =	ssyncadd.s32 $0xFFFFF380  }
0x69: {  	[tilespmem:s22], [sflag:$0x3] =	stream.linear.gather [hbm4b:s11+s9], $0xC80, $0x38;
	[tilespmem:$0x1A880] =	vst v63  }
0x6a: {  	_ =	swait.ge [sflag:s21], $0xC80  }
0x6b: {  	[sflag:s21] =	ssyncset.done $0x0  }
0x6c: {  	[sflag:s21] =	ssyncadd.s32 $0xFFFFF380  }
0x6d: {  	[tilespmem:s24], [sflag:$0x1] =	stream.indirect.gather [hbm4b:s3+s23], $0x80, s9, s23, $0xb8;
	[tilespmem:$0x1A880] =	vst v63  }
0x6e: {  	s7 =	simm.s32 $0x80  }
0x6f: {  	[tilespmem:s25], [sflag:$0x2] =	stream.indirect.gather [hbm4b:s3+s23], $0x80, s7, s23, $0xb8;
	[tilespmem:$0x1A880] =	vst v63  }
0x70: {  	_ =	swait.ge [sflag:s26], $0x2800  }
0x71: {  	[sflag:s26] =	ssyncset.done $0x0  }
0x72: {  	s8 =	simm.s32 $0x1000;
	[sflag:s26] =	ssyncadd.s32 $0xFFFFD800  }
0x73: {  	[spmem:s1] =	stream.indirect.scatter.add.f32 [tilespmem:s24], [sflag:$0x3], $0x80, s8, s23, $0xb8;
	[tilespmem:$0x1A880] =	vst v63  }
0x74: {  	_ =	swait.ge [sflag:s21], $0x2800  }
0x75: {  	[sflag:s21] =	ssyncset.done $0x0  }
0x76: {  	s9 =	simm.s32 $0x100;
	[sflag:s21] =	ssyncadd.s32 $0xFFFFD800  }
0x77: {  	[tilespmem:s24], [sflag:$0x1] =	stream.indirect.gather [hbm4b:s3+s23], $0x80, s9, s23, $0xb8;
	[tilespmem:$0x1A880] =	vst v63  }
0x78: {  	_ =	swait.ge [sflag:s28], $0x2800  }
0x79: {  	[sflag:s28] =	ssyncset.done $0x0  }
0x7a: {  	s10 =	simm.s32 $0x1080;
	[sflag:s28] =	ssyncadd.s32 $0xFFFFD800  }
0x7b: {  	[spmem:s1] =	stream.indirect.scatter.add.f32 [tilespmem:s25], [sflag:$0x3], $0x80, s10, s23, $0xb8;
	[tilespmem:$0x1A880] =	vst v63  }
0x7c: {  	_ =	swait.ge [sflag:s21], $0x2800  }
0x7d: {  	s5 =	simm.s32 $0x100;
	s7 =	simm.s32 $0x800;
	[sflag:s21] =	ssyncset.done $0x0  }
.LBB2_4:
0x7e: {  	s8 =	sadd.s32 $0x80, s5  }
0x7f: {  	[sflag:s21] =	ssyncadd.s32 $0xFFFFD800;
	s9 =	smov.u32 s7;
	s10 =	sadd.s32 $0x400, s7  }
0x80: {  	[tilespmem:s25], [sflag:$0x2] =	stream.indirect.gather [hbm4b:s3+s23], $0x80, s8, s23, $0xb8;
	[tilespmem:$0x1A880] =	vst v63  }
0x81: {  	p1 =	sne.s32 s7, $0x2C00;
	_ =	swait.ge [sflag:s26], $0x2800  }
0x82: {  	[sflag:s26] =	ssyncset.done $0x0  }
0x83: {  	s7 =	sadd.s32 $0x1000, s5;
	[sflag:s26] =	ssyncadd.s32 $0xFFFFD800  }
0x84: {  	[spmem:s1] =	stream.indirect.scatter.add.f32 [tilespmem:s24], [sflag:$0x3], $0x80, s7, s23, $0xb8;
	[tilespmem:$0x1A880] =	vst v63  }
0x85: {  	_ =	swait.ge [sflag:s21], $0x2800  }
0x86: {  	[sflag:s21] =	ssyncset.done $0x0  }
0x87: {  	s7 =	sadd.s32 $0x100, s5;
	[sflag:s21] =	ssyncadd.s32 $0xFFFFD800  }
0x88: {  	[tilespmem:s24], [sflag:$0x1] =	stream.indirect.gather [hbm4b:s3+s23], $0x80, s7, s23, $0xb8;
	[tilespmem:$0x1A880] =	vst v63  }
0x89: {  	_ =	swait.ge [sflag:s28], $0x2800  }
.Ltmp1:
0x8a: {  	[sflag:s28] =	ssyncset.done $0x0;
	(pc) =	sbr.rel @p1 .LBB2_4-.Ltmp1, $4  }
0x8b: {  	s5 =	sadd.s32 $0x1080, s5;
	[sflag:s28] =	ssyncadd.s32 $0xFFFFD800  }
0x8c: {  	[spmem:s1] =	stream.indirect.scatter.add.f32 [tilespmem:s25], [sflag:$0x3], $0x80, s5, s23, $0xb8;
	[tilespmem:$0x1A880] =	vst v63  }
0x8d: {  	_ =	swait.ge [sflag:s21], $0x2800  }
0x8e: {  	s7 =	smov.u32 s10;
	s5 =	sshra.s32 s9, $0x2;
	[sflag:s21] =	ssyncset.done $0x0  }
0x8f: {  	s7 =	sadd.s32 $0x80, s5;
	[sflag:s21] =	ssyncadd.s32 $0xFFFFD800  }
0x90: {  	[tilespmem:s25], [sflag:$0x2] =	stream.indirect.gather [hbm4b:s3+s23], $0x80, s7, s23, $0xb8;
	[tilespmem:$0x1A880] =	vst v63  }
0x91: {  	_ =	swait.ge [sflag:s26], $0x2800  }
0x92: {  	[sflag:s26] =	ssyncset.done $0x0  }
0x93: {  	s10 =	sadd.s32 $0x1000, s5;
	[sflag:s26] =	ssyncadd.s32 $0xFFFFD800  }
0x94: {  	[spmem:s1] =	stream.indirect.scatter.add.f32 [tilespmem:s24], [sflag:$0x3], $0x80, s10, s23, $0xb8;
	[tilespmem:$0x1A880] =	vst v63  }
0x95: {  	_ =	swait.ge [sflag:s21], $0x2800  }
0x96: {  	[sflag:s21] =	ssyncset.done $0x0  }
0x97: {  	s8 =	sadd.s32 $0x100, s5;
	[sflag:s21] =	ssyncadd.s32 $0xFFFFD800  }
0x98: {  	[tilespmem:s24], [sflag:$0x1] =	stream.indirect.gather [hbm4b:s3+s23], $0x80, s8, s23, $0xb8;
	[tilespmem:$0x1A880] =	vst v63  }
0x99: {  	_ =	swait.ge [sflag:s28], $0x2800  }
0x9a: {  	[sflag:s28] =	ssyncset.done $0x0  }
0x9b: {  	s9 =	sadd.s32 $0x1080, s5;
	[sflag:s28] =	ssyncadd.s32 $0xFFFFD800  }
0x9c: {  	[spmem:s1] =	stream.indirect.scatter.add.f32 [tilespmem:s25], [sflag:$0x3], $0x80, s9, s23, $0xb8;
	[tilespmem:$0x1A880] =	vst v63  }
0x9d: {  	_ =	swait.ge [sflag:s21], $0x2800  }
0x9e: {  	[sflag:s21] =	ssyncset.done $0x0  }
0x9f: {  	[sflag:s21] =	ssyncadd.s32 $0xFFFFD800  }
0xa0: {  	_ =	swait.ge [sflag:s26], $0x2800  }
0xa1: {  	[sflag:s26] =	ssyncset.done $0x0  }
0xa2: {  	[sflag:s26] =	ssyncadd.s32 $0xFFFFD800  }
0xa3: {  	[spmem:s1] =	stream.indirect.scatter.add.f32 [tilespmem:s24], [sflag:$0x3], $0x80, s29, s23, $0xb8;
	[tilespmem:$0x1A880] =	vst v63  }
0xa4: {  	_ =	swait.ge [sflag:s21], $0x2800  }
0xa5: {  	[sflag:s21] =	ssyncset.done $0x0  }
0xa6: {  	s10 =	simm.s32 $0x0;
	[sflag:s21] =	ssyncadd.s32 $0xFFFFD800  }
0xa7: {  	[tilespmem:s10], [sflag:$0x3] =	stream.linear.gather [hbm4b:s12+s10], $0xC80, $0x38;
	[tilespmem:$0x1A880] =	vst v63  }
0xa8: {  	_ =	swait.ge [sflag:s21], $0xC80  }
0xa9: {  	[sflag:s21] =	ssyncset.done $0x0  }
0xaa: {  	[sflag:s21] =	ssyncadd.s32 $0xFFFFF380  }
0xab: {  	[tilespmem:s22], [sflag:$0x3] =	stream.linear.gather [hbm4b:s13+s10], $0xC80, $0x38;
	[tilespmem:$0x1A880] =	vst v63  }
0xac: {  	_ =	swait.ge [sflag:s21], $0xC80  }
0xad: {  	[sflag:s21] =	ssyncset.done $0x0  }
0xae: {  	[sflag:s21] =	ssyncadd.s32 $0xFFFFF380  }
0xaf: {  	[tilespmem:s24], [sflag:$0x1] =	stream.indirect.gather [hbm4b:s3+s23], $0x80, s10, s23, $0xb8;
	[tilespmem:$0x1A880] =	vst v63  }
0xb0: {  	s7 =	simm.s32 $0x80  }
0xb1: {  	[tilespmem:s25], [sflag:$0x2] =	stream.indirect.gather [hbm4b:s3+s23], $0x80, s7, s23, $0xb8;
	[tilespmem:$0x1A880] =	vst v63  }
0xb2: {  	_ =	swait.ge [sflag:s26], $0x2800  }
0xb3: {  	[sflag:s26] =	ssyncset.done $0x0  }
0xb4: {  	s8 =	simm.s32 $0x1000;
	[sflag:s26] =	ssyncadd.s32 $0xFFFFD800  }
0xb5: {  	[spmem:s1] =	stream.indirect.scatter.add.f32 [tilespmem:s24], [sflag:$0x3], $0x80, s8, s23, $0xb8;
	[tilespmem:$0x1A880] =	vst v63  }
0xb6: {  	_ =	swait.ge [sflag:s21], $0x2800  }
0xb7: {  	[sflag:s21] =	ssyncset.done $0x0  }
0xb8: {  	s9 =	simm.s32 $0x100;
	[sflag:s21] =	ssyncadd.s32 $0xFFFFD800  }
0xb9: {  	[tilespmem:s24], [sflag:$0x1] =	stream.indirect.gather [hbm4b:s3+s23], $0x80, s9, s23, $0xb8;
	[tilespmem:$0x1A880] =	vst v63  }
0xba: {  	_ =	swait.ge [sflag:s28], $0x2800  }
0xbb: {  	[sflag:s28] =	ssyncset.done $0x0  }
0xbc: {  	s10 =	simm.s32 $0x1080;
	[sflag:s28] =	ssyncadd.s32 $0xFFFFD800  }
0xbd: {  	[spmem:s1] =	stream.indirect.scatter.add.f32 [tilespmem:s25], [sflag:$0x3], $0x80, s10, s23, $0xb8;
	[tilespmem:$0x1A880] =	vst v63  }
0xbe: {  	_ =	swait.ge [sflag:s21], $0x2800  }
0xbf: {  	s5 =	simm.s32 $0x100;
	s7 =	simm.s32 $0x800;
	[sflag:s21] =	ssyncset.done $0x0  }
.LBB2_6:
0xc0: {  	s8 =	sadd.s32 $0x80, s5  }
0xc1: {  	[sflag:s21] =	ssyncadd.s32 $0xFFFFD800;
	s9 =	smov.u32 s7;
	s10 =	sadd.s32 $0x400, s7  }
0xc2: {  	[tilespmem:s25], [sflag:$0x2] =	stream.indirect.gather [hbm4b:s3+s23], $0x80, s8, s23, $0xb8;
	[tilespmem:$0x1A880] =	vst v63  }
0xc3: {  	p1 =	sne.s32 s7, $0x2C00;
	_ =	swait.ge [sflag:s26], $0x2800  }
0xc4: {  	[sflag:s26] =	ssyncset.done $0x0  }
0xc5: {  	s7 =	sadd.s32 $0x1000, s5;
	[sflag:s26] =	ssyncadd.s32 $0xFFFFD800  }
0xc6: {  	[spmem:s1] =	stream.indirect.scatter.add.f32 [tilespmem:s24], [sflag:$0x3], $0x80, s7, s23, $0xb8;
	[tilespmem:$0x1A880] =	vst v63  }
0xc7: {  	_ =	swait.ge [sflag:s21], $0x2800  }
0xc8: {  	[sflag:s21] =	ssyncset.done $0x0  }
0xc9: {  	s7 =	sadd.s32 $0x100, s5;
	[sflag:s21] =	ssyncadd.s32 $0xFFFFD800  }
0xca: {  	[tilespmem:s24], [sflag:$0x1] =	stream.indirect.gather [hbm4b:s3+s23], $0x80, s7, s23, $0xb8;
	[tilespmem:$0x1A880] =	vst v63  }
0xcb: {  	_ =	swait.ge [sflag:s28], $0x2800  }
.Ltmp2:
0xcc: {  	[sflag:s28] =	ssyncset.done $0x0;
	(pc) =	sbr.rel @p1 .LBB2_6-.Ltmp2, $4  }
0xcd: {  	s5 =	sadd.s32 $0x1080, s5;
	[sflag:s28] =	ssyncadd.s32 $0xFFFFD800  }
0xce: {  	[spmem:s1] =	stream.indirect.scatter.add.f32 [tilespmem:s25], [sflag:$0x3], $0x80, s5, s23, $0xb8;
	[tilespmem:$0x1A880] =	vst v63  }
0xcf: {  	_ =	swait.ge [sflag:s21], $0x2800  }
0xd0: {  	s7 =	smov.u32 s10;
	s5 =	sshra.s32 s9, $0x2;
	[sflag:s21] =	ssyncset.done $0x0  }
0xd1: {  	s7 =	sadd.s32 $0x80, s5;
	[sflag:s21] =	ssyncadd.s32 $0xFFFFD800  }
0xd2: {  	[tilespmem:s25], [sflag:$0x2] =	stream.indirect.gather [hbm4b:s3+s23], $0x80, s7, s23, $0xb8;
	[tilespmem:$0x1A880] =	vst v63  }
0xd3: {  	_ =	swait.ge [sflag:s26], $0x2800  }
0xd4: {  	[sflag:s26] =	ssyncset.done $0x0  }
0xd5: {  	s10 =	sadd.s32 $0x1000, s5;
	[sflag:s26] =	ssyncadd.s32 $0xFFFFD800  }
0xd6: {  	[spmem:s1] =	stream.indirect.scatter.add.f32 [tilespmem:s24], [sflag:$0x3], $0x80, s10, s23, $0xb8;
	[tilespmem:$0x1A880] =	vst v63  }
0xd7: {  	_ =	swait.ge [sflag:s21], $0x2800  }
0xd8: {  	[sflag:s21] =	ssyncset.done $0x0  }
0xd9: {  	s8 =	sadd.s32 $0x100, s5;
	[sflag:s21] =	ssyncadd.s32 $0xFFFFD800  }
0xda: {  	[tilespmem:s24], [sflag:$0x1] =	stream.indirect.gather [hbm4b:s3+s23], $0x80, s8, s23, $0xb8;
	[tilespmem:$0x1A880] =	vst v63  }
0xdb: {  	_ =	swait.ge [sflag:s28], $0x2800  }
0xdc: {  	[sflag:s28] =	ssyncset.done $0x0  }
0xdd: {  	s9 =	sadd.s32 $0x1080, s5;
	[sflag:s28] =	ssyncadd.s32 $0xFFFFD800  }
0xde: {  	[spmem:s1] =	stream.indirect.scatter.add.f32 [tilespmem:s25], [sflag:$0x3], $0x80, s9, s23, $0xb8;
	[tilespmem:$0x1A880] =	vst v63  }
0xdf: {  	_ =	swait.ge [sflag:s21], $0x2800  }
0xe0: {  	[sflag:s21] =	ssyncset.done $0x0  }
0xe1: {  	[sflag:s21] =	ssyncadd.s32 $0xFFFFD800  }
0xe2: {  	_ =	swait.ge [sflag:s26], $0x2800  }
0xe3: {  	[sflag:s26] =	ssyncset.done $0x0  }
0xe4: {  	[sflag:s26] =	ssyncadd.s32 $0xFFFFD800  }
0xe5: {  	[spmem:s1] =	stream.indirect.scatter.add.f32 [tilespmem:s24], [sflag:$0x3], $0x80, s29, s23, $0xb8;
	[tilespmem:$0x1A880] =	vst v63  }
0xe6: {  	_ =	swait.ge [sflag:s21], $0x2800  }
0xe7: {  	[sflag:s21] =	ssyncset.done $0x0  }
0xe8: {  	s10 =	simm.s32 $0x0;
	[sflag:s21] =	ssyncadd.s32 $0xFFFFD800  }
0xe9: {  	[tilespmem:s10], [sflag:$0x3] =	stream.linear.gather [hbm4b:s14+s10], $0xC80, $0x38;
	[tilespmem:$0x1A880] =	vst v63  }
0xea: {  	_ =	swait.ge [sflag:s21], $0xC80  }
0xeb: {  	[sflag:s21] =	ssyncset.done $0x0  }
0xec: {  	[sflag:s21] =	ssyncadd.s32 $0xFFFFF380  }
0xed: {  	[tilespmem:s22], [sflag:$0x3] =	stream.linear.gather [hbm4b:s15+s10], $0xC80, $0x38;
	[tilespmem:$0x1A880] =	vst v63  }
0xee: {  	_ =	swait.ge [sflag:s21], $0xC80  }
0xef: {  	[sflag:s21] =	ssyncset.done $0x0  }
0xf0: {  	[sflag:s21] =	ssyncadd.s32 $0xFFFFF380  }
0xf1: {  	[tilespmem:s24], [sflag:$0x1] =	stream.indirect.gather [hbm4b:s3+s23], $0x80, s10, s23, $0xb8;
	[tilespmem:$0x1A880] =	vst v63  }
0xf2: {  	s7 =	simm.s32 $0x80  }
0xf3: {  	[tilespmem:s25], [sflag:$0x2] =	stream.indirect.gather [hbm4b:s3+s23], $0x80, s7, s23, $0xb8;
	[tilespmem:$0x1A880] =	vst v63  }
0xf4: {  	_ =	swait.ge [sflag:s26], $0x2800  }
0xf5: {  	[sflag:s26] =	ssyncset.done $0x0  }
0xf6: {  	s8 =	simm.s32 $0x1000;
	[sflag:s26] =	ssyncadd.s32 $0xFFFFD800  }
0xf7: {  	[spmem:s1] =	stream.indirect.scatter.add.f32 [tilespmem:s24], [sflag:$0x3], $0x80, s8, s23, $0xb8;
	[tilespmem:$0x1A880] =	vst v63  }
0xf8: {  	_ =	swait.ge [sflag:s21], $0x2800  }
0xf9: {  	[sflag:s21] =	ssyncset.done $0x0  }
0xfa: {  	s9 =	simm.s32 $0x100;
	[sflag:s21] =	ssyncadd.s32 $0xFFFFD800  }
0xfb: {  	[tilespmem:s24], [sflag:$0x1] =	stream.indirect.gather [hbm4b:s3+s23], $0x80, s9, s23, $0xb8;
	[tilespmem:$0x1A880] =	vst v63  }
0xfc: {  	_ =	swait.ge [sflag:s28], $0x2800  }
0xfd: {  	[sflag:s28] =	ssyncset.done $0x0  }
0xfe: {  	s10 =	simm.s32 $0x1080;
	[sflag:s28] =	ssyncadd.s32 $0xFFFFD800  }
0xff: {  	[spmem:s1] =	stream.indirect.scatter.add.f32 [tilespmem:s25], [sflag:$0x3], $0x80, s10, s23, $0xb8;
	[tilespmem:$0x1A880] =	vst v63  }
0x100: {  	_ =	swait.ge [sflag:s21], $0x2800  }
0x101: {  	s5 =	simm.s32 $0x100;
	s7 =	simm.s32 $0x800;
	[sflag:s21] =	ssyncset.done $0x0  }
.LBB2_8:
0x102: {  	s8 =	sadd.s32 $0x80, s5  }
0x103: {  	[sflag:s21] =	ssyncadd.s32 $0xFFFFD800;
	s9 =	smov.u32 s7;
	s10 =	sadd.s32 $0x400, s7  }
0x104: {  	[tilespmem:s25], [sflag:$0x2] =	stream.indirect.gather [hbm4b:s3+s23], $0x80, s8, s23, $0xb8;
	[tilespmem:$0x1A880] =	vst v63  }
0x105: {  	p1 =	sne.s32 s7, $0x2C00;
	_ =	swait.ge [sflag:s26], $0x2800  }
0x106: {  	[sflag:s26] =	ssyncset.done $0x0  }
0x107: {  	s7 =	sadd.s32 $0x1000, s5;
	[sflag:s26] =	ssyncadd.s32 $0xFFFFD800  }
0x108: {  	[spmem:s1] =	stream.indirect.scatter.add.f32 [tilespmem:s24], [sflag:$0x3], $0x80, s7, s23, $0xb8;
	[tilespmem:$0x1A880] =	vst v63  }
0x109: {  	_ =	swait.ge [sflag:s21], $0x2800  }
0x10a: {  	[sflag:s21] =	ssyncset.done $0x0  }
0x10b: {  	s7 =	sadd.s32 $0x100, s5;
	[sflag:s21] =	ssyncadd.s32 $0xFFFFD800  }
0x10c: {  	[tilespmem:s24], [sflag:$0x1] =	stream.indirect.gather [hbm4b:s3+s23], $0x80, s7, s23, $0xb8;
	[tilespmem:$0x1A880] =	vst v63  }
0x10d: {  	_ =	swait.ge [sflag:s28], $0x2800  }
.Ltmp3:
0x10e: {  	[sflag:s28] =	ssyncset.done $0x0;
	(pc) =	sbr.rel @p1 .LBB2_8-.Ltmp3, $4  }
0x10f: {  	s5 =	sadd.s32 $0x1080, s5;
	[sflag:s28] =	ssyncadd.s32 $0xFFFFD800  }
0x110: {  	[spmem:s1] =	stream.indirect.scatter.add.f32 [tilespmem:s25], [sflag:$0x3], $0x80, s5, s23, $0xb8;
	[tilespmem:$0x1A880] =	vst v63  }
0x111: {  	_ =	swait.ge [sflag:s21], $0x2800  }
0x112: {  	s7 =	smov.u32 s10;
	s5 =	sshra.s32 s9, $0x2;
	[sflag:s21] =	ssyncset.done $0x0  }
0x113: {  	s7 =	sadd.s32 $0x80, s5;
	[sflag:s21] =	ssyncadd.s32 $0xFFFFD800  }
0x114: {  	[tilespmem:s25], [sflag:$0x2] =	stream.indirect.gather [hbm4b:s3+s23], $0x80, s7, s23, $0xb8;
	[tilespmem:$0x1A880] =	vst v63  }
0x115: {  	_ =	swait.ge [sflag:s26], $0x2800  }
0x116: {  	[sflag:s26] =	ssyncset.done $0x0  }
0x117: {  	s10 =	sadd.s32 $0x1000, s5;
	[sflag:s26] =	ssyncadd.s32 $0xFFFFD800  }
0x118: {  	[spmem:s1] =	stream.indirect.scatter.add.f32 [tilespmem:s24], [sflag:$0x3], $0x80, s10, s23, $0xb8;
	[tilespmem:$0x1A880] =	vst v63  }
0x119: {  	_ =	swait.ge [sflag:s21], $0x2800  }
0x11a: {  	[sflag:s21] =	ssyncset.done $0x0  }
0x11b: {  	s8 =	sadd.s32 $0x100, s5;
	[sflag:s21] =	ssyncadd.s32 $0xFFFFD800  }
0x11c: {  	[tilespmem:s24], [sflag:$0x1] =	stream.indirect.gather [hbm4b:s3+s23], $0x80, s8, s23, $0xb8;
	[tilespmem:$0x1A880] =	vst v63  }
0x11d: {  	_ =	swait.ge [sflag:s28], $0x2800  }
0x11e: {  	[sflag:s28] =	ssyncset.done $0x0  }
0x11f: {  	s9 =	sadd.s32 $0x1080, s5;
	[sflag:s28] =	ssyncadd.s32 $0xFFFFD800  }
0x120: {  	[spmem:s1] =	stream.indirect.scatter.add.f32 [tilespmem:s25], [sflag:$0x3], $0x80, s9, s23, $0xb8;
	[tilespmem:$0x1A880] =	vst v63  }
0x121: {  	_ =	swait.ge [sflag:s21], $0x2800  }
0x122: {  	[sflag:s21] =	ssyncset.done $0x0  }
0x123: {  	[sflag:s21] =	ssyncadd.s32 $0xFFFFD800  }
0x124: {  	_ =	swait.ge [sflag:s26], $0x2800  }
0x125: {  	[sflag:s26] =	ssyncset.done $0x0  }
0x126: {  	[sflag:s26] =	ssyncadd.s32 $0xFFFFD800  }
0x127: {  	[spmem:s1] =	stream.indirect.scatter.add.f32 [tilespmem:s24], [sflag:$0x3], $0x80, s29, s23, $0xb8;
	[tilespmem:$0x1A880] =	vst v63  }
0x128: {  	_ =	swait.ge [sflag:s21], $0x2800  }
0x129: {  	[sflag:s21] =	ssyncset.done $0x0  }
0x12a: {  	s10 =	simm.s32 $0x0;
	[sflag:s21] =	ssyncadd.s32 $0xFFFFD800  }
0x12b: {  	[tilespmem:s10], [sflag:$0x3] =	stream.linear.gather [hbm4b:s16+s10], $0xC80, $0x38;
	[tilespmem:$0x1A880] =	vst v63  }
0x12c: {  	_ =	swait.ge [sflag:s21], $0xC80  }
0x12d: {  	[sflag:s21] =	ssyncset.done $0x0  }
0x12e: {  	[sflag:s21] =	ssyncadd.s32 $0xFFFFF380  }
0x12f: {  	[tilespmem:s22], [sflag:$0x3] =	stream.linear.gather [hbm4b:s17+s10], $0xC80, $0x38;
	[tilespmem:$0x1A880] =	vst v63  }
0x130: {  	_ =	swait.ge [sflag:s21], $0xC80  }
0x131: {  	[sflag:s21] =	ssyncset.done $0x0  }
0x132: {  	[sflag:s21] =	ssyncadd.s32 $0xFFFFF380  }
0x133: {  	[tilespmem:s24], [sflag:$0x1] =	stream.indirect.gather [hbm4b:s3+s23], $0x80, s10, s23, $0xb8;
	[tilespmem:$0x1A880] =	vst v63  }
0x134: {  	s7 =	simm.s32 $0x80  }
0x135: {  	[tilespmem:s25], [sflag:$0x2] =	stream.indirect.gather [hbm4b:s3+s23], $0x80, s7, s23, $0xb8;
	[tilespmem:$0x1A880] =	vst v63  }
0x136: {  	_ =	swait.ge [sflag:s26], $0x2800  }
0x137: {  	[sflag:s26] =	ssyncset.done $0x0  }
0x138: {  	s8 =	simm.s32 $0x1000;
	[sflag:s26] =	ssyncadd.s32 $0xFFFFD800  }
0x139: {  	[spmem:s1] =	stream.indirect.scatter.add.f32 [tilespmem:s24], [sflag:$0x3], $0x80, s8, s23, $0xb8;
	[tilespmem:$0x1A880] =	vst v63  }
0x13a: {  	_ =	swait.ge [sflag:s21], $0x2800  }
0x13b: {  	[sflag:s21] =	ssyncset.done $0x0  }
0x13c: {  	s9 =	simm.s32 $0x100;
	[sflag:s21] =	ssyncadd.s32 $0xFFFFD800  }
0x13d: {  	[tilespmem:s24], [sflag:$0x1] =	stream.indirect.gather [hbm4b:s3+s23], $0x80, s9, s23, $0xb8;
	[tilespmem:$0x1A880] =	vst v63  }
0x13e: {  	_ =	swait.ge [sflag:s28], $0x2800  }
0x13f: {  	[sflag:s28] =	ssyncset.done $0x0  }
0x140: {  	s10 =	simm.s32 $0x1080;
	[sflag:s28] =	ssyncadd.s32 $0xFFFFD800  }
0x141: {  	[spmem:s1] =	stream.indirect.scatter.add.f32 [tilespmem:s25], [sflag:$0x3], $0x80, s10, s23, $0xb8;
	[tilespmem:$0x1A880] =	vst v63  }
0x142: {  	_ =	swait.ge [sflag:s21], $0x2800  }
0x143: {  	s5 =	simm.s32 $0x100;
	s7 =	simm.s32 $0x800;
	[sflag:s21] =	ssyncset.done $0x0  }
.LBB2_10:
0x144: {  	s8 =	sadd.s32 $0x80, s5  }
0x145: {  	[sflag:s21] =	ssyncadd.s32 $0xFFFFD800;
	s9 =	smov.u32 s7;
	s10 =	sadd.s32 $0x400, s7  }
0x146: {  	[tilespmem:s25], [sflag:$0x2] =	stream.indirect.gather [hbm4b:s3+s23], $0x80, s8, s23, $0xb8;
	[tilespmem:$0x1A880] =	vst v63  }
0x147: {  	p1 =	sne.s32 s7, $0x2C00;
	_ =	swait.ge [sflag:s26], $0x2800  }
0x148: {  	[sflag:s26] =	ssyncset.done $0x0  }
0x149: {  	s7 =	sadd.s32 $0x1000, s5;
	[sflag:s26] =	ssyncadd.s32 $0xFFFFD800  }
0x14a: {  	[spmem:s1] =	stream.indirect.scatter.add.f32 [tilespmem:s24], [sflag:$0x3], $0x80, s7, s23, $0xb8;
	[tilespmem:$0x1A880] =	vst v63  }
0x14b: {  	_ =	swait.ge [sflag:s21], $0x2800  }
0x14c: {  	[sflag:s21] =	ssyncset.done $0x0  }
0x14d: {  	s7 =	sadd.s32 $0x100, s5;
	[sflag:s21] =	ssyncadd.s32 $0xFFFFD800  }
0x14e: {  	[tilespmem:s24], [sflag:$0x1] =	stream.indirect.gather [hbm4b:s3+s23], $0x80, s7, s23, $0xb8;
	[tilespmem:$0x1A880] =	vst v63  }
0x14f: {  	_ =	swait.ge [sflag:s28], $0x2800  }
.Ltmp4:
0x150: {  	[sflag:s28] =	ssyncset.done $0x0;
	(pc) =	sbr.rel @p1 .LBB2_10-.Ltmp4, $4  }
0x151: {  	s5 =	sadd.s32 $0x1080, s5;
	[sflag:s28] =	ssyncadd.s32 $0xFFFFD800  }
0x152: {  	[spmem:s1] =	stream.indirect.scatter.add.f32 [tilespmem:s25], [sflag:$0x3], $0x80, s5, s23, $0xb8;
	[tilespmem:$0x1A880] =	vst v63  }
0x153: {  	_ =	swait.ge [sflag:s21], $0x2800  }
0x154: {  	s7 =	smov.u32 s10;
	s5 =	sshra.s32 s9, $0x2;
	[sflag:s21] =	ssyncset.done $0x0  }
0x155: {  	s7 =	sadd.s32 $0x80, s5;
	[sflag:s21] =	ssyncadd.s32 $0xFFFFD800  }
0x156: {  	[tilespmem:s25], [sflag:$0x2] =	stream.indirect.gather [hbm4b:s3+s23], $0x80, s7, s23, $0xb8;
	[tilespmem:$0x1A880] =	vst v63  }
0x157: {  	_ =	swait.ge [sflag:s26], $0x2800  }
0x158: {  	[sflag:s26] =	ssyncset.done $0x0  }
0x159: {  	s8 =	sadd.s32 $0x1000, s5;
	[sflag:s26] =	ssyncadd.s32 $0xFFFFD800  }
0x15a: {  	[spmem:s1] =	stream.indirect.scatter.add.f32 [tilespmem:s24], [sflag:$0x3], $0x80, s8, s23, $0xb8;
	[tilespmem:$0x1A880] =	vst v63  }
0x15b: {  	_ =	swait.ge [sflag:s21], $0x2800  }
0x15c: {  	[sflag:s21] =	ssyncset.done $0x0  }
0x15d: {  	s9 =	sadd.s32 $0x100, s5;
	[sflag:s21] =	ssyncadd.s32 $0xFFFFD800  }
0x15e: {  	[tilespmem:s24], [sflag:$0x1] =	stream.indirect.gather [hbm4b:s3+s23], $0x80, s9, s23, $0xb8;
	[tilespmem:$0x1A880] =	vst v63  }
0x15f: {  	_ =	swait.ge [sflag:s28], $0x2800  }
0x160: {  	[sflag:s28] =	ssyncset.done $0x0  }
0x161: {  	s10 =	sadd.s32 $0x1080, s5;
	[sflag:s28] =	ssyncadd.s32 $0xFFFFD800  }
0x162: {  	[spmem:s1] =	stream.indirect.scatter.add.f32 [tilespmem:s25], [sflag:$0x3], $0x80, s10, s23, $0xb8;
	[tilespmem:$0x1A880] =	vst v63  }
0x163: {  	_ =	swait.ge [sflag:s21], $0x2800  }
0x164: {  	[sflag:s21] =	ssyncset.done $0x0  }
0x165: {  	[sflag:s21] =	ssyncadd.s32 $0xFFFFD800  }
0x166: {  	_ =	swait.ge [sflag:s26], $0x2800  }
0x167: {  	[sflag:s26] =	ssyncset.done $0x0  }
0x168: {  	[sflag:s26] =	ssyncadd.s32 $0xFFFFD800  }
0x169: {  	[spmem:s1] =	stream.indirect.scatter.add.f32 [tilespmem:s24], [sflag:$0x3], $0x80, s29, s23, $0xb8;
	[tilespmem:$0x1A880] =	vst v63  }
0x16a: {  	_ =	swait.ge [sflag:s21], $0x2800  }
0x16b: {  	[sflag:s21] =	ssyncset.done $0x0  }
0x16c: {  	[sflag:s21] =	ssyncadd.s32 $0xFFFFD800  }
0x16d: {  	[bflag:$0x0] =	sbarrier.arrive $0xFFFF  }
0x16e: {  	[hbm:s18], [sflag:s6] =	dma.local [spmem:s31], $0x2700  }
0x16f: {  	_ =	swait.ge [sflag:s21], $0x2700  }
0x170: {  	s30 =	sadd.s32 $0x1, s30;
	[sflag:s21] =	ssyncset.done $0x0  }
0x171: {  	p1 =	sne.s32 s30, s20;
	[sflag:s21] =	ssyncadd.s32 $0xFFFFD900  }
0x172: {  	[hbm:s19], [sflag:s6] =	dma.local @!p0 [spmem:s0], $0x100  }
.Ltmp5:
0x173: {  	_ = 	snop;
	(pc) =	sbr.rel @p1 .LBB2_1-.Ltmp5, $4  }
0x174: {  	s0 =	simm.s32 @!p0 $0x3  }
0x175: {  	_ =	swait.ge @!p0 [sflag:s0], $0x100  }
0x176: {  	[sflag:s0] =	ssyncset.done @!p0 $0x0  }
0x177: {  	[sflag:s0] =	ssyncadd.s32 @!p0 $0xFFFFFF00  }
0x178: {  	_ =	sfence.sel $0x180000  }
0x179: {  	[bflag:$0x0] =	sbarrier.arrive $0xFFFF  }
0x17a: {  	_ =	strace $0x90000050  }
0x17b: {  	[bflag:$0x2] =	sbarrier.arrive $0xFFFF  }
0x17c: {  	s0 =	rddreg [dreg:$0x2]  }
0x17d: {  	s0 =	sadd.s32 @!p0 $0x100000, s0  }
0x17e: {  	[sflag:s0] =	ssyncadd.tile.s32 @!p0 $0x1;
	_ =	shalt  }
.Lfunc_end2:
_tile_overlayer_lowered:
.L_overlay_start_2:
0x17f: {  	(tag) =	ssettag $0x2  }
0x180: {  	s0 =	rddreg [dreg:$0x0];
	s2 =	stileid.u32  }
0x181: {  	s1 =	rddreg [dreg:$0x1];
	p0 =	sne.s32 s2, $0x0  }
0x182: {  	s3 =	rddreg [dreg:$0x2];
	[bflag:$0x3] =	sbarrier.arrive $0xFFFF;
	s2 =	simm.s32 @!p0 $0x1C03  }
0x183: {  	[timem:s3], [sflag:s2] =	dma.local @!p0 [hbm:s0], s1  }
0x184: {  	s0 =	simm.s32 @!p0 $0x3  }
0x185: {  	_ =	swait.ge @!p0 [sflag:s0], s1  }
0x186: {  	s1 =	ssub.s32 @!p0 $0x0, s1;
	[sflag:s0] =	ssyncset.done @!p0 $0x0  }
0x187: {  	[sflag:s0] =	ssyncadd.s32 @!p0 s1  }
0x188: {  	[bflag:$0x3] =	sbarrier.arrive $0xFFFF  }
0x189: {  	_ =	shalt  }

</sc_bundles>
